<compile_context>
chip_gen: v7x
topology: tpu7x:2x2x1
jax: 0.10.2.dev20260603
libtpu: 0.0.44.dev20260713+nightly
codegen_flags: <defaults>
</compile_context>

<pallas_src>
import functools
import math

import jax
import jax.numpy as jnp
from jax import lax
from jax.experimental import pallas as pl
from jax.experimental.pallas import tpu as pltpu
from jax.experimental.pallas import tpu_sc as plsc

D_MODEL = 64
DPAD = 128
BATCH = 16384
SEQ = 50
VOCAB = 1000000
NC, NS, L = 2, 16, 16
NW = NC * NS
BPT = BATCH // NW
KI = 128
BC = 256
GPC = BC // KI
NBLK = SEQ * (BPT // BC)
SCALE = math.sqrt(D_MODEL)

_mesh = plsc.VectorSubcoreMesh(core_axis_name="c", subcore_axis_name="s")


@functools.partial(
    pl.kernel,
    out_type=jax.ShapeDtypeStruct((SEQ, D_MODEL, BATCH), jnp.float32),
    mesh=_mesh,
    scratch_types=[
        [pltpu.VMEM((BC,), jnp.int32) for _ in range(4)],
        [pltpu.VMEM((BC, DPAD), jnp.float32) for _ in range(2)],
        [pltpu.VMEM((D_MODEL, BC), jnp.float32) for _ in range(2)],
        pltpu.SemaphoreType.DMA,
        pltpu.SemaphoreType.DMA,
        pltpu.SemaphoreType.DMA,
    ],
    compiler_params=pltpu.CompilerParams(
        use_tc_tiling_on_sc=True, needs_layout_passes=False
    ),
)
def _embed(xt_hbm, tab_hbm, out_hbm, idx_bufs, gath_bufs, stage_bufs, gsem, ssem, isem):
    wid = lax.axis_index("s") * NC + lax.axis_index("c")
    base_b = wid * BPT

    def src_slice(g):
        s = g // (BPT // BC)
        b0 = base_b + (g % (BPT // BC)) * BC
        return xt_hbm.at[s, pl.ds(b0, BC)]

    def fire_idx(g, ib):
        pltpu.async_copy(src_slice(g), idx_bufs[ib], isem)

    def wait_idx(g, ib):
        pltpu.make_async_copy(src_slice(g), idx_bufs[ib], isem).wait()

    def fire_gather(ib, b):
        iv, gv = idx_bufs[ib], gath_bufs[b]
        for j in range(GPC):
            pltpu.async_copy(
                tab_hbm.at[iv.at[pl.ds(j * KI, KI)]],
                gv.at[pl.ds(j * KI, KI)],
                gsem,
            )

    def wait_gather(ib, b):
        iv, gv = idx_bufs[ib], gath_bufs[b]
        for j in range(GPC):
            pltpu.make_async_copy(
                tab_hbm.at[iv.at[pl.ds(j * KI, KI)]],
                gv.at[pl.ds(j * KI, KI)],
                gsem,
            ).wait()

    def fire_store(tv, s, b0):
        pltpu.async_copy(tv, out_hbm.at[s, :, pl.ds(b0, BC)], ssem)

    def drain_store(b):
        pltpu.make_async_copy(
            stage_bufs[b], out_hbm.at[0, :, pl.ds(base_b, BC)], ssem
        ).wait()

    iota = lax.iota(jnp.int32, L)
    rots = [(iota + k) % 16 for k in range(16)]
    dvecs = [iota + c * L for c in range(D_MODEL // L)]

    for g0 in range(4):
        fire_idx(g0, g0)
    wait_idx(0, 0)
    fire_gather(0, 0)
    wait_idx(1, 1)
    fire_gather(1, 1)

    def step(g, carry):
        for b in range(4):
            gi = g * 4 + b
            bg = b % 2
            gv, tv = gath_bufs[bg], stage_bufs[bg]
            wait_gather(b, bg)

            @pl.when(gi >= 2)
            def _():
                drain_store(bg)

            def tgroup(rg, cc):
                rbase = rg * 16
                for k in range(16):
                    rvec = rots[k] + rbase
                    for c in range(D_MODEL // L):
                        v = plsc.load_gather(gv, [rvec, dvecs[c]]) * SCALE
                        plsc.store_scatter(tv, [dvecs[c], rvec], v)
                return cc

            lax.fori_loop(0, BC // 16, tgroup, 0)

            s = gi // (BPT // BC)
            b0 = base_b + (gi % (BPT // BC)) * BC
            fire_store(tv, s, b0)

            @pl.when(gi + 2 < NBLK)
            def _():
                wait_idx(gi + 2, (b + 2) % 4)
                fire_gather((b + 2) % 4, bg)

            @pl.when(gi + 4 < NBLK)
            def _():
                fire_idx(gi + 4, b)

        return carry

    lax.fori_loop(0, NBLK // 4, step, 0)
    drain_store(0)
    drain_store(1)


def kernel(x, table):
    xt = x.T
    tab128 = jnp.pad(table, ((0, 0), (0, DPAD - D_MODEL)))
    out = _embed(xt, tab128)
    return out.transpose(2, 0, 1)

# --- scband reference (transcript-rebuilt; emitter-appended) ---
"""Pipeline reference for scband-input-embedding-79173427134476 (READ-ONLY COPY).

The authoritative reference and input builder live on the scoring server;
editing this copy changes nothing except your own understanding.
"""

import jax, jax.numpy as jnp
import numpy as np
import math

VOCAB = 1000000
D_MODEL = 64
BATCH = 16384
SEQ = 50

def setup_inputs(seed: int = 0) -> dict:
    key = jax.random.key(seed)
    k1, k2 = jax.random.split(key)
    x = jax.random.randint(k1, (BATCH, SEQ), 0, VOCAB, dtype=jnp.int64) if jax.config.read('jax_enable_x64') else jax.random.randint(k1, (BATCH, SEQ), 0, VOCAB, dtype=jnp.int32)
    table = jax.random.normal(k2, (VOCAB, D_MODEL), dtype=jnp.float32)
    return {"x": x, "table": table}

def reference(x, table):
    # nn.Embedding lookup followed by sqrt(d_model) scaling
    emb = jnp.take(table, x, axis=0)
    return emb * math.sqrt(D_MODEL)

if __name__ == "__main__":
    import jax
    _d = setup_inputs()
    print(jax.jit(kernel)(*tuple(_d.values())))

</pallas_src>

<mosaic_0001>
#map = affine_map<(d0, d1) -> (0, 0)>
#map1 = affine_map<(d0, d1) -> (0, 0, 0)>
module attributes {stable_mosaic.version = 14 : i64} {
  func.func @_embed(%arg0: i32, %arg1: i32, %arg2: memref<50x16384xi32, #tpu.memory_space<hbm>>, %arg3: memref<1000000x128xf32, #tpu.memory_space<hbm>>, %arg4: memref<50x64x16384xf32, #tpu.memory_space<hbm>>, %arg5: memref<256xi32, #tpu.memory_space<vmem>>, %arg6: memref<256xi32, #tpu.memory_space<vmem>>, %arg7: memref<256xi32, #tpu.memory_space<vmem>>, %arg8: memref<256xi32, #tpu.memory_space<vmem>>, %arg9: memref<256x128xf32, #tpu.memory_space<vmem>>, %arg10: memref<256x128xf32, #tpu.memory_space<vmem>>, %arg11: memref<64x256xf32, #tpu.memory_space<vmem>>, %arg12: memref<64x256xf32, #tpu.memory_space<vmem>>, %arg13: memref<!tpu.dma_semaphore, #tpu.memory_space<semaphore_mem>>, %arg14: memref<!tpu.dma_semaphore, #tpu.memory_space<semaphore_mem>>, %arg15: memref<!tpu.dma_semaphore, #tpu.memory_space<semaphore_mem>>) attributes {dimension_semantics = [#tpu.dimension_semantics<core_parallel>, #tpu.dimension_semantics<subcore_parallel>], iteration_bounds = array<i64: 2, 16>, scalar_prefetch = 0 : i64, scratch_operands = 11 : i64, tpu.core_type = #tpu.core_type<sc_vector_subcore>, window_params = [{transform_indices = #map}, {transform_indices = #map}, {transform_indices = #map1}]} {
    %mul3A = arith.constant 2 : i32
    %mul3A_0 = arith.muli %arg1, %mul3A : i32
    %add3A = arith.addi %mul3A_0, %arg0 : i32
    %mul3A_1 = arith.constant 512 : i32
    %mul3A_2 = arith.muli %add3A, %mul3A_1 : i32
    %iota3A = tpu.iota {dimensions = array<i32: 0>} : vector<16xi32>
    %add3A_3 = arith.constant 0 : i32
    %add3A_4 = vector.broadcast %add3A_3 : i32 to vector<16xi32>
    %add3A_5 = arith.addi %iota3A, %add3A_4 : vector<16xi32>
    %jit3A = arith.constant 16 : i32
    %eq3A = arith.constant 0 : i32
    %eq3A_6 = arith.cmpi eq, %jit3A, %eq3A : i32
    %jit3A_7 = arith.constant 1 : i32
    %select_n3A = arith.select %eq3A_6, %jit3A_7, %jit3A : i32
    %rem3A = vector.broadcast %select_n3A : i32 to vector<16xi32>
    %rem3A_8 = arith.remsi %add3A_5, %rem3A : vector<16xi32>
    %ne3A = arith.constant 0 : i32
    %ne3A_9 = vector.broadcast %ne3A : i32 to vector<16xi32>
    %ne3A_10 = arith.cmpi ne, %rem3A_8, %ne3A_9 : vector<16xi32>
    %lt3A = arith.constant 0 : i32
    %lt3A_11 = vector.broadcast %lt3A : i32 to vector<16xi32>
    %lt3A_12 = arith.cmpi slt, %rem3A_8, %lt3A_11 : vector<16xi32>
    %lt3A_13 = arith.constant 0 : i32
    %lt3A_14 = arith.cmpi slt, %select_n3A, %lt3A_13 : i32
    %ne3A_15 = vector.broadcast %lt3A_14 : i1 to vector<16xi1>
    %ne3A_16 = vector.broadcast %ne3A_15 : vector<16xi1> to vector<16xi1>
    %ne3A_17 = arith.xori %lt3A_12, %ne3A_16 : vector<16xi1>
    %and3A = arith.andi %ne3A_17, %ne3A_10 : vector<16xi1>
    %add3A_18 = vector.broadcast %select_n3A : i32 to vector<16xi32>
    %add3A_19 = arith.addi %rem3A_8, %add3A_18 : vector<16xi32>
    %select_n3A_20 = arith.select %and3A, %add3A_19, %rem3A_8 : vector<16xi1>, vector<16xi32>
    %add3A_21 = arith.constant 1 : i32
    %add3A_22 = vector.broadcast %add3A_21 : i32 to vector<16xi32>
    %add3A_23 = arith.addi %iota3A, %add3A_22 : vector<16xi32>
    %jit3A_24 = arith.constant 16 : i32
    %eq3A_25 = arith.constant 0 : i32
    %eq3A_26 = arith.cmpi eq, %jit3A_24, %eq3A_25 : i32
    %jit3A_27 = arith.constant 1 : i32
    %select_n3A_28 = arith.select %eq3A_26, %jit3A_27, %jit3A_24 : i32
    %rem3A_29 = vector.broadcast %select_n3A_28 : i32 to vector<16xi32>
    %rem3A_30 = arith.remsi %add3A_23, %rem3A_29 : vector<16xi32>
    %ne3A_31 = arith.constant 0 : i32
    %ne3A_32 = vector.broadcast %ne3A_31 : i32 to vector<16xi32>
    %ne3A_33 = arith.cmpi ne, %rem3A_30, %ne3A_32 : vector<16xi32>
    %lt3A_34 = arith.constant 0 : i32
    %lt3A_35 = vector.broadcast %lt3A_34 : i32 to vector<16xi32>
    %lt3A_36 = arith.cmpi slt, %rem3A_30, %lt3A_35 : vector<16xi32>
    %lt3A_37 = arith.constant 0 : i32
    %lt3A_38 = arith.cmpi slt, %select_n3A_28, %lt3A_37 : i32
    %ne3A_39 = vector.broadcast %lt3A_38 : i1 to vector<16xi1>
    %ne3A_40 = vector.broadcast %ne3A_39 : vector<16xi1> to vector<16xi1>
    %ne3A_41 = arith.xori %lt3A_36, %ne3A_40 : vector<16xi1>
    %and3A_42 = arith.andi %ne3A_41, %ne3A_33 : vector<16xi1>
    %add3A_43 = vector.broadcast %select_n3A_28 : i32 to vector<16xi32>
    %add3A_44 = arith.addi %rem3A_30, %add3A_43 : vector<16xi32>
    %select_n3A_45 = arith.select %and3A_42, %add3A_44, %rem3A_30 : vector<16xi1>, vector<16xi32>
    %add3A_46 = arith.constant 2 : i32
    %add3A_47 = vector.broadcast %add3A_46 : i32 to vector<16xi32>
    %add3A_48 = arith.addi %iota3A, %add3A_47 : vector<16xi32>
    %jit3A_49 = arith.constant 16 : i32
    %eq3A_50 = arith.constant 0 : i32
    %eq3A_51 = arith.cmpi eq, %jit3A_49, %eq3A_50 : i32
    %jit3A_52 = arith.constant 1 : i32
    %select_n3A_53 = arith.select %eq3A_51, %jit3A_52, %jit3A_49 : i32
    %rem3A_54 = vector.broadcast %select_n3A_53 : i32 to vector<16xi32>
    %rem3A_55 = arith.remsi %add3A_48, %rem3A_54 : vector<16xi32>
    %ne3A_56 = arith.constant 0 : i32
    %ne3A_57 = vector.broadcast %ne3A_56 : i32 to vector<16xi32>
    %ne3A_58 = arith.cmpi ne, %rem3A_55, %ne3A_57 : vector<16xi32>
    %lt3A_59 = arith.constant 0 : i32
    %lt3A_60 = vector.broadcast %lt3A_59 : i32 to vector<16xi32>
    %lt3A_61 = arith.cmpi slt, %rem3A_55, %lt3A_60 : vector<16xi32>
    %lt3A_62 = arith.constant 0 : i32
    %lt3A_63 = arith.cmpi slt, %select_n3A_53, %lt3A_62 : i32
    %ne3A_64 = vector.broadcast %lt3A_63 : i1 to vector<16xi1>
    %ne3A_65 = vector.broadcast %ne3A_64 : vector<16xi1> to vector<16xi1>
    %ne3A_66 = arith.xori %lt3A_61, %ne3A_65 : vector<16xi1>
    %and3A_67 = arith.andi %ne3A_66, %ne3A_58 : vector<16xi1>
    %add3A_68 = vector.broadcast %select_n3A_53 : i32 to vector<16xi32>
    %add3A_69 = arith.addi %rem3A_55, %add3A_68 : vector<16xi32>
    %select_n3A_70 = arith.select %and3A_67, %add3A_69, %rem3A_55 : vector<16xi1>, vector<16xi32>
    %add3A_71 = arith.constant 3 : i32
    %add3A_72 = vector.broadcast %add3A_71 : i32 to vector<16xi32>
    %add3A_73 = arith.addi %iota3A, %add3A_72 : vector<16xi32>
    %jit3A_74 = arith.constant 16 : i32
    %eq3A_75 = arith.constant 0 : i32
    %eq3A_76 = arith.cmpi eq, %jit3A_74, %eq3A_75 : i32
    %jit3A_77 = arith.constant 1 : i32
    %select_n3A_78 = arith.select %eq3A_76, %jit3A_77, %jit3A_74 : i32
    %rem3A_79 = vector.broadcast %select_n3A_78 : i32 to vector<16xi32>
    %rem3A_80 = arith.remsi %add3A_73, %rem3A_79 : vector<16xi32>
    %ne3A_81 = arith.constant 0 : i32
    %ne3A_82 = vector.broadcast %ne3A_81 : i32 to vector<16xi32>
    %ne3A_83 = arith.cmpi ne, %rem3A_80, %ne3A_82 : vector<16xi32>
    %lt3A_84 = arith.constant 0 : i32
    %lt3A_85 = vector.broadcast %lt3A_84 : i32 to vector<16xi32>
    %lt3A_86 = arith.cmpi slt, %rem3A_80, %lt3A_85 : vector<16xi32>
    %lt3A_87 = arith.constant 0 : i32
    %lt3A_88 = arith.cmpi slt, %select_n3A_78, %lt3A_87 : i32
    %ne3A_89 = vector.broadcast %lt3A_88 : i1 to vector<16xi1>
    %ne3A_90 = vector.broadcast %ne3A_89 : vector<16xi1> to vector<16xi1>
    %ne3A_91 = arith.xori %lt3A_86, %ne3A_90 : vector<16xi1>
    %and3A_92 = arith.andi %ne3A_91, %ne3A_83 : vector<16xi1>
    %add3A_93 = vector.broadcast %select_n3A_78 : i32 to vector<16xi32>
    %add3A_94 = arith.addi %rem3A_80, %add3A_93 : vector<16xi32>
    %select_n3A_95 = arith.select %and3A_92, %add3A_94, %rem3A_80 : vector<16xi1>, vector<16xi32>
    %add3A_96 = arith.constant 4 : i32
    %add3A_97 = vector.broadcast %add3A_96 : i32 to vector<16xi32>
    %add3A_98 = arith.addi %iota3A, %add3A_97 : vector<16xi32>
    %jit3A_99 = arith.constant 16 : i32
    %eq3A_100 = arith.constant 0 : i32
    %eq3A_101 = arith.cmpi eq, %jit3A_99, %eq3A_100 : i32
    %jit3A_102 = arith.constant 1 : i32
    %select_n3A_103 = arith.select %eq3A_101, %jit3A_102, %jit3A_99 : i32
    %rem3A_104 = vector.broadcast %select_n3A_103 : i32 to vector<16xi32>
    %rem3A_105 = arith.remsi %add3A_98, %rem3A_104 : vector<16xi32>
    %ne3A_106 = arith.constant 0 : i32
    %ne3A_107 = vector.broadcast %ne3A_106 : i32 to vector<16xi32>
    %ne3A_108 = arith.cmpi ne, %rem3A_105, %ne3A_107 : vector<16xi32>
    %lt3A_109 = arith.constant 0 : i32
    %lt3A_110 = vector.broadcast %lt3A_109 : i32 to vector<16xi32>
    %lt3A_111 = arith.cmpi slt, %rem3A_105, %lt3A_110 : vector<16xi32>
    %lt3A_112 = arith.constant 0 : i32
    %lt3A_113 = arith.cmpi slt, %select_n3A_103, %lt3A_112 : i32
    %ne3A_114 = vector.broadcast %lt3A_113 : i1 to vector<16xi1>
    %ne3A_115 = vector.broadcast %ne3A_114 : vector<16xi1> to vector<16xi1>
    %ne3A_116 = arith.xori %lt3A_111, %ne3A_115 : vector<16xi1>
    %and3A_117 = arith.andi %ne3A_116, %ne3A_108 : vector<16xi1>
    %add3A_118 = vector.broadcast %select_n3A_103 : i32 to vector<16xi32>
    %add3A_119 = arith.addi %rem3A_105, %add3A_118 : vector<16xi32>
    %select_n3A_120 = arith.select %and3A_117, %add3A_119, %rem3A_105 : vector<16xi1>, vector<16xi32>
    %add3A_121 = arith.constant 5 : i32
    %add3A_122 = vector.broadcast %add3A_121 : i32 to vector<16xi32>
    %add3A_123 = arith.addi %iota3A, %add3A_122 : vector<16xi32>
    %jit3A_124 = arith.constant 16 : i32
    %eq3A_125 = arith.constant 0 : i32
    %eq3A_126 = arith.cmpi eq, %jit3A_124, %eq3A_125 : i32
    %jit3A_127 = arith.constant 1 : i32
    %select_n3A_128 = arith.select %eq3A_126, %jit3A_127, %jit3A_124 : i32
    %rem3A_129 = vector.broadcast %select_n3A_128 : i32 to vector<16xi32>
    %rem3A_130 = arith.remsi %add3A_123, %rem3A_129 : vector<16xi32>
    %ne3A_131 = arith.constant 0 : i32
    %ne3A_132 = vector.broadcast %ne3A_131 : i32 to vector<16xi32>
    %ne3A_133 = arith.cmpi ne, %rem3A_130, %ne3A_132 : vector<16xi32>
    %lt3A_134 = arith.constant 0 : i32
    %lt3A_135 = vector.broadcast %lt3A_134 : i32 to vector<16xi32>
    %lt3A_136 = arith.cmpi slt, %rem3A_130, %lt3A_135 : vector<16xi32>
    %lt3A_137 = arith.constant 0 : i32
    %lt3A_138 = arith.cmpi slt, %select_n3A_128, %lt3A_137 : i32
    %ne3A_139 = vector.broadcast %lt3A_138 : i1 to vector<16xi1>
    %ne3A_140 = vector.broadcast %ne3A_139 : vector<16xi1> to vector<16xi1>
    %ne3A_141 = arith.xori %lt3A_136, %ne3A_140 : vector<16xi1>
    %and3A_142 = arith.andi %ne3A_141, %ne3A_133 : vector<16xi1>
    %add3A_143 = vector.broadcast %select_n3A_128 : i32 to vector<16xi32>
    %add3A_144 = arith.addi %rem3A_130, %add3A_143 : vector<16xi32>
    %select_n3A_145 = arith.select %and3A_142, %add3A_144, %rem3A_130 : vector<16xi1>, vector<16xi32>
    %add3A_146 = arith.constant 6 : i32
    %add3A_147 = vector.broadcast %add3A_146 : i32 to vector<16xi32>
    %add3A_148 = arith.addi %iota3A, %add3A_147 : vector<16xi32>
    %jit3A_149 = arith.constant 16 : i32
    %eq3A_150 = arith.constant 0 : i32
    %eq3A_151 = arith.cmpi eq, %jit3A_149, %eq3A_150 : i32
    %jit3A_152 = arith.constant 1 : i32
    %select_n3A_153 = arith.select %eq3A_151, %jit3A_152, %jit3A_149 : i32
    %rem3A_154 = vector.broadcast %select_n3A_153 : i32 to vector<16xi32>
    %rem3A_155 = arith.remsi %add3A_148, %rem3A_154 : vector<16xi32>
    %ne3A_156 = arith.constant 0 : i32
    %ne3A_157 = vector.broadcast %ne3A_156 : i32 to vector<16xi32>
    %ne3A_158 = arith.cmpi ne, %rem3A_155, %ne3A_157 : vector<16xi32>
    %lt3A_159 = arith.constant 0 : i32
    %lt3A_160 = vector.broadcast %lt3A_159 : i32 to vector<16xi32>
    %lt3A_161 = arith.cmpi slt, %rem3A_155, %lt3A_160 : vector<16xi32>
    %lt3A_162 = arith.constant 0 : i32
    %lt3A_163 = arith.cmpi slt, %select_n3A_153, %lt3A_162 : i32
    %ne3A_164 = vector.broadcast %lt3A_163 : i1 to vector<16xi1>
    %ne3A_165 = vector.broadcast %ne3A_164 : vector<16xi1> to vector<16xi1>
    %ne3A_166 = arith.xori %lt3A_161, %ne3A_165 : vector<16xi1>
    %and3A_167 = arith.andi %ne3A_166, %ne3A_158 : vector<16xi1>
    %add3A_168 = vector.broadcast %select_n3A_153 : i32 to vector<16xi32>
    %add3A_169 = arith.addi %rem3A_155, %add3A_168 : vector<16xi32>
    %select_n3A_170 = arith.select %and3A_167, %add3A_169, %rem3A_155 : vector<16xi1>, vector<16xi32>
    %add3A_171 = arith.constant 7 : i32
    %add3A_172 = vector.broadcast %add3A_171 : i32 to vector<16xi32>
    %add3A_173 = arith.addi %iota3A, %add3A_172 : vector<16xi32>
    %jit3A_174 = arith.constant 16 : i32
    %eq3A_175 = arith.constant 0 : i32
    %eq3A_176 = arith.cmpi eq, %jit3A_174, %eq3A_175 : i32
    %jit3A_177 = arith.constant 1 : i32
    %select_n3A_178 = arith.select %eq3A_176, %jit3A_177, %jit3A_174 : i32
    %rem3A_179 = vector.broadcast %select_n3A_178 : i32 to vector<16xi32>
    %rem3A_180 = arith.remsi %add3A_173, %rem3A_179 : vector<16xi32>
    %ne3A_181 = arith.constant 0 : i32
    %ne3A_182 = vector.broadcast %ne3A_181 : i32 to vector<16xi32>
    %ne3A_183 = arith.cmpi ne, %rem3A_180, %ne3A_182 : vector<16xi32>
    %lt3A_184 = arith.constant 0 : i32
    %lt3A_185 = vector.broadcast %lt3A_184 : i32 to vector<16xi32>
    %lt3A_186 = arith.cmpi slt, %rem3A_180, %lt3A_185 : vector<16xi32>
    %lt3A_187 = arith.constant 0 : i32
    %lt3A_188 = arith.cmpi slt, %select_n3A_178, %lt3A_187 : i32
    %ne3A_189 = vector.broadcast %lt3A_188 : i1 to vector<16xi1>
    %ne3A_190 = vector.broadcast %ne3A_189 : vector<16xi1> to vector<16xi1>
    %ne3A_191 = arith.xori %lt3A_186, %ne3A_190 : vector<16xi1>
    %and3A_192 = arith.andi %ne3A_191, %ne3A_183 : vector<16xi1>
    %add3A_193 = vector.broadcast %select_n3A_178 : i32 to vector<16xi32>
    %add3A_194 = arith.addi %rem3A_180, %add3A_193 : vector<16xi32>
    %select_n3A_195 = arith.select %and3A_192, %add3A_194, %rem3A_180 : vector<16xi1>, vector<16xi32>
    %add3A_196 = arith.constant 8 : i32
    %add3A_197 = vector.broadcast %add3A_196 : i32 to vector<16xi32>
    %add3A_198 = arith.addi %iota3A, %add3A_197 : vector<16xi32>
    %jit3A_199 = arith.constant 16 : i32
    %eq3A_200 = arith.constant 0 : i32
    %eq3A_201 = arith.cmpi eq, %jit3A_199, %eq3A_200 : i32
    %jit3A_202 = arith.constant 1 : i32
    %select_n3A_203 = arith.select %eq3A_201, %jit3A_202, %jit3A_199 : i32
    %rem3A_204 = vector.broadcast %select_n3A_203 : i32 to vector<16xi32>
    %rem3A_205 = arith.remsi %add3A_198, %rem3A_204 : vector<16xi32>
    %ne3A_206 = arith.constant 0 : i32
    %ne3A_207 = vector.broadcast %ne3A_206 : i32 to vector<16xi32>
    %ne3A_208 = arith.cmpi ne, %rem3A_205, %ne3A_207 : vector<16xi32>
    %lt3A_209 = arith.constant 0 : i32
    %lt3A_210 = vector.broadcast %lt3A_209 : i32 to vector<16xi32>
    %lt3A_211 = arith.cmpi slt, %rem3A_205, %lt3A_210 : vector<16xi32>
    %lt3A_212 = arith.constant 0 : i32
    %lt3A_213 = arith.cmpi slt, %select_n3A_203, %lt3A_212 : i32
    %ne3A_214 = vector.broadcast %lt3A_213 : i1 to vector<16xi1>
    %ne3A_215 = vector.broadcast %ne3A_214 : vector<16xi1> to vector<16xi1>
    %ne3A_216 = arith.xori %lt3A_211, %ne3A_215 : vector<16xi1>
    %and3A_217 = arith.andi %ne3A_216, %ne3A_208 : vector<16xi1>
    %add3A_218 = vector.broadcast %select_n3A_203 : i32 to vector<16xi32>
    %add3A_219 = arith.addi %rem3A_205, %add3A_218 : vector<16xi32>
    %select_n3A_220 = arith.select %and3A_217, %add3A_219, %rem3A_205 : vector<16xi1>, vector<16xi32>
    %add3A_221 = arith.constant 9 : i32
    %add3A_222 = vector.broadcast %add3A_221 : i32 to vector<16xi32>
    %add3A_223 = arith.addi %iota3A, %add3A_222 : vector<16xi32>
    %jit3A_224 = arith.constant 16 : i32
    %eq3A_225 = arith.constant 0 : i32
    %eq3A_226 = arith.cmpi eq, %jit3A_224, %eq3A_225 : i32
    %jit3A_227 = arith.constant 1 : i32
    %select_n3A_228 = arith.select %eq3A_226, %jit3A_227, %jit3A_224 : i32
    %rem3A_229 = vector.broadcast %select_n3A_228 : i32 to vector<16xi32>
    %rem3A_230 = arith.remsi %add3A_223, %rem3A_229 : vector<16xi32>
    %ne3A_231 = arith.constant 0 : i32
    %ne3A_232 = vector.broadcast %ne3A_231 : i32 to vector<16xi32>
    %ne3A_233 = arith.cmpi ne, %rem3A_230, %ne3A_232 : vector<16xi32>
    %lt3A_234 = arith.constant 0 : i32
    %lt3A_235 = vector.broadcast %lt3A_234 : i32 to vector<16xi32>
    %lt3A_236 = arith.cmpi slt, %rem3A_230, %lt3A_235 : vector<16xi32>
    %lt3A_237 = arith.constant 0 : i32
    %lt3A_238 = arith.cmpi slt, %select_n3A_228, %lt3A_237 : i32
    %ne3A_239 = vector.broadcast %lt3A_238 : i1 to vector<16xi1>
    %ne3A_240 = vector.broadcast %ne3A_239 : vector<16xi1> to vector<16xi1>
    %ne3A_241 = arith.xori %lt3A_236, %ne3A_240 : vector<16xi1>
    %and3A_242 = arith.andi %ne3A_241, %ne3A_233 : vector<16xi1>
    %add3A_243 = vector.broadcast %select_n3A_228 : i32 to vector<16xi32>
    %add3A_244 = arith.addi %rem3A_230, %add3A_243 : vector<16xi32>
    %select_n3A_245 = arith.select %and3A_242, %add3A_244, %rem3A_230 : vector<16xi1>, vector<16xi32>
    %add3A_246 = arith.constant 10 : i32
    %add3A_247 = vector.broadcast %add3A_246 : i32 to vector<16xi32>
    %add3A_248 = arith.addi %iota3A, %add3A_247 : vector<16xi32>
    %jit3A_249 = arith.constant 16 : i32
    %eq3A_250 = arith.constant 0 : i32
    %eq3A_251 = arith.cmpi eq, %jit3A_249, %eq3A_250 : i32
    %jit3A_252 = arith.constant 1 : i32
    %select_n3A_253 = arith.select %eq3A_251, %jit3A_252, %jit3A_249 : i32
    %rem3A_254 = vector.broadcast %select_n3A_253 : i32 to vector<16xi32>
    %rem3A_255 = arith.remsi %add3A_248, %rem3A_254 : vector<16xi32>
    %ne3A_256 = arith.constant 0 : i32
    %ne3A_257 = vector.broadcast %ne3A_256 : i32 to vector<16xi32>
    %ne3A_258 = arith.cmpi ne, %rem3A_255, %ne3A_257 : vector<16xi32>
    %lt3A_259 = arith.constant 0 : i32
    %lt3A_260 = vector.broadcast %lt3A_259 : i32 to vector<16xi32>
    %lt3A_261 = arith.cmpi slt, %rem3A_255, %lt3A_260 : vector<16xi32>
    %lt3A_262 = arith.constant 0 : i32
    %lt3A_263 = arith.cmpi slt, %select_n3A_253, %lt3A_262 : i32
    %ne3A_264 = vector.broadcast %lt3A_263 : i1 to vector<16xi1>
    %ne3A_265 = vector.broadcast %ne3A_264 : vector<16xi1> to vector<16xi1>
    %ne3A_266 = arith.xori %lt3A_261, %ne3A_265 : vector<16xi1>
    %and3A_267 = arith.andi %ne3A_266, %ne3A_258 : vector<16xi1>
    %add3A_268 = vector.broadcast %select_n3A_253 : i32 to vector<16xi32>
    %add3A_269 = arith.addi %rem3A_255, %add3A_268 : vector<16xi32>
    %select_n3A_270 = arith.select %and3A_267, %add3A_269, %rem3A_255 : vector<16xi1>, vector<16xi32>
    %add3A_271 = arith.constant 11 : i32
    %add3A_272 = vector.broadcast %add3A_271 : i32 to vector<16xi32>
    %add3A_273 = arith.addi %iota3A, %add3A_272 : vector<16xi32>
    %jit3A_274 = arith.constant 16 : i32
    %eq3A_275 = arith.constant 0 : i32
    %eq3A_276 = arith.cmpi eq, %jit3A_274, %eq3A_275 : i32
    %jit3A_277 = arith.constant 1 : i32
    %select_n3A_278 = arith.select %eq3A_276, %jit3A_277, %jit3A_274 : i32
    %rem3A_279 = vector.broadcast %select_n3A_278 : i32 to vector<16xi32>
    %rem3A_280 = arith.remsi %add3A_273, %rem3A_279 : vector<16xi32>
    %ne3A_281 = arith.constant 0 : i32
    %ne3A_282 = vector.broadcast %ne3A_281 : i32 to vector<16xi32>
    %ne3A_283 = arith.cmpi ne, %rem3A_280, %ne3A_282 : vector<16xi32>
    %lt3A_284 = arith.constant 0 : i32
    %lt3A_285 = vector.broadcast %lt3A_284 : i32 to vector<16xi32>
    %lt3A_286 = arith.cmpi slt, %rem3A_280, %lt3A_285 : vector<16xi32>
    %lt3A_287 = arith.constant 0 : i32
    %lt3A_288 = arith.cmpi slt, %select_n3A_278, %lt3A_287 : i32
    %ne3A_289 = vector.broadcast %lt3A_288 : i1 to vector<16xi1>
    %ne3A_290 = vector.broadcast %ne3A_289 : vector<16xi1> to vector<16xi1>
    %ne3A_291 = arith.xori %lt3A_286, %ne3A_290 : vector<16xi1>
    %and3A_292 = arith.andi %ne3A_291, %ne3A_283 : vector<16xi1>
    %add3A_293 = vector.broadcast %select_n3A_278 : i32 to vector<16xi32>
    %add3A_294 = arith.addi %rem3A_280, %add3A_293 : vector<16xi32>
    %select_n3A_295 = arith.select %and3A_292, %add3A_294, %rem3A_280 : vector<16xi1>, vector<16xi32>
    %add3A_296 = arith.constant 12 : i32
    %add3A_297 = vector.broadcast %add3A_296 : i32 to vector<16xi32>
    %add3A_298 = arith.addi %iota3A, %add3A_297 : vector<16xi32>
    %jit3A_299 = arith.constant 16 : i32
    %eq3A_300 = arith.constant 0 : i32
    %eq3A_301 = arith.cmpi eq, %jit3A_299, %eq3A_300 : i32
    %jit3A_302 = arith.constant 1 : i32
    %select_n3A_303 = arith.select %eq3A_301, %jit3A_302, %jit3A_299 : i32
    %rem3A_304 = vector.broadcast %select_n3A_303 : i32 to vector<16xi32>
    %rem3A_305 = arith.remsi %add3A_298, %rem3A_304 : vector<16xi32>
    %ne3A_306 = arith.constant 0 : i32
    %ne3A_307 = vector.broadcast %ne3A_306 : i32 to vector<16xi32>
    %ne3A_308 = arith.cmpi ne, %rem3A_305, %ne3A_307 : vector<16xi32>
    %lt3A_309 = arith.constant 0 : i32
    %lt3A_310 = vector.broadcast %lt3A_309 : i32 to vector<16xi32>
    %lt3A_311 = arith.cmpi slt, %rem3A_305, %lt3A_310 : vector<16xi32>
    %lt3A_312 = arith.constant 0 : i32
    %lt3A_313 = arith.cmpi slt, %select_n3A_303, %lt3A_312 : i32
    %ne3A_314 = vector.broadcast %lt3A_313 : i1 to vector<16xi1>
    %ne3A_315 = vector.broadcast %ne3A_314 : vector<16xi1> to vector<16xi1>
    %ne3A_316 = arith.xori %lt3A_311, %ne3A_315 : vector<16xi1>
    %and3A_317 = arith.andi %ne3A_316, %ne3A_308 : vector<16xi1>
    %add3A_318 = vector.broadcast %select_n3A_303 : i32 to vector<16xi32>
    %add3A_319 = arith.addi %rem3A_305, %add3A_318 : vector<16xi32>
    %select_n3A_320 = arith.select %and3A_317, %add3A_319, %rem3A_305 : vector<16xi1>, vector<16xi32>
    %add3A_321 = arith.constant 13 : i32
    %add3A_322 = vector.broadcast %add3A_321 : i32 to vector<16xi32>
    %add3A_323 = arith.addi %iota3A, %add3A_322 : vector<16xi32>
    %jit3A_324 = arith.constant 16 : i32
    %eq3A_325 = arith.constant 0 : i32
    %eq3A_326 = arith.cmpi eq, %jit3A_324, %eq3A_325 : i32
    %jit3A_327 = arith.constant 1 : i32
    %select_n3A_328 = arith.select %eq3A_326, %jit3A_327, %jit3A_324 : i32
    %rem3A_329 = vector.broadcast %select_n3A_328 : i32 to vector<16xi32>
    %rem3A_330 = arith.remsi %add3A_323, %rem3A_329 : vector<16xi32>
    %ne3A_331 = arith.constant 0 : i32
    %ne3A_332 = vector.broadcast %ne3A_331 : i32 to vector<16xi32>
    %ne3A_333 = arith.cmpi ne, %rem3A_330, %ne3A_332 : vector<16xi32>
    %lt3A_334 = arith.constant 0 : i32
    %lt3A_335 = vector.broadcast %lt3A_334 : i32 to vector<16xi32>
    %lt3A_336 = arith.cmpi slt, %rem3A_330, %lt3A_335 : vector<16xi32>
    %lt3A_337 = arith.constant 0 : i32
    %lt3A_338 = arith.cmpi slt, %select_n3A_328, %lt3A_337 : i32
    %ne3A_339 = vector.broadcast %lt3A_338 : i1 to vector<16xi1>
    %ne3A_340 = vector.broadcast %ne3A_339 : vector<16xi1> to vector<16xi1>
    %ne3A_341 = arith.xori %lt3A_336, %ne3A_340 : vector<16xi1>
    %and3A_342 = arith.andi %ne3A_341, %ne3A_333 : vector<16xi1>
    %add3A_343 = vector.broadcast %select_n3A_328 : i32 to vector<16xi32>
    %add3A_344 = arith.addi %rem3A_330, %add3A_343 : vector<16xi32>
    %select_n3A_345 = arith.select %and3A_342, %add3A_344, %rem3A_330 : vector<16xi1>, vector<16xi32>
    %add3A_346 = arith.constant 14 : i32
    %add3A_347 = vector.broadcast %add3A_346 : i32 to vector<16xi32>
    %add3A_348 = arith.addi %iota3A, %add3A_347 : vector<16xi32>
    %jit3A_349 = arith.constant 16 : i32
    %eq3A_350 = arith.constant 0 : i32
    %eq3A_351 = arith.cmpi eq, %jit3A_349, %eq3A_350 : i32
    %jit3A_352 = arith.constant 1 : i32
    %select_n3A_353 = arith.select %eq3A_351, %jit3A_352, %jit3A_349 : i32
    %rem3A_354 = vector.broadcast %select_n3A_353 : i32 to vector<16xi32>
    %rem3A_355 = arith.remsi %add3A_348, %rem3A_354 : vector<16xi32>
    %ne3A_356 = arith.constant 0 : i32
    %ne3A_357 = vector.broadcast %ne3A_356 : i32 to vector<16xi32>
    %ne3A_358 = arith.cmpi ne, %rem3A_355, %ne3A_357 : vector<16xi32>
    %lt3A_359 = arith.constant 0 : i32
    %lt3A_360 = vector.broadcast %lt3A_359 : i32 to vector<16xi32>
    %lt3A_361 = arith.cmpi slt, %rem3A_355, %lt3A_360 : vector<16xi32>
    %lt3A_362 = arith.constant 0 : i32
    %lt3A_363 = arith.cmpi slt, %select_n3A_353, %lt3A_362 : i32
    %ne3A_364 = vector.broadcast %lt3A_363 : i1 to vector<16xi1>
    %ne3A_365 = vector.broadcast %ne3A_364 : vector<16xi1> to vector<16xi1>
    %ne3A_366 = arith.xori %lt3A_361, %ne3A_365 : vector<16xi1>
    %and3A_367 = arith.andi %ne3A_366, %ne3A_358 : vector<16xi1>
    %add3A_368 = vector.broadcast %select_n3A_353 : i32 to vector<16xi32>
    %add3A_369 = arith.addi %rem3A_355, %add3A_368 : vector<16xi32>
    %select_n3A_370 = arith.select %and3A_367, %add3A_369, %rem3A_355 : vector<16xi1>, vector<16xi32>
    %add3A_371 = arith.constant 15 : i32
    %add3A_372 = vector.broadcast %add3A_371 : i32 to vector<16xi32>
    %add3A_373 = arith.addi %iota3A, %add3A_372 : vector<16xi32>
    %jit3A_374 = arith.constant 16 : i32
    %eq3A_375 = arith.constant 0 : i32
    %eq3A_376 = arith.cmpi eq, %jit3A_374, %eq3A_375 : i32
    %jit3A_377 = arith.constant 1 : i32
    %select_n3A_378 = arith.select %eq3A_376, %jit3A_377, %jit3A_374 : i32
    %rem3A_379 = vector.broadcast %select_n3A_378 : i32 to vector<16xi32>
    %rem3A_380 = arith.remsi %add3A_373, %rem3A_379 : vector<16xi32>
    %ne3A_381 = arith.constant 0 : i32
    %ne3A_382 = vector.broadcast %ne3A_381 : i32 to vector<16xi32>
    %ne3A_383 = arith.cmpi ne, %rem3A_380, %ne3A_382 : vector<16xi32>
    %lt3A_384 = arith.constant 0 : i32
    %lt3A_385 = vector.broadcast %lt3A_384 : i32 to vector<16xi32>
    %lt3A_386 = arith.cmpi slt, %rem3A_380, %lt3A_385 : vector<16xi32>
    %lt3A_387 = arith.constant 0 : i32
    %lt3A_388 = arith.cmpi slt, %select_n3A_378, %lt3A_387 : i32
    %ne3A_389 = vector.broadcast %lt3A_388 : i1 to vector<16xi1>
    %ne3A_390 = vector.broadcast %ne3A_389 : vector<16xi1> to vector<16xi1>
    %ne3A_391 = arith.xori %lt3A_386, %ne3A_390 : vector<16xi1>
    %and3A_392 = arith.andi %ne3A_391, %ne3A_383 : vector<16xi1>
    %add3A_393 = vector.broadcast %select_n3A_378 : i32 to vector<16xi32>
    %add3A_394 = arith.addi %rem3A_380, %add3A_393 : vector<16xi32>
    %select_n3A_395 = arith.select %and3A_392, %add3A_394, %rem3A_380 : vector<16xi1>, vector<16xi32>
    %add3A_396 = arith.constant 0 : i32
    %add3A_397 = vector.broadcast %add3A_396 : i32 to vector<16xi32>
    %add3A_398 = arith.addi %iota3A, %add3A_397 : vector<16xi32>
    %add3A_399 = arith.constant 16 : i32
    %add3A_400 = vector.broadcast %add3A_399 : i32 to vector<16xi32>
    %add3A_401 = arith.addi %iota3A, %add3A_400 : vector<16xi32>
    %add3A_402 = arith.constant 32 : i32
    %add3A_403 = vector.broadcast %add3A_402 : i32 to vector<16xi32>
    %add3A_404 = arith.addi %iota3A, %add3A_403 : vector<16xi32>
    %add3A_405 = arith.constant 48 : i32
    %add3A_406 = vector.broadcast %add3A_405 : i32 to vector<16xi32>
    %add3A_407 = arith.addi %iota3A, %add3A_406 : vector<16xi32>
    %add3A_408 = arith.constant 0 : i32
    %add3A_409 = arith.addi %mul3A_2, %add3A_408 : i32
    %dma_start3A = arith.constant 0 : i32
    %dma_start3A_410 = tpu.memref_slice %arg2[%dma_start3A, %add3A_409] : memref<50x16384xi32, #tpu.memory_space<hbm>> -> memref<1x256xi32, #tpu.memory_space<hbm>>
    %dma_start3A_411 = tpu.memref_squeeze %dma_start3A_410 : memref<1x256xi32, #tpu.memory_space<hbm>> -> memref<256xi32, #tpu.memory_space<hbm>>
    %dma_start3A_412 = tpu.memref_slice %arg2[%dma_start3A, %add3A_409] : memref<50x16384xi32, #tpu.memory_space<hbm>> -> memref<1x256xi32, #tpu.memory_space<hbm>>
    %dma_start3A_413 = tpu.memref_squeeze %dma_start3A_412 : memref<1x256xi32, #tpu.memory_space<hbm>> -> memref<256xi32, #tpu.memory_space<hbm>>
    tpu.enqueue_dma source(%dma_start3A_413 : memref<256xi32, #tpu.memory_space<hbm>>) target(%arg5 : memref<256xi32, #tpu.memory_space<vmem>>) target_semaphore(%arg15 : memref<!tpu.dma_semaphore, #tpu.memory_space<semaphore_mem>>)
    %add3A_414 = arith.constant 256 : i32
    %add3A_415 = arith.addi %mul3A_2, %add3A_414 : i32
    %dma_start3A_416 = arith.constant 0 : i32
    %dma_start3A_417 = tpu.memref_slice %arg2[%dma_start3A_416, %add3A_415] : memref<50x16384xi32, #tpu.memory_space<hbm>> -> memref<1x256xi32, #tpu.memory_space<hbm>>
    %dma_start3A_418 = tpu.memref_squeeze %dma_start3A_417 : memref<1x256xi32, #tpu.memory_space<hbm>> -> memref<256xi32, #tpu.memory_space<hbm>>
    %dma_start3A_419 = tpu.memref_slice %arg2[%dma_start3A_416, %add3A_415] : memref<50x16384xi32, #tpu.memory_space<hbm>> -> memref<1x256xi32, #tpu.memory_space<hbm>>
    %dma_start3A_420 = tpu.memref_squeeze %dma_start3A_419 : memref<1x256xi32, #tpu.memory_space<hbm>> -> memref<256xi32, #tpu.memory_space<hbm>>
    tpu.enqueue_dma source(%dma_start3A_420 : memref<256xi32, #tpu.memory_space<hbm>>) target(%arg6 : memref<256xi32, #tpu.memory_space<vmem>>) target_semaphore(%arg15 : memref<!tpu.dma_semaphore, #tpu.memory_space<semaphore_mem>>)
    %add3A_421 = arith.constant 0 : i32
    %add3A_422 = arith.addi %mul3A_2, %add3A_421 : i32
    %dma_start3A_423 = arith.constant 1 : i32
    %dma_start3A_424 = tpu.memref_slice %arg2[%dma_start3A_423, %add3A_422] : memref<50x16384xi32, #tpu.memory_space<hbm>> -> memref<1x256xi32, #tpu.memory_space<hbm>>
    %dma_start3A_425 = tpu.memref_squeeze %dma_start3A_424 : memref<1x256xi32, #tpu.memory_space<hbm>> -> memref<256xi32, #tpu.memory_space<hbm>>
    %dma_start3A_426 = tpu.memref_slice %arg2[%dma_start3A_423, %add3A_422] : memref<50x16384xi32, #tpu.memory_space<hbm>> -> memref<1x256xi32, #tpu.memory_space<hbm>>
    %dma_start3A_427 = tpu.memref_squeeze %dma_start3A_426 : memref<1x256xi32, #tpu.memory_space<hbm>> -> memref<256xi32, #tpu.memory_space<hbm>>
    tpu.enqueue_dma source(%dma_start3A_427 : memref<256xi32, #tpu.memory_space<hbm>>) target(%arg7 : memref<256xi32, #tpu.memory_space<vmem>>) target_semaphore(%arg15 : memref<!tpu.dma_semaphore, #tpu.memory_space<semaphore_mem>>)
    %add3A_428 = arith.constant 256 : i32
    %add3A_429 = arith.addi %mul3A_2, %add3A_428 : i32
    %dma_start3A_430 = arith.constant 1 : i32
    %dma_start3A_431 = tpu.memref_slice %arg2[%dma_start3A_430, %add3A_429] : memref<50x16384xi32, #tpu.memory_space<hbm>> -> memref<1x256xi32, #tpu.memory_space<hbm>>
    %dma_start3A_432 = tpu.memref_squeeze %dma_start3A_431 : memref<1x256xi32, #tpu.memory_space<hbm>> -> memref<256xi32, #tpu.memory_space<hbm>>
    %dma_start3A_433 = tpu.memref_slice %arg2[%dma_start3A_430, %add3A_429] : memref<50x16384xi32, #tpu.memory_space<hbm>> -> memref<1x256xi32, #tpu.memory_space<hbm>>
    %dma_start3A_434 = tpu.memref_squeeze %dma_start3A_433 : memref<1x256xi32, #tpu.memory_space<hbm>> -> memref<256xi32, #tpu.memory_space<hbm>>
    tpu.enqueue_dma source(%dma_start3A_434 : memref<256xi32, #tpu.memory_space<hbm>>) target(%arg8 : memref<256xi32, #tpu.memory_space<vmem>>) target_semaphore(%arg15 : memref<!tpu.dma_semaphore, #tpu.memory_space<semaphore_mem>>)
    %add3A_435 = arith.constant 0 : i32
    %add3A_436 = arith.addi %mul3A_2, %add3A_435 : i32
    %dma_wait3A = arith.constant 0 : i32
    %dma_wait3A_437 = tpu.memref_slice %arg2[%dma_wait3A, %add3A_436] : memref<50x16384xi32, #tpu.memory_space<hbm>> -> memref<1x256xi32, #tpu.memory_space<hbm>>
    %dma_wait3A_438 = tpu.memref_squeeze %dma_wait3A_437 : memref<1x256xi32, #tpu.memory_space<hbm>> -> memref<256xi32, #tpu.memory_space<hbm>>
    %dma_wait3A_439 = tpu.memref_slice %arg2[%dma_wait3A, %add3A_436] : memref<50x16384xi32, #tpu.memory_space<hbm>> -> memref<1x256xi32, #tpu.memory_space<hbm>>
    %dma_wait3A_440 = tpu.memref_squeeze %dma_wait3A_439 : memref<1x256xi32, #tpu.memory_space<hbm>> -> memref<256xi32, #tpu.memory_space<hbm>>
    tpu.wait_dma2 semaphore(%arg15 : memref<!tpu.dma_semaphore, #tpu.memory_space<semaphore_mem>>) src(%dma_wait3A_440 : memref<256xi32, #tpu.memory_space<hbm>>) dst(%arg5 : memref<256xi32, #tpu.memory_space<vmem>>)
    %dma_start3A_441 = arith.constant 0 : i32
    %dma_start3A_442 = arith.constant 0 : i32
    %dma_start3A_443 = tpu.memref_slice %arg9[%dma_start3A_441, %dma_start3A_442] : memref<256x128xf32, #tpu.memory_space<vmem>> -> memref<128x128xf32, #tpu.memory_space<vmem>>
    %dma_start3A_444 = arith.constant 0 : i32
    %dma_start3A_445 = tpu.memref_slice %arg5[%dma_start3A_444] : memref<256xi32, #tpu.memory_space<vmem>> -> memref<128xi32, #tpu.memory_space<vmem>>
    %dma_start3A_446 = arith.constant 0 : i32
    %dma_start3A_447 = arith.constant 0 : i32
    %dma_start3A_448 = tpu.memref_slice %arg3[%dma_start3A_446, %dma_start3A_447] : memref<1000000x128xf32, #tpu.memory_space<hbm>> -> memref<1000000x128xf32, #tpu.memory_space<hbm>>
    tpu.enqueue_indirect_dma source(%dma_start3A_448 : memref<1000000x128xf32, #tpu.memory_space<hbm>>) target(%dma_start3A_443 : memref<128x128xf32, #tpu.memory_space<vmem>>) offsets(%dma_start3A_445 : memref<128xi32, #tpu.memory_space<vmem>>) semaphore(%arg13 : memref<!tpu.dma_semaphore, #tpu.memory_space<semaphore_mem>>)
    %dma_start3A_449 = arith.constant 128 : i32
    %dma_start3A_450 = arith.constant 0 : i32
    %dma_start3A_451 = tpu.memref_slice %arg9[%dma_start3A_449, %dma_start3A_450] : memref<256x128xf32, #tpu.memory_space<vmem>> -> memref<128x128xf32, #tpu.memory_space<vmem>>
    %dma_start3A_452 = arith.constant 128 : i32
    %dma_start3A_453 = tpu.memref_slice %arg5[%dma_start3A_452] : memref<256xi32, #tpu.memory_space<vmem>> -> memref<128xi32, #tpu.memory_space<vmem>>
    %dma_start3A_454 = arith.constant 0 : i32
    %dma_start3A_455 = arith.constant 0 : i32
    %dma_start3A_456 = tpu.memref_slice %arg3[%dma_start3A_454, %dma_start3A_455] : memref<1000000x128xf32, #tpu.memory_space<hbm>> -> memref<1000000x128xf32, #tpu.memory_space<hbm>>
    tpu.enqueue_indirect_dma source(%dma_start3A_456 : memref<1000000x128xf32, #tpu.memory_space<hbm>>) target(%dma_start3A_451 : memref<128x128xf32, #tpu.memory_space<vmem>>) offsets(%dma_start3A_453 : memref<128xi32, #tpu.memory_space<vmem>>) semaphore(%arg13 : memref<!tpu.dma_semaphore, #tpu.memory_space<semaphore_mem>>)
    %add3A_457 = arith.constant 256 : i32
    %add3A_458 = arith.addi %mul3A_2, %add3A_457 : i32
    %dma_wait3A_459 = arith.constant 0 : i32
    %dma_wait3A_460 = tpu.memref_slice %arg2[%dma_wait3A_459, %add3A_458] : memref<50x16384xi32, #tpu.memory_space<hbm>> -> memref<1x256xi32, #tpu.memory_space<hbm>>
    %dma_wait3A_461 = tpu.memref_squeeze %dma_wait3A_460 : memref<1x256xi32, #tpu.memory_space<hbm>> -> memref<256xi32, #tpu.memory_space<hbm>>
    %dma_wait3A_462 = tpu.memref_slice %arg2[%dma_wait3A_459, %add3A_458] : memref<50x16384xi32, #tpu.memory_space<hbm>> -> memref<1x256xi32, #tpu.memory_space<hbm>>
    %dma_wait3A_463 = tpu.memref_squeeze %dma_wait3A_462 : memref<1x256xi32, #tpu.memory_space<hbm>> -> memref<256xi32, #tpu.memory_space<hbm>>
    tpu.wait_dma2 semaphore(%arg15 : memref<!tpu.dma_semaphore, #tpu.memory_space<semaphore_mem>>) src(%dma_wait3A_463 : memref<256xi32, #tpu.memory_space<hbm>>) dst(%arg6 : memref<256xi32, #tpu.memory_space<vmem>>)
    %dma_start3A_464 = arith.constant 0 : i32
    %dma_start3A_465 = arith.constant 0 : i32
    %dma_start3A_466 = tpu.memref_slice %arg10[%dma_start3A_464, %dma_start3A_465] : memref<256x128xf32, #tpu.memory_space<vmem>> -> memref<128x128xf32, #tpu.memory_space<vmem>>
    %dma_start3A_467 = arith.constant 0 : i32
    %dma_start3A_468 = tpu.memref_slice %arg6[%dma_start3A_467] : memref<256xi32, #tpu.memory_space<vmem>> -> memref<128xi32, #tpu.memory_space<vmem>>
    %dma_start3A_469 = arith.constant 0 : i32
    %dma_start3A_470 = arith.constant 0 : i32
    %dma_start3A_471 = tpu.memref_slice %arg3[%dma_start3A_469, %dma_start3A_470] : memref<1000000x128xf32, #tpu.memory_space<hbm>> -> memref<1000000x128xf32, #tpu.memory_space<hbm>>
    tpu.enqueue_indirect_dma source(%dma_start3A_471 : memref<1000000x128xf32, #tpu.memory_space<hbm>>) target(%dma_start3A_466 : memref<128x128xf32, #tpu.memory_space<vmem>>) offsets(%dma_start3A_468 : memref<128xi32, #tpu.memory_space<vmem>>) semaphore(%arg13 : memref<!tpu.dma_semaphore, #tpu.memory_space<semaphore_mem>>)
    %dma_start3A_472 = arith.constant 128 : i32
    %dma_start3A_473 = arith.constant 0 : i32
    %dma_start3A_474 = tpu.memref_slice %arg10[%dma_start3A_472, %dma_start3A_473] : memref<256x128xf32, #tpu.memory_space<vmem>> -> memref<128x128xf32, #tpu.memory_space<vmem>>
    %dma_start3A_475 = arith.constant 128 : i32
    %dma_start3A_476 = tpu.memref_slice %arg6[%dma_start3A_475] : memref<256xi32, #tpu.memory_space<vmem>> -> memref<128xi32, #tpu.memory_space<vmem>>
    %dma_start3A_477 = arith.constant 0 : i32
    %dma_start3A_478 = arith.constant 0 : i32
    %dma_start3A_479 = tpu.memref_slice %arg3[%dma_start3A_477, %dma_start3A_478] : memref<1000000x128xf32, #tpu.memory_space<hbm>> -> memref<1000000x128xf32, #tpu.memory_space<hbm>>
    tpu.enqueue_indirect_dma source(%dma_start3A_479 : memref<1000000x128xf32, #tpu.memory_space<hbm>>) target(%dma_start3A_474 : memref<128x128xf32, #tpu.memory_space<vmem>>) offsets(%dma_start3A_476 : memref<128xi32, #tpu.memory_space<vmem>>) semaphore(%arg13 : memref<!tpu.dma_semaphore, #tpu.memory_space<semaphore_mem>>)
    %scan3A = arith.constant 0 : i32
    %scan3A_480 = arith.constant 0 : i32
    %scan3A_481 = arith.constant 25 : i32
    %scan3A_482 = arith.addi %scan3A_480, %scan3A_481 : i32
    %scan3A_483 = arith.constant 1 : i32
    scf.for %scan3A_499 = %scan3A_480 to %scan3A_482 step %scan3A_483  : i32 {
      %mul3A_500 = arith.constant 4 : i32
      %mul3A_501 = arith.muli %scan3A_499, %mul3A_500 : i32
      %add3A_502 = arith.constant 0 : i32
      %add3A_503 = arith.addi %mul3A_501, %add3A_502 : i32
      %dma_wait3A_504 = arith.constant 0 : i32
      %dma_wait3A_505 = arith.constant 0 : i32
      %dma_wait3A_506 = tpu.memref_slice %arg9[%dma_wait3A_504, %dma_wait3A_505] : memref<256x128xf32, #tpu.memory_space<vmem>> -> memref<128x128xf32, #tpu.memory_space<vmem>>
      %dma_wait3A_507 = arith.constant 0 : i32
      %dma_wait3A_508 = tpu.memref_slice %arg5[%dma_wait3A_507] : memref<256xi32, #tpu.memory_space<vmem>> -> memref<128xi32, #tpu.memory_space<vmem>>
      %dma_wait3A_509 = arith.constant 0 : i32
      %dma_wait3A_510 = arith.constant 0 : i32
      %dma_wait3A_511 = tpu.memref_slice %arg3[%dma_wait3A_509, %dma_wait3A_510] : memref<1000000x128xf32, #tpu.memory_space<hbm>> -> memref<1000000x128xf32, #tpu.memory_space<hbm>>
      tpu.wait_indirect_dma semaphore(%arg13 : memref<!tpu.dma_semaphore, #tpu.memory_space<semaphore_mem>>) src(%dma_wait3A_511 : memref<1000000x128xf32, #tpu.memory_space<hbm>>) dst(%dma_wait3A_506 : memref<128x128xf32, #tpu.memory_space<vmem>>)
      %dma_wait3A_512 = arith.constant 128 : i32
      %dma_wait3A_513 = arith.constant 0 : i32
      %dma_wait3A_514 = tpu.memref_slice %arg9[%dma_wait3A_512, %dma_wait3A_513] : memref<256x128xf32, #tpu.memory_space<vmem>> -> memref<128x128xf32, #tpu.memory_space<vmem>>
      %dma_wait3A_515 = arith.constant 128 : i32
      %dma_wait3A_516 = tpu.memref_slice %arg5[%dma_wait3A_515] : memref<256xi32, #tpu.memory_space<vmem>> -> memref<128xi32, #tpu.memory_space<vmem>>
      %dma_wait3A_517 = arith.constant 0 : i32
      %dma_wait3A_518 = arith.constant 0 : i32
      %dma_wait3A_519 = tpu.memref_slice %arg3[%dma_wait3A_517, %dma_wait3A_518] : memref<1000000x128xf32, #tpu.memory_space<hbm>> -> memref<1000000x128xf32, #tpu.memory_space<hbm>>
      tpu.wait_indirect_dma semaphore(%arg13 : memref<!tpu.dma_semaphore, #tpu.memory_space<semaphore_mem>>) src(%dma_wait3A_519 : memref<1000000x128xf32, #tpu.memory_space<hbm>>) dst(%dma_wait3A_514 : memref<128x128xf32, #tpu.memory_space<vmem>>)
      %ge3A = arith.constant 2 : i32
      %ge3A_520 = arith.cmpi sge, %add3A_503, %ge3A : i32
      %convert_element_type3A = arith.extui %ge3A_520 : i1 to i32
      %cond3A = arith.constant 0 : i32
      %cond3A_521 = arith.cmpi ne, %convert_element_type3A, %cond3A : i32
      scf.if %cond3A_521 {
        %dma_wait3A_870 = arith.constant 0 : i32
        %dma_wait3A_871 = arith.constant 0 : i32
        %dma_wait3A_872 = tpu.memref_slice %arg4[%dma_wait3A_870, %dma_wait3A_871, %mul3A_2] : memref<50x64x16384xf32, #tpu.memory_space<hbm>> -> memref<1x64x256xf32, #tpu.memory_space<hbm>>
        %dma_wait3A_873 = tpu.memref_squeeze %dma_wait3A_872 : memref<1x64x256xf32, #tpu.memory_space<hbm>> -> memref<64x256xf32, #tpu.memory_space<hbm>>
        %dma_wait3A_874 = arith.constant 0 : i32
        %dma_wait3A_875 = tpu.memref_slice %arg4[%dma_wait3A_870, %dma_wait3A_874, %mul3A_2] : memref<50x64x16384xf32, #tpu.memory_space<hbm>> -> memref<1x64x256xf32, #tpu.memory_space<hbm>>
        %dma_wait3A_876 = tpu.memref_squeeze %dma_wait3A_875 : memref<1x64x256xf32, #tpu.memory_space<hbm>> -> memref<64x256xf32, #tpu.memory_space<hbm>>
        tpu.wait_dma2 semaphore(%arg14 : memref<!tpu.dma_semaphore, #tpu.memory_space<semaphore_mem>>) src(%arg11 : memref<64x256xf32, #tpu.memory_space<vmem>>) dst(%dma_wait3A_876 : memref<64x256xf32, #tpu.memory_space<hbm>>)
      } else {
      }
      %scan3A_522 = arith.constant 0 : i32
      %scan3A_523 = arith.constant 0 : i32
      %scan3A_524 = arith.constant 16 : i32
      %scan3A_525 = arith.addi %scan3A_523, %scan3A_524 : i32
      %scan3A_526 = arith.constant 1 : i32
      scf.for %scan3A_870 = %scan3A_523 to %scan3A_525 step %scan3A_526  : i32 {
        %mul3A_871 = arith.constant 16 : i32
        %mul3A_872 = arith.muli %scan3A_870, %mul3A_871 : i32
        %add3A_873 = vector.broadcast %mul3A_872 : i32 to vector<16xi32>
        %add3A_874 = arith.addi %select_n3A_20, %add3A_873 : vector<16xi32>
        %gather3A = tpu.vector_load_idx %arg9[%add3A_874, %add3A_398] : memref<256x128xf32, #tpu.memory_space<vmem>>[vector<16xi32>, vector<16xi32>], vector<16xf32>,
        %mul3A_875 = arith.constant 8.000000e+00 : f32
        %mul3A_876 = vector.broadcast %mul3A_875 : f32 to vector<16xf32>
        %mul3A_877 = arith.mulf %gather3A, %mul3A_876 : vector<16xf32>
        tpu.vector_store_idx %arg11[%add3A_398, %add3A_874], %mul3A_877 : memref<64x256xf32, #tpu.memory_space<vmem>>[vector<16xi32>, vector<16xi32>], vector<16xf32>,
        %gather3A_878 = tpu.vector_load_idx %arg9[%add3A_874, %add3A_401] : memref<256x128xf32, #tpu.memory_space<vmem>>[vector<16xi32>, vector<16xi32>], vector<16xf32>,
        %mul3A_879 = arith.constant 8.000000e+00 : f32
        %mul3A_880 = vector.broadcast %mul3A_879 : f32 to vector<16xf32>
        %mul3A_881 = arith.mulf %gather3A_878, %mul3A_880 : vector<16xf32>
        tpu.vector_store_idx %arg11[%add3A_401, %add3A_874], %mul3A_881 : memref<64x256xf32, #tpu.memory_space<vmem>>[vector<16xi32>, vector<16xi32>], vector<16xf32>,
        %gather3A_882 = tpu.vector_load_idx %arg9[%add3A_874, %add3A_404] : memref<256x128xf32, #tpu.memory_space<vmem>>[vector<16xi32>, vector<16xi32>], vector<16xf32>,
        %mul3A_883 = arith.constant 8.000000e+00 : f32
        %mul3A_884 = vector.broadcast %mul3A_883 : f32 to vector<16xf32>
        %mul3A_885 = arith.mulf %gather3A_882, %mul3A_884 : vector<16xf32>
        tpu.vector_store_idx %arg11[%add3A_404, %add3A_874], %mul3A_885 : memref<64x256xf32, #tpu.memory_space<vmem>>[vector<16xi32>, vector<16xi32>], vector<16xf32>,
        %gather3A_886 = tpu.vector_load_idx %arg9[%add3A_874, %add3A_407] : memref<256x128xf32, #tpu.memory_space<vmem>>[vector<16xi32>, vector<16xi32>], vector<16xf32>,
        %mul3A_887 = arith.constant 8.000000e+00 : f32
        %mul3A_888 = vector.broadcast %mul3A_887 : f32 to vector<16xf32>
        %mul3A_889 = arith.mulf %gather3A_886, %mul3A_888 : vector<16xf32>
        tpu.vector_store_idx %arg11[%add3A_407, %add3A_874], %mul3A_889 : memref<64x256xf32, #tpu.memory_space<vmem>>[vector<16xi32>, vector<16xi32>], vector<16xf32>,
        %add3A_890 = vector.broadcast %mul3A_872 : i32 to vector<16xi32>
        %add3A_891 = arith.addi %select_n3A_45, %add3A_890 : vector<16xi32>
        %gather3A_892 = tpu.vector_load_idx %arg9[%add3A_891, %add3A_398] : memref<256x128xf32, #tpu.memory_space<vmem>>[vector<16xi32>, vector<16xi32>], vector<16xf32>,
        %mul3A_893 = arith.constant 8.000000e+00 : f32
        %mul3A_894 = vector.broadcast %mul3A_893 : f32 to vector<16xf32>
        %mul3A_895 = arith.mulf %gather3A_892, %mul3A_894 : vector<16xf32>
        tpu.vector_store_idx %arg11[%add3A_398, %add3A_891], %mul3A_895 : memref<64x256xf32, #tpu.memory_space<vmem>>[vector<16xi32>, vector<16xi32>], vector<16xf32>,
        %gather3A_896 = tpu.vector_load_idx %arg9[%add3A_891, %add3A_401] : memref<256x128xf32, #tpu.memory_space<vmem>>[vector<16xi32>, vector<16xi32>], vector<16xf32>,
        %mul3A_897 = arith.constant 8.000000e+00 : f32
        %mul3A_898 = vector.broadcast %mul3A_897 : f32 to vector<16xf32>
        %mul3A_899 = arith.mulf %gather3A_896, %mul3A_898 : vector<16xf32>
        tpu.vector_store_idx %arg11[%add3A_401, %add3A_891], %mul3A_899 : memref<64x256xf32, #tpu.memory_space<vmem>>[vector<16xi32>, vector<16xi32>], vector<16xf32>,
        %gather3A_900 = tpu.vector_load_idx %arg9[%add3A_891, %add3A_404] : memref<256x128xf32, #tpu.memory_space<vmem>>[vector<16xi32>, vector<16xi32>], vector<16xf32>,
        %mul3A_901 = arith.constant 8.000000e+00 : f32
        %mul3A_902 = vector.broadcast %mul3A_901 : f32 to vector<16xf32>
        %mul3A_903 = arith.mulf %gather3A_900, %mul3A_902 : vector<16xf32>
        tpu.vector_store_idx %arg11[%add3A_404, %add3A_891], %mul3A_903 : memref<64x256xf32, #tpu.memory_space<vmem>>[vector<16xi32>, vector<16xi32>], vector<16xf32>,
        %gather3A_904 = tpu.vector_load_idx %arg9[%add3A_891, %add3A_407] : memref<256x128xf32, #tpu.memory_space<vmem>>[vector<16xi32>, vector<16xi32>], vector<16xf32>,
        %mul3A_905 = arith.constant 8.000000e+00 : f32
        %mul3A_906 = vector.broadcast %mul3A_905 : f32 to vector<16xf32>
        %mul3A_907 = arith.mulf %gather3A_904, %mul3A_906 : vector<16xf32>
        tpu.vector_store_idx %arg11[%add3A_407, %add3A_891], %mul3A_907 : memref<64x256xf32, #tpu.memory_space<vmem>>[vector<16xi32>, vector<16xi32>], vector<16xf32>,
        %add3A_908 = vector.broadcast %mul3A_872 : i32 to vector<16xi32>
        %add3A_909 = arith.addi %select_n3A_70, %add3A_908 : vector<16xi32>
        %gather3A_910 = tpu.vector_load_idx %arg9[%add3A_909, %add3A_398] : memref<256x128xf32, #tpu.memory_space<vmem>>[vector<16xi32>, vector<16xi32>], vector<16xf32>,
        %mul3A_911 = arith.constant 8.000000e+00 : f32
        %mul3A_912 = vector.broadcast %mul3A_911 : f32 to vector<16xf32>
        %mul3A_913 = arith.mulf %gather3A_910, %mul3A_912 : vector<16xf32>
        tpu.vector_store_idx %arg11[%add3A_398, %add3A_909], %mul3A_913 : memref<64x256xf32, #tpu.memory_space<vmem>>[vector<16xi32>, vector<16xi32>], vector<16xf32>,
        %gather3A_914 = tpu.vector_load_idx %arg9[%add3A_909, %add3A_401] : memref<256x128xf32, #tpu.memory_space<vmem>>[vector<16xi32>, vector<16xi32>], vector<16xf32>,
        %mul3A_915 = arith.constant 8.000000e+00 : f32
        %mul3A_916 = vector.broadcast %mul3A_915 : f32 to vector<16xf32>
        %mul3A_917 = arith.mulf %gather3A_914, %mul3A_916 : vector<16xf32>
        tpu.vector_store_idx %arg11[%add3A_401, %add3A_909], %mul3A_917 : memref<64x256xf32, #tpu.memory_space<vmem>>[vector<16xi32>, vector<16xi32>], vector<16xf32>,
        %gather3A_918 = tpu.vector_load_idx %arg9[%add3A_909, %add3A_404] : memref<256x128xf32, #tpu.memory_space<vmem>>[vector<16xi32>, vector<16xi32>], vector<16xf32>,
        %mul3A_919 = arith.constant 8.000000e+00 : f32
        %mul3A_920 = vector.broadcast %mul3A_919 : f32 to vector<16xf32>
        %mul3A_921 = arith.mulf %gather3A_918, %mul3A_920 : vector<16xf32>
        tpu.vector_store_idx %arg11[%add3A_404, %add3A_909], %mul3A_921 : memref<64x256xf32, #tpu.memory_space<vmem>>[vector<16xi32>, vector<16xi32>], vector<16xf32>,
        %gather3A_922 = tpu.vector_load_idx %arg9[%add3A_909, %add3A_407] : memref<256x128xf32, #tpu.memory_space<vmem>>[vector<16xi32>, vector<16xi32>], vector<16xf32>,
        %mul3A_923 = arith.constant 8.000000e+00 : f32
        %mul3A_924 = vector.broadcast %mul3A_923 : f32 to vector<16xf32>
        %mul3A_925 = arith.mulf %gather3A_922, %mul3A_924 : vector<16xf32>
        tpu.vector_store_idx %arg11[%add3A_407, %add3A_909], %mul3A_925 : memref<64x256xf32, #tpu.memory_space<vmem>>[vector<16xi32>, vector<16xi32>], vector<16xf32>,
        %add3A_926 = vector.broadcast %mul3A_872 : i32 to vector<16xi32>
        %add3A_927 = arith.addi %select_n3A_95, %add3A_926 : vector<16xi32>
        %gather3A_928 = tpu.vector_load_idx %arg9[%add3A_927, %add3A_398] : memref<256x128xf32, #tpu.memory_space<vmem>>[vector<16xi32>, vector<16xi32>], vector<16xf32>,
        %mul3A_929 = arith.constant 8.000000e+00 : f32
        %mul3A_930 = vector.broadcast %mul3A_929 : f32 to vector<16xf32>
        %mul3A_931 = arith.mulf %gather3A_928, %mul3A_930 : vector<16xf32>
        tpu.vector_store_idx %arg11[%add3A_398, %add3A_927], %mul3A_931 : memref<64x256xf32, #tpu.memory_space<vmem>>[vector<16xi32>, vector<16xi32>], vector<16xf32>,
        %gather3A_932 = tpu.vector_load_idx %arg9[%add3A_927, %add3A_401] : memref<256x128xf32, #tpu.memory_space<vmem>>[vector<16xi32>, vector<16xi32>], vector<16xf32>,
        %mul3A_933 = arith.constant 8.000000e+00 : f32
        %mul3A_934 = vector.broadcast %mul3A_933 : f32 to vector<16xf32>
        %mul3A_935 = arith.mulf %gather3A_932, %mul3A_934 : vector<16xf32>
        tpu.vector_store_idx %arg11[%add3A_401, %add3A_927], %mul3A_935 : memref<64x256xf32, #tpu.memory_space<vmem>>[vector<16xi32>, vector<16xi32>], vector<16xf32>,
        %gather3A_936 = tpu.vector_load_idx %arg9[%add3A_927, %add3A_404] : memref<256x128xf32, #tpu.memory_space<vmem>>[vector<16xi32>, vector<16xi32>], vector<16xf32>,
        %mul3A_937 = arith.constant 8.000000e+00 : f32
        %mul3A_938 = vector.broadcast %mul3A_937 : f32 to vector<16xf32>
        %mul3A_939 = arith.mulf %gather3A_936, %mul3A_938 : vector<16xf32>
        tpu.vector_store_idx %arg11[%add3A_404, %add3A_927], %mul3A_939 : memref<64x256xf32, #tpu.memory_space<vmem>>[vector<16xi32>, vector<16xi32>], vector<16xf32>,
        %gather3A_940 = tpu.vector_load_idx %arg9[%add3A_927, %add3A_407] : memref<256x128xf32, #tpu.memory_space<vmem>>[vector<16xi32>, vector<16xi32>], vector<16xf32>,
        %mul3A_941 = arith.constant 8.000000e+00 : f32
        %mul3A_942 = vector.broadcast %mul3A_941 : f32 to vector<16xf32>
        %mul3A_943 = arith.mulf %gather3A_940, %mul3A_942 : vector<16xf32>
        tpu.vector_store_idx %arg11[%add3A_407, %add3A_927], %mul3A_943 : memref<64x256xf32, #tpu.memory_space<vmem>>[vector<16xi32>, vector<16xi32>], vector<16xf32>,
        %add3A_944 = vector.broadcast %mul3A_872 : i32 to vector<16xi32>
        %add3A_945 = arith.addi %select_n3A_120, %add3A_944 : vector<16xi32>
        %gather3A_946 = tpu.vector_load_idx %arg9[%add3A_945, %add3A_398] : memref<256x128xf32, #tpu.memory_space<vmem>>[vector<16xi32>, vector<16xi32>], vector<16xf32>,
        %mul3A_947 = arith.constant 8.000000e+00 : f32
        %mul3A_948 = vector.broadcast %mul3A_947 : f32 to vector<16xf32>
        %mul3A_949 = arith.mulf %gather3A_946, %mul3A_948 : vector<16xf32>
        tpu.vector_store_idx %arg11[%add3A_398, %add3A_945], %mul3A_949 : memref<64x256xf32, #tpu.memory_space<vmem>>[vector<16xi32>, vector<16xi32>], vector<16xf32>,
        %gather3A_950 = tpu.vector_load_idx %arg9[%add3A_945, %add3A_401] : memref<256x128xf32, #tpu.memory_space<vmem>>[vector<16xi32>, vector<16xi32>], vector<16xf32>,
        %mul3A_951 = arith.constant 8.000000e+00 : f32
        %mul3A_952 = vector.broadcast %mul3A_951 : f32 to vector<16xf32>
        %mul3A_953 = arith.mulf %gather3A_950, %mul3A_952 : vector<16xf32>
        tpu.vector_store_idx %arg11[%add3A_401, %add3A_945], %mul3A_953 : memref<64x256xf32, #tpu.memory_space<vmem>>[vector<16xi32>, vector<16xi32>], vector<16xf32>,
        %gather3A_954 = tpu.vector_load_idx %arg9[%add3A_945, %add3A_404] : memref<256x128xf32, #tpu.memory_space<vmem>>[vector<16xi32>, vector<16xi32>], vector<16xf32>,
        %mul3A_955 = arith.constant 8.000000e+00 : f32
        %mul3A_956 = vector.broadcast %mul3A_955 : f32 to vector<16xf32>
        %mul3A_957 = arith.mulf %gather3A_954, %mul3A_956 : vector<16xf32>
        tpu.vector_store_idx %arg11[%add3A_404, %add3A_945], %mul3A_957 : memref<64x256xf32, #tpu.memory_space<vmem>>[vector<16xi32>, vector<16xi32>], vector<16xf32>,
        %gather3A_958 = tpu.vector_load_idx %arg9[%add3A_945, %add3A_407] : memref<256x128xf32, #tpu.memory_space<vmem>>[vector<16xi32>, vector<16xi32>], vector<16xf32>,
        %mul3A_959 = arith.constant 8.000000e+00 : f32
        %mul3A_960 = vector.broadcast %mul3A_959 : f32 to vector<16xf32>
        %mul3A_961 = arith.mulf %gather3A_958, %mul3A_960 : vector<16xf32>
        tpu.vector_store_idx %arg11[%add3A_407, %add3A_945], %mul3A_961 : memref<64x256xf32, #tpu.memory_space<vmem>>[vector<16xi32>, vector<16xi32>], vector<16xf32>,
        %add3A_962 = vector.broadcast %mul3A_872 : i32 to vector<16xi32>
        %add3A_963 = arith.addi %select_n3A_145, %add3A_962 : vector<16xi32>
        %gather3A_964 = tpu.vector_load_idx %arg9[%add3A_963, %add3A_398] : memref<256x128xf32, #tpu.memory_space<vmem>>[vector<16xi32>, vector<16xi32>], vector<16xf32>,
        %mul3A_965 = arith.constant 8.000000e+00 : f32
        %mul3A_966 = vector.broadcast %mul3A_965 : f32 to vector<16xf32>
        %mul3A_967 = arith.mulf %gather3A_964, %mul3A_966 : vector<16xf32>
        tpu.vector_store_idx %arg11[%add3A_398, %add3A_963], %mul3A_967 : memref<64x256xf32, #tpu.memory_space<vmem>>[vector<16xi32>, vector<16xi32>], vector<16xf32>,
        %gather3A_968 = tpu.vector_load_idx %arg9[%add3A_963, %add3A_401] : memref<256x128xf32, #tpu.memory_space<vmem>>[vector<16xi32>, vector<16xi32>], vector<16xf32>,
        %mul3A_969 = arith.constant 8.000000e+00 : f32
        %mul3A_970 = vector.broadcast %mul3A_969 : f32 to vector<16xf32>
        %mul3A_971 = arith.mulf %gather3A_968, %mul3A_970 : vector<16xf32>
        tpu.vector_store_idx %arg11[%add3A_401, %add3A_963], %mul3A_971 : memref<64x256xf32, #tpu.memory_space<vmem>>[vector<16xi32>, vector<16xi32>], vector<16xf32>,
        %gather3A_972 = tpu.vector_load_idx %arg9[%add3A_963, %add3A_404] : memref<256x128xf32, #tpu.memory_space<vmem>>[vector<16xi32>, vector<16xi32>], vector<16xf32>,
        %mul3A_973 = arith.constant 8.000000e+00 : f32
        %mul3A_974 = vector.broadcast %mul3A_973 : f32 to vector<16xf32>
        %mul3A_975 = arith.mulf %gather3A_972, %mul3A_974 : vector<16xf32>
        tpu.vector_store_idx %arg11[%add3A_404, %add3A_963], %mul3A_975 : memref<64x256xf32, #tpu.memory_space<vmem>>[vector<16xi32>, vector<16xi32>], vector<16xf32>,
        %gather3A_976 = tpu.vector_load_idx %arg9[%add3A_963, %add3A_407] : memref<256x128xf32, #tpu.memory_space<vmem>>[vector<16xi32>, vector<16xi32>], vector<16xf32>,
        %mul3A_977 = arith.constant 8.000000e+00 : f32
        %mul3A_978 = vector.broadcast %mul3A_977 : f32 to vector<16xf32>
        %mul3A_979 = arith.mulf %gather3A_976, %mul3A_978 : vector<16xf32>
        tpu.vector_store_idx %arg11[%add3A_407, %add3A_963], %mul3A_979 : memref<64x256xf32, #tpu.memory_space<vmem>>[vector<16xi32>, vector<16xi32>], vector<16xf32>,
        %add3A_980 = vector.broadcast %mul3A_872 : i32 to vector<16xi32>
        %add3A_981 = arith.addi %select_n3A_170, %add3A_980 : vector<16xi32>
        %gather3A_982 = tpu.vector_load_idx %arg9[%add3A_981, %add3A_398] : memref<256x128xf32, #tpu.memory_space<vmem>>[vector<16xi32>, vector<16xi32>], vector<16xf32>,
        %mul3A_983 = arith.constant 8.000000e+00 : f32
        %mul3A_984 = vector.broadcast %mul3A_983 : f32 to vector<16xf32>
        %mul3A_985 = arith.mulf %gather3A_982, %mul3A_984 : vector<16xf32>
        tpu.vector_store_idx %arg11[%add3A_398, %add3A_981], %mul3A_985 : memref<64x256xf32, #tpu.memory_space<vmem>>[vector<16xi32>, vector<16xi32>], vector<16xf32>,
        %gather3A_986 = tpu.vector_load_idx %arg9[%add3A_981, %add3A_401] : memref<256x128xf32, #tpu.memory_space<vmem>>[vector<16xi32>, vector<16xi32>], vector<16xf32>,
        %mul3A_987 = arith.constant 8.000000e+00 : f32
        %mul3A_988 = vector.broadcast %mul3A_987 : f32 to vector<16xf32>
        %mul3A_989 = arith.mulf %gather3A_986, %mul3A_988 : vector<16xf32>
        tpu.vector_store_idx %arg11[%add3A_401, %add3A_981], %mul3A_989 : memref<64x256xf32, #tpu.memory_space<vmem>>[vector<16xi32>, vector<16xi32>], vector<16xf32>,
        %gather3A_990 = tpu.vector_load_idx %arg9[%add3A_981, %add3A_404] : memref<256x128xf32, #tpu.memory_space<vmem>>[vector<16xi32>, vector<16xi32>], vector<16xf32>,
        %mul3A_991 = arith.constant 8.000000e+00 : f32
        %mul3A_992 = vector.broadcast %mul3A_991 : f32 to vector<16xf32>
        %mul3A_993 = arith.mulf %gather3A_990, %mul3A_992 : vector<16xf32>
        tpu.vector_store_idx %arg11[%add3A_404, %add3A_981], %mul3A_993 : memref<64x256xf32, #tpu.memory_space<vmem>>[vector<16xi32>, vector<16xi32>], vector<16xf32>,
        %gather3A_994 = tpu.vector_load_idx %arg9[%add3A_981, %add3A_407] : memref<256x128xf32, #tpu.memory_space<vmem>>[vector<16xi32>, vector<16xi32>], vector<16xf32>,
        %mul3A_995 = arith.constant 8.000000e+00 : f32
        %mul3A_996 = vector.broadcast %mul3A_995 : f32 to vector<16xf32>
        %mul3A_997 = arith.mulf %gather3A_994, %mul3A_996 : vector<16xf32>
        tpu.vector_store_idx %arg11[%add3A_407, %add3A_981], %mul3A_997 : memref<64x256xf32, #tpu.memory_space<vmem>>[vector<16xi32>, vector<16xi32>], vector<16xf32>,
        %add3A_998 = vector.broadcast %mul3A_872 : i32 to vector<16xi32>
        %add3A_999 = arith.addi %select_n3A_195, %add3A_998 : vector<16xi32>
        %gather3A_1000 = tpu.vector_load_idx %arg9[%add3A_999, %add3A_398] : memref<256x128xf32, #tpu.memory_space<vmem>>[vector<16xi32>, vector<16xi32>], vector<16xf32>,
        %mul3A_1001 = arith.constant 8.000000e+00 : f32
        %mul3A_1002 = vector.broadcast %mul3A_1001 : f32 to vector<16xf32>
        %mul3A_1003 = arith.mulf %gather3A_1000, %mul3A_1002 : vector<16xf32>
        tpu.vector_store_idx %arg11[%add3A_398, %add3A_999], %mul3A_1003 : memref<64x256xf32, #tpu.memory_space<vmem>>[vector<16xi32>, vector<16xi32>], vector<16xf32>,
        %gather3A_1004 = tpu.vector_load_idx %arg9[%add3A_999, %add3A_401] : memref<256x128xf32, #tpu.memory_space<vmem>>[vector<16xi32>, vector<16xi32>], vector<16xf32>,
        %mul3A_1005 = arith.constant 8.000000e+00 : f32
        %mul3A_1006 = vector.broadcast %mul3A_1005 : f32 to vector<16xf32>
        %mul3A_1007 = arith.mulf %gather3A_1004, %mul3A_1006 : vector<16xf32>
        tpu.vector_store_idx %arg11[%add3A_401, %add3A_999], %mul3A_1007 : memref<64x256xf32, #tpu.memory_space<vmem>>[vector<16xi32>, vector<16xi32>], vector<16xf32>,
        %gather3A_1008 = tpu.vector_load_idx %arg9[%add3A_999, %add3A_404] : memref<256x128xf32, #tpu.memory_space<vmem>>[vector<16xi32>, vector<16xi32>], vector<16xf32>,
        %mul3A_1009 = arith.constant 8.000000e+00 : f32
        %mul3A_1010 = vector.broadcast %mul3A_1009 : f32 to vector<16xf32>
        %mul3A_1011 = arith.mulf %gather3A_1008, %mul3A_1010 : vector<16xf32>
        tpu.vector_store_idx %arg11[%add3A_404, %add3A_999], %mul3A_1011 : memref<64x256xf32, #tpu.memory_space<vmem>>[vector<16xi32>, vector<16xi32>], vector<16xf32>,
        %gather3A_1012 = tpu.vector_load_idx %arg9[%add3A_999, %add3A_407] : memref<256x128xf32, #tpu.memory_space<vmem>>[vector<16xi32>, vector<16xi32>], vector<16xf32>,
        %mul3A_1013 = arith.constant 8.000000e+00 : f32
        %mul3A_1014 = vector.broadcast %mul3A_1013 : f32 to vector<16xf32>
        %mul3A_1015 = arith.mulf %gather3A_1012, %mul3A_1014 : vector<16xf32>
        tpu.vector_store_idx %arg11[%add3A_407, %add3A_999], %mul3A_1015 : memref<64x256xf32, #tpu.memory_space<vmem>>[vector<16xi32>, vector<16xi32>], vector<16xf32>,
        %add3A_1016 = vector.broadcast %mul3A_872 : i32 to vector<16xi32>
        %add3A_1017 = arith.addi %select_n3A_220, %add3A_1016 : vector<16xi32>
        %gather3A_1018 = tpu.vector_load_idx %arg9[%add3A_1017, %add3A_398] : memref<256x128xf32, #tpu.memory_space<vmem>>[vector<16xi32>, vector<16xi32>], vector<16xf32>,
        %mul3A_1019 = arith.constant 8.000000e+00 : f32
        %mul3A_1020 = vector.broadcast %mul3A_1019 : f32 to vector<16xf32>
        %mul3A_1021 = arith.mulf %gather3A_1018, %mul3A_1020 : vector<16xf32>
        tpu.vector_store_idx %arg11[%add3A_398, %add3A_1017], %mul3A_1021 : memref<64x256xf32, #tpu.memory_space<vmem>>[vector<16xi32>, vector<16xi32>], vector<16xf32>,
        %gather3A_1022 = tpu.vector_load_idx %arg9[%add3A_1017, %add3A_401] : memref<256x128xf32, #tpu.memory_space<vmem>>[vector<16xi32>, vector<16xi32>], vector<16xf32>,
        %mul3A_1023 = arith.constant 8.000000e+00 : f32
        %mul3A_1024 = vector.broadcast %mul3A_1023 : f32 to vector<16xf32>
        %mul3A_1025 = arith.mulf %gather3A_1022, %mul3A_1024 : vector<16xf32>
        tpu.vector_store_idx %arg11[%add3A_401, %add3A_1017], %mul3A_1025 : memref<64x256xf32, #tpu.memory_space<vmem>>[vector<16xi32>, vector<16xi32>], vector<16xf32>,
        %gather3A_1026 = tpu.vector_load_idx %arg9[%add3A_1017, %add3A_404] : memref<256x128xf32, #tpu.memory_space<vmem>>[vector<16xi32>, vector<16xi32>], vector<16xf32>,
        %mul3A_1027 = arith.constant 8.000000e+00 : f32
        %mul3A_1028 = vector.broadcast %mul3A_1027 : f32 to vector<16xf32>
        %mul3A_1029 = arith.mulf %gather3A_1026, %mul3A_1028 : vector<16xf32>
        tpu.vector_store_idx %arg11[%add3A_404, %add3A_1017], %mul3A_1029 : memref<64x256xf32, #tpu.memory_space<vmem>>[vector<16xi32>, vector<16xi32>], vector<16xf32>,
        %gather3A_1030 = tpu.vector_load_idx %arg9[%add3A_1017, %add3A_407] : memref<256x128xf32, #tpu.memory_space<vmem>>[vector<16xi32>, vector<16xi32>], vector<16xf32>,
        %mul3A_1031 = arith.constant 8.000000e+00 : f32
        %mul3A_1032 = vector.broadcast %mul3A_1031 : f32 to vector<16xf32>
        %mul3A_1033 = arith.mulf %gather3A_1030, %mul3A_1032 : vector<16xf32>
        tpu.vector_store_idx %arg11[%add3A_407, %add3A_1017], %mul3A_1033 : memref<64x256xf32, #tpu.memory_space<vmem>>[vector<16xi32>, vector<16xi32>], vector<16xf32>,
        %add3A_1034 = vector.broadcast %mul3A_872 : i32 to vector<16xi32>
        %add3A_1035 = arith.addi %select_n3A_245, %add3A_1034 : vector<16xi32>
        %gather3A_1036 = tpu.vector_load_idx %arg9[%add3A_1035, %add3A_398] : memref<256x128xf32, #tpu.memory_space<vmem>>[vector<16xi32>, vector<16xi32>], vector<16xf32>,
        %mul3A_1037 = arith.constant 8.000000e+00 : f32
        %mul3A_1038 = vector.broadcast %mul3A_1037 : f32 to vector<16xf32>
        %mul3A_1039 = arith.mulf %gather3A_1036, %mul3A_1038 : vector<16xf32>
        tpu.vector_store_idx %arg11[%add3A_398, %add3A_1035], %mul3A_1039 : memref<64x256xf32, #tpu.memory_space<vmem>>[vector<16xi32>, vector<16xi32>], vector<16xf32>,
        %gather3A_1040 = tpu.vector_load_idx %arg9[%add3A_1035, %add3A_401] : memref<256x128xf32, #tpu.memory_space<vmem>>[vector<16xi32>, vector<16xi32>], vector<16xf32>,
        %mul3A_1041 = arith.constant 8.000000e+00 : f32
        %mul3A_1042 = vector.broadcast %mul3A_1041 : f32 to vector<16xf32>
        %mul3A_1043 = arith.mulf %gather3A_1040, %mul3A_1042 : vector<16xf32>
        tpu.vector_store_idx %arg11[%add3A_401, %add3A_1035], %mul3A_1043 : memref<64x256xf32, #tpu.memory_space<vmem>>[vector<16xi32>, vector<16xi32>], vector<16xf32>,
        %gather3A_1044 = tpu.vector_load_idx %arg9[%add3A_1035, %add3A_404] : memref<256x128xf32, #tpu.memory_space<vmem>>[vector<16xi32>, vector<16xi32>], vector<16xf32>,
        %mul3A_1045 = arith.constant 8.000000e+00 : f32
        %mul3A_1046 = vector.broadcast %mul3A_1045 : f32 to vector<16xf32>
        %mul3A_1047 = arith.mulf %gather3A_1044, %mul3A_1046 : vector<16xf32>
        tpu.vector_store_idx %arg11[%add3A_404, %add3A_1035], %mul3A_1047 : memref<64x256xf32, #tpu.memory_space<vmem>>[vector<16xi32>, vector<16xi32>], vector<16xf32>,
        %gather3A_1048 = tpu.vector_load_idx %arg9[%add3A_1035, %add3A_407] : memref<256x128xf32, #tpu.memory_space<vmem>>[vector<16xi32>, vector<16xi32>], vector<16xf32>,
        %mul3A_1049 = arith.constant 8.000000e+00 : f32
        %mul3A_1050 = vector.broadcast %mul3A_1049 : f32 to vector<16xf32>
        %mul3A_1051 = arith.mulf %gather3A_1048, %mul3A_1050 : vector<16xf32>
        tpu.vector_store_idx %arg11[%add3A_407, %add3A_1035], %mul3A_1051 : memref<64x256xf32, #tpu.memory_space<vmem>>[vector<16xi32>, vector<16xi32>], vector<16xf32>,
        %add3A_1052 = vector.broadcast %mul3A_872 : i32 to vector<16xi32>
        %add3A_1053 = arith.addi %select_n3A_270, %add3A_1052 : vector<16xi32>
        %gather3A_1054 = tpu.vector_load_idx %arg9[%add3A_1053, %add3A_398] : memref<256x128xf32, #tpu.memory_space<vmem>>[vector<16xi32>, vector<16xi32>], vector<16xf32>,
        %mul3A_1055 = arith.constant 8.000000e+00 : f32
        %mul3A_1056 = vector.broadcast %mul3A_1055 : f32 to vector<16xf32>
        %mul3A_1057 = arith.mulf %gather3A_1054, %mul3A_1056 : vector<16xf32>
        tpu.vector_store_idx %arg11[%add3A_398, %add3A_1053], %mul3A_1057 : memref<64x256xf32, #tpu.memory_space<vmem>>[vector<16xi32>, vector<16xi32>], vector<16xf32>,
        %gather3A_1058 = tpu.vector_load_idx %arg9[%add3A_1053, %add3A_401] : memref<256x128xf32, #tpu.memory_space<vmem>>[vector<16xi32>, vector<16xi32>], vector<16xf32>,
        %mul3A_1059 = arith.constant 8.000000e+00 : f32
        %mul3A_1060 = vector.broadcast %mul3A_1059 : f32 to vector<16xf32>
        %mul3A_1061 = arith.mulf %gather3A_1058, %mul3A_1060 : vector<16xf32>
        tpu.vector_store_idx %arg11[%add3A_401, %add3A_1053], %mul3A_1061 : memref<64x256xf32, #tpu.memory_space<vmem>>[vector<16xi32>, vector<16xi32>], vector<16xf32>,
        %gather3A_1062 = tpu.vector_load_idx %arg9[%add3A_1053, %add3A_404] : memref<256x128xf32, #tpu.memory_space<vmem>>[vector<16xi32>, vector<16xi32>], vector<16xf32>,
        %mul3A_1063 = arith.constant 8.000000e+00 : f32
        %mul3A_1064 = vector.broadcast %mul3A_1063 : f32 to vector<16xf32>
        %mul3A_1065 = arith.mulf %gather3A_1062, %mul3A_1064 : vector<16xf32>
        tpu.vector_store_idx %arg11[%add3A_404, %add3A_1053], %mul3A_1065 : memref<64x256xf32, #tpu.memory_space<vmem>>[vector<16xi32>, vector<16xi32>], vector<16xf32>,
        %gather3A_1066 = tpu.vector_load_idx %arg9[%add3A_1053, %add3A_407] : memref<256x128xf32, #tpu.memory_space<vmem>>[vector<16xi32>, vector<16xi32>], vector<16xf32>,
        %mul3A_1067 = arith.constant 8.000000e+00 : f32
        %mul3A_1068 = vector.broadcast %mul3A_1067 : f32 to vector<16xf32>
        %mul3A_1069 = arith.mulf %gather3A_1066, %mul3A_1068 : vector<16xf32>
        tpu.vector_store_idx %arg11[%add3A_407, %add3A_1053], %mul3A_1069 : memref<64x256xf32, #tpu.memory_space<vmem>>[vector<16xi32>, vector<16xi32>], vector<16xf32>,
        %add3A_1070 = vector.broadcast %mul3A_872 : i32 to vector<16xi32>
        %add3A_1071 = arith.addi %select_n3A_295, %add3A_1070 : vector<16xi32>
        %gather3A_1072 = tpu.vector_load_idx %arg9[%add3A_1071, %add3A_398] : memref<256x128xf32, #tpu.memory_space<vmem>>[vector<16xi32>, vector<16xi32>], vector<16xf32>,
        %mul3A_1073 = arith.constant 8.000000e+00 : f32
        %mul3A_1074 = vector.broadcast %mul3A_1073 : f32 to vector<16xf32>
        %mul3A_1075 = arith.mulf %gather3A_1072, %mul3A_1074 : vector<16xf32>
        tpu.vector_store_idx %arg11[%add3A_398, %add3A_1071], %mul3A_1075 : memref<64x256xf32, #tpu.memory_space<vmem>>[vector<16xi32>, vector<16xi32>], vector<16xf32>,
        %gather3A_1076 = tpu.vector_load_idx %arg9[%add3A_1071, %add3A_401] : memref<256x128xf32, #tpu.memory_space<vmem>>[vector<16xi32>, vector<16xi32>], vector<16xf32>,
        %mul3A_1077 = arith.constant 8.000000e+00 : f32
        %mul3A_1078 = vector.broadcast %mul3A_1077 : f32 to vector<16xf32>
        %mul3A_1079 = arith.mulf %gather3A_1076, %mul3A_1078 : vector<16xf32>
        tpu.vector_store_idx %arg11[%add3A_401, %add3A_1071], %mul3A_1079 : memref<64x256xf32, #tpu.memory_space<vmem>>[vector<16xi32>, vector<16xi32>], vector<16xf32>,
        %gather3A_1080 = tpu.vector_load_idx %arg9[%add3A_1071, %add3A_404] : memref<256x128xf32, #tpu.memory_space<vmem>>[vector<16xi32>, vector<16xi32>], vector<16xf32>,
        %mul3A_1081 = arith.constant 8.000000e+00 : f32
        %mul3A_1082 = vector.broadcast %mul3A_1081 : f32 to vector<16xf32>
        %mul3A_1083 = arith.mulf %gather3A_1080, %mul3A_1082 : vector<16xf32>
        tpu.vector_store_idx %arg11[%add3A_404, %add3A_1071], %mul3A_1083 : memref<64x256xf32, #tpu.memory_space<vmem>>[vector<16xi32>, vector<16xi32>], vector<16xf32>,
        %gather3A_1084 = tpu.vector_load_idx %arg9[%add3A_1071, %add3A_407] : memref<256x128xf32, #tpu.memory_space<vmem>>[vector<16xi32>, vector<16xi32>], vector<16xf32>,
        %mul3A_1085 = arith.constant 8.000000e+00 : f32
        %mul3A_1086 = vector.broadcast %mul3A_1085 : f32 to vector<16xf32>
        %mul3A_1087 = arith.mulf %gather3A_1084, %mul3A_1086 : vector<16xf32>
        tpu.vector_store_idx %arg11[%add3A_407, %add3A_1071], %mul3A_1087 : memref<64x256xf32, #tpu.memory_space<vmem>>[vector<16xi32>, vector<16xi32>], vector<16xf32>,
        %add3A_1088 = vector.broadcast %mul3A_872 : i32 to vector<16xi32>
        %add3A_1089 = arith.addi %select_n3A_320, %add3A_1088 : vector<16xi32>
        %gather3A_1090 = tpu.vector_load_idx %arg9[%add3A_1089, %add3A_398] : memref<256x128xf32, #tpu.memory_space<vmem>>[vector<16xi32>, vector<16xi32>], vector<16xf32>,
        %mul3A_1091 = arith.constant 8.000000e+00 : f32
        %mul3A_1092 = vector.broadcast %mul3A_1091 : f32 to vector<16xf32>
        %mul3A_1093 = arith.mulf %gather3A_1090, %mul3A_1092 : vector<16xf32>
        tpu.vector_store_idx %arg11[%add3A_398, %add3A_1089], %mul3A_1093 : memref<64x256xf32, #tpu.memory_space<vmem>>[vector<16xi32>, vector<16xi32>], vector<16xf32>,
        %gather3A_1094 = tpu.vector_load_idx %arg9[%add3A_1089, %add3A_401] : memref<256x128xf32, #tpu.memory_space<vmem>>[vector<16xi32>, vector<16xi32>], vector<16xf32>,
        %mul3A_1095 = arith.constant 8.000000e+00 : f32
        %mul3A_1096 = vector.broadcast %mul3A_1095 : f32 to vector<16xf32>
        %mul3A_1097 = arith.mulf %gather3A_1094, %mul3A_1096 : vector<16xf32>
        tpu.vector_store_idx %arg11[%add3A_401, %add3A_1089], %mul3A_1097 : memref<64x256xf32, #tpu.memory_space<vmem>>[vector<16xi32>, vector<16xi32>], vector<16xf32>,
        %gather3A_1098 = tpu.vector_load_idx %arg9[%add3A_1089, %add3A_404] : memref<256x128xf32, #tpu.memory_space<vmem>>[vector<16xi32>, vector<16xi32>], vector<16xf32>,
        %mul3A_1099 = arith.constant 8.000000e+00 : f32
        %mul3A_1100 = vector.broadcast %mul3A_1099 : f32 to vector<16xf32>
        %mul3A_1101 = arith.mulf %gather3A_1098, %mul3A_1100 : vector<16xf32>
        tpu.vector_store_idx %arg11[%add3A_404, %add3A_1089], %mul3A_1101 : memref<64x256xf32, #tpu.memory_space<vmem>>[vector<16xi32>, vector<16xi32>], vector<16xf32>,
        %gather3A_1102 = tpu.vector_load_idx %arg9[%add3A_1089, %add3A_407] : memref<256x128xf32, #tpu.memory_space<vmem>>[vector<16xi32>, vector<16xi32>], vector<16xf32>,
        %mul3A_1103 = arith.constant 8.000000e+00 : f32
        %mul3A_1104 = vector.broadcast %mul3A_1103 : f32 to vector<16xf32>
        %mul3A_1105 = arith.mulf %gather3A_1102, %mul3A_1104 : vector<16xf32>
        tpu.vector_store_idx %arg11[%add3A_407, %add3A_1089], %mul3A_1105 : memref<64x256xf32, #tpu.memory_space<vmem>>[vector<16xi32>, vector<16xi32>], vector<16xf32>,
        %add3A_1106 = vector.broadcast %mul3A_872 : i32 to vector<16xi32>
        %add3A_1107 = arith.addi %select_n3A_345, %add3A_1106 : vector<16xi32>
        %gather3A_1108 = tpu.vector_load_idx %arg9[%add3A_1107, %add3A_398] : memref<256x128xf32, #tpu.memory_space<vmem>>[vector<16xi32>, vector<16xi32>], vector<16xf32>,
        %mul3A_1109 = arith.constant 8.000000e+00 : f32
        %mul3A_1110 = vector.broadcast %mul3A_1109 : f32 to vector<16xf32>
        %mul3A_1111 = arith.mulf %gather3A_1108, %mul3A_1110 : vector<16xf32>
        tpu.vector_store_idx %arg11[%add3A_398, %add3A_1107], %mul3A_1111 : memref<64x256xf32, #tpu.memory_space<vmem>>[vector<16xi32>, vector<16xi32>], vector<16xf32>,
        %gather3A_1112 = tpu.vector_load_idx %arg9[%add3A_1107, %add3A_401] : memref<256x128xf32, #tpu.memory_space<vmem>>[vector<16xi32>, vector<16xi32>], vector<16xf32>,
        %mul3A_1113 = arith.constant 8.000000e+00 : f32
        %mul3A_1114 = vector.broadcast %mul3A_1113 : f32 to vector<16xf32>
        %mul3A_1115 = arith.mulf %gather3A_1112, %mul3A_1114 : vector<16xf32>
        tpu.vector_store_idx %arg11[%add3A_401, %add3A_1107], %mul3A_1115 : memref<64x256xf32, #tpu.memory_space<vmem>>[vector<16xi32>, vector<16xi32>], vector<16xf32>,
        %gather3A_1116 = tpu.vector_load_idx %arg9[%add3A_1107, %add3A_404] : memref<256x128xf32, #tpu.memory_space<vmem>>[vector<16xi32>, vector<16xi32>], vector<16xf32>,
        %mul3A_1117 = arith.constant 8.000000e+00 : f32
        %mul3A_1118 = vector.broadcast %mul3A_1117 : f32 to vector<16xf32>
        %mul3A_1119 = arith.mulf %gather3A_1116, %mul3A_1118 : vector<16xf32>
        tpu.vector_store_idx %arg11[%add3A_404, %add3A_1107], %mul3A_1119 : memref<64x256xf32, #tpu.memory_space<vmem>>[vector<16xi32>, vector<16xi32>], vector<16xf32>,
        %gather3A_1120 = tpu.vector_load_idx %arg9[%add3A_1107, %add3A_407] : memref<256x128xf32, #tpu.memory_space<vmem>>[vector<16xi32>, vector<16xi32>], vector<16xf32>,
        %mul3A_1121 = arith.constant 8.000000e+00 : f32
        %mul3A_1122 = vector.broadcast %mul3A_1121 : f32 to vector<16xf32>
        %mul3A_1123 = arith.mulf %gather3A_1120, %mul3A_1122 : vector<16xf32>
        tpu.vector_store_idx %arg11[%add3A_407, %add3A_1107], %mul3A_1123 : memref<64x256xf32, #tpu.memory_space<vmem>>[vector<16xi32>, vector<16xi32>], vector<16xf32>,
        %add3A_1124 = vector.broadcast %mul3A_872 : i32 to vector<16xi32>
        %add3A_1125 = arith.addi %select_n3A_370, %add3A_1124 : vector<16xi32>
        %gather3A_1126 = tpu.vector_load_idx %arg9[%add3A_1125, %add3A_398] : memref<256x128xf32, #tpu.memory_space<vmem>>[vector<16xi32>, vector<16xi32>], vector<16xf32>,
        %mul3A_1127 = arith.constant 8.000000e+00 : f32
        %mul3A_1128 = vector.broadcast %mul3A_1127 : f32 to vector<16xf32>
        %mul3A_1129 = arith.mulf %gather3A_1126, %mul3A_1128 : vector<16xf32>
        tpu.vector_store_idx %arg11[%add3A_398, %add3A_1125], %mul3A_1129 : memref<64x256xf32, #tpu.memory_space<vmem>>[vector<16xi32>, vector<16xi32>], vector<16xf32>,
        %gather3A_1130 = tpu.vector_load_idx %arg9[%add3A_1125, %add3A_401] : memref<256x128xf32, #tpu.memory_space<vmem>>[vector<16xi32>, vector<16xi32>], vector<16xf32>,
        %mul3A_1131 = arith.constant 8.000000e+00 : f32
        %mul3A_1132 = vector.broadcast %mul3A_1131 : f32 to vector<16xf32>
        %mul3A_1133 = arith.mulf %gather3A_1130, %mul3A_1132 : vector<16xf32>
        tpu.vector_store_idx %arg11[%add3A_401, %add3A_1125], %mul3A_1133 : memref<64x256xf32, #tpu.memory_space<vmem>>[vector<16xi32>, vector<16xi32>], vector<16xf32>,
        %gather3A_1134 = tpu.vector_load_idx %arg9[%add3A_1125, %add3A_404] : memref<256x128xf32, #tpu.memory_space<vmem>>[vector<16xi32>, vector<16xi32>], vector<16xf32>,
        %mul3A_1135 = arith.constant 8.000000e+00 : f32
        %mul3A_1136 = vector.broadcast %mul3A_1135 : f32 to vector<16xf32>
        %mul3A_1137 = arith.mulf %gather3A_1134, %mul3A_1136 : vector<16xf32>
        tpu.vector_store_idx %arg11[%add3A_404, %add3A_1125], %mul3A_1137 : memref<64x256xf32, #tpu.memory_space<vmem>>[vector<16xi32>, vector<16xi32>], vector<16xf32>,
        %gather3A_1138 = tpu.vector_load_idx %arg9[%add3A_1125, %add3A_407] : memref<256x128xf32, #tpu.memory_space<vmem>>[vector<16xi32>, vector<16xi32>], vector<16xf32>,
        %mul3A_1139 = arith.constant 8.000000e+00 : f32
        %mul3A_1140 = vector.broadcast %mul3A_1139 : f32 to vector<16xf32>
        %mul3A_1141 = arith.mulf %gather3A_1138, %mul3A_1140 : vector<16xf32>
        tpu.vector_store_idx %arg11[%add3A_407, %add3A_1125], %mul3A_1141 : memref<64x256xf32, #tpu.memory_space<vmem>>[vector<16xi32>, vector<16xi32>], vector<16xf32>,
        %add3A_1142 = vector.broadcast %mul3A_872 : i32 to vector<16xi32>
        %add3A_1143 = arith.addi %select_n3A_395, %add3A_1142 : vector<16xi32>
        %gather3A_1144 = tpu.vector_load_idx %arg9[%add3A_1143, %add3A_398] : memref<256x128xf32, #tpu.memory_space<vmem>>[vector<16xi32>, vector<16xi32>], vector<16xf32>,
        %mul3A_1145 = arith.constant 8.000000e+00 : f32
        %mul3A_1146 = vector.broadcast %mul3A_1145 : f32 to vector<16xf32>
        %mul3A_1147 = arith.mulf %gather3A_1144, %mul3A_1146 : vector<16xf32>
        tpu.vector_store_idx %arg11[%add3A_398, %add3A_1143], %mul3A_1147 : memref<64x256xf32, #tpu.memory_space<vmem>>[vector<16xi32>, vector<16xi32>], vector<16xf32>,
        %gather3A_1148 = tpu.vector_load_idx %arg9[%add3A_1143, %add3A_401] : memref<256x128xf32, #tpu.memory_space<vmem>>[vector<16xi32>, vector<16xi32>], vector<16xf32>,
        %mul3A_1149 = arith.constant 8.000000e+00 : f32
        %mul3A_1150 = vector.broadcast %mul3A_1149 : f32 to vector<16xf32>
        %mul3A_1151 = arith.mulf %gather3A_1148, %mul3A_1150 : vector<16xf32>
        tpu.vector_store_idx %arg11[%add3A_401, %add3A_1143], %mul3A_1151 : memref<64x256xf32, #tpu.memory_space<vmem>>[vector<16xi32>, vector<16xi32>], vector<16xf32>,
        %gather3A_1152 = tpu.vector_load_idx %arg9[%add3A_1143, %add3A_404] : memref<256x128xf32, #tpu.memory_space<vmem>>[vector<16xi32>, vector<16xi32>], vector<16xf32>,
        %mul3A_1153 = arith.constant 8.000000e+00 : f32
        %mul3A_1154 = vector.broadcast %mul3A_1153 : f32 to vector<16xf32>
        %mul3A_1155 = arith.mulf %gather3A_1152, %mul3A_1154 : vector<16xf32>
        tpu.vector_store_idx %arg11[%add3A_404, %add3A_1143], %mul3A_1155 : memref<64x256xf32, #tpu.memory_space<vmem>>[vector<16xi32>, vector<16xi32>], vector<16xf32>,
        %gather3A_1156 = tpu.vector_load_idx %arg9[%add3A_1143, %add3A_407] : memref<256x128xf32, #tpu.memory_space<vmem>>[vector<16xi32>, vector<16xi32>], vector<16xf32>,
        %mul3A_1157 = arith.constant 8.000000e+00 : f32
        %mul3A_1158 = vector.broadcast %mul3A_1157 : f32 to vector<16xf32>
        %mul3A_1159 = arith.mulf %gather3A_1156, %mul3A_1158 : vector<16xf32>
        tpu.vector_store_idx %arg11[%add3A_407, %add3A_1143], %mul3A_1159 : memref<64x256xf32, #tpu.memory_space<vmem>>[vector<16xi32>, vector<16xi32>], vector<16xf32>,
      }
      %scan3A_527 = arith.constant 16 : i32
      %jit3A_528 = arith.constant 2 : i32
      %div3A = arith.divsi %add3A_503, %jit3A_528 : i32
      %sign3A = arith.constant 0 : i32
      %sign3A_529 = arith.cmpi sgt, %add3A_503, %sign3A : i32
      %sign3A_530 = arith.extui %sign3A_529 : i1 to i32
      %sign3A_531 = arith.constant 0 : i32
      %sign3A_532 = arith.cmpi slt, %add3A_503, %sign3A_531 : i32
      %sign3A_533 = arith.extui %sign3A_532 : i1 to i32
      %sign3A_534 = arith.subi %sign3A_530, %sign3A_533 : i32
      %sign3A_535 = arith.constant 0 : i32
      %sign3A_536 = arith.cmpi sgt, %jit3A_528, %sign3A_535 : i32
      %sign3A_537 = arith.extui %sign3A_536 : i1 to i32
      %sign3A_538 = arith.constant 0 : i32
      %sign3A_539 = arith.cmpi slt, %jit3A_528, %sign3A_538 : i32
      %sign3A_540 = arith.extui %sign3A_539 : i1 to i32
      %sign3A_541 = arith.subi %sign3A_537, %sign3A_540 : i32
      %ne3A_542 = arith.cmpi ne, %sign3A_534, %sign3A_541 : i32
      %rem3A_543 = arith.remsi %add3A_503, %jit3A_528 : i32
      %ne3A_544 = arith.constant 0 : i32
      %ne3A_545 = arith.cmpi ne, %rem3A_543, %ne3A_544 : i32
      %and3A_546 = arith.andi %ne3A_542, %ne3A_545 : i1
      %sub3A = arith.constant 1 : i32
      %sub3A_547 = arith.subi %div3A, %sub3A : i32
      %select_n3A_548 = arith.select %and3A_546, %sub3A_547, %div3A : i32
      %jit3A_549 = arith.constant 2 : i32
      %eq3A_550 = arith.constant 0 : i32
      %eq3A_551 = arith.cmpi eq, %jit3A_549, %eq3A_550 : i32
      %jit3A_552 = arith.constant 1 : i32
      %select_n3A_553 = arith.select %eq3A_551, %jit3A_552, %jit3A_549 : i32
      %rem3A_554 = arith.remsi %add3A_503, %select_n3A_553 : i32
      %ne3A_555 = arith.constant 0 : i32
      %ne3A_556 = arith.cmpi ne, %rem3A_554, %ne3A_555 : i32
      %lt3A_557 = arith.constant 0 : i32
      %lt3A_558 = arith.cmpi slt, %rem3A_554, %lt3A_557 : i32
      %lt3A_559 = arith.constant 0 : i32
      %lt3A_560 = arith.cmpi slt, %select_n3A_553, %lt3A_559 : i32
      %ne3A_561 = arith.xori %lt3A_558, %lt3A_560 : i1
      %and3A_562 = arith.andi %ne3A_561, %ne3A_556 : i1
      %add3A_563 = arith.addi %rem3A_554, %select_n3A_553 : i32
      %select_n3A_564 = arith.select %and3A_562, %add3A_563, %rem3A_554 : i32
      %mul3A_565 = arith.constant 256 : i32
      %mul3A_566 = arith.muli %select_n3A_564, %mul3A_565 : i32
      %add3A_567 = arith.addi %mul3A_2, %mul3A_566 : i32
      %dma_start3A_568 = arith.constant 0 : i32
      %dma_start3A_569 = tpu.memref_slice %arg4[%select_n3A_548, %dma_start3A_568, %add3A_567] : memref<50x64x16384xf32, #tpu.memory_space<hbm>> -> memref<1x64x256xf32, #tpu.memory_space<hbm>>
      %dma_start3A_570 = tpu.memref_squeeze %dma_start3A_569 : memref<1x64x256xf32, #tpu.memory_space<hbm>> -> memref<64x256xf32, #tpu.memory_space<hbm>>
      %dma_start3A_571 = arith.constant 0 : i32
      %dma_start3A_572 = tpu.memref_slice %arg4[%select_n3A_548, %dma_start3A_571, %add3A_567] : memref<50x64x16384xf32, #tpu.memory_space<hbm>> -> memref<1x64x256xf32, #tpu.memory_space<hbm>>
      %dma_start3A_573 = tpu.memref_squeeze %dma_start3A_572 : memref<1x64x256xf32, #tpu.memory_space<hbm>> -> memref<64x256xf32, #tpu.memory_space<hbm>>
      tpu.enqueue_dma source(%arg11 : memref<64x256xf32, #tpu.memory_space<vmem>>) target(%dma_start3A_573 : memref<64x256xf32, #tpu.memory_space<hbm>>) target_semaphore(%arg14 : memref<!tpu.dma_semaphore, #tpu.memory_space<semaphore_mem>>)
      %add3A_574 = arith.constant 2 : i32
      %add3A_575 = arith.addi %add3A_503, %add3A_574 : i32
      %lt3A_576 = arith.constant 100 : i32
      %lt3A_577 = arith.cmpi slt, %add3A_575, %lt3A_576 : i32
      %convert_element_type3A_578 = arith.extui %lt3A_577 : i1 to i32
      %cond3A_579 = arith.constant 0 : i32
      %cond3A_580 = arith.cmpi ne, %convert_element_type3A_578, %cond3A_579 : i32
      scf.if %cond3A_580 {
        %add3A_870 = arith.constant 2 : i32
        %add3A_871 = arith.addi %add3A_503, %add3A_870 : i32
        %jit3A_872 = arith.constant 2 : i32
        %div3A_873 = arith.divsi %add3A_871, %jit3A_872 : i32
        %sign3A_874 = arith.constant 0 : i32
        %sign3A_875 = arith.cmpi sgt, %add3A_871, %sign3A_874 : i32
        %sign3A_876 = arith.extui %sign3A_875 : i1 to i32
        %sign3A_877 = arith.constant 0 : i32
        %sign3A_878 = arith.cmpi slt, %add3A_871, %sign3A_877 : i32
        %sign3A_879 = arith.extui %sign3A_878 : i1 to i32
        %sign3A_880 = arith.subi %sign3A_876, %sign3A_879 : i32
        %sign3A_881 = arith.constant 0 : i32
        %sign3A_882 = arith.cmpi sgt, %jit3A_872, %sign3A_881 : i32
        %sign3A_883 = arith.extui %sign3A_882 : i1 to i32
        %sign3A_884 = arith.constant 0 : i32
        %sign3A_885 = arith.cmpi slt, %jit3A_872, %sign3A_884 : i32
        %sign3A_886 = arith.extui %sign3A_885 : i1 to i32
        %sign3A_887 = arith.subi %sign3A_883, %sign3A_886 : i32
        %ne3A_888 = arith.cmpi ne, %sign3A_880, %sign3A_887 : i32
        %rem3A_889 = arith.remsi %add3A_871, %jit3A_872 : i32
        %ne3A_890 = arith.constant 0 : i32
        %ne3A_891 = arith.cmpi ne, %rem3A_889, %ne3A_890 : i32
        %and3A_892 = arith.andi %ne3A_888, %ne3A_891 : i1
        %sub3A_893 = arith.constant 1 : i32
        %sub3A_894 = arith.subi %div3A_873, %sub3A_893 : i32
        %select_n3A_895 = arith.select %and3A_892, %sub3A_894, %div3A_873 : i32
        %jit3A_896 = arith.constant 2 : i32
        %eq3A_897 = arith.constant 0 : i32
        %eq3A_898 = arith.cmpi eq, %jit3A_896, %eq3A_897 : i32
        %jit3A_899 = arith.constant 1 : i32
        %select_n3A_900 = arith.select %eq3A_898, %jit3A_899, %jit3A_896 : i32
        %rem3A_901 = arith.remsi %add3A_871, %select_n3A_900 : i32
        %ne3A_902 = arith.constant 0 : i32
        %ne3A_903 = arith.cmpi ne, %rem3A_901, %ne3A_902 : i32
        %lt3A_904 = arith.constant 0 : i32
        %lt3A_905 = arith.cmpi slt, %rem3A_901, %lt3A_904 : i32
        %lt3A_906 = arith.constant 0 : i32
        %lt3A_907 = arith.cmpi slt, %select_n3A_900, %lt3A_906 : i32
        %ne3A_908 = arith.xori %lt3A_905, %lt3A_907 : i1
        %and3A_909 = arith.andi %ne3A_908, %ne3A_903 : i1
        %add3A_910 = arith.addi %rem3A_901, %select_n3A_900 : i32
        %select_n3A_911 = arith.select %and3A_909, %add3A_910, %rem3A_901 : i32
        %mul3A_912 = arith.constant 256 : i32
        %mul3A_913 = arith.muli %select_n3A_911, %mul3A_912 : i32
        %add3A_914 = arith.addi %mul3A_2, %mul3A_913 : i32
        %dma_wait3A_915 = tpu.memref_slice %arg2[%select_n3A_895, %add3A_914] : memref<50x16384xi32, #tpu.memory_space<hbm>> -> memref<1x256xi32, #tpu.memory_space<hbm>>
        %dma_wait3A_916 = tpu.memref_squeeze %dma_wait3A_915 : memref<1x256xi32, #tpu.memory_space<hbm>> -> memref<256xi32, #tpu.memory_space<hbm>>
        %dma_wait3A_917 = tpu.memref_slice %arg2[%select_n3A_895, %add3A_914] : memref<50x16384xi32, #tpu.memory_space<hbm>> -> memref<1x256xi32, #tpu.memory_space<hbm>>
        %dma_wait3A_918 = tpu.memref_squeeze %dma_wait3A_917 : memref<1x256xi32, #tpu.memory_space<hbm>> -> memref<256xi32, #tpu.memory_space<hbm>>
        tpu.wait_dma2 semaphore(%arg15 : memref<!tpu.dma_semaphore, #tpu.memory_space<semaphore_mem>>) src(%dma_wait3A_918 : memref<256xi32, #tpu.memory_space<hbm>>) dst(%arg7 : memref<256xi32, #tpu.memory_space<vmem>>)
        %dma_start3A_919 = arith.constant 0 : i32
        %dma_start3A_920 = arith.constant 0 : i32
        %dma_start3A_921 = tpu.memref_slice %arg9[%dma_start3A_919, %dma_start3A_920] : memref<256x128xf32, #tpu.memory_space<vmem>> -> memref<128x128xf32, #tpu.memory_space<vmem>>
        %dma_start3A_922 = arith.constant 0 : i32
        %dma_start3A_923 = tpu.memref_slice %arg7[%dma_start3A_922] : memref<256xi32, #tpu.memory_space<vmem>> -> memref<128xi32, #tpu.memory_space<vmem>>
        %dma_start3A_924 = arith.constant 0 : i32
        %dma_start3A_925 = arith.constant 0 : i32
        %dma_start3A_926 = tpu.memref_slice %arg3[%dma_start3A_924, %dma_start3A_925] : memref<1000000x128xf32, #tpu.memory_space<hbm>> -> memref<1000000x128xf32, #tpu.memory_space<hbm>>
        tpu.enqueue_indirect_dma source(%dma_start3A_926 : memref<1000000x128xf32, #tpu.memory_space<hbm>>) target(%dma_start3A_921 : memref<128x128xf32, #tpu.memory_space<vmem>>) offsets(%dma_start3A_923 : memref<128xi32, #tpu.memory_space<vmem>>) semaphore(%arg13 : memref<!tpu.dma_semaphore, #tpu.memory_space<semaphore_mem>>)
        %dma_start3A_927 = arith.constant 128 : i32
        %dma_start3A_928 = arith.constant 0 : i32
        %dma_start3A_929 = tpu.memref_slice %arg9[%dma_start3A_927, %dma_start3A_928] : memref<256x128xf32, #tpu.memory_space<vmem>> -> memref<128x128xf32, #tpu.memory_space<vmem>>
        %dma_start3A_930 = arith.constant 128 : i32
        %dma_start3A_931 = tpu.memref_slice %arg7[%dma_start3A_930] : memref<256xi32, #tpu.memory_space<vmem>> -> memref<128xi32, #tpu.memory_space<vmem>>
        %dma_start3A_932 = arith.constant 0 : i32
        %dma_start3A_933 = arith.constant 0 : i32
        %dma_start3A_934 = tpu.memref_slice %arg3[%dma_start3A_932, %dma_start3A_933] : memref<1000000x128xf32, #tpu.memory_space<hbm>> -> memref<1000000x128xf32, #tpu.memory_space<hbm>>
        tpu.enqueue_indirect_dma source(%dma_start3A_934 : memref<1000000x128xf32, #tpu.memory_space<hbm>>) target(%dma_start3A_929 : memref<128x128xf32, #tpu.memory_space<vmem>>) offsets(%dma_start3A_931 : memref<128xi32, #tpu.memory_space<vmem>>) semaphore(%arg13 : memref<!tpu.dma_semaphore, #tpu.memory_space<semaphore_mem>>)
      } else {
      }
      %add3A_581 = arith.constant 4 : i32
      %add3A_582 = arith.addi %add3A_503, %add3A_581 : i32
      %lt3A_583 = arith.constant 100 : i32
      %lt3A_584 = arith.cmpi slt, %add3A_582, %lt3A_583 : i32
      %convert_element_type3A_585 = arith.extui %lt3A_584 : i1 to i32
      %cond3A_586 = arith.constant 0 : i32
      %cond3A_587 = arith.cmpi ne, %convert_element_type3A_585, %cond3A_586 : i32
      scf.if %cond3A_587 {
        %add3A_870 = arith.constant 4 : i32
        %add3A_871 = arith.addi %add3A_503, %add3A_870 : i32
        %jit3A_872 = arith.constant 2 : i32
        %div3A_873 = arith.divsi %add3A_871, %jit3A_872 : i32
        %sign3A_874 = arith.constant 0 : i32
        %sign3A_875 = arith.cmpi sgt, %add3A_871, %sign3A_874 : i32
        %sign3A_876 = arith.extui %sign3A_875 : i1 to i32
        %sign3A_877 = arith.constant 0 : i32
        %sign3A_878 = arith.cmpi slt, %add3A_871, %sign3A_877 : i32
        %sign3A_879 = arith.extui %sign3A_878 : i1 to i32
        %sign3A_880 = arith.subi %sign3A_876, %sign3A_879 : i32
        %sign3A_881 = arith.constant 0 : i32
        %sign3A_882 = arith.cmpi sgt, %jit3A_872, %sign3A_881 : i32
        %sign3A_883 = arith.extui %sign3A_882 : i1 to i32
        %sign3A_884 = arith.constant 0 : i32
        %sign3A_885 = arith.cmpi slt, %jit3A_872, %sign3A_884 : i32
        %sign3A_886 = arith.extui %sign3A_885 : i1 to i32
        %sign3A_887 = arith.subi %sign3A_883, %sign3A_886 : i32
        %ne3A_888 = arith.cmpi ne, %sign3A_880, %sign3A_887 : i32
        %rem3A_889 = arith.remsi %add3A_871, %jit3A_872 : i32
        %ne3A_890 = arith.constant 0 : i32
        %ne3A_891 = arith.cmpi ne, %rem3A_889, %ne3A_890 : i32
        %and3A_892 = arith.andi %ne3A_888, %ne3A_891 : i1
        %sub3A_893 = arith.constant 1 : i32
        %sub3A_894 = arith.subi %div3A_873, %sub3A_893 : i32
        %select_n3A_895 = arith.select %and3A_892, %sub3A_894, %div3A_873 : i32
        %jit3A_896 = arith.constant 2 : i32
        %eq3A_897 = arith.constant 0 : i32
        %eq3A_898 = arith.cmpi eq, %jit3A_896, %eq3A_897 : i32
        %jit3A_899 = arith.constant 1 : i32
        %select_n3A_900 = arith.select %eq3A_898, %jit3A_899, %jit3A_896 : i32
        %rem3A_901 = arith.remsi %add3A_871, %select_n3A_900 : i32
        %ne3A_902 = arith.constant 0 : i32
        %ne3A_903 = arith.cmpi ne, %rem3A_901, %ne3A_902 : i32
        %lt3A_904 = arith.constant 0 : i32
        %lt3A_905 = arith.cmpi slt, %rem3A_901, %lt3A_904 : i32
        %lt3A_906 = arith.constant 0 : i32
        %lt3A_907 = arith.cmpi slt, %select_n3A_900, %lt3A_906 : i32
        %ne3A_908 = arith.xori %lt3A_905, %lt3A_907 : i1
        %and3A_909 = arith.andi %ne3A_908, %ne3A_903 : i1
        %add3A_910 = arith.addi %rem3A_901, %select_n3A_900 : i32
        %select_n3A_911 = arith.select %and3A_909, %add3A_910, %rem3A_901 : i32
        %mul3A_912 = arith.constant 256 : i32
        %mul3A_913 = arith.muli %select_n3A_911, %mul3A_912 : i32
        %add3A_914 = arith.addi %mul3A_2, %mul3A_913 : i32
        %dma_start3A_915 = tpu.memref_slice %arg2[%select_n3A_895, %add3A_914] : memref<50x16384xi32, #tpu.memory_space<hbm>> -> memref<1x256xi32, #tpu.memory_space<hbm>>
        %dma_start3A_916 = tpu.memref_squeeze %dma_start3A_915 : memref<1x256xi32, #tpu.memory_space<hbm>> -> memref<256xi32, #tpu.memory_space<hbm>>
        %dma_start3A_917 = tpu.memref_slice %arg2[%select_n3A_895, %add3A_914] : memref<50x16384xi32, #tpu.memory_space<hbm>> -> memref<1x256xi32, #tpu.memory_space<hbm>>
        %dma_start3A_918 = tpu.memref_squeeze %dma_start3A_917 : memref<1x256xi32, #tpu.memory_space<hbm>> -> memref<256xi32, #tpu.memory_space<hbm>>
        tpu.enqueue_dma source(%dma_start3A_918 : memref<256xi32, #tpu.memory_space<hbm>>) target(%arg5 : memref<256xi32, #tpu.memory_space<vmem>>) target_semaphore(%arg15 : memref<!tpu.dma_semaphore, #tpu.memory_space<semaphore_mem>>)
      } else {
      }
      %mul3A_588 = arith.constant 4 : i32
      %mul3A_589 = arith.muli %scan3A_499, %mul3A_588 : i32
      %add3A_590 = arith.constant 1 : i32
      %add3A_591 = arith.addi %mul3A_589, %add3A_590 : i32
      %dma_wait3A_592 = arith.constant 0 : i32
      %dma_wait3A_593 = arith.constant 0 : i32
      %dma_wait3A_594 = tpu.memref_slice %arg10[%dma_wait3A_592, %dma_wait3A_593] : memref<256x128xf32, #tpu.memory_space<vmem>> -> memref<128x128xf32, #tpu.memory_space<vmem>>
      %dma_wait3A_595 = arith.constant 0 : i32
      %dma_wait3A_596 = tpu.memref_slice %arg6[%dma_wait3A_595] : memref<256xi32, #tpu.memory_space<vmem>> -> memref<128xi32, #tpu.memory_space<vmem>>
      %dma_wait3A_597 = arith.constant 0 : i32
      %dma_wait3A_598 = arith.constant 0 : i32
      %dma_wait3A_599 = tpu.memref_slice %arg3[%dma_wait3A_597, %dma_wait3A_598] : memref<1000000x128xf32, #tpu.memory_space<hbm>> -> memref<1000000x128xf32, #tpu.memory_space<hbm>>
      tpu.wait_indirect_dma semaphore(%arg13 : memref<!tpu.dma_semaphore, #tpu.memory_space<semaphore_mem>>) src(%dma_wait3A_599 : memref<1000000x128xf32, #tpu.memory_space<hbm>>) dst(%dma_wait3A_594 : memref<128x128xf32, #tpu.memory_space<vmem>>)
      %dma_wait3A_600 = arith.constant 128 : i32
      %dma_wait3A_601 = arith.constant 0 : i32
      %dma_wait3A_602 = tpu.memref_slice %arg10[%dma_wait3A_600, %dma_wait3A_601] : memref<256x128xf32, #tpu.memory_space<vmem>> -> memref<128x128xf32, #tpu.memory_space<vmem>>
      %dma_wait3A_603 = arith.constant 128 : i32
      %dma_wait3A_604 = tpu.memref_slice %arg6[%dma_wait3A_603] : memref<256xi32, #tpu.memory_space<vmem>> -> memref<128xi32, #tpu.memory_space<vmem>>
      %dma_wait3A_605 = arith.constant 0 : i32
      %dma_wait3A_606 = arith.constant 0 : i32
      %dma_wait3A_607 = tpu.memref_slice %arg3[%dma_wait3A_605, %dma_wait3A_606] : memref<1000000x128xf32, #tpu.memory_space<hbm>> -> memref<1000000x128xf32, #tpu.memory_space<hbm>>
      tpu.wait_indirect_dma semaphore(%arg13 : memref<!tpu.dma_semaphore, #tpu.memory_space<semaphore_mem>>) src(%dma_wait3A_607 : memref<1000000x128xf32, #tpu.memory_space<hbm>>) dst(%dma_wait3A_602 : memref<128x128xf32, #tpu.memory_space<vmem>>)
      %ge3A_608 = arith.constant 2 : i32
      %ge3A_609 = arith.cmpi sge, %add3A_591, %ge3A_608 : i32
      %convert_element_type3A_610 = arith.extui %ge3A_609 : i1 to i32
      %cond3A_611 = arith.constant 0 : i32
      %cond3A_612 = arith.cmpi ne, %convert_element_type3A_610, %cond3A_611 : i32
      scf.if %cond3A_612 {
        %dma_wait3A_870 = arith.constant 0 : i32
        %dma_wait3A_871 = arith.constant 0 : i32
        %dma_wait3A_872 = tpu.memref_slice %arg4[%dma_wait3A_870, %dma_wait3A_871, %mul3A_2] : memref<50x64x16384xf32, #tpu.memory_space<hbm>> -> memref<1x64x256xf32, #tpu.memory_space<hbm>>
        %dma_wait3A_873 = tpu.memref_squeeze %dma_wait3A_872 : memref<1x64x256xf32, #tpu.memory_space<hbm>> -> memref<64x256xf32, #tpu.memory_space<hbm>>
        %dma_wait3A_874 = arith.constant 0 : i32
        %dma_wait3A_875 = tpu.memref_slice %arg4[%dma_wait3A_870, %dma_wait3A_874, %mul3A_2] : memref<50x64x16384xf32, #tpu.memory_space<hbm>> -> memref<1x64x256xf32, #tpu.memory_space<hbm>>
        %dma_wait3A_876 = tpu.memref_squeeze %dma_wait3A_875 : memref<1x64x256xf32, #tpu.memory_space<hbm>> -> memref<64x256xf32, #tpu.memory_space<hbm>>
        tpu.wait_dma2 semaphore(%arg14 : memref<!tpu.dma_semaphore, #tpu.memory_space<semaphore_mem>>) src(%arg12 : memref<64x256xf32, #tpu.memory_space<vmem>>) dst(%dma_wait3A_876 : memref<64x256xf32, #tpu.memory_space<hbm>>)
      } else {
      }
      %scan3A_613 = arith.constant 0 : i32
      %scan3A_614 = arith.constant 0 : i32
      %scan3A_615 = arith.constant 16 : i32
      %scan3A_616 = arith.addi %scan3A_614, %scan3A_615 : i32
      %scan3A_617 = arith.constant 1 : i32
      scf.for %scan3A_870 = %scan3A_614 to %scan3A_616 step %scan3A_617  : i32 {
        %mul3A_871 = arith.constant 16 : i32
        %mul3A_872 = arith.muli %scan3A_870, %mul3A_871 : i32
        %add3A_873 = vector.broadcast %mul3A_872 : i32 to vector<16xi32>
        %add3A_874 = arith.addi %select_n3A_20, %add3A_873 : vector<16xi32>
        %gather3A = tpu.vector_load_idx %arg10[%add3A_874, %add3A_398] : memref<256x128xf32, #tpu.memory_space<vmem>>[vector<16xi32>, vector<16xi32>], vector<16xf32>,
        %mul3A_875 = arith.constant 8.000000e+00 : f32
        %mul3A_876 = vector.broadcast %mul3A_875 : f32 to vector<16xf32>
        %mul3A_877 = arith.mulf %gather3A, %mul3A_876 : vector<16xf32>
        tpu.vector_store_idx %arg12[%add3A_398, %add3A_874], %mul3A_877 : memref<64x256xf32, #tpu.memory_space<vmem>>[vector<16xi32>, vector<16xi32>], vector<16xf32>,
        %gather3A_878 = tpu.vector_load_idx %arg10[%add3A_874, %add3A_401] : memref<256x128xf32, #tpu.memory_space<vmem>>[vector<16xi32>, vector<16xi32>], vector<16xf32>,
        %mul3A_879 = arith.constant 8.000000e+00 : f32
        %mul3A_880 = vector.broadcast %mul3A_879 : f32 to vector<16xf32>
        %mul3A_881 = arith.mulf %gather3A_878, %mul3A_880 : vector<16xf32>
        tpu.vector_store_idx %arg12[%add3A_401, %add3A_874], %mul3A_881 : memref<64x256xf32, #tpu.memory_space<vmem>>[vector<16xi32>, vector<16xi32>], vector<16xf32>,
        %gather3A_882 = tpu.vector_load_idx %arg10[%add3A_874, %add3A_404] : memref<256x128xf32, #tpu.memory_space<vmem>>[vector<16xi32>, vector<16xi32>], vector<16xf32>,
        %mul3A_883 = arith.constant 8.000000e+00 : f32
        %mul3A_884 = vector.broadcast %mul3A_883 : f32 to vector<16xf32>
        %mul3A_885 = arith.mulf %gather3A_882, %mul3A_884 : vector<16xf32>
        tpu.vector_store_idx %arg12[%add3A_404, %add3A_874], %mul3A_885 : memref<64x256xf32, #tpu.memory_space<vmem>>[vector<16xi32>, vector<16xi32>], vector<16xf32>,
        %gather3A_886 = tpu.vector_load_idx %arg10[%add3A_874, %add3A_407] : memref<256x128xf32, #tpu.memory_space<vmem>>[vector<16xi32>, vector<16xi32>], vector<16xf32>,
        %mul3A_887 = arith.constant 8.000000e+00 : f32
        %mul3A_888 = vector.broadcast %mul3A_887 : f32 to vector<16xf32>
        %mul3A_889 = arith.mulf %gather3A_886, %mul3A_888 : vector<16xf32>
        tpu.vector_store_idx %arg12[%add3A_407, %add3A_874], %mul3A_889 : memref<64x256xf32, #tpu.memory_space<vmem>>[vector<16xi32>, vector<16xi32>], vector<16xf32>,
        %add3A_890 = vector.broadcast %mul3A_872 : i32 to vector<16xi32>
        %add3A_891 = arith.addi %select_n3A_45, %add3A_890 : vector<16xi32>
        %gather3A_892 = tpu.vector_load_idx %arg10[%add3A_891, %add3A_398] : memref<256x128xf32, #tpu.memory_space<vmem>>[vector<16xi32>, vector<16xi32>], vector<16xf32>,
        %mul3A_893 = arith.constant 8.000000e+00 : f32
        %mul3A_894 = vector.broadcast %mul3A_893 : f32 to vector<16xf32>
        %mul3A_895 = arith.mulf %gather3A_892, %mul3A_894 : vector<16xf32>
        tpu.vector_store_idx %arg12[%add3A_398, %add3A_891], %mul3A_895 : memref<64x256xf32, #tpu.memory_space<vmem>>[vector<16xi32>, vector<16xi32>], vector<16xf32>,
        %gather3A_896 = tpu.vector_load_idx %arg10[%add3A_891, %add3A_401] : memref<256x128xf32, #tpu.memory_space<vmem>>[vector<16xi32>, vector<16xi32>], vector<16xf32>,
        %mul3A_897 = arith.constant 8.000000e+00 : f32
        %mul3A_898 = vector.broadcast %mul3A_897 : f32 to vector<16xf32>
        %mul3A_899 = arith.mulf %gather3A_896, %mul3A_898 : vector<16xf32>
        tpu.vector_store_idx %arg12[%add3A_401, %add3A_891], %mul3A_899 : memref<64x256xf32, #tpu.memory_space<vmem>>[vector<16xi32>, vector<16xi32>], vector<16xf32>,
        %gather3A_900 = tpu.vector_load_idx %arg10[%add3A_891, %add3A_404] : memref<256x128xf32, #tpu.memory_space<vmem>>[vector<16xi32>, vector<16xi32>], vector<16xf32>,
        %mul3A_901 = arith.constant 8.000000e+00 : f32
        %mul3A_902 = vector.broadcast %mul3A_901 : f32 to vector<16xf32>
        %mul3A_903 = arith.mulf %gather3A_900, %mul3A_902 : vector<16xf32>
        tpu.vector_store_idx %arg12[%add3A_404, %add3A_891], %mul3A_903 : memref<64x256xf32, #tpu.memory_space<vmem>>[vector<16xi32>, vector<16xi32>], vector<16xf32>,
        %gather3A_904 = tpu.vector_load_idx %arg10[%add3A_891, %add3A_407] : memref<256x128xf32, #tpu.memory_space<vmem>>[vector<16xi32>, vector<16xi32>], vector<16xf32>,
        %mul3A_905 = arith.constant 8.000000e+00 : f32
        %mul3A_906 = vector.broadcast %mul3A_905 : f32 to vector<16xf32>
        %mul3A_907 = arith.mulf %gather3A_904, %mul3A_906 : vector<16xf32>
        tpu.vector_store_idx %arg12[%add3A_407, %add3A_891], %mul3A_907 : memref<64x256xf32, #tpu.memory_space<vmem>>[vector<16xi32>, vector<16xi32>], vector<16xf32>,
        %add3A_908 = vector.broadcast %mul3A_872 : i32 to vector<16xi32>
        %add3A_909 = arith.addi %select_n3A_70, %add3A_908 : vector<16xi32>
        %gather3A_910 = tpu.vector_load_idx %arg10[%add3A_909, %add3A_398] : memref<256x128xf32, #tpu.memory_space<vmem>>[vector<16xi32>, vector<16xi32>], vector<16xf32>,
        %mul3A_911 = arith.constant 8.000000e+00 : f32
        %mul3A_912 = vector.broadcast %mul3A_911 : f32 to vector<16xf32>
        %mul3A_913 = arith.mulf %gather3A_910, %mul3A_912 : vector<16xf32>
        tpu.vector_store_idx %arg12[%add3A_398, %add3A_909], %mul3A_913 : memref<64x256xf32, #tpu.memory_space<vmem>>[vector<16xi32>, vector<16xi32>], vector<16xf32>,
        %gather3A_914 = tpu.vector_load_idx %arg10[%add3A_909, %add3A_401] : memref<256x128xf32, #tpu.memory_space<vmem>>[vector<16xi32>, vector<16xi32>], vector<16xf32>,
        %mul3A_915 = arith.constant 8.000000e+00 : f32
        %mul3A_916 = vector.broadcast %mul3A_915 : f32 to vector<16xf32>
        %mul3A_917 = arith.mulf %gather3A_914, %mul3A_916 : vector<16xf32>
        tpu.vector_store_idx %arg12[%add3A_401, %add3A_909], %mul3A_917 : memref<64x256xf32, #tpu.memory_space<vmem>>[vector<16xi32>, vector<16xi32>], vector<16xf32>,
        %gather3A_918 = tpu.vector_load_idx %arg10[%add3A_909, %add3A_404] : memref<256x128xf32, #tpu.memory_space<vmem>>[vector<16xi32>, vector<16xi32>], vector<16xf32>,
        %mul3A_919 = arith.constant 8.000000e+00 : f32
        %mul3A_920 = vector.broadcast %mul3A_919 : f32 to vector<16xf32>
        %mul3A_921 = arith.mulf %gather3A_918, %mul3A_920 : vector<16xf32>
        tpu.vector_store_idx %arg12[%add3A_404, %add3A_909], %mul3A_921 : memref<64x256xf32, #tpu.memory_space<vmem>>[vector<16xi32>, vector<16xi32>], vector<16xf32>,
        %gather3A_922 = tpu.vector_load_idx %arg10[%add3A_909, %add3A_407] : memref<256x128xf32, #tpu.memory_space<vmem>>[vector<16xi32>, vector<16xi32>], vector<16xf32>,
        %mul3A_923 = arith.constant 8.000000e+00 : f32
        %mul3A_924 = vector.broadcast %mul3A_923 : f32 to vector<16xf32>
        %mul3A_925 = arith.mulf %gather3A_922, %mul3A_924 : vector<16xf32>
        tpu.vector_store_idx %arg12[%add3A_407, %add3A_909], %mul3A_925 : memref<64x256xf32, #tpu.memory_space<vmem>>[vector<16xi32>, vector<16xi32>], vector<16xf32>,
        %add3A_926 = vector.broadcast %mul3A_872 : i32 to vector<16xi32>
        %add3A_927 = arith.addi %select_n3A_95, %add3A_926 : vector<16xi32>
        %gather3A_928 = tpu.vector_load_idx %arg10[%add3A_927, %add3A_398] : memref<256x128xf32, #tpu.memory_space<vmem>>[vector<16xi32>, vector<16xi32>], vector<16xf32>,
        %mul3A_929 = arith.constant 8.000000e+00 : f32
        %mul3A_930 = vector.broadcast %mul3A_929 : f32 to vector<16xf32>
        %mul3A_931 = arith.mulf %gather3A_928, %mul3A_930 : vector<16xf32>
        tpu.vector_store_idx %arg12[%add3A_398, %add3A_927], %mul3A_931 : memref<64x256xf32, #tpu.memory_space<vmem>>[vector<16xi32>, vector<16xi32>], vector<16xf32>,
        %gather3A_932 = tpu.vector_load_idx %arg10[%add3A_927, %add3A_401] : memref<256x128xf32, #tpu.memory_space<vmem>>[vector<16xi32>, vector<16xi32>], vector<16xf32>,
        %mul3A_933 = arith.constant 8.000000e+00 : f32
        %mul3A_934 = vector.broadcast %mul3A_933 : f32 to vector<16xf32>
        %mul3A_935 = arith.mulf %gather3A_932, %mul3A_934 : vector<16xf32>
        tpu.vector_store_idx %arg12[%add3A_401, %add3A_927], %mul3A_935 : memref<64x256xf32, #tpu.memory_space<vmem>>[vector<16xi32>, vector<16xi32>], vector<16xf32>,
        %gather3A_936 = tpu.vector_load_idx %arg10[%add3A_927, %add3A_404] : memref<256x128xf32, #tpu.memory_space<vmem>>[vector<16xi32>, vector<16xi32>], vector<16xf32>,
        %mul3A_937 = arith.constant 8.000000e+00 : f32
        %mul3A_938 = vector.broadcast %mul3A_937 : f32 to vector<16xf32>
        %mul3A_939 = arith.mulf %gather3A_936, %mul3A_938 : vector<16xf32>
        tpu.vector_store_idx %arg12[%add3A_404, %add3A_927], %mul3A_939 : memref<64x256xf32, #tpu.memory_space<vmem>>[vector<16xi32>, vector<16xi32>], vector<16xf32>,
        %gather3A_940 = tpu.vector_load_idx %arg10[%add3A_927, %add3A_407] : memref<256x128xf32, #tpu.memory_space<vmem>>[vector<16xi32>, vector<16xi32>], vector<16xf32>,
        %mul3A_941 = arith.constant 8.000000e+00 : f32
        %mul3A_942 = vector.broadcast %mul3A_941 : f32 to vector<16xf32>
        %mul3A_943 = arith.mulf %gather3A_940, %mul3A_942 : vector<16xf32>
        tpu.vector_store_idx %arg12[%add3A_407, %add3A_927], %mul3A_943 : memref<64x256xf32, #tpu.memory_space<vmem>>[vector<16xi32>, vector<16xi32>], vector<16xf32>,
        %add3A_944 = vector.broadcast %mul3A_872 : i32 to vector<16xi32>
        %add3A_945 = arith.addi %select_n3A_120, %add3A_944 : vector<16xi32>
        %gather3A_946 = tpu.vector_load_idx %arg10[%add3A_945, %add3A_398] : memref<256x128xf32, #tpu.memory_space<vmem>>[vector<16xi32>, vector<16xi32>], vector<16xf32>,
        %mul3A_947 = arith.constant 8.000000e+00 : f32
        %mul3A_948 = vector.broadcast %mul3A_947 : f32 to vector<16xf32>
        %mul3A_949 = arith.mulf %gather3A_946, %mul3A_948 : vector<16xf32>
        tpu.vector_store_idx %arg12[%add3A_398, %add3A_945], %mul3A_949 : memref<64x256xf32, #tpu.memory_space<vmem>>[vector<16xi32>, vector<16xi32>], vector<16xf32>,
        %gather3A_950 = tpu.vector_load_idx %arg10[%add3A_945, %add3A_401] : memref<256x128xf32, #tpu.memory_space<vmem>>[vector<16xi32>, vector<16xi32>], vector<16xf32>,
        %mul3A_951 = arith.constant 8.000000e+00 : f32
        %mul3A_952 = vector.broadcast %mul3A_951 : f32 to vector<16xf32>
        %mul3A_953 = arith.mulf %gather3A_950, %mul3A_952 : vector<16xf32>
        tpu.vector_store_idx %arg12[%add3A_401, %add3A_945], %mul3A_953 : memref<64x256xf32, #tpu.memory_space<vmem>>[vector<16xi32>, vector<16xi32>], vector<16xf32>,
        %gather3A_954 = tpu.vector_load_idx %arg10[%add3A_945, %add3A_404] : memref<256x128xf32, #tpu.memory_space<vmem>>[vector<16xi32>, vector<16xi32>], vector<16xf32>,
        %mul3A_955 = arith.constant 8.000000e+00 : f32
        %mul3A_956 = vector.broadcast %mul3A_955 : f32 to vector<16xf32>
        %mul3A_957 = arith.mulf %gather3A_954, %mul3A_956 : vector<16xf32>
        tpu.vector_store_idx %arg12[%add3A_404, %add3A_945], %mul3A_957 : memref<64x256xf32, #tpu.memory_space<vmem>>[vector<16xi32>, vector<16xi32>], vector<16xf32>,
        %gather3A_958 = tpu.vector_load_idx %arg10[%add3A_945, %add3A_407] : memref<256x128xf32, #tpu.memory_space<vmem>>[vector<16xi32>, vector<16xi32>], vector<16xf32>,
        %mul3A_959 = arith.constant 8.000000e+00 : f32
        %mul3A_960 = vector.broadcast %mul3A_959 : f32 to vector<16xf32>
        %mul3A_961 = arith.mulf %gather3A_958, %mul3A_960 : vector<16xf32>
        tpu.vector_store_idx %arg12[%add3A_407, %add3A_945], %mul3A_961 : memref<64x256xf32, #tpu.memory_space<vmem>>[vector<16xi32>, vector<16xi32>], vector<16xf32>,
        %add3A_962 = vector.broadcast %mul3A_872 : i32 to vector<16xi32>
        %add3A_963 = arith.addi %select_n3A_145, %add3A_962 : vector<16xi32>
        %gather3A_964 = tpu.vector_load_idx %arg10[%add3A_963, %add3A_398] : memref<256x128xf32, #tpu.memory_space<vmem>>[vector<16xi32>, vector<16xi32>], vector<16xf32>,
        %mul3A_965 = arith.constant 8.000000e+00 : f32
        %mul3A_966 = vector.broadcast %mul3A_965 : f32 to vector<16xf32>
        %mul3A_967 = arith.mulf %gather3A_964, %mul3A_966 : vector<16xf32>
        tpu.vector_store_idx %arg12[%add3A_398, %add3A_963], %mul3A_967 : memref<64x256xf32, #tpu.memory_space<vmem>>[vector<16xi32>, vector<16xi32>], vector<16xf32>,
        %gather3A_968 = tpu.vector_load_idx %arg10[%add3A_963, %add3A_401] : memref<256x128xf32, #tpu.memory_space<vmem>>[vector<16xi32>, vector<16xi32>], vector<16xf32>,
        %mul3A_969 = arith.constant 8.000000e+00 : f32
        %mul3A_970 = vector.broadcast %mul3A_969 : f32 to vector<16xf32>
        %mul3A_971 = arith.mulf %gather3A_968, %mul3A_970 : vector<16xf32>
        tpu.vector_store_idx %arg12[%add3A_401, %add3A_963], %mul3A_971 : memref<64x256xf32, #tpu.memory_space<vmem>>[vector<16xi32>, vector<16xi32>], vector<16xf32>,
        %gather3A_972 = tpu.vector_load_idx %arg10[%add3A_963, %add3A_404] : memref<256x128xf32, #tpu.memory_space<vmem>>[vector<16xi32>, vector<16xi32>], vector<16xf32>,
        %mul3A_973 = arith.constant 8.000000e+00 : f32
        %mul3A_974 = vector.broadcast %mul3A_973 : f32 to vector<16xf32>
        %mul3A_975 = arith.mulf %gather3A_972, %mul3A_974 : vector<16xf32>
        tpu.vector_store_idx %arg12[%add3A_404, %add3A_963], %mul3A_975 : memref<64x256xf32, #tpu.memory_space<vmem>>[vector<16xi32>, vector<16xi32>], vector<16xf32>,
        %gather3A_976 = tpu.vector_load_idx %arg10[%add3A_963, %add3A_407] : memref<256x128xf32, #tpu.memory_space<vmem>>[vector<16xi32>, vector<16xi32>], vector<16xf32>,
        %mul3A_977 = arith.constant 8.000000e+00 : f32
        %mul3A_978 = vector.broadcast %mul3A_977 : f32 to vector<16xf32>
        %mul3A_979 = arith.mulf %gather3A_976, %mul3A_978 : vector<16xf32>
        tpu.vector_store_idx %arg12[%add3A_407, %add3A_963], %mul3A_979 : memref<64x256xf32, #tpu.memory_space<vmem>>[vector<16xi32>, vector<16xi32>], vector<16xf32>,
        %add3A_980 = vector.broadcast %mul3A_872 : i32 to vector<16xi32>
        %add3A_981 = arith.addi %select_n3A_170, %add3A_980 : vector<16xi32>
        %gather3A_982 = tpu.vector_load_idx %arg10[%add3A_981, %add3A_398] : memref<256x128xf32, #tpu.memory_space<vmem>>[vector<16xi32>, vector<16xi32>], vector<16xf32>,
        %mul3A_983 = arith.constant 8.000000e+00 : f32
        %mul3A_984 = vector.broadcast %mul3A_983 : f32 to vector<16xf32>
        %mul3A_985 = arith.mulf %gather3A_982, %mul3A_984 : vector<16xf32>
        tpu.vector_store_idx %arg12[%add3A_398, %add3A_981], %mul3A_985 : memref<64x256xf32, #tpu.memory_space<vmem>>[vector<16xi32>, vector<16xi32>], vector<16xf32>,
        %gather3A_986 = tpu.vector_load_idx %arg10[%add3A_981, %add3A_401] : memref<256x128xf32, #tpu.memory_space<vmem>>[vector<16xi32>, vector<16xi32>], vector<16xf32>,
        %mul3A_987 = arith.constant 8.000000e+00 : f32
        %mul3A_988 = vector.broadcast %mul3A_987 : f32 to vector<16xf32>
        %mul3A_989 = arith.mulf %gather3A_986, %mul3A_988 : vector<16xf32>
        tpu.vector_store_idx %arg12[%add3A_401, %add3A_981], %mul3A_989 : memref<64x256xf32, #tpu.memory_space<vmem>>[vector<16xi32>, vector<16xi32>], vector<16xf32>,
        %gather3A_990 = tpu.vector_load_idx %arg10[%add3A_981, %add3A_404] : memref<256x128xf32, #tpu.memory_space<vmem>>[vector<16xi32>, vector<16xi32>], vector<16xf32>,
        %mul3A_991 = arith.constant 8.000000e+00 : f32
        %mul3A_992 = vector.broadcast %mul3A_991 : f32 to vector<16xf32>
        %mul3A_993 = arith.mulf %gather3A_990, %mul3A_992 : vector<16xf32>
        tpu.vector_store_idx %arg12[%add3A_404, %add3A_981], %mul3A_993 : memref<64x256xf32, #tpu.memory_space<vmem>>[vector<16xi32>, vector<16xi32>], vector<16xf32>,
        %gather3A_994 = tpu.vector_load_idx %arg10[%add3A_981, %add3A_407] : memref<256x128xf32, #tpu.memory_space<vmem>>[vector<16xi32>, vector<16xi32>], vector<16xf32>,
        %mul3A_995 = arith.constant 8.000000e+00 : f32
        %mul3A_996 = vector.broadcast %mul3A_995 : f32 to vector<16xf32>
        %mul3A_997 = arith.mulf %gather3A_994, %mul3A_996 : vector<16xf32>
        tpu.vector_store_idx %arg12[%add3A_407, %add3A_981], %mul3A_997 : memref<64x256xf32, #tpu.memory_space<vmem>>[vector<16xi32>, vector<16xi32>], vector<16xf32>,
        %add3A_998 = vector.broadcast %mul3A_872 : i32 to vector<16xi32>
        %add3A_999 = arith.addi %select_n3A_195, %add3A_998 : vector<16xi32>
        %gather3A_1000 = tpu.vector_load_idx %arg10[%add3A_999, %add3A_398] : memref<256x128xf32, #tpu.memory_space<vmem>>[vector<16xi32>, vector<16xi32>], vector<16xf32>,
        %mul3A_1001 = arith.constant 8.000000e+00 : f32
        %mul3A_1002 = vector.broadcast %mul3A_1001 : f32 to vector<16xf32>
        %mul3A_1003 = arith.mulf %gather3A_1000, %mul3A_1002 : vector<16xf32>
        tpu.vector_store_idx %arg12[%add3A_398, %add3A_999], %mul3A_1003 : memref<64x256xf32, #tpu.memory_space<vmem>>[vector<16xi32>, vector<16xi32>], vector<16xf32>,
        %gather3A_1004 = tpu.vector_load_idx %arg10[%add3A_999, %add3A_401] : memref<256x128xf32, #tpu.memory_space<vmem>>[vector<16xi32>, vector<16xi32>], vector<16xf32>,
        %mul3A_1005 = arith.constant 8.000000e+00 : f32
        %mul3A_1006 = vector.broadcast %mul3A_1005 : f32 to vector<16xf32>
        %mul3A_1007 = arith.mulf %gather3A_1004, %mul3A_1006 : vector<16xf32>
        tpu.vector_store_idx %arg12[%add3A_401, %add3A_999], %mul3A_1007 : memref<64x256xf32, #tpu.memory_space<vmem>>[vector<16xi32>, vector<16xi32>], vector<16xf32>,
        %gather3A_1008 = tpu.vector_load_idx %arg10[%add3A_999, %add3A_404] : memref<256x128xf32, #tpu.memory_space<vmem>>[vector<16xi32>, vector<16xi32>], vector<16xf32>,
        %mul3A_1009 = arith.constant 8.000000e+00 : f32
        %mul3A_1010 = vector.broadcast %mul3A_1009 : f32 to vector<16xf32>
        %mul3A_1011 = arith.mulf %gather3A_1008, %mul3A_1010 : vector<16xf32>
        tpu.vector_store_idx %arg12[%add3A_404, %add3A_999], %mul3A_1011 : memref<64x256xf32, #tpu.memory_space<vmem>>[vector<16xi32>, vector<16xi32>], vector<16xf32>,
        %gather3A_1012 = tpu.vector_load_idx %arg10[%add3A_999, %add3A_407] : memref<256x128xf32, #tpu.memory_space<vmem>>[vector<16xi32>, vector<16xi32>], vector<16xf32>,
        %mul3A_1013 = arith.constant 8.000000e+00 : f32
        %mul3A_1014 = vector.broadcast %mul3A_1013 : f32 to vector<16xf32>
        %mul3A_1015 = arith.mulf %gather3A_1012, %mul3A_1014 : vector<16xf32>
        tpu.vector_store_idx %arg12[%add3A_407, %add3A_999], %mul3A_1015 : memref<64x256xf32, #tpu.memory_space<vmem>>[vector<16xi32>, vector<16xi32>], vector<16xf32>,
        %add3A_1016 = vector.broadcast %mul3A_872 : i32 to vector<16xi32>
        %add3A_1017 = arith.addi %select_n3A_220, %add3A_1016 : vector<16xi32>
        %gather3A_1018 = tpu.vector_load_idx %arg10[%add3A_1017, %add3A_398] : memref<256x128xf32, #tpu.memory_space<vmem>>[vector<16xi32>, vector<16xi32>], vector<16xf32>,
        %mul3A_1019 = arith.constant 8.000000e+00 : f32
        %mul3A_1020 = vector.broadcast %mul3A_1019 : f32 to vector<16xf32>
        %mul3A_1021 = arith.mulf %gather3A_1018, %mul3A_1020 : vector<16xf32>
        tpu.vector_store_idx %arg12[%add3A_398, %add3A_1017], %mul3A_1021 : memref<64x256xf32, #tpu.memory_space<vmem>>[vector<16xi32>, vector<16xi32>], vector<16xf32>,
        %gather3A_1022 = tpu.vector_load_idx %arg10[%add3A_1017, %add3A_401] : memref<256x128xf32, #tpu.memory_space<vmem>>[vector<16xi32>, vector<16xi32>], vector<16xf32>,
        %mul3A_1023 = arith.constant 8.000000e+00 : f32
        %mul3A_1024 = vector.broadcast %mul3A_1023 : f32 to vector<16xf32>
        %mul3A_1025 = arith.mulf %gather3A_1022, %mul3A_1024 : vector<16xf32>
        tpu.vector_store_idx %arg12[%add3A_401, %add3A_1017], %mul3A_1025 : memref<64x256xf32, #tpu.memory_space<vmem>>[vector<16xi32>, vector<16xi32>], vector<16xf32>,
        %gather3A_1026 = tpu.vector_load_idx %arg10[%add3A_1017, %add3A_404] : memref<256x128xf32, #tpu.memory_space<vmem>>[vector<16xi32>, vector<16xi32>], vector<16xf32>,
        %mul3A_1027 = arith.constant 8.000000e+00 : f32
        %mul3A_1028 = vector.broadcast %mul3A_1027 : f32 to vector<16xf32>
        %mul3A_1029 = arith.mulf %gather3A_1026, %mul3A_1028 : vector<16xf32>
        tpu.vector_store_idx %arg12[%add3A_404, %add3A_1017], %mul3A_1029 : memref<64x256xf32, #tpu.memory_space<vmem>>[vector<16xi32>, vector<16xi32>], vector<16xf32>,
        %gather3A_1030 = tpu.vector_load_idx %arg10[%add3A_1017, %add3A_407] : memref<256x128xf32, #tpu.memory_space<vmem>>[vector<16xi32>, vector<16xi32>], vector<16xf32>,
        %mul3A_1031 = arith.constant 8.000000e+00 : f32
        %mul3A_1032 = vector.broadcast %mul3A_1031 : f32 to vector<16xf32>
        %mul3A_1033 = arith.mulf %gather3A_1030, %mul3A_1032 : vector<16xf32>
        tpu.vector_store_idx %arg12[%add3A_407, %add3A_1017], %mul3A_1033 : memref<64x256xf32, #tpu.memory_space<vmem>>[vector<16xi32>, vector<16xi32>], vector<16xf32>,
        %add3A_1034 = vector.broadcast %mul3A_872 : i32 to vector<16xi32>
        %add3A_1035 = arith.addi %select_n3A_245, %add3A_1034 : vector<16xi32>
        %gather3A_1036 = tpu.vector_load_idx %arg10[%add3A_1035, %add3A_398] : memref<256x128xf32, #tpu.memory_space<vmem>>[vector<16xi32>, vector<16xi32>], vector<16xf32>,
        %mul3A_1037 = arith.constant 8.000000e+00 : f32
        %mul3A_1038 = vector.broadcast %mul3A_1037 : f32 to vector<16xf32>
        %mul3A_1039 = arith.mulf %gather3A_1036, %mul3A_1038 : vector<16xf32>
        tpu.vector_store_idx %arg12[%add3A_398, %add3A_1035], %mul3A_1039 : memref<64x256xf32, #tpu.memory_space<vmem>>[vector<16xi32>, vector<16xi32>], vector<16xf32>,
        %gather3A_1040 = tpu.vector_load_idx %arg10[%add3A_1035, %add3A_401] : memref<256x128xf32, #tpu.memory_space<vmem>>[vector<16xi32>, vector<16xi32>], vector<16xf32>,
        %mul3A_1041 = arith.constant 8.000000e+00 : f32
        %mul3A_1042 = vector.broadcast %mul3A_1041 : f32 to vector<16xf32>
        %mul3A_1043 = arith.mulf %gather3A_1040, %mul3A_1042 : vector<16xf32>
        tpu.vector_store_idx %arg12[%add3A_401, %add3A_1035], %mul3A_1043 : memref<64x256xf32, #tpu.memory_space<vmem>>[vector<16xi32>, vector<16xi32>], vector<16xf32>,
        %gather3A_1044 = tpu.vector_load_idx %arg10[%add3A_1035, %add3A_404] : memref<256x128xf32, #tpu.memory_space<vmem>>[vector<16xi32>, vector<16xi32>], vector<16xf32>,
        %mul3A_1045 = arith.constant 8.000000e+00 : f32
        %mul3A_1046 = vector.broadcast %mul3A_1045 : f32 to vector<16xf32>
        %mul3A_1047 = arith.mulf %gather3A_1044, %mul3A_1046 : vector<16xf32>
        tpu.vector_store_idx %arg12[%add3A_404, %add3A_1035], %mul3A_1047 : memref<64x256xf32, #tpu.memory_space<vmem>>[vector<16xi32>, vector<16xi32>], vector<16xf32>,
        %gather3A_1048 = tpu.vector_load_idx %arg10[%add3A_1035, %add3A_407] : memref<256x128xf32, #tpu.memory_space<vmem>>[vector<16xi32>, vector<16xi32>], vector<16xf32>,
        %mul3A_1049 = arith.constant 8.000000e+00 : f32
        %mul3A_1050 = vector.broadcast %mul3A_1049 : f32 to vector<16xf32>
        %mul3A_1051 = arith.mulf %gather3A_1048, %mul3A_1050 : vector<16xf32>
        tpu.vector_store_idx %arg12[%add3A_407, %add3A_1035], %mul3A_1051 : memref<64x256xf32, #tpu.memory_space<vmem>>[vector<16xi32>, vector<16xi32>], vector<16xf32>,
        %add3A_1052 = vector.broadcast %mul3A_872 : i32 to vector<16xi32>
        %add3A_1053 = arith.addi %select_n3A_270, %add3A_1052 : vector<16xi32>
        %gather3A_1054 = tpu.vector_load_idx %arg10[%add3A_1053, %add3A_398] : memref<256x128xf32, #tpu.memory_space<vmem>>[vector<16xi32>, vector<16xi32>], vector<16xf32>,
        %mul3A_1055 = arith.constant 8.000000e+00 : f32
        %mul3A_1056 = vector.broadcast %mul3A_1055 : f32 to vector<16xf32>
        %mul3A_1057 = arith.mulf %gather3A_1054, %mul3A_1056 : vector<16xf32>
        tpu.vector_store_idx %arg12[%add3A_398, %add3A_1053], %mul3A_1057 : memref<64x256xf32, #tpu.memory_space<vmem>>[vector<16xi32>, vector<16xi32>], vector<16xf32>,
        %gather3A_1058 = tpu.vector_load_idx %arg10[%add3A_1053, %add3A_401] : memref<256x128xf32, #tpu.memory_space<vmem>>[vector<16xi32>, vector<16xi32>], vector<16xf32>,
        %mul3A_1059 = arith.constant 8.000000e+00 : f32
        %mul3A_1060 = vector.broadcast %mul3A_1059 : f32 to vector<16xf32>
        %mul3A_1061 = arith.mulf %gather3A_1058, %mul3A_1060 : vector<16xf32>
        tpu.vector_store_idx %arg12[%add3A_401, %add3A_1053], %mul3A_1061 : memref<64x256xf32, #tpu.memory_space<vmem>>[vector<16xi32>, vector<16xi32>], vector<16xf32>,
        %gather3A_1062 = tpu.vector_load_idx %arg10[%add3A_1053, %add3A_404] : memref<256x128xf32, #tpu.memory_space<vmem>>[vector<16xi32>, vector<16xi32>], vector<16xf32>,
        %mul3A_1063 = arith.constant 8.000000e+00 : f32
        %mul3A_1064 = vector.broadcast %mul3A_1063 : f32 to vector<16xf32>
        %mul3A_1065 = arith.mulf %gather3A_1062, %mul3A_1064 : vector<16xf32>
        tpu.vector_store_idx %arg12[%add3A_404, %add3A_1053], %mul3A_1065 : memref<64x256xf32, #tpu.memory_space<vmem>>[vector<16xi32>, vector<16xi32>], vector<16xf32>,
        %gather3A_1066 = tpu.vector_load_idx %arg10[%add3A_1053, %add3A_407] : memref<256x128xf32, #tpu.memory_space<vmem>>[vector<16xi32>, vector<16xi32>], vector<16xf32>,
        %mul3A_1067 = arith.constant 8.000000e+00 : f32
        %mul3A_1068 = vector.broadcast %mul3A_1067 : f32 to vector<16xf32>
        %mul3A_1069 = arith.mulf %gather3A_1066, %mul3A_1068 : vector<16xf32>
        tpu.vector_store_idx %arg12[%add3A_407, %add3A_1053], %mul3A_1069 : memref<64x256xf32, #tpu.memory_space<vmem>>[vector<16xi32>, vector<16xi32>], vector<16xf32>,
        %add3A_1070 = vector.broadcast %mul3A_872 : i32 to vector<16xi32>
        %add3A_1071 = arith.addi %select_n3A_295, %add3A_1070 : vector<16xi32>
        %gather3A_1072 = tpu.vector_load_idx %arg10[%add3A_1071, %add3A_398] : memref<256x128xf32, #tpu.memory_space<vmem>>[vector<16xi32>, vector<16xi32>], vector<16xf32>,
        %mul3A_1073 = arith.constant 8.000000e+00 : f32
        %mul3A_1074 = vector.broadcast %mul3A_1073 : f32 to vector<16xf32>
        %mul3A_1075 = arith.mulf %gather3A_1072, %mul3A_1074 : vector<16xf32>
        tpu.vector_store_idx %arg12[%add3A_398, %add3A_1071], %mul3A_1075 : memref<64x256xf32, #tpu.memory_space<vmem>>[vector<16xi32>, vector<16xi32>], vector<16xf32>,
        %gather3A_1076 = tpu.vector_load_idx %arg10[%add3A_1071, %add3A_401] : memref<256x128xf32, #tpu.memory_space<vmem>>[vector<16xi32>, vector<16xi32>], vector<16xf32>,
        %mul3A_1077 = arith.constant 8.000000e+00 : f32
        %mul3A_1078 = vector.broadcast %mul3A_1077 : f32 to vector<16xf32>
        %mul3A_1079 = arith.mulf %gather3A_1076, %mul3A_1078 : vector<16xf32>
        tpu.vector_store_idx %arg12[%add3A_401, %add3A_1071], %mul3A_1079 : memref<64x256xf32, #tpu.memory_space<vmem>>[vector<16xi32>, vector<16xi32>], vector<16xf32>,
        %gather3A_1080 = tpu.vector_load_idx %arg10[%add3A_1071, %add3A_404] : memref<256x128xf32, #tpu.memory_space<vmem>>[vector<16xi32>, vector<16xi32>], vector<16xf32>,
        %mul3A_1081 = arith.constant 8.000000e+00 : f32
        %mul3A_1082 = vector.broadcast %mul3A_1081 : f32 to vector<16xf32>
        %mul3A_1083 = arith.mulf %gather3A_1080, %mul3A_1082 : vector<16xf32>
        tpu.vector_store_idx %arg12[%add3A_404, %add3A_1071], %mul3A_1083 : memref<64x256xf32, #tpu.memory_space<vmem>>[vector<16xi32>, vector<16xi32>], vector<16xf32>,
        %gather3A_1084 = tpu.vector_load_idx %arg10[%add3A_1071, %add3A_407] : memref<256x128xf32, #tpu.memory_space<vmem>>[vector<16xi32>, vector<16xi32>], vector<16xf32>,
        %mul3A_1085 = arith.constant 8.000000e+00 : f32
        %mul3A_1086 = vector.broadcast %mul3A_1085 : f32 to vector<16xf32>
        %mul3A_1087 = arith.mulf %gather3A_1084, %mul3A_1086 : vector<16xf32>
        tpu.vector_store_idx %arg12[%add3A_407, %add3A_1071], %mul3A_1087 : memref<64x256xf32, #tpu.memory_space<vmem>>[vector<16xi32>, vector<16xi32>], vector<16xf32>,
        %add3A_1088 = vector.broadcast %mul3A_872 : i32 to vector<16xi32>
        %add3A_1089 = arith.addi %select_n3A_320, %add3A_1088 : vector<16xi32>
        %gather3A_1090 = tpu.vector_load_idx %arg10[%add3A_1089, %add3A_398] : memref<256x128xf32, #tpu.memory_space<vmem>>[vector<16xi32>, vector<16xi32>], vector<16xf32>,
        %mul3A_1091 = arith.constant 8.000000e+00 : f32
        %mul3A_1092 = vector.broadcast %mul3A_1091 : f32 to vector<16xf32>
        %mul3A_1093 = arith.mulf %gather3A_1090, %mul3A_1092 : vector<16xf32>
        tpu.vector_store_idx %arg12[%add3A_398, %add3A_1089], %mul3A_1093 : memref<64x256xf32, #tpu.memory_space<vmem>>[vector<16xi32>, vector<16xi32>], vector<16xf32>,
        %gather3A_1094 = tpu.vector_load_idx %arg10[%add3A_1089, %add3A_401] : memref<256x128xf32, #tpu.memory_space<vmem>>[vector<16xi32>, vector<16xi32>], vector<16xf32>,
        %mul3A_1095 = arith.constant 8.000000e+00 : f32
        %mul3A_1096 = vector.broadcast %mul3A_1095 : f32 to vector<16xf32>
        %mul3A_1097 = arith.mulf %gather3A_1094, %mul3A_1096 : vector<16xf32>
        tpu.vector_store_idx %arg12[%add3A_401, %add3A_1089], %mul3A_1097 : memref<64x256xf32, #tpu.memory_space<vmem>>[vector<16xi32>, vector<16xi32>], vector<16xf32>,
        %gather3A_1098 = tpu.vector_load_idx %arg10[%add3A_1089, %add3A_404] : memref<256x128xf32, #tpu.memory_space<vmem>>[vector<16xi32>, vector<16xi32>], vector<16xf32>,
        %mul3A_1099 = arith.constant 8.000000e+00 : f32
        %mul3A_1100 = vector.broadcast %mul3A_1099 : f32 to vector<16xf32>
        %mul3A_1101 = arith.mulf %gather3A_1098, %mul3A_1100 : vector<16xf32>
        tpu.vector_store_idx %arg12[%add3A_404, %add3A_1089], %mul3A_1101 : memref<64x256xf32, #tpu.memory_space<vmem>>[vector<16xi32>, vector<16xi32>], vector<16xf32>,
        %gather3A_1102 = tpu.vector_load_idx %arg10[%add3A_1089, %add3A_407] : memref<256x128xf32, #tpu.memory_space<vmem>>[vector<16xi32>, vector<16xi32>], vector<16xf32>,
        %mul3A_1103 = arith.constant 8.000000e+00 : f32
        %mul3A_1104 = vector.broadcast %mul3A_1103 : f32 to vector<16xf32>
        %mul3A_1105 = arith.mulf %gather3A_1102, %mul3A_1104 : vector<16xf32>
        tpu.vector_store_idx %arg12[%add3A_407, %add3A_1089], %mul3A_1105 : memref<64x256xf32, #tpu.memory_space<vmem>>[vector<16xi32>, vector<16xi32>], vector<16xf32>,
        %add3A_1106 = vector.broadcast %mul3A_872 : i32 to vector<16xi32>
        %add3A_1107 = arith.addi %select_n3A_345, %add3A_1106 : vector<16xi32>
        %gather3A_1108 = tpu.vector_load_idx %arg10[%add3A_1107, %add3A_398] : memref<256x128xf32, #tpu.memory_space<vmem>>[vector<16xi32>, vector<16xi32>], vector<16xf32>,
        %mul3A_1109 = arith.constant 8.000000e+00 : f32
        %mul3A_1110 = vector.broadcast %mul3A_1109 : f32 to vector<16xf32>
        %mul3A_1111 = arith.mulf %gather3A_1108, %mul3A_1110 : vector<16xf32>
        tpu.vector_store_idx %arg12[%add3A_398, %add3A_1107], %mul3A_1111 : memref<64x256xf32, #tpu.memory_space<vmem>>[vector<16xi32>, vector<16xi32>], vector<16xf32>,
        %gather3A_1112 = tpu.vector_load_idx %arg10[%add3A_1107, %add3A_401] : memref<256x128xf32, #tpu.memory_space<vmem>>[vector<16xi32>, vector<16xi32>], vector<16xf32>,
        %mul3A_1113 = arith.constant 8.000000e+00 : f32
        %mul3A_1114 = vector.broadcast %mul3A_1113 : f32 to vector<16xf32>
        %mul3A_1115 = arith.mulf %gather3A_1112, %mul3A_1114 : vector<16xf32>
        tpu.vector_store_idx %arg12[%add3A_401, %add3A_1107], %mul3A_1115 : memref<64x256xf32, #tpu.memory_space<vmem>>[vector<16xi32>, vector<16xi32>], vector<16xf32>,
        %gather3A_1116 = tpu.vector_load_idx %arg10[%add3A_1107, %add3A_404] : memref<256x128xf32, #tpu.memory_space<vmem>>[vector<16xi32>, vector<16xi32>], vector<16xf32>,
        %mul3A_1117 = arith.constant 8.000000e+00 : f32
        %mul3A_1118 = vector.broadcast %mul3A_1117 : f32 to vector<16xf32>
        %mul3A_1119 = arith.mulf %gather3A_1116, %mul3A_1118 : vector<16xf32>
        tpu.vector_store_idx %arg12[%add3A_404, %add3A_1107], %mul3A_1119 : memref<64x256xf32, #tpu.memory_space<vmem>>[vector<16xi32>, vector<16xi32>], vector<16xf32>,
        %gather3A_1120 = tpu.vector_load_idx %arg10[%add3A_1107, %add3A_407] : memref<256x128xf32, #tpu.memory_space<vmem>>[vector<16xi32>, vector<16xi32>], vector<16xf32>,
        %mul3A_1121 = arith.constant 8.000000e+00 : f32
        %mul3A_1122 = vector.broadcast %mul3A_1121 : f32 to vector<16xf32>
        %mul3A_1123 = arith.mulf %gather3A_1120, %mul3A_1122 : vector<16xf32>
        tpu.vector_store_idx %arg12[%add3A_407, %add3A_1107], %mul3A_1123 : memref<64x256xf32, #tpu.memory_space<vmem>>[vector<16xi32>, vector<16xi32>], vector<16xf32>,
        %add3A_1124 = vector.broadcast %mul3A_872 : i32 to vector<16xi32>
        %add3A_1125 = arith.addi %select_n3A_370, %add3A_1124 : vector<16xi32>
        %gather3A_1126 = tpu.vector_load_idx %arg10[%add3A_1125, %add3A_398] : memref<256x128xf32, #tpu.memory_space<vmem>>[vector<16xi32>, vector<16xi32>], vector<16xf32>,
        %mul3A_1127 = arith.constant 8.000000e+00 : f32
        %mul3A_1128 = vector.broadcast %mul3A_1127 : f32 to vector<16xf32>
        %mul3A_1129 = arith.mulf %gather3A_1126, %mul3A_1128 : vector<16xf32>
        tpu.vector_store_idx %arg12[%add3A_398, %add3A_1125], %mul3A_1129 : memref<64x256xf32, #tpu.memory_space<vmem>>[vector<16xi32>, vector<16xi32>], vector<16xf32>,
        %gather3A_1130 = tpu.vector_load_idx %arg10[%add3A_1125, %add3A_401] : memref<256x128xf32, #tpu.memory_space<vmem>>[vector<16xi32>, vector<16xi32>], vector<16xf32>,
        %mul3A_1131 = arith.constant 8.000000e+00 : f32
        %mul3A_1132 = vector.broadcast %mul3A_1131 : f32 to vector<16xf32>
        %mul3A_1133 = arith.mulf %gather3A_1130, %mul3A_1132 : vector<16xf32>
        tpu.vector_store_idx %arg12[%add3A_401, %add3A_1125], %mul3A_1133 : memref<64x256xf32, #tpu.memory_space<vmem>>[vector<16xi32>, vector<16xi32>], vector<16xf32>,
        %gather3A_1134 = tpu.vector_load_idx %arg10[%add3A_1125, %add3A_404] : memref<256x128xf32, #tpu.memory_space<vmem>>[vector<16xi32>, vector<16xi32>], vector<16xf32>,
        %mul3A_1135 = arith.constant 8.000000e+00 : f32
        %mul3A_1136 = vector.broadcast %mul3A_1135 : f32 to vector<16xf32>
        %mul3A_1137 = arith.mulf %gather3A_1134, %mul3A_1136 : vector<16xf32>
        tpu.vector_store_idx %arg12[%add3A_404, %add3A_1125], %mul3A_1137 : memref<64x256xf32, #tpu.memory_space<vmem>>[vector<16xi32>, vector<16xi32>], vector<16xf32>,
        %gather3A_1138 = tpu.vector_load_idx %arg10[%add3A_1125, %add3A_407] : memref<256x128xf32, #tpu.memory_space<vmem>>[vector<16xi32>, vector<16xi32>], vector<16xf32>,
        %mul3A_1139 = arith.constant 8.000000e+00 : f32
        %mul3A_1140 = vector.broadcast %mul3A_1139 : f32 to vector<16xf32>
        %mul3A_1141 = arith.mulf %gather3A_1138, %mul3A_1140 : vector<16xf32>
        tpu.vector_store_idx %arg12[%add3A_407, %add3A_1125], %mul3A_1141 : memref<64x256xf32, #tpu.memory_space<vmem>>[vector<16xi32>, vector<16xi32>], vector<16xf32>,
        %add3A_1142 = vector.broadcast %mul3A_872 : i32 to vector<16xi32>
        %add3A_1143 = arith.addi %select_n3A_395, %add3A_1142 : vector<16xi32>
        %gather3A_1144 = tpu.vector_load_idx %arg10[%add3A_1143, %add3A_398] : memref<256x128xf32, #tpu.memory_space<vmem>>[vector<16xi32>, vector<16xi32>], vector<16xf32>,
        %mul3A_1145 = arith.constant 8.000000e+00 : f32
        %mul3A_1146 = vector.broadcast %mul3A_1145 : f32 to vector<16xf32>
        %mul3A_1147 = arith.mulf %gather3A_1144, %mul3A_1146 : vector<16xf32>
        tpu.vector_store_idx %arg12[%add3A_398, %add3A_1143], %mul3A_1147 : memref<64x256xf32, #tpu.memory_space<vmem>>[vector<16xi32>, vector<16xi32>], vector<16xf32>,
        %gather3A_1148 = tpu.vector_load_idx %arg10[%add3A_1143, %add3A_401] : memref<256x128xf32, #tpu.memory_space<vmem>>[vector<16xi32>, vector<16xi32>], vector<16xf32>,
        %mul3A_1149 = arith.constant 8.000000e+00 : f32
        %mul3A_1150 = vector.broadcast %mul3A_1149 : f32 to vector<16xf32>
        %mul3A_1151 = arith.mulf %gather3A_1148, %mul3A_1150 : vector<16xf32>
        tpu.vector_store_idx %arg12[%add3A_401, %add3A_1143], %mul3A_1151 : memref<64x256xf32, #tpu.memory_space<vmem>>[vector<16xi32>, vector<16xi32>], vector<16xf32>,
        %gather3A_1152 = tpu.vector_load_idx %arg10[%add3A_1143, %add3A_404] : memref<256x128xf32, #tpu.memory_space<vmem>>[vector<16xi32>, vector<16xi32>], vector<16xf32>,
        %mul3A_1153 = arith.constant 8.000000e+00 : f32
        %mul3A_1154 = vector.broadcast %mul3A_1153 : f32 to vector<16xf32>
        %mul3A_1155 = arith.mulf %gather3A_1152, %mul3A_1154 : vector<16xf32>
        tpu.vector_store_idx %arg12[%add3A_404, %add3A_1143], %mul3A_1155 : memref<64x256xf32, #tpu.memory_space<vmem>>[vector<16xi32>, vector<16xi32>], vector<16xf32>,
        %gather3A_1156 = tpu.vector_load_idx %arg10[%add3A_1143, %add3A_407] : memref<256x128xf32, #tpu.memory_space<vmem>>[vector<16xi32>, vector<16xi32>], vector<16xf32>,
        %mul3A_1157 = arith.constant 8.000000e+00 : f32
        %mul3A_1158 = vector.broadcast %mul3A_1157 : f32 to vector<16xf32>
        %mul3A_1159 = arith.mulf %gather3A_1156, %mul3A_1158 : vector<16xf32>
        tpu.vector_store_idx %arg12[%add3A_407, %add3A_1143], %mul3A_1159 : memref<64x256xf32, #tpu.memory_space<vmem>>[vector<16xi32>, vector<16xi32>], vector<16xf32>,
      }
      %scan3A_618 = arith.constant 16 : i32
      %jit3A_619 = arith.constant 2 : i32
      %div3A_620 = arith.divsi %add3A_591, %jit3A_619 : i32
      %sign3A_621 = arith.constant 0 : i32
      %sign3A_622 = arith.cmpi sgt, %add3A_591, %sign3A_621 : i32
      %sign3A_623 = arith.extui %sign3A_622 : i1 to i32
      %sign3A_624 = arith.constant 0 : i32
      %sign3A_625 = arith.cmpi slt, %add3A_591, %sign3A_624 : i32
      %sign3A_626 = arith.extui %sign3A_625 : i1 to i32
      %sign3A_627 = arith.subi %sign3A_623, %sign3A_626 : i32
      %sign3A_628 = arith.constant 0 : i32
      %sign3A_629 = arith.cmpi sgt, %jit3A_619, %sign3A_628 : i32
      %sign3A_630 = arith.extui %sign3A_629 : i1 to i32
      %sign3A_631 = arith.constant 0 : i32
      %sign3A_632 = arith.cmpi slt, %jit3A_619, %sign3A_631 : i32
      %sign3A_633 = arith.extui %sign3A_632 : i1 to i32
      %sign3A_634 = arith.subi %sign3A_630, %sign3A_633 : i32
      %ne3A_635 = arith.cmpi ne, %sign3A_627, %sign3A_634 : i32
      %rem3A_636 = arith.remsi %add3A_591, %jit3A_619 : i32
      %ne3A_637 = arith.constant 0 : i32
      %ne3A_638 = arith.cmpi ne, %rem3A_636, %ne3A_637 : i32
      %and3A_639 = arith.andi %ne3A_635, %ne3A_638 : i1
      %sub3A_640 = arith.constant 1 : i32
      %sub3A_641 = arith.subi %div3A_620, %sub3A_640 : i32
      %select_n3A_642 = arith.select %and3A_639, %sub3A_641, %div3A_620 : i32
      %jit3A_643 = arith.constant 2 : i32
      %eq3A_644 = arith.constant 0 : i32
      %eq3A_645 = arith.cmpi eq, %jit3A_643, %eq3A_644 : i32
      %jit3A_646 = arith.constant 1 : i32
      %select_n3A_647 = arith.select %eq3A_645, %jit3A_646, %jit3A_643 : i32
      %rem3A_648 = arith.remsi %add3A_591, %select_n3A_647 : i32
      %ne3A_649 = arith.constant 0 : i32
      %ne3A_650 = arith.cmpi ne, %rem3A_648, %ne3A_649 : i32
      %lt3A_651 = arith.constant 0 : i32
      %lt3A_652 = arith.cmpi slt, %rem3A_648, %lt3A_651 : i32
      %lt3A_653 = arith.constant 0 : i32
      %lt3A_654 = arith.cmpi slt, %select_n3A_647, %lt3A_653 : i32
      %ne3A_655 = arith.xori %lt3A_652, %lt3A_654 : i1
      %and3A_656 = arith.andi %ne3A_655, %ne3A_650 : i1
      %add3A_657 = arith.addi %rem3A_648, %select_n3A_647 : i32
      %select_n3A_658 = arith.select %and3A_656, %add3A_657, %rem3A_648 : i32
      %mul3A_659 = arith.constant 256 : i32
      %mul3A_660 = arith.muli %select_n3A_658, %mul3A_659 : i32
      %add3A_661 = arith.addi %mul3A_2, %mul3A_660 : i32
      %dma_start3A_662 = arith.constant 0 : i32
      %dma_start3A_663 = tpu.memref_slice %arg4[%select_n3A_642, %dma_start3A_662, %add3A_661] : memref<50x64x16384xf32, #tpu.memory_space<hbm>> -> memref<1x64x256xf32, #tpu.memory_space<hbm>>
      %dma_start3A_664 = tpu.memref_squeeze %dma_start3A_663 : memref<1x64x256xf32, #tpu.memory_space<hbm>> -> memref<64x256xf32, #tpu.memory_space<hbm>>
      %dma_start3A_665 = arith.constant 0 : i32
      %dma_start3A_666 = tpu.memref_slice %arg4[%select_n3A_642, %dma_start3A_665, %add3A_661] : memref<50x64x16384xf32, #tpu.memory_space<hbm>> -> memref<1x64x256xf32, #tpu.memory_space<hbm>>
      %dma_start3A_667 = tpu.memref_squeeze %dma_start3A_666 : memref<1x64x256xf32, #tpu.memory_space<hbm>> -> memref<64x256xf32, #tpu.memory_space<hbm>>
      tpu.enqueue_dma source(%arg12 : memref<64x256xf32, #tpu.memory_space<vmem>>) target(%dma_start3A_667 : memref<64x256xf32, #tpu.memory_space<hbm>>) target_semaphore(%arg14 : memref<!tpu.dma_semaphore, #tpu.memory_space<semaphore_mem>>)
      %add3A_668 = arith.constant 2 : i32
      %add3A_669 = arith.addi %add3A_591, %add3A_668 : i32
      %lt3A_670 = arith.constant 100 : i32
      %lt3A_671 = arith.cmpi slt, %add3A_669, %lt3A_670 : i32
      %convert_element_type3A_672 = arith.extui %lt3A_671 : i1 to i32
      %cond3A_673 = arith.constant 0 : i32
      %cond3A_674 = arith.cmpi ne, %convert_element_type3A_672, %cond3A_673 : i32
      scf.if %cond3A_674 {
        %add3A_870 = arith.constant 2 : i32
        %add3A_871 = arith.addi %add3A_591, %add3A_870 : i32
        %jit3A_872 = arith.constant 2 : i32
        %div3A_873 = arith.divsi %add3A_871, %jit3A_872 : i32
        %sign3A_874 = arith.constant 0 : i32
        %sign3A_875 = arith.cmpi sgt, %add3A_871, %sign3A_874 : i32
        %sign3A_876 = arith.extui %sign3A_875 : i1 to i32
        %sign3A_877 = arith.constant 0 : i32
        %sign3A_878 = arith.cmpi slt, %add3A_871, %sign3A_877 : i32
        %sign3A_879 = arith.extui %sign3A_878 : i1 to i32
        %sign3A_880 = arith.subi %sign3A_876, %sign3A_879 : i32
        %sign3A_881 = arith.constant 0 : i32
        %sign3A_882 = arith.cmpi sgt, %jit3A_872, %sign3A_881 : i32
        %sign3A_883 = arith.extui %sign3A_882 : i1 to i32
        %sign3A_884 = arith.constant 0 : i32
        %sign3A_885 = arith.cmpi slt, %jit3A_872, %sign3A_884 : i32
        %sign3A_886 = arith.extui %sign3A_885 : i1 to i32
        %sign3A_887 = arith.subi %sign3A_883, %sign3A_886 : i32
        %ne3A_888 = arith.cmpi ne, %sign3A_880, %sign3A_887 : i32
        %rem3A_889 = arith.remsi %add3A_871, %jit3A_872 : i32
        %ne3A_890 = arith.constant 0 : i32
        %ne3A_891 = arith.cmpi ne, %rem3A_889, %ne3A_890 : i32
        %and3A_892 = arith.andi %ne3A_888, %ne3A_891 : i1
        %sub3A_893 = arith.constant 1 : i32
        %sub3A_894 = arith.subi %div3A_873, %sub3A_893 : i32
        %select_n3A_895 = arith.select %and3A_892, %sub3A_894, %div3A_873 : i32
        %jit3A_896 = arith.constant 2 : i32
        %eq3A_897 = arith.constant 0 : i32
        %eq3A_898 = arith.cmpi eq, %jit3A_896, %eq3A_897 : i32
        %jit3A_899 = arith.constant 1 : i32
        %select_n3A_900 = arith.select %eq3A_898, %jit3A_899, %jit3A_896 : i32
        %rem3A_901 = arith.remsi %add3A_871, %select_n3A_900 : i32
        %ne3A_902 = arith.constant 0 : i32
        %ne3A_903 = arith.cmpi ne, %rem3A_901, %ne3A_902 : i32
        %lt3A_904 = arith.constant 0 : i32
        %lt3A_905 = arith.cmpi slt, %rem3A_901, %lt3A_904 : i32
        %lt3A_906 = arith.constant 0 : i32
        %lt3A_907 = arith.cmpi slt, %select_n3A_900, %lt3A_906 : i32
        %ne3A_908 = arith.xori %lt3A_905, %lt3A_907 : i1
        %and3A_909 = arith.andi %ne3A_908, %ne3A_903 : i1
        %add3A_910 = arith.addi %rem3A_901, %select_n3A_900 : i32
        %select_n3A_911 = arith.select %and3A_909, %add3A_910, %rem3A_901 : i32
        %mul3A_912 = arith.constant 256 : i32
        %mul3A_913 = arith.muli %select_n3A_911, %mul3A_912 : i32
        %add3A_914 = arith.addi %mul3A_2, %mul3A_913 : i32
        %dma_wait3A_915 = tpu.memref_slice %arg2[%select_n3A_895, %add3A_914] : memref<50x16384xi32, #tpu.memory_space<hbm>> -> memref<1x256xi32, #tpu.memory_space<hbm>>
        %dma_wait3A_916 = tpu.memref_squeeze %dma_wait3A_915 : memref<1x256xi32, #tpu.memory_space<hbm>> -> memref<256xi32, #tpu.memory_space<hbm>>
        %dma_wait3A_917 = tpu.memref_slice %arg2[%select_n3A_895, %add3A_914] : memref<50x16384xi32, #tpu.memory_space<hbm>> -> memref<1x256xi32, #tpu.memory_space<hbm>>
        %dma_wait3A_918 = tpu.memref_squeeze %dma_wait3A_917 : memref<1x256xi32, #tpu.memory_space<hbm>> -> memref<256xi32, #tpu.memory_space<hbm>>
        tpu.wait_dma2 semaphore(%arg15 : memref<!tpu.dma_semaphore, #tpu.memory_space<semaphore_mem>>) src(%dma_wait3A_918 : memref<256xi32, #tpu.memory_space<hbm>>) dst(%arg8 : memref<256xi32, #tpu.memory_space<vmem>>)
        %dma_start3A_919 = arith.constant 0 : i32
        %dma_start3A_920 = arith.constant 0 : i32
        %dma_start3A_921 = tpu.memref_slice %arg10[%dma_start3A_919, %dma_start3A_920] : memref<256x128xf32, #tpu.memory_space<vmem>> -> memref<128x128xf32, #tpu.memory_space<vmem>>
        %dma_start3A_922 = arith.constant 0 : i32
        %dma_start3A_923 = tpu.memref_slice %arg8[%dma_start3A_922] : memref<256xi32, #tpu.memory_space<vmem>> -> memref<128xi32, #tpu.memory_space<vmem>>
        %dma_start3A_924 = arith.constant 0 : i32
        %dma_start3A_925 = arith.constant 0 : i32
        %dma_start3A_926 = tpu.memref_slice %arg3[%dma_start3A_924, %dma_start3A_925] : memref<1000000x128xf32, #tpu.memory_space<hbm>> -> memref<1000000x128xf32, #tpu.memory_space<hbm>>
        tpu.enqueue_indirect_dma source(%dma_start3A_926 : memref<1000000x128xf32, #tpu.memory_space<hbm>>) target(%dma_start3A_921 : memref<128x128xf32, #tpu.memory_space<vmem>>) offsets(%dma_start3A_923 : memref<128xi32, #tpu.memory_space<vmem>>) semaphore(%arg13 : memref<!tpu.dma_semaphore, #tpu.memory_space<semaphore_mem>>)
        %dma_start3A_927 = arith.constant 128 : i32
        %dma_start3A_928 = arith.constant 0 : i32
        %dma_start3A_929 = tpu.memref_slice %arg10[%dma_start3A_927, %dma_start3A_928] : memref<256x128xf32, #tpu.memory_space<vmem>> -> memref<128x128xf32, #tpu.memory_space<vmem>>
        %dma_start3A_930 = arith.constant 128 : i32
        %dma_start3A_931 = tpu.memref_slice %arg8[%dma_start3A_930] : memref<256xi32, #tpu.memory_space<vmem>> -> memref<128xi32, #tpu.memory_space<vmem>>
        %dma_start3A_932 = arith.constant 0 : i32
        %dma_start3A_933 = arith.constant 0 : i32
        %dma_start3A_934 = tpu.memref_slice %arg3[%dma_start3A_932, %dma_start3A_933] : memref<1000000x128xf32, #tpu.memory_space<hbm>> -> memref<1000000x128xf32, #tpu.memory_space<hbm>>
        tpu.enqueue_indirect_dma source(%dma_start3A_934 : memref<1000000x128xf32, #tpu.memory_space<hbm>>) target(%dma_start3A_929 : memref<128x128xf32, #tpu.memory_space<vmem>>) offsets(%dma_start3A_931 : memref<128xi32, #tpu.memory_space<vmem>>) semaphore(%arg13 : memref<!tpu.dma_semaphore, #tpu.memory_space<semaphore_mem>>)
      } else {
      }
      %add3A_675 = arith.constant 4 : i32
      %add3A_676 = arith.addi %add3A_591, %add3A_675 : i32
      %lt3A_677 = arith.constant 100 : i32
      %lt3A_678 = arith.cmpi slt, %add3A_676, %lt3A_677 : i32
      %convert_element_type3A_679 = arith.extui %lt3A_678 : i1 to i32
      %cond3A_680 = arith.constant 0 : i32
      %cond3A_681 = arith.cmpi ne, %convert_element_type3A_679, %cond3A_680 : i32
      scf.if %cond3A_681 {
        %add3A_870 = arith.constant 4 : i32
        %add3A_871 = arith.addi %add3A_591, %add3A_870 : i32
        %jit3A_872 = arith.constant 2 : i32
        %div3A_873 = arith.divsi %add3A_871, %jit3A_872 : i32
        %sign3A_874 = arith.constant 0 : i32
        %sign3A_875 = arith.cmpi sgt, %add3A_871, %sign3A_874 : i32
        %sign3A_876 = arith.extui %sign3A_875 : i1 to i32
        %sign3A_877 = arith.constant 0 : i32
        %sign3A_878 = arith.cmpi slt, %add3A_871, %sign3A_877 : i32
        %sign3A_879 = arith.extui %sign3A_878 : i1 to i32
        %sign3A_880 = arith.subi %sign3A_876, %sign3A_879 : i32
        %sign3A_881 = arith.constant 0 : i32
        %sign3A_882 = arith.cmpi sgt, %jit3A_872, %sign3A_881 : i32
        %sign3A_883 = arith.extui %sign3A_882 : i1 to i32
        %sign3A_884 = arith.constant 0 : i32
        %sign3A_885 = arith.cmpi slt, %jit3A_872, %sign3A_884 : i32
        %sign3A_886 = arith.extui %sign3A_885 : i1 to i32
        %sign3A_887 = arith.subi %sign3A_883, %sign3A_886 : i32
        %ne3A_888 = arith.cmpi ne, %sign3A_880, %sign3A_887 : i32
        %rem3A_889 = arith.remsi %add3A_871, %jit3A_872 : i32
        %ne3A_890 = arith.constant 0 : i32
        %ne3A_891 = arith.cmpi ne, %rem3A_889, %ne3A_890 : i32
        %and3A_892 = arith.andi %ne3A_888, %ne3A_891 : i1
        %sub3A_893 = arith.constant 1 : i32
        %sub3A_894 = arith.subi %div3A_873, %sub3A_893 : i32
        %select_n3A_895 = arith.select %and3A_892, %sub3A_894, %div3A_873 : i32
        %jit3A_896 = arith.constant 2 : i32
        %eq3A_897 = arith.constant 0 : i32
        %eq3A_898 = arith.cmpi eq, %jit3A_896, %eq3A_897 : i32
        %jit3A_899 = arith.constant 1 : i32
        %select_n3A_900 = arith.select %eq3A_898, %jit3A_899, %jit3A_896 : i32
        %rem3A_901 = arith.remsi %add3A_871, %select_n3A_900 : i32
        %ne3A_902 = arith.constant 0 : i32
        %ne3A_903 = arith.cmpi ne, %rem3A_901, %ne3A_902 : i32
        %lt3A_904 = arith.constant 0 : i32
        %lt3A_905 = arith.cmpi slt, %rem3A_901, %lt3A_904 : i32
        %lt3A_906 = arith.constant 0 : i32
        %lt3A_907 = arith.cmpi slt, %select_n3A_900, %lt3A_906 : i32
        %ne3A_908 = arith.xori %lt3A_905, %lt3A_907 : i1
        %and3A_909 = arith.andi %ne3A_908, %ne3A_903 : i1
        %add3A_910 = arith.addi %rem3A_901, %select_n3A_900 : i32
        %select_n3A_911 = arith.select %and3A_909, %add3A_910, %rem3A_901 : i32
        %mul3A_912 = arith.constant 256 : i32
        %mul3A_913 = arith.muli %select_n3A_911, %mul3A_912 : i32
        %add3A_914 = arith.addi %mul3A_2, %mul3A_913 : i32
        %dma_start3A_915 = tpu.memref_slice %arg2[%select_n3A_895, %add3A_914] : memref<50x16384xi32, #tpu.memory_space<hbm>> -> memref<1x256xi32, #tpu.memory_space<hbm>>
        %dma_start3A_916 = tpu.memref_squeeze %dma_start3A_915 : memref<1x256xi32, #tpu.memory_space<hbm>> -> memref<256xi32, #tpu.memory_space<hbm>>
        %dma_start3A_917 = tpu.memref_slice %arg2[%select_n3A_895, %add3A_914] : memref<50x16384xi32, #tpu.memory_space<hbm>> -> memref<1x256xi32, #tpu.memory_space<hbm>>
        %dma_start3A_918 = tpu.memref_squeeze %dma_start3A_917 : memref<1x256xi32, #tpu.memory_space<hbm>> -> memref<256xi32, #tpu.memory_space<hbm>>
        tpu.enqueue_dma source(%dma_start3A_918 : memref<256xi32, #tpu.memory_space<hbm>>) target(%arg6 : memref<256xi32, #tpu.memory_space<vmem>>) target_semaphore(%arg15 : memref<!tpu.dma_semaphore, #tpu.memory_space<semaphore_mem>>)
      } else {
      }
      %mul3A_682 = arith.constant 4 : i32
      %mul3A_683 = arith.muli %scan3A_499, %mul3A_682 : i32
      %add3A_684 = arith.constant 2 : i32
      %add3A_685 = arith.addi %mul3A_683, %add3A_684 : i32
      %dma_wait3A_686 = arith.constant 0 : i32
      %dma_wait3A_687 = arith.constant 0 : i32
      %dma_wait3A_688 = tpu.memref_slice %arg9[%dma_wait3A_686, %dma_wait3A_687] : memref<256x128xf32, #tpu.memory_space<vmem>> -> memref<128x128xf32, #tpu.memory_space<vmem>>
      %dma_wait3A_689 = arith.constant 0 : i32
      %dma_wait3A_690 = tpu.memref_slice %arg7[%dma_wait3A_689] : memref<256xi32, #tpu.memory_space<vmem>> -> memref<128xi32, #tpu.memory_space<vmem>>
      %dma_wait3A_691 = arith.constant 0 : i32
      %dma_wait3A_692 = arith.constant 0 : i32
      %dma_wait3A_693 = tpu.memref_slice %arg3[%dma_wait3A_691, %dma_wait3A_692] : memref<1000000x128xf32, #tpu.memory_space<hbm>> -> memref<1000000x128xf32, #tpu.memory_space<hbm>>
      tpu.wait_indirect_dma semaphore(%arg13 : memref<!tpu.dma_semaphore, #tpu.memory_space<semaphore_mem>>) src(%dma_wait3A_693 : memref<1000000x128xf32, #tpu.memory_space<hbm>>) dst(%dma_wait3A_688 : memref<128x128xf32, #tpu.memory_space<vmem>>)
      %dma_wait3A_694 = arith.constant 128 : i32
      %dma_wait3A_695 = arith.constant 0 : i32
      %dma_wait3A_696 = tpu.memref_slice %arg9[%dma_wait3A_694, %dma_wait3A_695] : memref<256x128xf32, #tpu.memory_space<vmem>> -> memref<128x128xf32, #tpu.memory_space<vmem>>
      %dma_wait3A_697 = arith.constant 128 : i32
      %dma_wait3A_698 = tpu.memref_slice %arg7[%dma_wait3A_697] : memref<256xi32, #tpu.memory_space<vmem>> -> memref<128xi32, #tpu.memory_space<vmem>>
      %dma_wait3A_699 = arith.constant 0 : i32
      %dma_wait3A_700 = arith.constant 0 : i32
      %dma_wait3A_701 = tpu.memref_slice %arg3[%dma_wait3A_699, %dma_wait3A_700] : memref<1000000x128xf32, #tpu.memory_space<hbm>> -> memref<1000000x128xf32, #tpu.memory_space<hbm>>
      tpu.wait_indirect_dma semaphore(%arg13 : memref<!tpu.dma_semaphore, #tpu.memory_space<semaphore_mem>>) src(%dma_wait3A_701 : memref<1000000x128xf32, #tpu.memory_space<hbm>>) dst(%dma_wait3A_696 : memref<128x128xf32, #tpu.memory_space<vmem>>)
      %ge3A_702 = arith.constant 2 : i32
      %ge3A_703 = arith.cmpi sge, %add3A_685, %ge3A_702 : i32
      %convert_element_type3A_704 = arith.extui %ge3A_703 : i1 to i32
      %cond3A_705 = arith.constant 0 : i32
      %cond3A_706 = arith.cmpi ne, %convert_element_type3A_704, %cond3A_705 : i32
      scf.if %cond3A_706 {
        %dma_wait3A_870 = arith.constant 0 : i32
        %dma_wait3A_871 = arith.constant 0 : i32
        %dma_wait3A_872 = tpu.memref_slice %arg4[%dma_wait3A_870, %dma_wait3A_871, %mul3A_2] : memref<50x64x16384xf32, #tpu.memory_space<hbm>> -> memref<1x64x256xf32, #tpu.memory_space<hbm>>
        %dma_wait3A_873 = tpu.memref_squeeze %dma_wait3A_872 : memref<1x64x256xf32, #tpu.memory_space<hbm>> -> memref<64x256xf32, #tpu.memory_space<hbm>>
        %dma_wait3A_874 = arith.constant 0 : i32
        %dma_wait3A_875 = tpu.memref_slice %arg4[%dma_wait3A_870, %dma_wait3A_874, %mul3A_2] : memref<50x64x16384xf32, #tpu.memory_space<hbm>> -> memref<1x64x256xf32, #tpu.memory_space<hbm>>
        %dma_wait3A_876 = tpu.memref_squeeze %dma_wait3A_875 : memref<1x64x256xf32, #tpu.memory_space<hbm>> -> memref<64x256xf32, #tpu.memory_space<hbm>>
        tpu.wait_dma2 semaphore(%arg14 : memref<!tpu.dma_semaphore, #tpu.memory_space<semaphore_mem>>) src(%arg11 : memref<64x256xf32, #tpu.memory_space<vmem>>) dst(%dma_wait3A_876 : memref<64x256xf32, #tpu.memory_space<hbm>>)
      } else {
      }
      %scan3A_707 = arith.constant 0 : i32
      %scan3A_708 = arith.constant 0 : i32
      %scan3A_709 = arith.constant 16 : i32
      %scan3A_710 = arith.addi %scan3A_708, %scan3A_709 : i32
      %scan3A_711 = arith.constant 1 : i32
      scf.for %scan3A_870 = %scan3A_708 to %scan3A_710 step %scan3A_711  : i32 {
        %mul3A_871 = arith.constant 16 : i32
        %mul3A_872 = arith.muli %scan3A_870, %mul3A_871 : i32
        %add3A_873 = vector.broadcast %mul3A_872 : i32 to vector<16xi32>
        %add3A_874 = arith.addi %select_n3A_20, %add3A_873 : vector<16xi32>
        %gather3A = tpu.vector_load_idx %arg9[%add3A_874, %add3A_398] : memref<256x128xf32, #tpu.memory_space<vmem>>[vector<16xi32>, vector<16xi32>], vector<16xf32>,
        %mul3A_875 = arith.constant 8.000000e+00 : f32
        %mul3A_876 = vector.broadcast %mul3A_875 : f32 to vector<16xf32>
        %mul3A_877 = arith.mulf %gather3A, %mul3A_876 : vector<16xf32>
        tpu.vector_store_idx %arg11[%add3A_398, %add3A_874], %mul3A_877 : memref<64x256xf32, #tpu.memory_space<vmem>>[vector<16xi32>, vector<16xi32>], vector<16xf32>,
        %gather3A_878 = tpu.vector_load_idx %arg9[%add3A_874, %add3A_401] : memref<256x128xf32, #tpu.memory_space<vmem>>[vector<16xi32>, vector<16xi32>], vector<16xf32>,
        %mul3A_879 = arith.constant 8.000000e+00 : f32
        %mul3A_880 = vector.broadcast %mul3A_879 : f32 to vector<16xf32>
        %mul3A_881 = arith.mulf %gather3A_878, %mul3A_880 : vector<16xf32>
        tpu.vector_store_idx %arg11[%add3A_401, %add3A_874], %mul3A_881 : memref<64x256xf32, #tpu.memory_space<vmem>>[vector<16xi32>, vector<16xi32>], vector<16xf32>,
        %gather3A_882 = tpu.vector_load_idx %arg9[%add3A_874, %add3A_404] : memref<256x128xf32, #tpu.memory_space<vmem>>[vector<16xi32>, vector<16xi32>], vector<16xf32>,
        %mul3A_883 = arith.constant 8.000000e+00 : f32
        %mul3A_884 = vector.broadcast %mul3A_883 : f32 to vector<16xf32>
        %mul3A_885 = arith.mulf %gather3A_882, %mul3A_884 : vector<16xf32>
        tpu.vector_store_idx %arg11[%add3A_404, %add3A_874], %mul3A_885 : memref<64x256xf32, #tpu.memory_space<vmem>>[vector<16xi32>, vector<16xi32>], vector<16xf32>,
        %gather3A_886 = tpu.vector_load_idx %arg9[%add3A_874, %add3A_407] : memref<256x128xf32, #tpu.memory_space<vmem>>[vector<16xi32>, vector<16xi32>], vector<16xf32>,
        %mul3A_887 = arith.constant 8.000000e+00 : f32
        %mul3A_888 = vector.broadcast %mul3A_887 : f32 to vector<16xf32>
        %mul3A_889 = arith.mulf %gather3A_886, %mul3A_888 : vector<16xf32>
        tpu.vector_store_idx %arg11[%add3A_407, %add3A_874], %mul3A_889 : memref<64x256xf32, #tpu.memory_space<vmem>>[vector<16xi32>, vector<16xi32>], vector<16xf32>,
        %add3A_890 = vector.broadcast %mul3A_872 : i32 to vector<16xi32>
        %add3A_891 = arith.addi %select_n3A_45, %add3A_890 : vector<16xi32>
        %gather3A_892 = tpu.vector_load_idx %arg9[%add3A_891, %add3A_398] : memref<256x128xf32, #tpu.memory_space<vmem>>[vector<16xi32>, vector<16xi32>], vector<16xf32>,
        %mul3A_893 = arith.constant 8.000000e+00 : f32
        %mul3A_894 = vector.broadcast %mul3A_893 : f32 to vector<16xf32>
        %mul3A_895 = arith.mulf %gather3A_892, %mul3A_894 : vector<16xf32>
        tpu.vector_store_idx %arg11[%add3A_398, %add3A_891], %mul3A_895 : memref<64x256xf32, #tpu.memory_space<vmem>>[vector<16xi32>, vector<16xi32>], vector<16xf32>,
        %gather3A_896 = tpu.vector_load_idx %arg9[%add3A_891, %add3A_401] : memref<256x128xf32, #tpu.memory_space<vmem>>[vector<16xi32>, vector<16xi32>], vector<16xf32>,
        %mul3A_897 = arith.constant 8.000000e+00 : f32
        %mul3A_898 = vector.broadcast %mul3A_897 : f32 to vector<16xf32>
        %mul3A_899 = arith.mulf %gather3A_896, %mul3A_898 : vector<16xf32>
        tpu.vector_store_idx %arg11[%add3A_401, %add3A_891], %mul3A_899 : memref<64x256xf32, #tpu.memory_space<vmem>>[vector<16xi32>, vector<16xi32>], vector<16xf32>,
        %gather3A_900 = tpu.vector_load_idx %arg9[%add3A_891, %add3A_404] : memref<256x128xf32, #tpu.memory_space<vmem>>[vector<16xi32>, vector<16xi32>], vector<16xf32>,
        %mul3A_901 = arith.constant 8.000000e+00 : f32
        %mul3A_902 = vector.broadcast %mul3A_901 : f32 to vector<16xf32>
        %mul3A_903 = arith.mulf %gather3A_900, %mul3A_902 : vector<16xf32>
        tpu.vector_store_idx %arg11[%add3A_404, %add3A_891], %mul3A_903 : memref<64x256xf32, #tpu.memory_space<vmem>>[vector<16xi32>, vector<16xi32>], vector<16xf32>,
        %gather3A_904 = tpu.vector_load_idx %arg9[%add3A_891, %add3A_407] : memref<256x128xf32, #tpu.memory_space<vmem>>[vector<16xi32>, vector<16xi32>], vector<16xf32>,
        %mul3A_905 = arith.constant 8.000000e+00 : f32
        %mul3A_906 = vector.broadcast %mul3A_905 : f32 to vector<16xf32>
        %mul3A_907 = arith.mulf %gather3A_904, %mul3A_906 : vector<16xf32>
        tpu.vector_store_idx %arg11[%add3A_407, %add3A_891], %mul3A_907 : memref<64x256xf32, #tpu.memory_space<vmem>>[vector<16xi32>, vector<16xi32>], vector<16xf32>,
        %add3A_908 = vector.broadcast %mul3A_872 : i32 to vector<16xi32>
        %add3A_909 = arith.addi %select_n3A_70, %add3A_908 : vector<16xi32>
        %gather3A_910 = tpu.vector_load_idx %arg9[%add3A_909, %add3A_398] : memref<256x128xf32, #tpu.memory_space<vmem>>[vector<16xi32>, vector<16xi32>], vector<16xf32>,
        %mul3A_911 = arith.constant 8.000000e+00 : f32
        %mul3A_912 = vector.broadcast %mul3A_911 : f32 to vector<16xf32>
        %mul3A_913 = arith.mulf %gather3A_910, %mul3A_912 : vector<16xf32>
        tpu.vector_store_idx %arg11[%add3A_398, %add3A_909], %mul3A_913 : memref<64x256xf32, #tpu.memory_space<vmem>>[vector<16xi32>, vector<16xi32>], vector<16xf32>,
        %gather3A_914 = tpu.vector_load_idx %arg9[%add3A_909, %add3A_401] : memref<256x128xf32, #tpu.memory_space<vmem>>[vector<16xi32>, vector<16xi32>], vector<16xf32>,
        %mul3A_915 = arith.constant 8.000000e+00 : f32
        %mul3A_916 = vector.broadcast %mul3A_915 : f32 to vector<16xf32>
        %mul3A_917 = arith.mulf %gather3A_914, %mul3A_916 : vector<16xf32>
        tpu.vector_store_idx %arg11[%add3A_401, %add3A_909], %mul3A_917 : memref<64x256xf32, #tpu.memory_space<vmem>>[vector<16xi32>, vector<16xi32>], vector<16xf32>,
        %gather3A_918 = tpu.vector_load_idx %arg9[%add3A_909, %add3A_404] : memref<256x128xf32, #tpu.memory_space<vmem>>[vector<16xi32>, vector<16xi32>], vector<16xf32>,
        %mul3A_919 = arith.constant 8.000000e+00 : f32
        %mul3A_920 = vector.broadcast %mul3A_919 : f32 to vector<16xf32>
        %mul3A_921 = arith.mulf %gather3A_918, %mul3A_920 : vector<16xf32>
        tpu.vector_store_idx %arg11[%add3A_404, %add3A_909], %mul3A_921 : memref<64x256xf32, #tpu.memory_space<vmem>>[vector<16xi32>, vector<16xi32>], vector<16xf32>,
        %gather3A_922 = tpu.vector_load_idx %arg9[%add3A_909, %add3A_407] : memref<256x128xf32, #tpu.memory_space<vmem>>[vector<16xi32>, vector<16xi32>], vector<16xf32>,
        %mul3A_923 = arith.constant 8.000000e+00 : f32
        %mul3A_924 = vector.broadcast %mul3A_923 : f32 to vector<16xf32>
        %mul3A_925 = arith.mulf %gather3A_922, %mul3A_924 : vector<16xf32>
        tpu.vector_store_idx %arg11[%add3A_407, %add3A_909], %mul3A_925 : memref<64x256xf32, #tpu.memory_space<vmem>>[vector<16xi32>, vector<16xi32>], vector<16xf32>,
        %add3A_926 = vector.broadcast %mul3A_872 : i32 to vector<16xi32>
        %add3A_927 = arith.addi %select_n3A_95, %add3A_926 : vector<16xi32>
        %gather3A_928 = tpu.vector_load_idx %arg9[%add3A_927, %add3A_398] : memref<256x128xf32, #tpu.memory_space<vmem>>[vector<16xi32>, vector<16xi32>], vector<16xf32>,
        %mul3A_929 = arith.constant 8.000000e+00 : f32
        %mul3A_930 = vector.broadcast %mul3A_929 : f32 to vector<16xf32>
        %mul3A_931 = arith.mulf %gather3A_928, %mul3A_930 : vector<16xf32>
        tpu.vector_store_idx %arg11[%add3A_398, %add3A_927], %mul3A_931 : memref<64x256xf32, #tpu.memory_space<vmem>>[vector<16xi32>, vector<16xi32>], vector<16xf32>,
        %gather3A_932 = tpu.vector_load_idx %arg9[%add3A_927, %add3A_401] : memref<256x128xf32, #tpu.memory_space<vmem>>[vector<16xi32>, vector<16xi32>], vector<16xf32>,
        %mul3A_933 = arith.constant 8.000000e+00 : f32
        %mul3A_934 = vector.broadcast %mul3A_933 : f32 to vector<16xf32>
        %mul3A_935 = arith.mulf %gather3A_932, %mul3A_934 : vector<16xf32>
        tpu.vector_store_idx %arg11[%add3A_401, %add3A_927], %mul3A_935 : memref<64x256xf32, #tpu.memory_space<vmem>>[vector<16xi32>, vector<16xi32>], vector<16xf32>,
        %gather3A_936 = tpu.vector_load_idx %arg9[%add3A_927, %add3A_404] : memref<256x128xf32, #tpu.memory_space<vmem>>[vector<16xi32>, vector<16xi32>], vector<16xf32>,
        %mul3A_937 = arith.constant 8.000000e+00 : f32
        %mul3A_938 = vector.broadcast %mul3A_937 : f32 to vector<16xf32>
        %mul3A_939 = arith.mulf %gather3A_936, %mul3A_938 : vector<16xf32>
        tpu.vector_store_idx %arg11[%add3A_404, %add3A_927], %mul3A_939 : memref<64x256xf32, #tpu.memory_space<vmem>>[vector<16xi32>, vector<16xi32>], vector<16xf32>,
        %gather3A_940 = tpu.vector_load_idx %arg9[%add3A_927, %add3A_407] : memref<256x128xf32, #tpu.memory_space<vmem>>[vector<16xi32>, vector<16xi32>], vector<16xf32>,
        %mul3A_941 = arith.constant 8.000000e+00 : f32
        %mul3A_942 = vector.broadcast %mul3A_941 : f32 to vector<16xf32>
        %mul3A_943 = arith.mulf %gather3A_940, %mul3A_942 : vector<16xf32>
        tpu.vector_store_idx %arg11[%add3A_407, %add3A_927], %mul3A_943 : memref<64x256xf32, #tpu.memory_space<vmem>>[vector<16xi32>, vector<16xi32>], vector<16xf32>,
        %add3A_944 = vector.broadcast %mul3A_872 : i32 to vector<16xi32>
        %add3A_945 = arith.addi %select_n3A_120, %add3A_944 : vector<16xi32>
        %gather3A_946 = tpu.vector_load_idx %arg9[%add3A_945, %add3A_398] : memref<256x128xf32, #tpu.memory_space<vmem>>[vector<16xi32>, vector<16xi32>], vector<16xf32>,
        %mul3A_947 = arith.constant 8.000000e+00 : f32
        %mul3A_948 = vector.broadcast %mul3A_947 : f32 to vector<16xf32>
        %mul3A_949 = arith.mulf %gather3A_946, %mul3A_948 : vector<16xf32>
        tpu.vector_store_idx %arg11[%add3A_398, %add3A_945], %mul3A_949 : memref<64x256xf32, #tpu.memory_space<vmem>>[vector<16xi32>, vector<16xi32>], vector<16xf32>,
        %gather3A_950 = tpu.vector_load_idx %arg9[%add3A_945, %add3A_401] : memref<256x128xf32, #tpu.memory_space<vmem>>[vector<16xi32>, vector<16xi32>], vector<16xf32>,
        %mul3A_951 = arith.constant 8.000000e+00 : f32
        %mul3A_952 = vector.broadcast %mul3A_951 : f32 to vector<16xf32>
        %mul3A_953 = arith.mulf %gather3A_950, %mul3A_952 : vector<16xf32>
        tpu.vector_store_idx %arg11[%add3A_401, %add3A_945], %mul3A_953 : memref<64x256xf32, #tpu.memory_space<vmem>>[vector<16xi32>, vector<16xi32>], vector<16xf32>,
        %gather3A_954 = tpu.vector_load_idx %arg9[%add3A_945, %add3A_404] : memref<256x128xf32, #tpu.memory_space<vmem>>[vector<16xi32>, vector<16xi32>], vector<16xf32>,
        %mul3A_955 = arith.constant 8.000000e+00 : f32
        %mul3A_956 = vector.broadcast %mul3A_955 : f32 to vector<16xf32>
        %mul3A_957 = arith.mulf %gather3A_954, %mul3A_956 : vector<16xf32>
        tpu.vector_store_idx %arg11[%add3A_404, %add3A_945], %mul3A_957 : memref<64x256xf32, #tpu.memory_space<vmem>>[vector<16xi32>, vector<16xi32>], vector<16xf32>,
        %gather3A_958 = tpu.vector_load_idx %arg9[%add3A_945, %add3A_407] : memref<256x128xf32, #tpu.memory_space<vmem>>[vector<16xi32>, vector<16xi32>], vector<16xf32>,
        %mul3A_959 = arith.constant 8.000000e+00 : f32
        %mul3A_960 = vector.broadcast %mul3A_959 : f32 to vector<16xf32>
        %mul3A_961 = arith.mulf %gather3A_958, %mul3A_960 : vector<16xf32>
        tpu.vector_store_idx %arg11[%add3A_407, %add3A_945], %mul3A_961 : memref<64x256xf32, #tpu.memory_space<vmem>>[vector<16xi32>, vector<16xi32>], vector<16xf32>,
        %add3A_962 = vector.broadcast %mul3A_872 : i32 to vector<16xi32>
        %add3A_963 = arith.addi %select_n3A_145, %add3A_962 : vector<16xi32>
        %gather3A_964 = tpu.vector_load_idx %arg9[%add3A_963, %add3A_398] : memref<256x128xf32, #tpu.memory_space<vmem>>[vector<16xi32>, vector<16xi32>], vector<16xf32>,
        %mul3A_965 = arith.constant 8.000000e+00 : f32
        %mul3A_966 = vector.broadcast %mul3A_965 : f32 to vector<16xf32>
        %mul3A_967 = arith.mulf %gather3A_964, %mul3A_966 : vector<16xf32>
        tpu.vector_store_idx %arg11[%add3A_398, %add3A_963], %mul3A_967 : memref<64x256xf32, #tpu.memory_space<vmem>>[vector<16xi32>, vector<16xi32>], vector<16xf32>,
        %gather3A_968 = tpu.vector_load_idx %arg9[%add3A_963, %add3A_401] : memref<256x128xf32, #tpu.memory_space<vmem>>[vector<16xi32>, vector<16xi32>], vector<16xf32>,
        %mul3A_969 = arith.constant 8.000000e+00 : f32
        %mul3A_970 = vector.broadcast %mul3A_969 : f32 to vector<16xf32>
        %mul3A_971 = arith.mulf %gather3A_968, %mul3A_970 : vector<16xf32>
        tpu.vector_store_idx %arg11[%add3A_401, %add3A_963], %mul3A_971 : memref<64x256xf32, #tpu.memory_space<vmem>>[vector<16xi32>, vector<16xi32>], vector<16xf32>,
        %gather3A_972 = tpu.vector_load_idx %arg9[%add3A_963, %add3A_404] : memref<256x128xf32, #tpu.memory_space<vmem>>[vector<16xi32>, vector<16xi32>], vector<16xf32>,
        %mul3A_973 = arith.constant 8.000000e+00 : f32
        %mul3A_974 = vector.broadcast %mul3A_973 : f32 to vector<16xf32>
        %mul3A_975 = arith.mulf %gather3A_972, %mul3A_974 : vector<16xf32>
        tpu.vector_store_idx %arg11[%add3A_404, %add3A_963], %mul3A_975 : memref<64x256xf32, #tpu.memory_space<vmem>>[vector<16xi32>, vector<16xi32>], vector<16xf32>,
        %gather3A_976 = tpu.vector_load_idx %arg9[%add3A_963, %add3A_407] : memref<256x128xf32, #tpu.memory_space<vmem>>[vector<16xi32>, vector<16xi32>], vector<16xf32>,
        %mul3A_977 = arith.constant 8.000000e+00 : f32
        %mul3A_978 = vector.broadcast %mul3A_977 : f32 to vector<16xf32>
        %mul3A_979 = arith.mulf %gather3A_976, %mul3A_978 : vector<16xf32>
        tpu.vector_store_idx %arg11[%add3A_407, %add3A_963], %mul3A_979 : memref<64x256xf32, #tpu.memory_space<vmem>>[vector<16xi32>, vector<16xi32>], vector<16xf32>,
        %add3A_980 = vector.broadcast %mul3A_872 : i32 to vector<16xi32>
        %add3A_981 = arith.addi %select_n3A_170, %add3A_980 : vector<16xi32>
        %gather3A_982 = tpu.vector_load_idx %arg9[%add3A_981, %add3A_398] : memref<256x128xf32, #tpu.memory_space<vmem>>[vector<16xi32>, vector<16xi32>], vector<16xf32>,
        %mul3A_983 = arith.constant 8.000000e+00 : f32
        %mul3A_984 = vector.broadcast %mul3A_983 : f32 to vector<16xf32>
        %mul3A_985 = arith.mulf %gather3A_982, %mul3A_984 : vector<16xf32>
        tpu.vector_store_idx %arg11[%add3A_398, %add3A_981], %mul3A_985 : memref<64x256xf32, #tpu.memory_space<vmem>>[vector<16xi32>, vector<16xi32>], vector<16xf32>,
        %gather3A_986 = tpu.vector_load_idx %arg9[%add3A_981, %add3A_401] : memref<256x128xf32, #tpu.memory_space<vmem>>[vector<16xi32>, vector<16xi32>], vector<16xf32>,
        %mul3A_987 = arith.constant 8.000000e+00 : f32
        %mul3A_988 = vector.broadcast %mul3A_987 : f32 to vector<16xf32>
        %mul3A_989 = arith.mulf %gather3A_986, %mul3A_988 : vector<16xf32>
        tpu.vector_store_idx %arg11[%add3A_401, %add3A_981], %mul3A_989 : memref<64x256xf32, #tpu.memory_space<vmem>>[vector<16xi32>, vector<16xi32>], vector<16xf32>,
        %gather3A_990 = tpu.vector_load_idx %arg9[%add3A_981, %add3A_404] : memref<256x128xf32, #tpu.memory_space<vmem>>[vector<16xi32>, vector<16xi32>], vector<16xf32>,
        %mul3A_991 = arith.constant 8.000000e+00 : f32
        %mul3A_992 = vector.broadcast %mul3A_991 : f32 to vector<16xf32>
        %mul3A_993 = arith.mulf %gather3A_990, %mul3A_992 : vector<16xf32>
        tpu.vector_store_idx %arg11[%add3A_404, %add3A_981], %mul3A_993 : memref<64x256xf32, #tpu.memory_space<vmem>>[vector<16xi32>, vector<16xi32>], vector<16xf32>,
        %gather3A_994 = tpu.vector_load_idx %arg9[%add3A_981, %add3A_407] : memref<256x128xf32, #tpu.memory_space<vmem>>[vector<16xi32>, vector<16xi32>], vector<16xf32>,
        %mul3A_995 = arith.constant 8.000000e+00 : f32
        %mul3A_996 = vector.broadcast %mul3A_995 : f32 to vector<16xf32>
        %mul3A_997 = arith.mulf %gather3A_994, %mul3A_996 : vector<16xf32>
        tpu.vector_store_idx %arg11[%add3A_407, %add3A_981], %mul3A_997 : memref<64x256xf32, #tpu.memory_space<vmem>>[vector<16xi32>, vector<16xi32>], vector<16xf32>,
        %add3A_998 = vector.broadcast %mul3A_872 : i32 to vector<16xi32>
        %add3A_999 = arith.addi %select_n3A_195, %add3A_998 : vector<16xi32>
        %gather3A_1000 = tpu.vector_load_idx %arg9[%add3A_999, %add3A_398] : memref<256x128xf32, #tpu.memory_space<vmem>>[vector<16xi32>, vector<16xi32>], vector<16xf32>,
        %mul3A_1001 = arith.constant 8.000000e+00 : f32
        %mul3A_1002 = vector.broadcast %mul3A_1001 : f32 to vector<16xf32>
        %mul3A_1003 = arith.mulf %gather3A_1000, %mul3A_1002 : vector<16xf32>
        tpu.vector_store_idx %arg11[%add3A_398, %add3A_999], %mul3A_1003 : memref<64x256xf32, #tpu.memory_space<vmem>>[vector<16xi32>, vector<16xi32>], vector<16xf32>,
        %gather3A_1004 = tpu.vector_load_idx %arg9[%add3A_999, %add3A_401] : memref<256x128xf32, #tpu.memory_space<vmem>>[vector<16xi32>, vector<16xi32>], vector<16xf32>,
        %mul3A_1005 = arith.constant 8.000000e+00 : f32
        %mul3A_1006 = vector.broadcast %mul3A_1005 : f32 to vector<16xf32>
        %mul3A_1007 = arith.mulf %gather3A_1004, %mul3A_1006 : vector<16xf32>
        tpu.vector_store_idx %arg11[%add3A_401, %add3A_999], %mul3A_1007 : memref<64x256xf32, #tpu.memory_space<vmem>>[vector<16xi32>, vector<16xi32>], vector<16xf32>,
        %gather3A_1008 = tpu.vector_load_idx %arg9[%add3A_999, %add3A_404] : memref<256x128xf32, #tpu.memory_space<vmem>>[vector<16xi32>, vector<16xi32>], vector<16xf32>,
        %mul3A_1009 = arith.constant 8.000000e+00 : f32
        %mul3A_1010 = vector.broadcast %mul3A_1009 : f32 to vector<16xf32>
        %mul3A_1011 = arith.mulf %gather3A_1008, %mul3A_1010 : vector<16xf32>
        tpu.vector_store_idx %arg11[%add3A_404, %add3A_999], %mul3A_1011 : memref<64x256xf32, #tpu.memory_space<vmem>>[vector<16xi32>, vector<16xi32>], vector<16xf32>,
        %gather3A_1012 = tpu.vector_load_idx %arg9[%add3A_999, %add3A_407] : memref<256x128xf32, #tpu.memory_space<vmem>>[vector<16xi32>, vector<16xi32>], vector<16xf32>,
        %mul3A_1013 = arith.constant 8.000000e+00 : f32
        %mul3A_1014 = vector.broadcast %mul3A_1013 : f32 to vector<16xf32>
        %mul3A_1015 = arith.mulf %gather3A_1012, %mul3A_1014 : vector<16xf32>
        tpu.vector_store_idx %arg11[%add3A_407, %add3A_999], %mul3A_1015 : memref<64x256xf32, #tpu.memory_space<vmem>>[vector<16xi32>, vector<16xi32>], vector<16xf32>,
        %add3A_1016 = vector.broadcast %mul3A_872 : i32 to vector<16xi32>
        %add3A_1017 = arith.addi %select_n3A_220, %add3A_1016 : vector<16xi32>
        %gather3A_1018 = tpu.vector_load_idx %arg9[%add3A_1017, %add3A_398] : memref<256x128xf32, #tpu.memory_space<vmem>>[vector<16xi32>, vector<16xi32>], vector<16xf32>,
        %mul3A_1019 = arith.constant 8.000000e+00 : f32
        %mul3A_1020 = vector.broadcast %mul3A_1019 : f32 to vector<16xf32>
        %mul3A_1021 = arith.mulf %gather3A_1018, %mul3A_1020 : vector<16xf32>
        tpu.vector_store_idx %arg11[%add3A_398, %add3A_1017], %mul3A_1021 : memref<64x256xf32, #tpu.memory_space<vmem>>[vector<16xi32>, vector<16xi32>], vector<16xf32>,
        %gather3A_1022 = tpu.vector_load_idx %arg9[%add3A_1017, %add3A_401] : memref<256x128xf32, #tpu.memory_space<vmem>>[vector<16xi32>, vector<16xi32>], vector<16xf32>,
        %mul3A_1023 = arith.constant 8.000000e+00 : f32
        %mul3A_1024 = vector.broadcast %mul3A_1023 : f32 to vector<16xf32>
        %mul3A_1025 = arith.mulf %gather3A_1022, %mul3A_1024 : vector<16xf32>
        tpu.vector_store_idx %arg11[%add3A_401, %add3A_1017], %mul3A_1025 : memref<64x256xf32, #tpu.memory_space<vmem>>[vector<16xi32>, vector<16xi32>], vector<16xf32>,
        %gather3A_1026 = tpu.vector_load_idx %arg9[%add3A_1017, %add3A_404] : memref<256x128xf32, #tpu.memory_space<vmem>>[vector<16xi32>, vector<16xi32>], vector<16xf32>,
        %mul3A_1027 = arith.constant 8.000000e+00 : f32
        %mul3A_1028 = vector.broadcast %mul3A_1027 : f32 to vector<16xf32>
        %mul3A_1029 = arith.mulf %gather3A_1026, %mul3A_1028 : vector<16xf32>
        tpu.vector_store_idx %arg11[%add3A_404, %add3A_1017], %mul3A_1029 : memref<64x256xf32, #tpu.memory_space<vmem>>[vector<16xi32>, vector<16xi32>], vector<16xf32>,
        %gather3A_1030 = tpu.vector_load_idx %arg9[%add3A_1017, %add3A_407] : memref<256x128xf32, #tpu.memory_space<vmem>>[vector<16xi32>, vector<16xi32>], vector<16xf32>,
        %mul3A_1031 = arith.constant 8.000000e+00 : f32
        %mul3A_1032 = vector.broadcast %mul3A_1031 : f32 to vector<16xf32>
        %mul3A_1033 = arith.mulf %gather3A_1030, %mul3A_1032 : vector<16xf32>
        tpu.vector_store_idx %arg11[%add3A_407, %add3A_1017], %mul3A_1033 : memref<64x256xf32, #tpu.memory_space<vmem>>[vector<16xi32>, vector<16xi32>], vector<16xf32>,
        %add3A_1034 = vector.broadcast %mul3A_872 : i32 to vector<16xi32>
        %add3A_1035 = arith.addi %select_n3A_245, %add3A_1034 : vector<16xi32>
        %gather3A_1036 = tpu.vector_load_idx %arg9[%add3A_1035, %add3A_398] : memref<256x128xf32, #tpu.memory_space<vmem>>[vector<16xi32>, vector<16xi32>], vector<16xf32>,
        %mul3A_1037 = arith.constant 8.000000e+00 : f32
        %mul3A_1038 = vector.broadcast %mul3A_1037 : f32 to vector<16xf32>
        %mul3A_1039 = arith.mulf %gather3A_1036, %mul3A_1038 : vector<16xf32>
        tpu.vector_store_idx %arg11[%add3A_398, %add3A_1035], %mul3A_1039 : memref<64x256xf32, #tpu.memory_space<vmem>>[vector<16xi32>, vector<16xi32>], vector<16xf32>,
        %gather3A_1040 = tpu.vector_load_idx %arg9[%add3A_1035, %add3A_401] : memref<256x128xf32, #tpu.memory_space<vmem>>[vector<16xi32>, vector<16xi32>], vector<16xf32>,
        %mul3A_1041 = arith.constant 8.000000e+00 : f32
        %mul3A_1042 = vector.broadcast %mul3A_1041 : f32 to vector<16xf32>
        %mul3A_1043 = arith.mulf %gather3A_1040, %mul3A_1042 : vector<16xf32>
        tpu.vector_store_idx %arg11[%add3A_401, %add3A_1035], %mul3A_1043 : memref<64x256xf32, #tpu.memory_space<vmem>>[vector<16xi32>, vector<16xi32>], vector<16xf32>,
        %gather3A_1044 = tpu.vector_load_idx %arg9[%add3A_1035, %add3A_404] : memref<256x128xf32, #tpu.memory_space<vmem>>[vector<16xi32>, vector<16xi32>], vector<16xf32>,
        %mul3A_1045 = arith.constant 8.000000e+00 : f32
        %mul3A_1046 = vector.broadcast %mul3A_1045 : f32 to vector<16xf32>
        %mul3A_1047 = arith.mulf %gather3A_1044, %mul3A_1046 : vector<16xf32>
        tpu.vector_store_idx %arg11[%add3A_404, %add3A_1035], %mul3A_1047 : memref<64x256xf32, #tpu.memory_space<vmem>>[vector<16xi32>, vector<16xi32>], vector<16xf32>,
        %gather3A_1048 = tpu.vector_load_idx %arg9[%add3A_1035, %add3A_407] : memref<256x128xf32, #tpu.memory_space<vmem>>[vector<16xi32>, vector<16xi32>], vector<16xf32>,
        %mul3A_1049 = arith.constant 8.000000e+00 : f32
        %mul3A_1050 = vector.broadcast %mul3A_1049 : f32 to vector<16xf32>
        %mul3A_1051 = arith.mulf %gather3A_1048, %mul3A_1050 : vector<16xf32>
        tpu.vector_store_idx %arg11[%add3A_407, %add3A_1035], %mul3A_1051 : memref<64x256xf32, #tpu.memory_space<vmem>>[vector<16xi32>, vector<16xi32>], vector<16xf32>,
        %add3A_1052 = vector.broadcast %mul3A_872 : i32 to vector<16xi32>
        %add3A_1053 = arith.addi %select_n3A_270, %add3A_1052 : vector<16xi32>
        %gather3A_1054 = tpu.vector_load_idx %arg9[%add3A_1053, %add3A_398] : memref<256x128xf32, #tpu.memory_space<vmem>>[vector<16xi32>, vector<16xi32>], vector<16xf32>,
        %mul3A_1055 = arith.constant 8.000000e+00 : f32
        %mul3A_1056 = vector.broadcast %mul3A_1055 : f32 to vector<16xf32>
        %mul3A_1057 = arith.mulf %gather3A_1054, %mul3A_1056 : vector<16xf32>
        tpu.vector_store_idx %arg11[%add3A_398, %add3A_1053], %mul3A_1057 : memref<64x256xf32, #tpu.memory_space<vmem>>[vector<16xi32>, vector<16xi32>], vector<16xf32>,
        %gather3A_1058 = tpu.vector_load_idx %arg9[%add3A_1053, %add3A_401] : memref<256x128xf32, #tpu.memory_space<vmem>>[vector<16xi32>, vector<16xi32>], vector<16xf32>,
        %mul3A_1059 = arith.constant 8.000000e+00 : f32
        %mul3A_1060 = vector.broadcast %mul3A_1059 : f32 to vector<16xf32>
        %mul3A_1061 = arith.mulf %gather3A_1058, %mul3A_1060 : vector<16xf32>
        tpu.vector_store_idx %arg11[%add3A_401, %add3A_1053], %mul3A_1061 : memref<64x256xf32, #tpu.memory_space<vmem>>[vector<16xi32>, vector<16xi32>], vector<16xf32>,
        %gather3A_1062 = tpu.vector_load_idx %arg9[%add3A_1053, %add3A_404] : memref<256x128xf32, #tpu.memory_space<vmem>>[vector<16xi32>, vector<16xi32>], vector<16xf32>,
        %mul3A_1063 = arith.constant 8.000000e+00 : f32
        %mul3A_1064 = vector.broadcast %mul3A_1063 : f32 to vector<16xf32>
        %mul3A_1065 = arith.mulf %gather3A_1062, %mul3A_1064 : vector<16xf32>
        tpu.vector_store_idx %arg11[%add3A_404, %add3A_1053], %mul3A_1065 : memref<64x256xf32, #tpu.memory_space<vmem>>[vector<16xi32>, vector<16xi32>], vector<16xf32>,
        %gather3A_1066 = tpu.vector_load_idx %arg9[%add3A_1053, %add3A_407] : memref<256x128xf32, #tpu.memory_space<vmem>>[vector<16xi32>, vector<16xi32>], vector<16xf32>,
        %mul3A_1067 = arith.constant 8.000000e+00 : f32
        %mul3A_1068 = vector.broadcast %mul3A_1067 : f32 to vector<16xf32>
        %mul3A_1069 = arith.mulf %gather3A_1066, %mul3A_1068 : vector<16xf32>
        tpu.vector_store_idx %arg11[%add3A_407, %add3A_1053], %mul3A_1069 : memref<64x256xf32, #tpu.memory_space<vmem>>[vector<16xi32>, vector<16xi32>], vector<16xf32>,
        %add3A_1070 = vector.broadcast %mul3A_872 : i32 to vector<16xi32>
        %add3A_1071 = arith.addi %select_n3A_295, %add3A_1070 : vector<16xi32>
        %gather3A_1072 = tpu.vector_load_idx %arg9[%add3A_1071, %add3A_398] : memref<256x128xf32, #tpu.memory_space<vmem>>[vector<16xi32>, vector<16xi32>], vector<16xf32>,
        %mul3A_1073 = arith.constant 8.000000e+00 : f32
        %mul3A_1074 = vector.broadcast %mul3A_1073 : f32 to vector<16xf32>
        %mul3A_1075 = arith.mulf %gather3A_1072, %mul3A_1074 : vector<16xf32>
        tpu.vector_store_idx %arg11[%add3A_398, %add3A_1071], %mul3A_1075 : memref<64x256xf32, #tpu.memory_space<vmem>>[vector<16xi32>, vector<16xi32>], vector<16xf32>,
        %gather3A_1076 = tpu.vector_load_idx %arg9[%add3A_1071, %add3A_401] : memref<256x128xf32, #tpu.memory_space<vmem>>[vector<16xi32>, vector<16xi32>], vector<16xf32>,
        %mul3A_1077 = arith.constant 8.000000e+00 : f32
        %mul3A_1078 = vector.broadcast %mul3A_1077 : f32 to vector<16xf32>
        %mul3A_1079 = arith.mulf %gather3A_1076, %mul3A_1078 : vector<16xf32>
        tpu.vector_store_idx %arg11[%add3A_401, %add3A_1071], %mul3A_1079 : memref<64x256xf32, #tpu.memory_space<vmem>>[vector<16xi32>, vector<16xi32>], vector<16xf32>,
        %gather3A_1080 = tpu.vector_load_idx %arg9[%add3A_1071, %add3A_404] : memref<256x128xf32, #tpu.memory_space<vmem>>[vector<16xi32>, vector<16xi32>], vector<16xf32>,
        %mul3A_1081 = arith.constant 8.000000e+00 : f32
        %mul3A_1082 = vector.broadcast %mul3A_1081 : f32 to vector<16xf32>
        %mul3A_1083 = arith.mulf %gather3A_1080, %mul3A_1082 : vector<16xf32>
        tpu.vector_store_idx %arg11[%add3A_404, %add3A_1071], %mul3A_1083 : memref<64x256xf32, #tpu.memory_space<vmem>>[vector<16xi32>, vector<16xi32>], vector<16xf32>,
        %gather3A_1084 = tpu.vector_load_idx %arg9[%add3A_1071, %add3A_407] : memref<256x128xf32, #tpu.memory_space<vmem>>[vector<16xi32>, vector<16xi32>], vector<16xf32>,
        %mul3A_1085 = arith.constant 8.000000e+00 : f32
        %mul3A_1086 = vector.broadcast %mul3A_1085 : f32 to vector<16xf32>
        %mul3A_1087 = arith.mulf %gather3A_1084, %mul3A_1086 : vector<16xf32>
        tpu.vector_store_idx %arg11[%add3A_407, %add3A_1071], %mul3A_1087 : memref<64x256xf32, #tpu.memory_space<vmem>>[vector<16xi32>, vector<16xi32>], vector<16xf32>,
        %add3A_1088 = vector.broadcast %mul3A_872 : i32 to vector<16xi32>
        %add3A_1089 = arith.addi %select_n3A_320, %add3A_1088 : vector<16xi32>
        %gather3A_1090 = tpu.vector_load_idx %arg9[%add3A_1089, %add3A_398] : memref<256x128xf32, #tpu.memory_space<vmem>>[vector<16xi32>, vector<16xi32>], vector<16xf32>,
        %mul3A_1091 = arith.constant 8.000000e+00 : f32
        %mul3A_1092 = vector.broadcast %mul3A_1091 : f32 to vector<16xf32>
        %mul3A_1093 = arith.mulf %gather3A_1090, %mul3A_1092 : vector<16xf32>
        tpu.vector_store_idx %arg11[%add3A_398, %add3A_1089], %mul3A_1093 : memref<64x256xf32, #tpu.memory_space<vmem>>[vector<16xi32>, vector<16xi32>], vector<16xf32>,
        %gather3A_1094 = tpu.vector_load_idx %arg9[%add3A_1089, %add3A_401] : memref<256x128xf32, #tpu.memory_space<vmem>>[vector<16xi32>, vector<16xi32>], vector<16xf32>,
        %mul3A_1095 = arith.constant 8.000000e+00 : f32
        %mul3A_1096 = vector.broadcast %mul3A_1095 : f32 to vector<16xf32>
        %mul3A_1097 = arith.mulf %gather3A_1094, %mul3A_1096 : vector<16xf32>
        tpu.vector_store_idx %arg11[%add3A_401, %add3A_1089], %mul3A_1097 : memref<64x256xf32, #tpu.memory_space<vmem>>[vector<16xi32>, vector<16xi32>], vector<16xf32>,
        %gather3A_1098 = tpu.vector_load_idx %arg9[%add3A_1089, %add3A_404] : memref<256x128xf32, #tpu.memory_space<vmem>>[vector<16xi32>, vector<16xi32>], vector<16xf32>,
        %mul3A_1099 = arith.constant 8.000000e+00 : f32
        %mul3A_1100 = vector.broadcast %mul3A_1099 : f32 to vector<16xf32>
        %mul3A_1101 = arith.mulf %gather3A_1098, %mul3A_1100 : vector<16xf32>
        tpu.vector_store_idx %arg11[%add3A_404, %add3A_1089], %mul3A_1101 : memref<64x256xf32, #tpu.memory_space<vmem>>[vector<16xi32>, vector<16xi32>], vector<16xf32>,
        %gather3A_1102 = tpu.vector_load_idx %arg9[%add3A_1089, %add3A_407] : memref<256x128xf32, #tpu.memory_space<vmem>>[vector<16xi32>, vector<16xi32>], vector<16xf32>,
        %mul3A_1103 = arith.constant 8.000000e+00 : f32
        %mul3A_1104 = vector.broadcast %mul3A_1103 : f32 to vector<16xf32>
        %mul3A_1105 = arith.mulf %gather3A_1102, %mul3A_1104 : vector<16xf32>
        tpu.vector_store_idx %arg11[%add3A_407, %add3A_1089], %mul3A_1105 : memref<64x256xf32, #tpu.memory_space<vmem>>[vector<16xi32>, vector<16xi32>], vector<16xf32>,
        %add3A_1106 = vector.broadcast %mul3A_872 : i32 to vector<16xi32>
        %add3A_1107 = arith.addi %select_n3A_345, %add3A_1106 : vector<16xi32>
        %gather3A_1108 = tpu.vector_load_idx %arg9[%add3A_1107, %add3A_398] : memref<256x128xf32, #tpu.memory_space<vmem>>[vector<16xi32>, vector<16xi32>], vector<16xf32>,
        %mul3A_1109 = arith.constant 8.000000e+00 : f32
        %mul3A_1110 = vector.broadcast %mul3A_1109 : f32 to vector<16xf32>
        %mul3A_1111 = arith.mulf %gather3A_1108, %mul3A_1110 : vector<16xf32>
        tpu.vector_store_idx %arg11[%add3A_398, %add3A_1107], %mul3A_1111 : memref<64x256xf32, #tpu.memory_space<vmem>>[vector<16xi32>, vector<16xi32>], vector<16xf32>,
        %gather3A_1112 = tpu.vector_load_idx %arg9[%add3A_1107, %add3A_401] : memref<256x128xf32, #tpu.memory_space<vmem>>[vector<16xi32>, vector<16xi32>], vector<16xf32>,
        %mul3A_1113 = arith.constant 8.000000e+00 : f32
        %mul3A_1114 = vector.broadcast %mul3A_1113 : f32 to vector<16xf32>
        %mul3A_1115 = arith.mulf %gather3A_1112, %mul3A_1114 : vector<16xf32>
        tpu.vector_store_idx %arg11[%add3A_401, %add3A_1107], %mul3A_1115 : memref<64x256xf32, #tpu.memory_space<vmem>>[vector<16xi32>, vector<16xi32>], vector<16xf32>,
        %gather3A_1116 = tpu.vector_load_idx %arg9[%add3A_1107, %add3A_404] : memref<256x128xf32, #tpu.memory_space<vmem>>[vector<16xi32>, vector<16xi32>], vector<16xf32>,
        %mul3A_1117 = arith.constant 8.000000e+00 : f32
        %mul3A_1118 = vector.broadcast %mul3A_1117 : f32 to vector<16xf32>
        %mul3A_1119 = arith.mulf %gather3A_1116, %mul3A_1118 : vector<16xf32>
        tpu.vector_store_idx %arg11[%add3A_404, %add3A_1107], %mul3A_1119 : memref<64x256xf32, #tpu.memory_space<vmem>>[vector<16xi32>, vector<16xi32>], vector<16xf32>,
        %gather3A_1120 = tpu.vector_load_idx %arg9[%add3A_1107, %add3A_407] : memref<256x128xf32, #tpu.memory_space<vmem>>[vector<16xi32>, vector<16xi32>], vector<16xf32>,
        %mul3A_1121 = arith.constant 8.000000e+00 : f32
        %mul3A_1122 = vector.broadcast %mul3A_1121 : f32 to vector<16xf32>
        %mul3A_1123 = arith.mulf %gather3A_1120, %mul3A_1122 : vector<16xf32>
        tpu.vector_store_idx %arg11[%add3A_407, %add3A_1107], %mul3A_1123 : memref<64x256xf32, #tpu.memory_space<vmem>>[vector<16xi32>, vector<16xi32>], vector<16xf32>,
        %add3A_1124 = vector.broadcast %mul3A_872 : i32 to vector<16xi32>
        %add3A_1125 = arith.addi %select_n3A_370, %add3A_1124 : vector<16xi32>
        %gather3A_1126 = tpu.vector_load_idx %arg9[%add3A_1125, %add3A_398] : memref<256x128xf32, #tpu.memory_space<vmem>>[vector<16xi32>, vector<16xi32>], vector<16xf32>,
        %mul3A_1127 = arith.constant 8.000000e+00 : f32
        %mul3A_1128 = vector.broadcast %mul3A_1127 : f32 to vector<16xf32>
        %mul3A_1129 = arith.mulf %gather3A_1126, %mul3A_1128 : vector<16xf32>
        tpu.vector_store_idx %arg11[%add3A_398, %add3A_1125], %mul3A_1129 : memref<64x256xf32, #tpu.memory_space<vmem>>[vector<16xi32>, vector<16xi32>], vector<16xf32>,
        %gather3A_1130 = tpu.vector_load_idx %arg9[%add3A_1125, %add3A_401] : memref<256x128xf32, #tpu.memory_space<vmem>>[vector<16xi32>, vector<16xi32>], vector<16xf32>,
        %mul3A_1131 = arith.constant 8.000000e+00 : f32
        %mul3A_1132 = vector.broadcast %mul3A_1131 : f32 to vector<16xf32>
        %mul3A_1133 = arith.mulf %gather3A_1130, %mul3A_1132 : vector<16xf32>
        tpu.vector_store_idx %arg11[%add3A_401, %add3A_1125], %mul3A_1133 : memref<64x256xf32, #tpu.memory_space<vmem>>[vector<16xi32>, vector<16xi32>], vector<16xf32>,
        %gather3A_1134 = tpu.vector_load_idx %arg9[%add3A_1125, %add3A_404] : memref<256x128xf32, #tpu.memory_space<vmem>>[vector<16xi32>, vector<16xi32>], vector<16xf32>,
        %mul3A_1135 = arith.constant 8.000000e+00 : f32
        %mul3A_1136 = vector.broadcast %mul3A_1135 : f32 to vector<16xf32>
        %mul3A_1137 = arith.mulf %gather3A_1134, %mul3A_1136 : vector<16xf32>
        tpu.vector_store_idx %arg11[%add3A_404, %add3A_1125], %mul3A_1137 : memref<64x256xf32, #tpu.memory_space<vmem>>[vector<16xi32>, vector<16xi32>], vector<16xf32>,
        %gather3A_1138 = tpu.vector_load_idx %arg9[%add3A_1125, %add3A_407] : memref<256x128xf32, #tpu.memory_space<vmem>>[vector<16xi32>, vector<16xi32>], vector<16xf32>,
        %mul3A_1139 = arith.constant 8.000000e+00 : f32
        %mul3A_1140 = vector.broadcast %mul3A_1139 : f32 to vector<16xf32>
        %mul3A_1141 = arith.mulf %gather3A_1138, %mul3A_1140 : vector<16xf32>
        tpu.vector_store_idx %arg11[%add3A_407, %add3A_1125], %mul3A_1141 : memref<64x256xf32, #tpu.memory_space<vmem>>[vector<16xi32>, vector<16xi32>], vector<16xf32>,
        %add3A_1142 = vector.broadcast %mul3A_872 : i32 to vector<16xi32>
        %add3A_1143 = arith.addi %select_n3A_395, %add3A_1142 : vector<16xi32>
        %gather3A_1144 = tpu.vector_load_idx %arg9[%add3A_1143, %add3A_398] : memref<256x128xf32, #tpu.memory_space<vmem>>[vector<16xi32>, vector<16xi32>], vector<16xf32>,
        %mul3A_1145 = arith.constant 8.000000e+00 : f32
        %mul3A_1146 = vector.broadcast %mul3A_1145 : f32 to vector<16xf32>
        %mul3A_1147 = arith.mulf %gather3A_1144, %mul3A_1146 : vector<16xf32>
        tpu.vector_store_idx %arg11[%add3A_398, %add3A_1143], %mul3A_1147 : memref<64x256xf32, #tpu.memory_space<vmem>>[vector<16xi32>, vector<16xi32>], vector<16xf32>,
        %gather3A_1148 = tpu.vector_load_idx %arg9[%add3A_1143, %add3A_401] : memref<256x128xf32, #tpu.memory_space<vmem>>[vector<16xi32>, vector<16xi32>], vector<16xf32>,
        %mul3A_1149 = arith.constant 8.000000e+00 : f32
        %mul3A_1150 = vector.broadcast %mul3A_1149 : f32 to vector<16xf32>
        %mul3A_1151 = arith.mulf %gather3A_1148, %mul3A_1150 : vector<16xf32>
        tpu.vector_store_idx %arg11[%add3A_401, %add3A_1143], %mul3A_1151 : memref<64x256xf32, #tpu.memory_space<vmem>>[vector<16xi32>, vector<16xi32>], vector<16xf32>,
        %gather3A_1152 = tpu.vector_load_idx %arg9[%add3A_1143, %add3A_404] : memref<256x128xf32, #tpu.memory_space<vmem>>[vector<16xi32>, vector<16xi32>], vector<16xf32>,
        %mul3A_1153 = arith.constant 8.000000e+00 : f32
        %mul3A_1154 = vector.broadcast %mul3A_1153 : f32 to vector<16xf32>
        %mul3A_1155 = arith.mulf %gather3A_1152, %mul3A_1154 : vector<16xf32>
        tpu.vector_store_idx %arg11[%add3A_404, %add3A_1143], %mul3A_1155 : memref<64x256xf32, #tpu.memory_space<vmem>>[vector<16xi32>, vector<16xi32>], vector<16xf32>,
        %gather3A_1156 = tpu.vector_load_idx %arg9[%add3A_1143, %add3A_407] : memref<256x128xf32, #tpu.memory_space<vmem>>[vector<16xi32>, vector<16xi32>], vector<16xf32>,
        %mul3A_1157 = arith.constant 8.000000e+00 : f32
        %mul3A_1158 = vector.broadcast %mul3A_1157 : f32 to vector<16xf32>
        %mul3A_1159 = arith.mulf %gather3A_1156, %mul3A_1158 : vector<16xf32>
        tpu.vector_store_idx %arg11[%add3A_407, %add3A_1143], %mul3A_1159 : memref<64x256xf32, #tpu.memory_space<vmem>>[vector<16xi32>, vector<16xi32>], vector<16xf32>,
      }
      %scan3A_712 = arith.constant 16 : i32
      %jit3A_713 = arith.constant 2 : i32
      %div3A_714 = arith.divsi %add3A_685, %jit3A_713 : i32
      %sign3A_715 = arith.constant 0 : i32
      %sign3A_716 = arith.cmpi sgt, %add3A_685, %sign3A_715 : i32
      %sign3A_717 = arith.extui %sign3A_716 : i1 to i32
      %sign3A_718 = arith.constant 0 : i32
      %sign3A_719 = arith.cmpi slt, %add3A_685, %sign3A_718 : i32
      %sign3A_720 = arith.extui %sign3A_719 : i1 to i32
      %sign3A_721 = arith.subi %sign3A_717, %sign3A_720 : i32
      %sign3A_722 = arith.constant 0 : i32
      %sign3A_723 = arith.cmpi sgt, %jit3A_713, %sign3A_722 : i32
      %sign3A_724 = arith.extui %sign3A_723 : i1 to i32
      %sign3A_725 = arith.constant 0 : i32
      %sign3A_726 = arith.cmpi slt, %jit3A_713, %sign3A_725 : i32
      %sign3A_727 = arith.extui %sign3A_726 : i1 to i32
      %sign3A_728 = arith.subi %sign3A_724, %sign3A_727 : i32
      %ne3A_729 = arith.cmpi ne, %sign3A_721, %sign3A_728 : i32
      %rem3A_730 = arith.remsi %add3A_685, %jit3A_713 : i32
      %ne3A_731 = arith.constant 0 : i32
      %ne3A_732 = arith.cmpi ne, %rem3A_730, %ne3A_731 : i32
      %and3A_733 = arith.andi %ne3A_729, %ne3A_732 : i1
      %sub3A_734 = arith.constant 1 : i32
      %sub3A_735 = arith.subi %div3A_714, %sub3A_734 : i32
      %select_n3A_736 = arith.select %and3A_733, %sub3A_735, %div3A_714 : i32
      %jit3A_737 = arith.constant 2 : i32
      %eq3A_738 = arith.constant 0 : i32
      %eq3A_739 = arith.cmpi eq, %jit3A_737, %eq3A_738 : i32
      %jit3A_740 = arith.constant 1 : i32
      %select_n3A_741 = arith.select %eq3A_739, %jit3A_740, %jit3A_737 : i32
      %rem3A_742 = arith.remsi %add3A_685, %select_n3A_741 : i32
      %ne3A_743 = arith.constant 0 : i32
      %ne3A_744 = arith.cmpi ne, %rem3A_742, %ne3A_743 : i32
      %lt3A_745 = arith.constant 0 : i32
      %lt3A_746 = arith.cmpi slt, %rem3A_742, %lt3A_745 : i32
      %lt3A_747 = arith.constant 0 : i32
      %lt3A_748 = arith.cmpi slt, %select_n3A_741, %lt3A_747 : i32
      %ne3A_749 = arith.xori %lt3A_746, %lt3A_748 : i1
      %and3A_750 = arith.andi %ne3A_749, %ne3A_744 : i1
      %add3A_751 = arith.addi %rem3A_742, %select_n3A_741 : i32
      %select_n3A_752 = arith.select %and3A_750, %add3A_751, %rem3A_742 : i32
      %mul3A_753 = arith.constant 256 : i32
      %mul3A_754 = arith.muli %select_n3A_752, %mul3A_753 : i32
      %add3A_755 = arith.addi %mul3A_2, %mul3A_754 : i32
      %dma_start3A_756 = arith.constant 0 : i32
      %dma_start3A_757 = tpu.memref_slice %arg4[%select_n3A_736, %dma_start3A_756, %add3A_755] : memref<50x64x16384xf32, #tpu.memory_space<hbm>> -> memref<1x64x256xf32, #tpu.memory_space<hbm>>
      %dma_start3A_758 = tpu.memref_squeeze %dma_start3A_757 : memref<1x64x256xf32, #tpu.memory_space<hbm>> -> memref<64x256xf32, #tpu.memory_space<hbm>>
      %dma_start3A_759 = arith.constant 0 : i32
      %dma_start3A_760 = tpu.memref_slice %arg4[%select_n3A_736, %dma_start3A_759, %add3A_755] : memref<50x64x16384xf32, #tpu.memory_space<hbm>> -> memref<1x64x256xf32, #tpu.memory_space<hbm>>
      %dma_start3A_761 = tpu.memref_squeeze %dma_start3A_760 : memref<1x64x256xf32, #tpu.memory_space<hbm>> -> memref<64x256xf32, #tpu.memory_space<hbm>>
      tpu.enqueue_dma source(%arg11 : memref<64x256xf32, #tpu.memory_space<vmem>>) target(%dma_start3A_761 : memref<64x256xf32, #tpu.memory_space<hbm>>) target_semaphore(%arg14 : memref<!tpu.dma_semaphore, #tpu.memory_space<semaphore_mem>>)
      %add3A_762 = arith.constant 2 : i32
      %add3A_763 = arith.addi %add3A_685, %add3A_762 : i32
      %lt3A_764 = arith.constant 100 : i32
      %lt3A_765 = arith.cmpi slt, %add3A_763, %lt3A_764 : i32
      %convert_element_type3A_766 = arith.extui %lt3A_765 : i1 to i32
      %cond3A_767 = arith.constant 0 : i32
      %cond3A_768 = arith.cmpi ne, %convert_element_type3A_766, %cond3A_767 : i32
      scf.if %cond3A_768 {
        %add3A_870 = arith.constant 2 : i32
        %add3A_871 = arith.addi %add3A_685, %add3A_870 : i32
        %jit3A_872 = arith.constant 2 : i32
        %div3A_873 = arith.divsi %add3A_871, %jit3A_872 : i32
        %sign3A_874 = arith.constant 0 : i32
        %sign3A_875 = arith.cmpi sgt, %add3A_871, %sign3A_874 : i32
        %sign3A_876 = arith.extui %sign3A_875 : i1 to i32
        %sign3A_877 = arith.constant 0 : i32
        %sign3A_878 = arith.cmpi slt, %add3A_871, %sign3A_877 : i32
        %sign3A_879 = arith.extui %sign3A_878 : i1 to i32
        %sign3A_880 = arith.subi %sign3A_876, %sign3A_879 : i32
        %sign3A_881 = arith.constant 0 : i32
        %sign3A_882 = arith.cmpi sgt, %jit3A_872, %sign3A_881 : i32
        %sign3A_883 = arith.extui %sign3A_882 : i1 to i32
        %sign3A_884 = arith.constant 0 : i32
        %sign3A_885 = arith.cmpi slt, %jit3A_872, %sign3A_884 : i32
        %sign3A_886 = arith.extui %sign3A_885 : i1 to i32
        %sign3A_887 = arith.subi %sign3A_883, %sign3A_886 : i32
        %ne3A_888 = arith.cmpi ne, %sign3A_880, %sign3A_887 : i32
        %rem3A_889 = arith.remsi %add3A_871, %jit3A_872 : i32
        %ne3A_890 = arith.constant 0 : i32
        %ne3A_891 = arith.cmpi ne, %rem3A_889, %ne3A_890 : i32
        %and3A_892 = arith.andi %ne3A_888, %ne3A_891 : i1
        %sub3A_893 = arith.constant 1 : i32
        %sub3A_894 = arith.subi %div3A_873, %sub3A_893 : i32
        %select_n3A_895 = arith.select %and3A_892, %sub3A_894, %div3A_873 : i32
        %jit3A_896 = arith.constant 2 : i32
        %eq3A_897 = arith.constant 0 : i32
        %eq3A_898 = arith.cmpi eq, %jit3A_896, %eq3A_897 : i32
        %jit3A_899 = arith.constant 1 : i32
        %select_n3A_900 = arith.select %eq3A_898, %jit3A_899, %jit3A_896 : i32
        %rem3A_901 = arith.remsi %add3A_871, %select_n3A_900 : i32
        %ne3A_902 = arith.constant 0 : i32
        %ne3A_903 = arith.cmpi ne, %rem3A_901, %ne3A_902 : i32
        %lt3A_904 = arith.constant 0 : i32
        %lt3A_905 = arith.cmpi slt, %rem3A_901, %lt3A_904 : i32
        %lt3A_906 = arith.constant 0 : i32
        %lt3A_907 = arith.cmpi slt, %select_n3A_900, %lt3A_906 : i32
        %ne3A_908 = arith.xori %lt3A_905, %lt3A_907 : i1
        %and3A_909 = arith.andi %ne3A_908, %ne3A_903 : i1
        %add3A_910 = arith.addi %rem3A_901, %select_n3A_900 : i32
        %select_n3A_911 = arith.select %and3A_909, %add3A_910, %rem3A_901 : i32
        %mul3A_912 = arith.constant 256 : i32
        %mul3A_913 = arith.muli %select_n3A_911, %mul3A_912 : i32
        %add3A_914 = arith.addi %mul3A_2, %mul3A_913 : i32
        %dma_wait3A_915 = tpu.memref_slice %arg2[%select_n3A_895, %add3A_914] : memref<50x16384xi32, #tpu.memory_space<hbm>> -> memref<1x256xi32, #tpu.memory_space<hbm>>
        %dma_wait3A_916 = tpu.memref_squeeze %dma_wait3A_915 : memref<1x256xi32, #tpu.memory_space<hbm>> -> memref<256xi32, #tpu.memory_space<hbm>>
        %dma_wait3A_917 = tpu.memref_slice %arg2[%select_n3A_895, %add3A_914] : memref<50x16384xi32, #tpu.memory_space<hbm>> -> memref<1x256xi32, #tpu.memory_space<hbm>>
        %dma_wait3A_918 = tpu.memref_squeeze %dma_wait3A_917 : memref<1x256xi32, #tpu.memory_space<hbm>> -> memref<256xi32, #tpu.memory_space<hbm>>
        tpu.wait_dma2 semaphore(%arg15 : memref<!tpu.dma_semaphore, #tpu.memory_space<semaphore_mem>>) src(%dma_wait3A_918 : memref<256xi32, #tpu.memory_space<hbm>>) dst(%arg5 : memref<256xi32, #tpu.memory_space<vmem>>)
        %dma_start3A_919 = arith.constant 0 : i32
        %dma_start3A_920 = arith.constant 0 : i32
        %dma_start3A_921 = tpu.memref_slice %arg9[%dma_start3A_919, %dma_start3A_920] : memref<256x128xf32, #tpu.memory_space<vmem>> -> memref<128x128xf32, #tpu.memory_space<vmem>>
        %dma_start3A_922 = arith.constant 0 : i32
        %dma_start3A_923 = tpu.memref_slice %arg5[%dma_start3A_922] : memref<256xi32, #tpu.memory_space<vmem>> -> memref<128xi32, #tpu.memory_space<vmem>>
        %dma_start3A_924 = arith.constant 0 : i32
        %dma_start3A_925 = arith.constant 0 : i32
        %dma_start3A_926 = tpu.memref_slice %arg3[%dma_start3A_924, %dma_start3A_925] : memref<1000000x128xf32, #tpu.memory_space<hbm>> -> memref<1000000x128xf32, #tpu.memory_space<hbm>>
        tpu.enqueue_indirect_dma source(%dma_start3A_926 : memref<1000000x128xf32, #tpu.memory_space<hbm>>) target(%dma_start3A_921 : memref<128x128xf32, #tpu.memory_space<vmem>>) offsets(%dma_start3A_923 : memref<128xi32, #tpu.memory_space<vmem>>) semaphore(%arg13 : memref<!tpu.dma_semaphore, #tpu.memory_space<semaphore_mem>>)
        %dma_start3A_927 = arith.constant 128 : i32
        %dma_start3A_928 = arith.constant 0 : i32
        %dma_start3A_929 = tpu.memref_slice %arg9[%dma_start3A_927, %dma_start3A_928] : memref<256x128xf32, #tpu.memory_space<vmem>> -> memref<128x128xf32, #tpu.memory_space<vmem>>
        %dma_start3A_930 = arith.constant 128 : i32
        %dma_start3A_931 = tpu.memref_slice %arg5[%dma_start3A_930] : memref<256xi32, #tpu.memory_space<vmem>> -> memref<128xi32, #tpu.memory_space<vmem>>
        %dma_start3A_932 = arith.constant 0 : i32
        %dma_start3A_933 = arith.constant 0 : i32
        %dma_start3A_934 = tpu.memref_slice %arg3[%dma_start3A_932, %dma_start3A_933] : memref<1000000x128xf32, #tpu.memory_space<hbm>> -> memref<1000000x128xf32, #tpu.memory_space<hbm>>
        tpu.enqueue_indirect_dma source(%dma_start3A_934 : memref<1000000x128xf32, #tpu.memory_space<hbm>>) target(%dma_start3A_929 : memref<128x128xf32, #tpu.memory_space<vmem>>) offsets(%dma_start3A_931 : memref<128xi32, #tpu.memory_space<vmem>>) semaphore(%arg13 : memref<!tpu.dma_semaphore, #tpu.memory_space<semaphore_mem>>)
      } else {
      }
      %add3A_769 = arith.constant 4 : i32
      %add3A_770 = arith.addi %add3A_685, %add3A_769 : i32
      %lt3A_771 = arith.constant 100 : i32
      %lt3A_772 = arith.cmpi slt, %add3A_770, %lt3A_771 : i32
      %convert_element_type3A_773 = arith.extui %lt3A_772 : i1 to i32
      %cond3A_774 = arith.constant 0 : i32
      %cond3A_775 = arith.cmpi ne, %convert_element_type3A_773, %cond3A_774 : i32
      scf.if %cond3A_775 {
        %add3A_870 = arith.constant 4 : i32
        %add3A_871 = arith.addi %add3A_685, %add3A_870 : i32
        %jit3A_872 = arith.constant 2 : i32
        %div3A_873 = arith.divsi %add3A_871, %jit3A_872 : i32
        %sign3A_874 = arith.constant 0 : i32
        %sign3A_875 = arith.cmpi sgt, %add3A_871, %sign3A_874 : i32
        %sign3A_876 = arith.extui %sign3A_875 : i1 to i32
        %sign3A_877 = arith.constant 0 : i32
        %sign3A_878 = arith.cmpi slt, %add3A_871, %sign3A_877 : i32
        %sign3A_879 = arith.extui %sign3A_878 : i1 to i32
        %sign3A_880 = arith.subi %sign3A_876, %sign3A_879 : i32
        %sign3A_881 = arith.constant 0 : i32
        %sign3A_882 = arith.cmpi sgt, %jit3A_872, %sign3A_881 : i32
        %sign3A_883 = arith.extui %sign3A_882 : i1 to i32
        %sign3A_884 = arith.constant 0 : i32
        %sign3A_885 = arith.cmpi slt, %jit3A_872, %sign3A_884 : i32
        %sign3A_886 = arith.extui %sign3A_885 : i1 to i32
        %sign3A_887 = arith.subi %sign3A_883, %sign3A_886 : i32
        %ne3A_888 = arith.cmpi ne, %sign3A_880, %sign3A_887 : i32
        %rem3A_889 = arith.remsi %add3A_871, %jit3A_872 : i32
        %ne3A_890 = arith.constant 0 : i32
        %ne3A_891 = arith.cmpi ne, %rem3A_889, %ne3A_890 : i32
        %and3A_892 = arith.andi %ne3A_888, %ne3A_891 : i1
        %sub3A_893 = arith.constant 1 : i32
        %sub3A_894 = arith.subi %div3A_873, %sub3A_893 : i32
        %select_n3A_895 = arith.select %and3A_892, %sub3A_894, %div3A_873 : i32
        %jit3A_896 = arith.constant 2 : i32
        %eq3A_897 = arith.constant 0 : i32
        %eq3A_898 = arith.cmpi eq, %jit3A_896, %eq3A_897 : i32
        %jit3A_899 = arith.constant 1 : i32
        %select_n3A_900 = arith.select %eq3A_898, %jit3A_899, %jit3A_896 : i32
        %rem3A_901 = arith.remsi %add3A_871, %select_n3A_900 : i32
        %ne3A_902 = arith.constant 0 : i32
        %ne3A_903 = arith.cmpi ne, %rem3A_901, %ne3A_902 : i32
        %lt3A_904 = arith.constant 0 : i32
        %lt3A_905 = arith.cmpi slt, %rem3A_901, %lt3A_904 : i32
        %lt3A_906 = arith.constant 0 : i32
        %lt3A_907 = arith.cmpi slt, %select_n3A_900, %lt3A_906 : i32
        %ne3A_908 = arith.xori %lt3A_905, %lt3A_907 : i1
        %and3A_909 = arith.andi %ne3A_908, %ne3A_903 : i1
        %add3A_910 = arith.addi %rem3A_901, %select_n3A_900 : i32
        %select_n3A_911 = arith.select %and3A_909, %add3A_910, %rem3A_901 : i32
        %mul3A_912 = arith.constant 256 : i32
        %mul3A_913 = arith.muli %select_n3A_911, %mul3A_912 : i32
        %add3A_914 = arith.addi %mul3A_2, %mul3A_913 : i32
        %dma_start3A_915 = tpu.memref_slice %arg2[%select_n3A_895, %add3A_914] : memref<50x16384xi32, #tpu.memory_space<hbm>> -> memref<1x256xi32, #tpu.memory_space<hbm>>
        %dma_start3A_916 = tpu.memref_squeeze %dma_start3A_915 : memref<1x256xi32, #tpu.memory_space<hbm>> -> memref<256xi32, #tpu.memory_space<hbm>>
        %dma_start3A_917 = tpu.memref_slice %arg2[%select_n3A_895, %add3A_914] : memref<50x16384xi32, #tpu.memory_space<hbm>> -> memref<1x256xi32, #tpu.memory_space<hbm>>
        %dma_start3A_918 = tpu.memref_squeeze %dma_start3A_917 : memref<1x256xi32, #tpu.memory_space<hbm>> -> memref<256xi32, #tpu.memory_space<hbm>>
        tpu.enqueue_dma source(%dma_start3A_918 : memref<256xi32, #tpu.memory_space<hbm>>) target(%arg7 : memref<256xi32, #tpu.memory_space<vmem>>) target_semaphore(%arg15 : memref<!tpu.dma_semaphore, #tpu.memory_space<semaphore_mem>>)
      } else {
      }
      %mul3A_776 = arith.constant 4 : i32
      %mul3A_777 = arith.muli %scan3A_499, %mul3A_776 : i32
      %add3A_778 = arith.constant 3 : i32
      %add3A_779 = arith.addi %mul3A_777, %add3A_778 : i32
      %dma_wait3A_780 = arith.constant 0 : i32
      %dma_wait3A_781 = arith.constant 0 : i32
      %dma_wait3A_782 = tpu.memref_slice %arg10[%dma_wait3A_780, %dma_wait3A_781] : memref<256x128xf32, #tpu.memory_space<vmem>> -> memref<128x128xf32, #tpu.memory_space<vmem>>
      %dma_wait3A_783 = arith.constant 0 : i32
      %dma_wait3A_784 = tpu.memref_slice %arg8[%dma_wait3A_783] : memref<256xi32, #tpu.memory_space<vmem>> -> memref<128xi32, #tpu.memory_space<vmem>>
      %dma_wait3A_785 = arith.constant 0 : i32
      %dma_wait3A_786 = arith.constant 0 : i32
      %dma_wait3A_787 = tpu.memref_slice %arg3[%dma_wait3A_785, %dma_wait3A_786] : memref<1000000x128xf32, #tpu.memory_space<hbm>> -> memref<1000000x128xf32, #tpu.memory_space<hbm>>
      tpu.wait_indirect_dma semaphore(%arg13 : memref<!tpu.dma_semaphore, #tpu.memory_space<semaphore_mem>>) src(%dma_wait3A_787 : memref<1000000x128xf32, #tpu.memory_space<hbm>>) dst(%dma_wait3A_782 : memref<128x128xf32, #tpu.memory_space<vmem>>)
      %dma_wait3A_788 = arith.constant 128 : i32
      %dma_wait3A_789 = arith.constant 0 : i32
      %dma_wait3A_790 = tpu.memref_slice %arg10[%dma_wait3A_788, %dma_wait3A_789] : memref<256x128xf32, #tpu.memory_space<vmem>> -> memref<128x128xf32, #tpu.memory_space<vmem>>
      %dma_wait3A_791 = arith.constant 128 : i32
      %dma_wait3A_792 = tpu.memref_slice %arg8[%dma_wait3A_791] : memref<256xi32, #tpu.memory_space<vmem>> -> memref<128xi32, #tpu.memory_space<vmem>>
      %dma_wait3A_793 = arith.constant 0 : i32
      %dma_wait3A_794 = arith.constant 0 : i32
      %dma_wait3A_795 = tpu.memref_slice %arg3[%dma_wait3A_793, %dma_wait3A_794] : memref<1000000x128xf32, #tpu.memory_space<hbm>> -> memref<1000000x128xf32, #tpu.memory_space<hbm>>
      tpu.wait_indirect_dma semaphore(%arg13 : memref<!tpu.dma_semaphore, #tpu.memory_space<semaphore_mem>>) src(%dma_wait3A_795 : memref<1000000x128xf32, #tpu.memory_space<hbm>>) dst(%dma_wait3A_790 : memref<128x128xf32, #tpu.memory_space<vmem>>)
      %ge3A_796 = arith.constant 2 : i32
      %ge3A_797 = arith.cmpi sge, %add3A_779, %ge3A_796 : i32
      %convert_element_type3A_798 = arith.extui %ge3A_797 : i1 to i32
      %cond3A_799 = arith.constant 0 : i32
      %cond3A_800 = arith.cmpi ne, %convert_element_type3A_798, %cond3A_799 : i32
      scf.if %cond3A_800 {
        %dma_wait3A_870 = arith.constant 0 : i32
        %dma_wait3A_871 = arith.constant 0 : i32
        %dma_wait3A_872 = tpu.memref_slice %arg4[%dma_wait3A_870, %dma_wait3A_871, %mul3A_2] : memref<50x64x16384xf32, #tpu.memory_space<hbm>> -> memref<1x64x256xf32, #tpu.memory_space<hbm>>
        %dma_wait3A_873 = tpu.memref_squeeze %dma_wait3A_872 : memref<1x64x256xf32, #tpu.memory_space<hbm>> -> memref<64x256xf32, #tpu.memory_space<hbm>>
        %dma_wait3A_874 = arith.constant 0 : i32
        %dma_wait3A_875 = tpu.memref_slice %arg4[%dma_wait3A_870, %dma_wait3A_874, %mul3A_2] : memref<50x64x16384xf32, #tpu.memory_space<hbm>> -> memref<1x64x256xf32, #tpu.memory_space<hbm>>
        %dma_wait3A_876 = tpu.memref_squeeze %dma_wait3A_875 : memref<1x64x256xf32, #tpu.memory_space<hbm>> -> memref<64x256xf32, #tpu.memory_space<hbm>>
        tpu.wait_dma2 semaphore(%arg14 : memref<!tpu.dma_semaphore, #tpu.memory_space<semaphore_mem>>) src(%arg12 : memref<64x256xf32, #tpu.memory_space<vmem>>) dst(%dma_wait3A_876 : memref<64x256xf32, #tpu.memory_space<hbm>>)
      } else {
      }
      %scan3A_801 = arith.constant 0 : i32
      %scan3A_802 = arith.constant 0 : i32
      %scan3A_803 = arith.constant 16 : i32
      %scan3A_804 = arith.addi %scan3A_802, %scan3A_803 : i32
      %scan3A_805 = arith.constant 1 : i32
      scf.for %scan3A_870 = %scan3A_802 to %scan3A_804 step %scan3A_805  : i32 {
        %mul3A_871 = arith.constant 16 : i32
        %mul3A_872 = arith.muli %scan3A_870, %mul3A_871 : i32
        %add3A_873 = vector.broadcast %mul3A_872 : i32 to vector<16xi32>
        %add3A_874 = arith.addi %select_n3A_20, %add3A_873 : vector<16xi32>
        %gather3A = tpu.vector_load_idx %arg10[%add3A_874, %add3A_398] : memref<256x128xf32, #tpu.memory_space<vmem>>[vector<16xi32>, vector<16xi32>], vector<16xf32>,
        %mul3A_875 = arith.constant 8.000000e+00 : f32
        %mul3A_876 = vector.broadcast %mul3A_875 : f32 to vector<16xf32>
        %mul3A_877 = arith.mulf %gather3A, %mul3A_876 : vector<16xf32>
        tpu.vector_store_idx %arg12[%add3A_398, %add3A_874], %mul3A_877 : memref<64x256xf32, #tpu.memory_space<vmem>>[vector<16xi32>, vector<16xi32>], vector<16xf32>,
        %gather3A_878 = tpu.vector_load_idx %arg10[%add3A_874, %add3A_401] : memref<256x128xf32, #tpu.memory_space<vmem>>[vector<16xi32>, vector<16xi32>], vector<16xf32>,
        %mul3A_879 = arith.constant 8.000000e+00 : f32
        %mul3A_880 = vector.broadcast %mul3A_879 : f32 to vector<16xf32>
        %mul3A_881 = arith.mulf %gather3A_878, %mul3A_880 : vector<16xf32>
        tpu.vector_store_idx %arg12[%add3A_401, %add3A_874], %mul3A_881 : memref<64x256xf32, #tpu.memory_space<vmem>>[vector<16xi32>, vector<16xi32>], vector<16xf32>,
        %gather3A_882 = tpu.vector_load_idx %arg10[%add3A_874, %add3A_404] : memref<256x128xf32, #tpu.memory_space<vmem>>[vector<16xi32>, vector<16xi32>], vector<16xf32>,
        %mul3A_883 = arith.constant 8.000000e+00 : f32
        %mul3A_884 = vector.broadcast %mul3A_883 : f32 to vector<16xf32>
        %mul3A_885 = arith.mulf %gather3A_882, %mul3A_884 : vector<16xf32>
        tpu.vector_store_idx %arg12[%add3A_404, %add3A_874], %mul3A_885 : memref<64x256xf32, #tpu.memory_space<vmem>>[vector<16xi32>, vector<16xi32>], vector<16xf32>,
        %gather3A_886 = tpu.vector_load_idx %arg10[%add3A_874, %add3A_407] : memref<256x128xf32, #tpu.memory_space<vmem>>[vector<16xi32>, vector<16xi32>], vector<16xf32>,
        %mul3A_887 = arith.constant 8.000000e+00 : f32
        %mul3A_888 = vector.broadcast %mul3A_887 : f32 to vector<16xf32>
        %mul3A_889 = arith.mulf %gather3A_886, %mul3A_888 : vector<16xf32>
        tpu.vector_store_idx %arg12[%add3A_407, %add3A_874], %mul3A_889 : memref<64x256xf32, #tpu.memory_space<vmem>>[vector<16xi32>, vector<16xi32>], vector<16xf32>,
        %add3A_890 = vector.broadcast %mul3A_872 : i32 to vector<16xi32>
        %add3A_891 = arith.addi %select_n3A_45, %add3A_890 : vector<16xi32>
        %gather3A_892 = tpu.vector_load_idx %arg10[%add3A_891, %add3A_398] : memref<256x128xf32, #tpu.memory_space<vmem>>[vector<16xi32>, vector<16xi32>], vector<16xf32>,
        %mul3A_893 = arith.constant 8.000000e+00 : f32
        %mul3A_894 = vector.broadcast %mul3A_893 : f32 to vector<16xf32>
        %mul3A_895 = arith.mulf %gather3A_892, %mul3A_894 : vector<16xf32>
        tpu.vector_store_idx %arg12[%add3A_398, %add3A_891], %mul3A_895 : memref<64x256xf32, #tpu.memory_space<vmem>>[vector<16xi32>, vector<16xi32>], vector<16xf32>,
        %gather3A_896 = tpu.vector_load_idx %arg10[%add3A_891, %add3A_401] : memref<256x128xf32, #tpu.memory_space<vmem>>[vector<16xi32>, vector<16xi32>], vector<16xf32>,
        %mul3A_897 = arith.constant 8.000000e+00 : f32
        %mul3A_898 = vector.broadcast %mul3A_897 : f32 to vector<16xf32>
        %mul3A_899 = arith.mulf %gather3A_896, %mul3A_898 : vector<16xf32>
        tpu.vector_store_idx %arg12[%add3A_401, %add3A_891], %mul3A_899 : memref<64x256xf32, #tpu.memory_space<vmem>>[vector<16xi32>, vector<16xi32>], vector<16xf32>,
        %gather3A_900 = tpu.vector_load_idx %arg10[%add3A_891, %add3A_404] : memref<256x128xf32, #tpu.memory_space<vmem>>[vector<16xi32>, vector<16xi32>], vector<16xf32>,
        %mul3A_901 = arith.constant 8.000000e+00 : f32
        %mul3A_902 = vector.broadcast %mul3A_901 : f32 to vector<16xf32>
        %mul3A_903 = arith.mulf %gather3A_900, %mul3A_902 : vector<16xf32>
        tpu.vector_store_idx %arg12[%add3A_404, %add3A_891], %mul3A_903 : memref<64x256xf32, #tpu.memory_space<vmem>>[vector<16xi32>, vector<16xi32>], vector<16xf32>,
        %gather3A_904 = tpu.vector_load_idx %arg10[%add3A_891, %add3A_407] : memref<256x128xf32, #tpu.memory_space<vmem>>[vector<16xi32>, vector<16xi32>], vector<16xf32>,
        %mul3A_905 = arith.constant 8.000000e+00 : f32
        %mul3A_906 = vector.broadcast %mul3A_905 : f32 to vector<16xf32>
        %mul3A_907 = arith.mulf %gather3A_904, %mul3A_906 : vector<16xf32>
        tpu.vector_store_idx %arg12[%add3A_407, %add3A_891], %mul3A_907 : memref<64x256xf32, #tpu.memory_space<vmem>>[vector<16xi32>, vector<16xi32>], vector<16xf32>,
        %add3A_908 = vector.broadcast %mul3A_872 : i32 to vector<16xi32>
        %add3A_909 = arith.addi %select_n3A_70, %add3A_908 : vector<16xi32>
        %gather3A_910 = tpu.vector_load_idx %arg10[%add3A_909, %add3A_398] : memref<256x128xf32, #tpu.memory_space<vmem>>[vector<16xi32>, vector<16xi32>], vector<16xf32>,
        %mul3A_911 = arith.constant 8.000000e+00 : f32
        %mul3A_912 = vector.broadcast %mul3A_911 : f32 to vector<16xf32>
        %mul3A_913 = arith.mulf %gather3A_910, %mul3A_912 : vector<16xf32>
        tpu.vector_store_idx %arg12[%add3A_398, %add3A_909], %mul3A_913 : memref<64x256xf32, #tpu.memory_space<vmem>>[vector<16xi32>, vector<16xi32>], vector<16xf32>,
        %gather3A_914 = tpu.vector_load_idx %arg10[%add3A_909, %add3A_401] : memref<256x128xf32, #tpu.memory_space<vmem>>[vector<16xi32>, vector<16xi32>], vector<16xf32>,
        %mul3A_915 = arith.constant 8.000000e+00 : f32
        %mul3A_916 = vector.broadcast %mul3A_915 : f32 to vector<16xf32>
        %mul3A_917 = arith.mulf %gather3A_914, %mul3A_916 : vector<16xf32>
        tpu.vector_store_idx %arg12[%add3A_401, %add3A_909], %mul3A_917 : memref<64x256xf32, #tpu.memory_space<vmem>>[vector<16xi32>, vector<16xi32>], vector<16xf32>,
        %gather3A_918 = tpu.vector_load_idx %arg10[%add3A_909, %add3A_404] : memref<256x128xf32, #tpu.memory_space<vmem>>[vector<16xi32>, vector<16xi32>], vector<16xf32>,
        %mul3A_919 = arith.constant 8.000000e+00 : f32
        %mul3A_920 = vector.broadcast %mul3A_919 : f32 to vector<16xf32>
        %mul3A_921 = arith.mulf %gather3A_918, %mul3A_920 : vector<16xf32>
        tpu.vector_store_idx %arg12[%add3A_404, %add3A_909], %mul3A_921 : memref<64x256xf32, #tpu.memory_space<vmem>>[vector<16xi32>, vector<16xi32>], vector<16xf32>,
        %gather3A_922 = tpu.vector_load_idx %arg10[%add3A_909, %add3A_407] : memref<256x128xf32, #tpu.memory_space<vmem>>[vector<16xi32>, vector<16xi32>], vector<16xf32>,
        %mul3A_923 = arith.constant 8.000000e+00 : f32
        %mul3A_924 = vector.broadcast %mul3A_923 : f32 to vector<16xf32>
        %mul3A_925 = arith.mulf %gather3A_922, %mul3A_924 : vector<16xf32>
        tpu.vector_store_idx %arg12[%add3A_407, %add3A_909], %mul3A_925 : memref<64x256xf32, #tpu.memory_space<vmem>>[vector<16xi32>, vector<16xi32>], vector<16xf32>,
        %add3A_926 = vector.broadcast %mul3A_872 : i32 to vector<16xi32>
        %add3A_927 = arith.addi %select_n3A_95, %add3A_926 : vector<16xi32>
        %gather3A_928 = tpu.vector_load_idx %arg10[%add3A_927, %add3A_398] : memref<256x128xf32, #tpu.memory_space<vmem>>[vector<16xi32>, vector<16xi32>], vector<16xf32>,
        %mul3A_929 = arith.constant 8.000000e+00 : f32
        %mul3A_930 = vector.broadcast %mul3A_929 : f32 to vector<16xf32>
        %mul3A_931 = arith.mulf %gather3A_928, %mul3A_930 : vector<16xf32>
        tpu.vector_store_idx %arg12[%add3A_398, %add3A_927], %mul3A_931 : memref<64x256xf32, #tpu.memory_space<vmem>>[vector<16xi32>, vector<16xi32>], vector<16xf32>,
        %gather3A_932 = tpu.vector_load_idx %arg10[%add3A_927, %add3A_401] : memref<256x128xf32, #tpu.memory_space<vmem>>[vector<16xi32>, vector<16xi32>], vector<16xf32>,
        %mul3A_933 = arith.constant 8.000000e+00 : f32
        %mul3A_934 = vector.broadcast %mul3A_933 : f32 to vector<16xf32>
        %mul3A_935 = arith.mulf %gather3A_932, %mul3A_934 : vector<16xf32>
        tpu.vector_store_idx %arg12[%add3A_401, %add3A_927], %mul3A_935 : memref<64x256xf32, #tpu.memory_space<vmem>>[vector<16xi32>, vector<16xi32>], vector<16xf32>,
        %gather3A_936 = tpu.vector_load_idx %arg10[%add3A_927, %add3A_404] : memref<256x128xf32, #tpu.memory_space<vmem>>[vector<16xi32>, vector<16xi32>], vector<16xf32>,
        %mul3A_937 = arith.constant 8.000000e+00 : f32
        %mul3A_938 = vector.broadcast %mul3A_937 : f32 to vector<16xf32>
        %mul3A_939 = arith.mulf %gather3A_936, %mul3A_938 : vector<16xf32>
        tpu.vector_store_idx %arg12[%add3A_404, %add3A_927], %mul3A_939 : memref<64x256xf32, #tpu.memory_space<vmem>>[vector<16xi32>, vector<16xi32>], vector<16xf32>,
        %gather3A_940 = tpu.vector_load_idx %arg10[%add3A_927, %add3A_407] : memref<256x128xf32, #tpu.memory_space<vmem>>[vector<16xi32>, vector<16xi32>], vector<16xf32>,
        %mul3A_941 = arith.constant 8.000000e+00 : f32
        %mul3A_942 = vector.broadcast %mul3A_941 : f32 to vector<16xf32>
        %mul3A_943 = arith.mulf %gather3A_940, %mul3A_942 : vector<16xf32>
        tpu.vector_store_idx %arg12[%add3A_407, %add3A_927], %mul3A_943 : memref<64x256xf32, #tpu.memory_space<vmem>>[vector<16xi32>, vector<16xi32>], vector<16xf32>,
        %add3A_944 = vector.broadcast %mul3A_872 : i32 to vector<16xi32>
        %add3A_945 = arith.addi %select_n3A_120, %add3A_944 : vector<16xi32>
        %gather3A_946 = tpu.vector_load_idx %arg10[%add3A_945, %add3A_398] : memref<256x128xf32, #tpu.memory_space<vmem>>[vector<16xi32>, vector<16xi32>], vector<16xf32>,
        %mul3A_947 = arith.constant 8.000000e+00 : f32
        %mul3A_948 = vector.broadcast %mul3A_947 : f32 to vector<16xf32>
        %mul3A_949 = arith.mulf %gather3A_946, %mul3A_948 : vector<16xf32>
        tpu.vector_store_idx %arg12[%add3A_398, %add3A_945], %mul3A_949 : memref<64x256xf32, #tpu.memory_space<vmem>>[vector<16xi32>, vector<16xi32>], vector<16xf32>,
        %gather3A_950 = tpu.vector_load_idx %arg10[%add3A_945, %add3A_401] : memref<256x128xf32, #tpu.memory_space<vmem>>[vector<16xi32>, vector<16xi32>], vector<16xf32>,
        %mul3A_951 = arith.constant 8.000000e+00 : f32
        %mul3A_952 = vector.broadcast %mul3A_951 : f32 to vector<16xf32>
        %mul3A_953 = arith.mulf %gather3A_950, %mul3A_952 : vector<16xf32>
        tpu.vector_store_idx %arg12[%add3A_401, %add3A_945], %mul3A_953 : memref<64x256xf32, #tpu.memory_space<vmem>>[vector<16xi32>, vector<16xi32>], vector<16xf32>,
        %gather3A_954 = tpu.vector_load_idx %arg10[%add3A_945, %add3A_404] : memref<256x128xf32, #tpu.memory_space<vmem>>[vector<16xi32>, vector<16xi32>], vector<16xf32>,
        %mul3A_955 = arith.constant 8.000000e+00 : f32
        %mul3A_956 = vector.broadcast %mul3A_955 : f32 to vector<16xf32>
        %mul3A_957 = arith.mulf %gather3A_954, %mul3A_956 : vector<16xf32>
        tpu.vector_store_idx %arg12[%add3A_404, %add3A_945], %mul3A_957 : memref<64x256xf32, #tpu.memory_space<vmem>>[vector<16xi32>, vector<16xi32>], vector<16xf32>,
        %gather3A_958 = tpu.vector_load_idx %arg10[%add3A_945, %add3A_407] : memref<256x128xf32, #tpu.memory_space<vmem>>[vector<16xi32>, vector<16xi32>], vector<16xf32>,
        %mul3A_959 = arith.constant 8.000000e+00 : f32
        %mul3A_960 = vector.broadcast %mul3A_959 : f32 to vector<16xf32>
        %mul3A_961 = arith.mulf %gather3A_958, %mul3A_960 : vector<16xf32>
        tpu.vector_store_idx %arg12[%add3A_407, %add3A_945], %mul3A_961 : memref<64x256xf32, #tpu.memory_space<vmem>>[vector<16xi32>, vector<16xi32>], vector<16xf32>,
        %add3A_962 = vector.broadcast %mul3A_872 : i32 to vector<16xi32>
        %add3A_963 = arith.addi %select_n3A_145, %add3A_962 : vector<16xi32>
        %gather3A_964 = tpu.vector_load_idx %arg10[%add3A_963, %add3A_398] : memref<256x128xf32, #tpu.memory_space<vmem>>[vector<16xi32>, vector<16xi32>], vector<16xf32>,
        %mul3A_965 = arith.constant 8.000000e+00 : f32
        %mul3A_966 = vector.broadcast %mul3A_965 : f32 to vector<16xf32>
        %mul3A_967 = arith.mulf %gather3A_964, %mul3A_966 : vector<16xf32>
        tpu.vector_store_idx %arg12[%add3A_398, %add3A_963], %mul3A_967 : memref<64x256xf32, #tpu.memory_space<vmem>>[vector<16xi32>, vector<16xi32>], vector<16xf32>,
        %gather3A_968 = tpu.vector_load_idx %arg10[%add3A_963, %add3A_401] : memref<256x128xf32, #tpu.memory_space<vmem>>[vector<16xi32>, vector<16xi32>], vector<16xf32>,
        %mul3A_969 = arith.constant 8.000000e+00 : f32
        %mul3A_970 = vector.broadcast %mul3A_969 : f32 to vector<16xf32>
        %mul3A_971 = arith.mulf %gather3A_968, %mul3A_970 : vector<16xf32>
        tpu.vector_store_idx %arg12[%add3A_401, %add3A_963], %mul3A_971 : memref<64x256xf32, #tpu.memory_space<vmem>>[vector<16xi32>, vector<16xi32>], vector<16xf32>,
        %gather3A_972 = tpu.vector_load_idx %arg10[%add3A_963, %add3A_404] : memref<256x128xf32, #tpu.memory_space<vmem>>[vector<16xi32>, vector<16xi32>], vector<16xf32>,
        %mul3A_973 = arith.constant 8.000000e+00 : f32
        %mul3A_974 = vector.broadcast %mul3A_973 : f32 to vector<16xf32>
        %mul3A_975 = arith.mulf %gather3A_972, %mul3A_974 : vector<16xf32>
        tpu.vector_store_idx %arg12[%add3A_404, %add3A_963], %mul3A_975 : memref<64x256xf32, #tpu.memory_space<vmem>>[vector<16xi32>, vector<16xi32>], vector<16xf32>,
        %gather3A_976 = tpu.vector_load_idx %arg10[%add3A_963, %add3A_407] : memref<256x128xf32, #tpu.memory_space<vmem>>[vector<16xi32>, vector<16xi32>], vector<16xf32>,
        %mul3A_977 = arith.constant 8.000000e+00 : f32
        %mul3A_978 = vector.broadcast %mul3A_977 : f32 to vector<16xf32>
        %mul3A_979 = arith.mulf %gather3A_976, %mul3A_978 : vector<16xf32>
        tpu.vector_store_idx %arg12[%add3A_407, %add3A_963], %mul3A_979 : memref<64x256xf32, #tpu.memory_space<vmem>>[vector<16xi32>, vector<16xi32>], vector<16xf32>,
        %add3A_980 = vector.broadcast %mul3A_872 : i32 to vector<16xi32>
        %add3A_981 = arith.addi %select_n3A_170, %add3A_980 : vector<16xi32>
        %gather3A_982 = tpu.vector_load_idx %arg10[%add3A_981, %add3A_398] : memref<256x128xf32, #tpu.memory_space<vmem>>[vector<16xi32>, vector<16xi32>], vector<16xf32>,
        %mul3A_983 = arith.constant 8.000000e+00 : f32
        %mul3A_984 = vector.broadcast %mul3A_983 : f32 to vector<16xf32>
        %mul3A_985 = arith.mulf %gather3A_982, %mul3A_984 : vector<16xf32>
        tpu.vector_store_idx %arg12[%add3A_398, %add3A_981], %mul3A_985 : memref<64x256xf32, #tpu.memory_space<vmem>>[vector<16xi32>, vector<16xi32>], vector<16xf32>,
        %gather3A_986 = tpu.vector_load_idx %arg10[%add3A_981, %add3A_401] : memref<256x128xf32, #tpu.memory_space<vmem>>[vector<16xi32>, vector<16xi32>], vector<16xf32>,
        %mul3A_987 = arith.constant 8.000000e+00 : f32
        %mul3A_988 = vector.broadcast %mul3A_987 : f32 to vector<16xf32>
        %mul3A_989 = arith.mulf %gather3A_986, %mul3A_988 : vector<16xf32>
        tpu.vector_store_idx %arg12[%add3A_401, %add3A_981], %mul3A_989 : memref<64x256xf32, #tpu.memory_space<vmem>>[vector<16xi32>, vector<16xi32>], vector<16xf32>,
        %gather3A_990 = tpu.vector_load_idx %arg10[%add3A_981, %add3A_404] : memref<256x128xf32, #tpu.memory_space<vmem>>[vector<16xi32>, vector<16xi32>], vector<16xf32>,
        %mul3A_991 = arith.constant 8.000000e+00 : f32
        %mul3A_992 = vector.broadcast %mul3A_991 : f32 to vector<16xf32>
        %mul3A_993 = arith.mulf %gather3A_990, %mul3A_992 : vector<16xf32>
        tpu.vector_store_idx %arg12[%add3A_404, %add3A_981], %mul3A_993 : memref<64x256xf32, #tpu.memory_space<vmem>>[vector<16xi32>, vector<16xi32>], vector<16xf32>,
        %gather3A_994 = tpu.vector_load_idx %arg10[%add3A_981, %add3A_407] : memref<256x128xf32, #tpu.memory_space<vmem>>[vector<16xi32>, vector<16xi32>], vector<16xf32>,
        %mul3A_995 = arith.constant 8.000000e+00 : f32
        %mul3A_996 = vector.broadcast %mul3A_995 : f32 to vector<16xf32>
        %mul3A_997 = arith.mulf %gather3A_994, %mul3A_996 : vector<16xf32>
        tpu.vector_store_idx %arg12[%add3A_407, %add3A_981], %mul3A_997 : memref<64x256xf32, #tpu.memory_space<vmem>>[vector<16xi32>, vector<16xi32>], vector<16xf32>,
        %add3A_998 = vector.broadcast %mul3A_872 : i32 to vector<16xi32>
        %add3A_999 = arith.addi %select_n3A_195, %add3A_998 : vector<16xi32>
        %gather3A_1000 = tpu.vector_load_idx %arg10[%add3A_999, %add3A_398] : memref<256x128xf32, #tpu.memory_space<vmem>>[vector<16xi32>, vector<16xi32>], vector<16xf32>,
        %mul3A_1001 = arith.constant 8.000000e+00 : f32
        %mul3A_1002 = vector.broadcast %mul3A_1001 : f32 to vector<16xf32>
        %mul3A_1003 = arith.mulf %gather3A_1000, %mul3A_1002 : vector<16xf32>
        tpu.vector_store_idx %arg12[%add3A_398, %add3A_999], %mul3A_1003 : memref<64x256xf32, #tpu.memory_space<vmem>>[vector<16xi32>, vector<16xi32>], vector<16xf32>,
        %gather3A_1004 = tpu.vector_load_idx %arg10[%add3A_999, %add3A_401] : memref<256x128xf32, #tpu.memory_space<vmem>>[vector<16xi32>, vector<16xi32>], vector<16xf32>,
        %mul3A_1005 = arith.constant 8.000000e+00 : f32
        %mul3A_1006 = vector.broadcast %mul3A_1005 : f32 to vector<16xf32>
        %mul3A_1007 = arith.mulf %gather3A_1004, %mul3A_1006 : vector<16xf32>
        tpu.vector_store_idx %arg12[%add3A_401, %add3A_999], %mul3A_1007 : memref<64x256xf32, #tpu.memory_space<vmem>>[vector<16xi32>, vector<16xi32>], vector<16xf32>,
        %gather3A_1008 = tpu.vector_load_idx %arg10[%add3A_999, %add3A_404] : memref<256x128xf32, #tpu.memory_space<vmem>>[vector<16xi32>, vector<16xi32>], vector<16xf32>,
        %mul3A_1009 = arith.constant 8.000000e+00 : f32
        %mul3A_1010 = vector.broadcast %mul3A_1009 : f32 to vector<16xf32>
        %mul3A_1011 = arith.mulf %gather3A_1008, %mul3A_1010 : vector<16xf32>
        tpu.vector_store_idx %arg12[%add3A_404, %add3A_999], %mul3A_1011 : memref<64x256xf32, #tpu.memory_space<vmem>>[vector<16xi32>, vector<16xi32>], vector<16xf32>,
        %gather3A_1012 = tpu.vector_load_idx %arg10[%add3A_999, %add3A_407] : memref<256x128xf32, #tpu.memory_space<vmem>>[vector<16xi32>, vector<16xi32>], vector<16xf32>,
        %mul3A_1013 = arith.constant 8.000000e+00 : f32
        %mul3A_1014 = vector.broadcast %mul3A_1013 : f32 to vector<16xf32>
        %mul3A_1015 = arith.mulf %gather3A_1012, %mul3A_1014 : vector<16xf32>
        tpu.vector_store_idx %arg12[%add3A_407, %add3A_999], %mul3A_1015 : memref<64x256xf32, #tpu.memory_space<vmem>>[vector<16xi32>, vector<16xi32>], vector<16xf32>,
        %add3A_1016 = vector.broadcast %mul3A_872 : i32 to vector<16xi32>
        %add3A_1017 = arith.addi %select_n3A_220, %add3A_1016 : vector<16xi32>
        %gather3A_1018 = tpu.vector_load_idx %arg10[%add3A_1017, %add3A_398] : memref<256x128xf32, #tpu.memory_space<vmem>>[vector<16xi32>, vector<16xi32>], vector<16xf32>,
        %mul3A_1019 = arith.constant 8.000000e+00 : f32
        %mul3A_1020 = vector.broadcast %mul3A_1019 : f32 to vector<16xf32>
        %mul3A_1021 = arith.mulf %gather3A_1018, %mul3A_1020 : vector<16xf32>
        tpu.vector_store_idx %arg12[%add3A_398, %add3A_1017], %mul3A_1021 : memref<64x256xf32, #tpu.memory_space<vmem>>[vector<16xi32>, vector<16xi32>], vector<16xf32>,
        %gather3A_1022 = tpu.vector_load_idx %arg10[%add3A_1017, %add3A_401] : memref<256x128xf32, #tpu.memory_space<vmem>>[vector<16xi32>, vector<16xi32>], vector<16xf32>,
        %mul3A_1023 = arith.constant 8.000000e+00 : f32
        %mul3A_1024 = vector.broadcast %mul3A_1023 : f32 to vector<16xf32>
        %mul3A_1025 = arith.mulf %gather3A_1022, %mul3A_1024 : vector<16xf32>
        tpu.vector_store_idx %arg12[%add3A_401, %add3A_1017], %mul3A_1025 : memref<64x256xf32, #tpu.memory_space<vmem>>[vector<16xi32>, vector<16xi32>], vector<16xf32>,
        %gather3A_1026 = tpu.vector_load_idx %arg10[%add3A_1017, %add3A_404] : memref<256x128xf32, #tpu.memory_space<vmem>>[vector<16xi32>, vector<16xi32>], vector<16xf32>,
        %mul3A_1027 = arith.constant 8.000000e+00 : f32
        %mul3A_1028 = vector.broadcast %mul3A_1027 : f32 to vector<16xf32>
        %mul3A_1029 = arith.mulf %gather3A_1026, %mul3A_1028 : vector<16xf32>
        tpu.vector_store_idx %arg12[%add3A_404, %add3A_1017], %mul3A_1029 : memref<64x256xf32, #tpu.memory_space<vmem>>[vector<16xi32>, vector<16xi32>], vector<16xf32>,
        %gather3A_1030 = tpu.vector_load_idx %arg10[%add3A_1017, %add3A_407] : memref<256x128xf32, #tpu.memory_space<vmem>>[vector<16xi32>, vector<16xi32>], vector<16xf32>,
        %mul3A_1031 = arith.constant 8.000000e+00 : f32
        %mul3A_1032 = vector.broadcast %mul3A_1031 : f32 to vector<16xf32>
        %mul3A_1033 = arith.mulf %gather3A_1030, %mul3A_1032 : vector<16xf32>
        tpu.vector_store_idx %arg12[%add3A_407, %add3A_1017], %mul3A_1033 : memref<64x256xf32, #tpu.memory_space<vmem>>[vector<16xi32>, vector<16xi32>], vector<16xf32>,
        %add3A_1034 = vector.broadcast %mul3A_872 : i32 to vector<16xi32>
        %add3A_1035 = arith.addi %select_n3A_245, %add3A_1034 : vector<16xi32>
        %gather3A_1036 = tpu.vector_load_idx %arg10[%add3A_1035, %add3A_398] : memref<256x128xf32, #tpu.memory_space<vmem>>[vector<16xi32>, vector<16xi32>], vector<16xf32>,
        %mul3A_1037 = arith.constant 8.000000e+00 : f32
        %mul3A_1038 = vector.broadcast %mul3A_1037 : f32 to vector<16xf32>
        %mul3A_1039 = arith.mulf %gather3A_1036, %mul3A_1038 : vector<16xf32>
        tpu.vector_store_idx %arg12[%add3A_398, %add3A_1035], %mul3A_1039 : memref<64x256xf32, #tpu.memory_space<vmem>>[vector<16xi32>, vector<16xi32>], vector<16xf32>,
        %gather3A_1040 = tpu.vector_load_idx %arg10[%add3A_1035, %add3A_401] : memref<256x128xf32, #tpu.memory_space<vmem>>[vector<16xi32>, vector<16xi32>], vector<16xf32>,
        %mul3A_1041 = arith.constant 8.000000e+00 : f32
        %mul3A_1042 = vector.broadcast %mul3A_1041 : f32 to vector<16xf32>
        %mul3A_1043 = arith.mulf %gather3A_1040, %mul3A_1042 : vector<16xf32>
        tpu.vector_store_idx %arg12[%add3A_401, %add3A_1035], %mul3A_1043 : memref<64x256xf32, #tpu.memory_space<vmem>>[vector<16xi32>, vector<16xi32>], vector<16xf32>,
        %gather3A_1044 = tpu.vector_load_idx %arg10[%add3A_1035, %add3A_404] : memref<256x128xf32, #tpu.memory_space<vmem>>[vector<16xi32>, vector<16xi32>], vector<16xf32>,
        %mul3A_1045 = arith.constant 8.000000e+00 : f32
        %mul3A_1046 = vector.broadcast %mul3A_1045 : f32 to vector<16xf32>
        %mul3A_1047 = arith.mulf %gather3A_1044, %mul3A_1046 : vector<16xf32>
        tpu.vector_store_idx %arg12[%add3A_404, %add3A_1035], %mul3A_1047 : memref<64x256xf32, #tpu.memory_space<vmem>>[vector<16xi32>, vector<16xi32>], vector<16xf32>,
        %gather3A_1048 = tpu.vector_load_idx %arg10[%add3A_1035, %add3A_407] : memref<256x128xf32, #tpu.memory_space<vmem>>[vector<16xi32>, vector<16xi32>], vector<16xf32>,
        %mul3A_1049 = arith.constant 8.000000e+00 : f32
        %mul3A_1050 = vector.broadcast %mul3A_1049 : f32 to vector<16xf32>
        %mul3A_1051 = arith.mulf %gather3A_1048, %mul3A_1050 : vector<16xf32>
        tpu.vector_store_idx %arg12[%add3A_407, %add3A_1035], %mul3A_1051 : memref<64x256xf32, #tpu.memory_space<vmem>>[vector<16xi32>, vector<16xi32>], vector<16xf32>,
        %add3A_1052 = vector.broadcast %mul3A_872 : i32 to vector<16xi32>
        %add3A_1053 = arith.addi %select_n3A_270, %add3A_1052 : vector<16xi32>
        %gather3A_1054 = tpu.vector_load_idx %arg10[%add3A_1053, %add3A_398] : memref<256x128xf32, #tpu.memory_space<vmem>>[vector<16xi32>, vector<16xi32>], vector<16xf32>,
        %mul3A_1055 = arith.constant 8.000000e+00 : f32
        %mul3A_1056 = vector.broadcast %mul3A_1055 : f32 to vector<16xf32>
        %mul3A_1057 = arith.mulf %gather3A_1054, %mul3A_1056 : vector<16xf32>
        tpu.vector_store_idx %arg12[%add3A_398, %add3A_1053], %mul3A_1057 : memref<64x256xf32, #tpu.memory_space<vmem>>[vector<16xi32>, vector<16xi32>], vector<16xf32>,
        %gather3A_1058 = tpu.vector_load_idx %arg10[%add3A_1053, %add3A_401] : memref<256x128xf32, #tpu.memory_space<vmem>>[vector<16xi32>, vector<16xi32>], vector<16xf32>,
        %mul3A_1059 = arith.constant 8.000000e+00 : f32
        %mul3A_1060 = vector.broadcast %mul3A_1059 : f32 to vector<16xf32>
        %mul3A_1061 = arith.mulf %gather3A_1058, %mul3A_1060 : vector<16xf32>
        tpu.vector_store_idx %arg12[%add3A_401, %add3A_1053], %mul3A_1061 : memref<64x256xf32, #tpu.memory_space<vmem>>[vector<16xi32>, vector<16xi32>], vector<16xf32>,
        %gather3A_1062 = tpu.vector_load_idx %arg10[%add3A_1053, %add3A_404] : memref<256x128xf32, #tpu.memory_space<vmem>>[vector<16xi32>, vector<16xi32>], vector<16xf32>,
        %mul3A_1063 = arith.constant 8.000000e+00 : f32
        %mul3A_1064 = vector.broadcast %mul3A_1063 : f32 to vector<16xf32>
        %mul3A_1065 = arith.mulf %gather3A_1062, %mul3A_1064 : vector<16xf32>
        tpu.vector_store_idx %arg12[%add3A_404, %add3A_1053], %mul3A_1065 : memref<64x256xf32, #tpu.memory_space<vmem>>[vector<16xi32>, vector<16xi32>], vector<16xf32>,
        %gather3A_1066 = tpu.vector_load_idx %arg10[%add3A_1053, %add3A_407] : memref<256x128xf32, #tpu.memory_space<vmem>>[vector<16xi32>, vector<16xi32>], vector<16xf32>,
        %mul3A_1067 = arith.constant 8.000000e+00 : f32
        %mul3A_1068 = vector.broadcast %mul3A_1067 : f32 to vector<16xf32>
        %mul3A_1069 = arith.mulf %gather3A_1066, %mul3A_1068 : vector<16xf32>
        tpu.vector_store_idx %arg12[%add3A_407, %add3A_1053], %mul3A_1069 : memref<64x256xf32, #tpu.memory_space<vmem>>[vector<16xi32>, vector<16xi32>], vector<16xf32>,
        %add3A_1070 = vector.broadcast %mul3A_872 : i32 to vector<16xi32>
        %add3A_1071 = arith.addi %select_n3A_295, %add3A_1070 : vector<16xi32>
        %gather3A_1072 = tpu.vector_load_idx %arg10[%add3A_1071, %add3A_398] : memref<256x128xf32, #tpu.memory_space<vmem>>[vector<16xi32>, vector<16xi32>], vector<16xf32>,
        %mul3A_1073 = arith.constant 8.000000e+00 : f32
        %mul3A_1074 = vector.broadcast %mul3A_1073 : f32 to vector<16xf32>
        %mul3A_1075 = arith.mulf %gather3A_1072, %mul3A_1074 : vector<16xf32>
        tpu.vector_store_idx %arg12[%add3A_398, %add3A_1071], %mul3A_1075 : memref<64x256xf32, #tpu.memory_space<vmem>>[vector<16xi32>, vector<16xi32>], vector<16xf32>,
        %gather3A_1076 = tpu.vector_load_idx %arg10[%add3A_1071, %add3A_401] : memref<256x128xf32, #tpu.memory_space<vmem>>[vector<16xi32>, vector<16xi32>], vector<16xf32>,
        %mul3A_1077 = arith.constant 8.000000e+00 : f32
        %mul3A_1078 = vector.broadcast %mul3A_1077 : f32 to vector<16xf32>
        %mul3A_1079 = arith.mulf %gather3A_1076, %mul3A_1078 : vector<16xf32>
        tpu.vector_store_idx %arg12[%add3A_401, %add3A_1071], %mul3A_1079 : memref<64x256xf32, #tpu.memory_space<vmem>>[vector<16xi32>, vector<16xi32>], vector<16xf32>,
        %gather3A_1080 = tpu.vector_load_idx %arg10[%add3A_1071, %add3A_404] : memref<256x128xf32, #tpu.memory_space<vmem>>[vector<16xi32>, vector<16xi32>], vector<16xf32>,
        %mul3A_1081 = arith.constant 8.000000e+00 : f32
        %mul3A_1082 = vector.broadcast %mul3A_1081 : f32 to vector<16xf32>
        %mul3A_1083 = arith.mulf %gather3A_1080, %mul3A_1082 : vector<16xf32>
        tpu.vector_store_idx %arg12[%add3A_404, %add3A_1071], %mul3A_1083 : memref<64x256xf32, #tpu.memory_space<vmem>>[vector<16xi32>, vector<16xi32>], vector<16xf32>,
        %gather3A_1084 = tpu.vector_load_idx %arg10[%add3A_1071, %add3A_407] : memref<256x128xf32, #tpu.memory_space<vmem>>[vector<16xi32>, vector<16xi32>], vector<16xf32>,
        %mul3A_1085 = arith.constant 8.000000e+00 : f32
        %mul3A_1086 = vector.broadcast %mul3A_1085 : f32 to vector<16xf32>
        %mul3A_1087 = arith.mulf %gather3A_1084, %mul3A_1086 : vector<16xf32>
        tpu.vector_store_idx %arg12[%add3A_407, %add3A_1071], %mul3A_1087 : memref<64x256xf32, #tpu.memory_space<vmem>>[vector<16xi32>, vector<16xi32>], vector<16xf32>,
        %add3A_1088 = vector.broadcast %mul3A_872 : i32 to vector<16xi32>
        %add3A_1089 = arith.addi %select_n3A_320, %add3A_1088 : vector<16xi32>
        %gather3A_1090 = tpu.vector_load_idx %arg10[%add3A_1089, %add3A_398] : memref<256x128xf32, #tpu.memory_space<vmem>>[vector<16xi32>, vector<16xi32>], vector<16xf32>,
        %mul3A_1091 = arith.constant 8.000000e+00 : f32
        %mul3A_1092 = vector.broadcast %mul3A_1091 : f32 to vector<16xf32>
        %mul3A_1093 = arith.mulf %gather3A_1090, %mul3A_1092 : vector<16xf32>
        tpu.vector_store_idx %arg12[%add3A_398, %add3A_1089], %mul3A_1093 : memref<64x256xf32, #tpu.memory_space<vmem>>[vector<16xi32>, vector<16xi32>], vector<16xf32>,
        %gather3A_1094 = tpu.vector_load_idx %arg10[%add3A_1089, %add3A_401] : memref<256x128xf32, #tpu.memory_space<vmem>>[vector<16xi32>, vector<16xi32>], vector<16xf32>,
        %mul3A_1095 = arith.constant 8.000000e+00 : f32
        %mul3A_1096 = vector.broadcast %mul3A_1095 : f32 to vector<16xf32>
        %mul3A_1097 = arith.mulf %gather3A_1094, %mul3A_1096 : vector<16xf32>
        tpu.vector_store_idx %arg12[%add3A_401, %add3A_1089], %mul3A_1097 : memref<64x256xf32, #tpu.memory_space<vmem>>[vector<16xi32>, vector<16xi32>], vector<16xf32>,
        %gather3A_1098 = tpu.vector_load_idx %arg10[%add3A_1089, %add3A_404] : memref<256x128xf32, #tpu.memory_space<vmem>>[vector<16xi32>, vector<16xi32>], vector<16xf32>,
        %mul3A_1099 = arith.constant 8.000000e+00 : f32
        %mul3A_1100 = vector.broadcast %mul3A_1099 : f32 to vector<16xf32>
        %mul3A_1101 = arith.mulf %gather3A_1098, %mul3A_1100 : vector<16xf32>
        tpu.vector_store_idx %arg12[%add3A_404, %add3A_1089], %mul3A_1101 : memref<64x256xf32, #tpu.memory_space<vmem>>[vector<16xi32>, vector<16xi32>], vector<16xf32>,
        %gather3A_1102 = tpu.vector_load_idx %arg10[%add3A_1089, %add3A_407] : memref<256x128xf32, #tpu.memory_space<vmem>>[vector<16xi32>, vector<16xi32>], vector<16xf32>,
        %mul3A_1103 = arith.constant 8.000000e+00 : f32
        %mul3A_1104 = vector.broadcast %mul3A_1103 : f32 to vector<16xf32>
        %mul3A_1105 = arith.mulf %gather3A_1102, %mul3A_1104 : vector<16xf32>
        tpu.vector_store_idx %arg12[%add3A_407, %add3A_1089], %mul3A_1105 : memref<64x256xf32, #tpu.memory_space<vmem>>[vector<16xi32>, vector<16xi32>], vector<16xf32>,
        %add3A_1106 = vector.broadcast %mul3A_872 : i32 to vector<16xi32>
        %add3A_1107 = arith.addi %select_n3A_345, %add3A_1106 : vector<16xi32>
        %gather3A_1108 = tpu.vector_load_idx %arg10[%add3A_1107, %add3A_398] : memref<256x128xf32, #tpu.memory_space<vmem>>[vector<16xi32>, vector<16xi32>], vector<16xf32>,
        %mul3A_1109 = arith.constant 8.000000e+00 : f32
        %mul3A_1110 = vector.broadcast %mul3A_1109 : f32 to vector<16xf32>
        %mul3A_1111 = arith.mulf %gather3A_1108, %mul3A_1110 : vector<16xf32>
        tpu.vector_store_idx %arg12[%add3A_398, %add3A_1107], %mul3A_1111 : memref<64x256xf32, #tpu.memory_space<vmem>>[vector<16xi32>, vector<16xi32>], vector<16xf32>,
        %gather3A_1112 = tpu.vector_load_idx %arg10[%add3A_1107, %add3A_401] : memref<256x128xf32, #tpu.memory_space<vmem>>[vector<16xi32>, vector<16xi32>], vector<16xf32>,
        %mul3A_1113 = arith.constant 8.000000e+00 : f32
        %mul3A_1114 = vector.broadcast %mul3A_1113 : f32 to vector<16xf32>
        %mul3A_1115 = arith.mulf %gather3A_1112, %mul3A_1114 : vector<16xf32>
        tpu.vector_store_idx %arg12[%add3A_401, %add3A_1107], %mul3A_1115 : memref<64x256xf32, #tpu.memory_space<vmem>>[vector<16xi32>, vector<16xi32>], vector<16xf32>,
        %gather3A_1116 = tpu.vector_load_idx %arg10[%add3A_1107, %add3A_404] : memref<256x128xf32, #tpu.memory_space<vmem>>[vector<16xi32>, vector<16xi32>], vector<16xf32>,
        %mul3A_1117 = arith.constant 8.000000e+00 : f32
        %mul3A_1118 = vector.broadcast %mul3A_1117 : f32 to vector<16xf32>
        %mul3A_1119 = arith.mulf %gather3A_1116, %mul3A_1118 : vector<16xf32>
        tpu.vector_store_idx %arg12[%add3A_404, %add3A_1107], %mul3A_1119 : memref<64x256xf32, #tpu.memory_space<vmem>>[vector<16xi32>, vector<16xi32>], vector<16xf32>,
        %gather3A_1120 = tpu.vector_load_idx %arg10[%add3A_1107, %add3A_407] : memref<256x128xf32, #tpu.memory_space<vmem>>[vector<16xi32>, vector<16xi32>], vector<16xf32>,
        %mul3A_1121 = arith.constant 8.000000e+00 : f32
        %mul3A_1122 = vector.broadcast %mul3A_1121 : f32 to vector<16xf32>
        %mul3A_1123 = arith.mulf %gather3A_1120, %mul3A_1122 : vector<16xf32>
        tpu.vector_store_idx %arg12[%add3A_407, %add3A_1107], %mul3A_1123 : memref<64x256xf32, #tpu.memory_space<vmem>>[vector<16xi32>, vector<16xi32>], vector<16xf32>,
        %add3A_1124 = vector.broadcast %mul3A_872 : i32 to vector<16xi32>
        %add3A_1125 = arith.addi %select_n3A_370, %add3A_1124 : vector<16xi32>
        %gather3A_1126 = tpu.vector_load_idx %arg10[%add3A_1125, %add3A_398] : memref<256x128xf32, #tpu.memory_space<vmem>>[vector<16xi32>, vector<16xi32>], vector<16xf32>,
        %mul3A_1127 = arith.constant 8.000000e+00 : f32
        %mul3A_1128 = vector.broadcast %mul3A_1127 : f32 to vector<16xf32>
        %mul3A_1129 = arith.mulf %gather3A_1126, %mul3A_1128 : vector<16xf32>
        tpu.vector_store_idx %arg12[%add3A_398, %add3A_1125], %mul3A_1129 : memref<64x256xf32, #tpu.memory_space<vmem>>[vector<16xi32>, vector<16xi32>], vector<16xf32>,
        %gather3A_1130 = tpu.vector_load_idx %arg10[%add3A_1125, %add3A_401] : memref<256x128xf32, #tpu.memory_space<vmem>>[vector<16xi32>, vector<16xi32>], vector<16xf32>,
        %mul3A_1131 = arith.constant 8.000000e+00 : f32
        %mul3A_1132 = vector.broadcast %mul3A_1131 : f32 to vector<16xf32>
        %mul3A_1133 = arith.mulf %gather3A_1130, %mul3A_1132 : vector<16xf32>
        tpu.vector_store_idx %arg12[%add3A_401, %add3A_1125], %mul3A_1133 : memref<64x256xf32, #tpu.memory_space<vmem>>[vector<16xi32>, vector<16xi32>], vector<16xf32>,
        %gather3A_1134 = tpu.vector_load_idx %arg10[%add3A_1125, %add3A_404] : memref<256x128xf32, #tpu.memory_space<vmem>>[vector<16xi32>, vector<16xi32>], vector<16xf32>,
        %mul3A_1135 = arith.constant 8.000000e+00 : f32
        %mul3A_1136 = vector.broadcast %mul3A_1135 : f32 to vector<16xf32>
        %mul3A_1137 = arith.mulf %gather3A_1134, %mul3A_1136 : vector<16xf32>
        tpu.vector_store_idx %arg12[%add3A_404, %add3A_1125], %mul3A_1137 : memref<64x256xf32, #tpu.memory_space<vmem>>[vector<16xi32>, vector<16xi32>], vector<16xf32>,
        %gather3A_1138 = tpu.vector_load_idx %arg10[%add3A_1125, %add3A_407] : memref<256x128xf32, #tpu.memory_space<vmem>>[vector<16xi32>, vector<16xi32>], vector<16xf32>,
        %mul3A_1139 = arith.constant 8.000000e+00 : f32
        %mul3A_1140 = vector.broadcast %mul3A_1139 : f32 to vector<16xf32>
        %mul3A_1141 = arith.mulf %gather3A_1138, %mul3A_1140 : vector<16xf32>
        tpu.vector_store_idx %arg12[%add3A_407, %add3A_1125], %mul3A_1141 : memref<64x256xf32, #tpu.memory_space<vmem>>[vector<16xi32>, vector<16xi32>], vector<16xf32>,
        %add3A_1142 = vector.broadcast %mul3A_872 : i32 to vector<16xi32>
        %add3A_1143 = arith.addi %select_n3A_395, %add3A_1142 : vector<16xi32>
        %gather3A_1144 = tpu.vector_load_idx %arg10[%add3A_1143, %add3A_398] : memref<256x128xf32, #tpu.memory_space<vmem>>[vector<16xi32>, vector<16xi32>], vector<16xf32>,
        %mul3A_1145 = arith.constant 8.000000e+00 : f32
        %mul3A_1146 = vector.broadcast %mul3A_1145 : f32 to vector<16xf32>
        %mul3A_1147 = arith.mulf %gather3A_1144, %mul3A_1146 : vector<16xf32>
        tpu.vector_store_idx %arg12[%add3A_398, %add3A_1143], %mul3A_1147 : memref<64x256xf32, #tpu.memory_space<vmem>>[vector<16xi32>, vector<16xi32>], vector<16xf32>,
        %gather3A_1148 = tpu.vector_load_idx %arg10[%add3A_1143, %add3A_401] : memref<256x128xf32, #tpu.memory_space<vmem>>[vector<16xi32>, vector<16xi32>], vector<16xf32>,
        %mul3A_1149 = arith.constant 8.000000e+00 : f32
        %mul3A_1150 = vector.broadcast %mul3A_1149 : f32 to vector<16xf32>
        %mul3A_1151 = arith.mulf %gather3A_1148, %mul3A_1150 : vector<16xf32>
        tpu.vector_store_idx %arg12[%add3A_401, %add3A_1143], %mul3A_1151 : memref<64x256xf32, #tpu.memory_space<vmem>>[vector<16xi32>, vector<16xi32>], vector<16xf32>,
        %gather3A_1152 = tpu.vector_load_idx %arg10[%add3A_1143, %add3A_404] : memref<256x128xf32, #tpu.memory_space<vmem>>[vector<16xi32>, vector<16xi32>], vector<16xf32>,
        %mul3A_1153 = arith.constant 8.000000e+00 : f32
        %mul3A_1154 = vector.broadcast %mul3A_1153 : f32 to vector<16xf32>
        %mul3A_1155 = arith.mulf %gather3A_1152, %mul3A_1154 : vector<16xf32>
        tpu.vector_store_idx %arg12[%add3A_404, %add3A_1143], %mul3A_1155 : memref<64x256xf32, #tpu.memory_space<vmem>>[vector<16xi32>, vector<16xi32>], vector<16xf32>,
        %gather3A_1156 = tpu.vector_load_idx %arg10[%add3A_1143, %add3A_407] : memref<256x128xf32, #tpu.memory_space<vmem>>[vector<16xi32>, vector<16xi32>], vector<16xf32>,
        %mul3A_1157 = arith.constant 8.000000e+00 : f32
        %mul3A_1158 = vector.broadcast %mul3A_1157 : f32 to vector<16xf32>
        %mul3A_1159 = arith.mulf %gather3A_1156, %mul3A_1158 : vector<16xf32>
        tpu.vector_store_idx %arg12[%add3A_407, %add3A_1143], %mul3A_1159 : memref<64x256xf32, #tpu.memory_space<vmem>>[vector<16xi32>, vector<16xi32>], vector<16xf32>,
      }
      %scan3A_806 = arith.constant 16 : i32
      %jit3A_807 = arith.constant 2 : i32
      %div3A_808 = arith.divsi %add3A_779, %jit3A_807 : i32
      %sign3A_809 = arith.constant 0 : i32
      %sign3A_810 = arith.cmpi sgt, %add3A_779, %sign3A_809 : i32
      %sign3A_811 = arith.extui %sign3A_810 : i1 to i32
      %sign3A_812 = arith.constant 0 : i32
      %sign3A_813 = arith.cmpi slt, %add3A_779, %sign3A_812 : i32
      %sign3A_814 = arith.extui %sign3A_813 : i1 to i32
      %sign3A_815 = arith.subi %sign3A_811, %sign3A_814 : i32
      %sign3A_816 = arith.constant 0 : i32
      %sign3A_817 = arith.cmpi sgt, %jit3A_807, %sign3A_816 : i32
      %sign3A_818 = arith.extui %sign3A_817 : i1 to i32
      %sign3A_819 = arith.constant 0 : i32
      %sign3A_820 = arith.cmpi slt, %jit3A_807, %sign3A_819 : i32
      %sign3A_821 = arith.extui %sign3A_820 : i1 to i32
      %sign3A_822 = arith.subi %sign3A_818, %sign3A_821 : i32
      %ne3A_823 = arith.cmpi ne, %sign3A_815, %sign3A_822 : i32
      %rem3A_824 = arith.remsi %add3A_779, %jit3A_807 : i32
      %ne3A_825 = arith.constant 0 : i32
      %ne3A_826 = arith.cmpi ne, %rem3A_824, %ne3A_825 : i32
      %and3A_827 = arith.andi %ne3A_823, %ne3A_826 : i1
      %sub3A_828 = arith.constant 1 : i32
      %sub3A_829 = arith.subi %div3A_808, %sub3A_828 : i32
      %select_n3A_830 = arith.select %and3A_827, %sub3A_829, %div3A_808 : i32
      %jit3A_831 = arith.constant 2 : i32
      %eq3A_832 = arith.constant 0 : i32
      %eq3A_833 = arith.cmpi eq, %jit3A_831, %eq3A_832 : i32
      %jit3A_834 = arith.constant 1 : i32
      %select_n3A_835 = arith.select %eq3A_833, %jit3A_834, %jit3A_831 : i32
      %rem3A_836 = arith.remsi %add3A_779, %select_n3A_835 : i32
      %ne3A_837 = arith.constant 0 : i32
      %ne3A_838 = arith.cmpi ne, %rem3A_836, %ne3A_837 : i32
      %lt3A_839 = arith.constant 0 : i32
      %lt3A_840 = arith.cmpi slt, %rem3A_836, %lt3A_839 : i32
      %lt3A_841 = arith.constant 0 : i32
      %lt3A_842 = arith.cmpi slt, %select_n3A_835, %lt3A_841 : i32
      %ne3A_843 = arith.xori %lt3A_840, %lt3A_842 : i1
      %and3A_844 = arith.andi %ne3A_843, %ne3A_838 : i1
      %add3A_845 = arith.addi %rem3A_836, %select_n3A_835 : i32
      %select_n3A_846 = arith.select %and3A_844, %add3A_845, %rem3A_836 : i32
      %mul3A_847 = arith.constant 256 : i32
      %mul3A_848 = arith.muli %select_n3A_846, %mul3A_847 : i32
      %add3A_849 = arith.addi %mul3A_2, %mul3A_848 : i32
      %dma_start3A_850 = arith.constant 0 : i32
      %dma_start3A_851 = tpu.memref_slice %arg4[%select_n3A_830, %dma_start3A_850, %add3A_849] : memref<50x64x16384xf32, #tpu.memory_space<hbm>> -> memref<1x64x256xf32, #tpu.memory_space<hbm>>
      %dma_start3A_852 = tpu.memref_squeeze %dma_start3A_851 : memref<1x64x256xf32, #tpu.memory_space<hbm>> -> memref<64x256xf32, #tpu.memory_space<hbm>>
      %dma_start3A_853 = arith.constant 0 : i32
      %dma_start3A_854 = tpu.memref_slice %arg4[%select_n3A_830, %dma_start3A_853, %add3A_849] : memref<50x64x16384xf32, #tpu.memory_space<hbm>> -> memref<1x64x256xf32, #tpu.memory_space<hbm>>
      %dma_start3A_855 = tpu.memref_squeeze %dma_start3A_854 : memref<1x64x256xf32, #tpu.memory_space<hbm>> -> memref<64x256xf32, #tpu.memory_space<hbm>>
      tpu.enqueue_dma source(%arg12 : memref<64x256xf32, #tpu.memory_space<vmem>>) target(%dma_start3A_855 : memref<64x256xf32, #tpu.memory_space<hbm>>) target_semaphore(%arg14 : memref<!tpu.dma_semaphore, #tpu.memory_space<semaphore_mem>>)
      %add3A_856 = arith.constant 2 : i32
      %add3A_857 = arith.addi %add3A_779, %add3A_856 : i32
      %lt3A_858 = arith.constant 100 : i32
      %lt3A_859 = arith.cmpi slt, %add3A_857, %lt3A_858 : i32
      %convert_element_type3A_860 = arith.extui %lt3A_859 : i1 to i32
      %cond3A_861 = arith.constant 0 : i32
      %cond3A_862 = arith.cmpi ne, %convert_element_type3A_860, %cond3A_861 : i32
      scf.if %cond3A_862 {
        %add3A_870 = arith.constant 2 : i32
        %add3A_871 = arith.addi %add3A_779, %add3A_870 : i32
        %jit3A_872 = arith.constant 2 : i32
        %div3A_873 = arith.divsi %add3A_871, %jit3A_872 : i32
        %sign3A_874 = arith.constant 0 : i32
        %sign3A_875 = arith.cmpi sgt, %add3A_871, %sign3A_874 : i32
        %sign3A_876 = arith.extui %sign3A_875 : i1 to i32
        %sign3A_877 = arith.constant 0 : i32
        %sign3A_878 = arith.cmpi slt, %add3A_871, %sign3A_877 : i32
        %sign3A_879 = arith.extui %sign3A_878 : i1 to i32
        %sign3A_880 = arith.subi %sign3A_876, %sign3A_879 : i32
        %sign3A_881 = arith.constant 0 : i32
        %sign3A_882 = arith.cmpi sgt, %jit3A_872, %sign3A_881 : i32
        %sign3A_883 = arith.extui %sign3A_882 : i1 to i32
        %sign3A_884 = arith.constant 0 : i32
        %sign3A_885 = arith.cmpi slt, %jit3A_872, %sign3A_884 : i32
        %sign3A_886 = arith.extui %sign3A_885 : i1 to i32
        %sign3A_887 = arith.subi %sign3A_883, %sign3A_886 : i32
        %ne3A_888 = arith.cmpi ne, %sign3A_880, %sign3A_887 : i32
        %rem3A_889 = arith.remsi %add3A_871, %jit3A_872 : i32
        %ne3A_890 = arith.constant 0 : i32
        %ne3A_891 = arith.cmpi ne, %rem3A_889, %ne3A_890 : i32
        %and3A_892 = arith.andi %ne3A_888, %ne3A_891 : i1
        %sub3A_893 = arith.constant 1 : i32
        %sub3A_894 = arith.subi %div3A_873, %sub3A_893 : i32
        %select_n3A_895 = arith.select %and3A_892, %sub3A_894, %div3A_873 : i32
        %jit3A_896 = arith.constant 2 : i32
        %eq3A_897 = arith.constant 0 : i32
        %eq3A_898 = arith.cmpi eq, %jit3A_896, %eq3A_897 : i32
        %jit3A_899 = arith.constant 1 : i32
        %select_n3A_900 = arith.select %eq3A_898, %jit3A_899, %jit3A_896 : i32
        %rem3A_901 = arith.remsi %add3A_871, %select_n3A_900 : i32
        %ne3A_902 = arith.constant 0 : i32
        %ne3A_903 = arith.cmpi ne, %rem3A_901, %ne3A_902 : i32
        %lt3A_904 = arith.constant 0 : i32
        %lt3A_905 = arith.cmpi slt, %rem3A_901, %lt3A_904 : i32
        %lt3A_906 = arith.constant 0 : i32
        %lt3A_907 = arith.cmpi slt, %select_n3A_900, %lt3A_906 : i32
        %ne3A_908 = arith.xori %lt3A_905, %lt3A_907 : i1
        %and3A_909 = arith.andi %ne3A_908, %ne3A_903 : i1
        %add3A_910 = arith.addi %rem3A_901, %select_n3A_900 : i32
        %select_n3A_911 = arith.select %and3A_909, %add3A_910, %rem3A_901 : i32
        %mul3A_912 = arith.constant 256 : i32
        %mul3A_913 = arith.muli %select_n3A_911, %mul3A_912 : i32
        %add3A_914 = arith.addi %mul3A_2, %mul3A_913 : i32
        %dma_wait3A_915 = tpu.memref_slice %arg2[%select_n3A_895, %add3A_914] : memref<50x16384xi32, #tpu.memory_space<hbm>> -> memref<1x256xi32, #tpu.memory_space<hbm>>
        %dma_wait3A_916 = tpu.memref_squeeze %dma_wait3A_915 : memref<1x256xi32, #tpu.memory_space<hbm>> -> memref<256xi32, #tpu.memory_space<hbm>>
        %dma_wait3A_917 = tpu.memref_slice %arg2[%select_n3A_895, %add3A_914] : memref<50x16384xi32, #tpu.memory_space<hbm>> -> memref<1x256xi32, #tpu.memory_space<hbm>>
        %dma_wait3A_918 = tpu.memref_squeeze %dma_wait3A_917 : memref<1x256xi32, #tpu.memory_space<hbm>> -> memref<256xi32, #tpu.memory_space<hbm>>
        tpu.wait_dma2 semaphore(%arg15 : memref<!tpu.dma_semaphore, #tpu.memory_space<semaphore_mem>>) src(%dma_wait3A_918 : memref<256xi32, #tpu.memory_space<hbm>>) dst(%arg6 : memref<256xi32, #tpu.memory_space<vmem>>)
        %dma_start3A_919 = arith.constant 0 : i32
        %dma_start3A_920 = arith.constant 0 : i32
        %dma_start3A_921 = tpu.memref_slice %arg10[%dma_start3A_919, %dma_start3A_920] : memref<256x128xf32, #tpu.memory_space<vmem>> -> memref<128x128xf32, #tpu.memory_space<vmem>>
        %dma_start3A_922 = arith.constant 0 : i32
        %dma_start3A_923 = tpu.memref_slice %arg6[%dma_start3A_922] : memref<256xi32, #tpu.memory_space<vmem>> -> memref<128xi32, #tpu.memory_space<vmem>>
        %dma_start3A_924 = arith.constant 0 : i32
        %dma_start3A_925 = arith.constant 0 : i32
        %dma_start3A_926 = tpu.memref_slice %arg3[%dma_start3A_924, %dma_start3A_925] : memref<1000000x128xf32, #tpu.memory_space<hbm>> -> memref<1000000x128xf32, #tpu.memory_space<hbm>>
        tpu.enqueue_indirect_dma source(%dma_start3A_926 : memref<1000000x128xf32, #tpu.memory_space<hbm>>) target(%dma_start3A_921 : memref<128x128xf32, #tpu.memory_space<vmem>>) offsets(%dma_start3A_923 : memref<128xi32, #tpu.memory_space<vmem>>) semaphore(%arg13 : memref<!tpu.dma_semaphore, #tpu.memory_space<semaphore_mem>>)
        %dma_start3A_927 = arith.constant 128 : i32
        %dma_start3A_928 = arith.constant 0 : i32
        %dma_start3A_929 = tpu.memref_slice %arg10[%dma_start3A_927, %dma_start3A_928] : memref<256x128xf32, #tpu.memory_space<vmem>> -> memref<128x128xf32, #tpu.memory_space<vmem>>
        %dma_start3A_930 = arith.constant 128 : i32
        %dma_start3A_931 = tpu.memref_slice %arg6[%dma_start3A_930] : memref<256xi32, #tpu.memory_space<vmem>> -> memref<128xi32, #tpu.memory_space<vmem>>
        %dma_start3A_932 = arith.constant 0 : i32
        %dma_start3A_933 = arith.constant 0 : i32
        %dma_start3A_934 = tpu.memref_slice %arg3[%dma_start3A_932, %dma_start3A_933] : memref<1000000x128xf32, #tpu.memory_space<hbm>> -> memref<1000000x128xf32, #tpu.memory_space<hbm>>
        tpu.enqueue_indirect_dma source(%dma_start3A_934 : memref<1000000x128xf32, #tpu.memory_space<hbm>>) target(%dma_start3A_929 : memref<128x128xf32, #tpu.memory_space<vmem>>) offsets(%dma_start3A_931 : memref<128xi32, #tpu.memory_space<vmem>>) semaphore(%arg13 : memref<!tpu.dma_semaphore, #tpu.memory_space<semaphore_mem>>)
      } else {
      }
      %add3A_863 = arith.constant 4 : i32
      %add3A_864 = arith.addi %add3A_779, %add3A_863 : i32
      %lt3A_865 = arith.constant 100 : i32
      %lt3A_866 = arith.cmpi slt, %add3A_864, %lt3A_865 : i32
      %convert_element_type3A_867 = arith.extui %lt3A_866 : i1 to i32
      %cond3A_868 = arith.constant 0 : i32
      %cond3A_869 = arith.cmpi ne, %convert_element_type3A_867, %cond3A_868 : i32
      scf.if %cond3A_869 {
        %add3A_870 = arith.constant 4 : i32
        %add3A_871 = arith.addi %add3A_779, %add3A_870 : i32
        %jit3A_872 = arith.constant 2 : i32
        %div3A_873 = arith.divsi %add3A_871, %jit3A_872 : i32
        %sign3A_874 = arith.constant 0 : i32
        %sign3A_875 = arith.cmpi sgt, %add3A_871, %sign3A_874 : i32
        %sign3A_876 = arith.extui %sign3A_875 : i1 to i32
        %sign3A_877 = arith.constant 0 : i32
        %sign3A_878 = arith.cmpi slt, %add3A_871, %sign3A_877 : i32
        %sign3A_879 = arith.extui %sign3A_878 : i1 to i32
        %sign3A_880 = arith.subi %sign3A_876, %sign3A_879 : i32
        %sign3A_881 = arith.constant 0 : i32
        %sign3A_882 = arith.cmpi sgt, %jit3A_872, %sign3A_881 : i32
        %sign3A_883 = arith.extui %sign3A_882 : i1 to i32
        %sign3A_884 = arith.constant 0 : i32
        %sign3A_885 = arith.cmpi slt, %jit3A_872, %sign3A_884 : i32
        %sign3A_886 = arith.extui %sign3A_885 : i1 to i32
        %sign3A_887 = arith.subi %sign3A_883, %sign3A_886 : i32
        %ne3A_888 = arith.cmpi ne, %sign3A_880, %sign3A_887 : i32
        %rem3A_889 = arith.remsi %add3A_871, %jit3A_872 : i32
        %ne3A_890 = arith.constant 0 : i32
        %ne3A_891 = arith.cmpi ne, %rem3A_889, %ne3A_890 : i32
        %and3A_892 = arith.andi %ne3A_888, %ne3A_891 : i1
        %sub3A_893 = arith.constant 1 : i32
        %sub3A_894 = arith.subi %div3A_873, %sub3A_893 : i32
        %select_n3A_895 = arith.select %and3A_892, %sub3A_894, %div3A_873 : i32
        %jit3A_896 = arith.constant 2 : i32
        %eq3A_897 = arith.constant 0 : i32
        %eq3A_898 = arith.cmpi eq, %jit3A_896, %eq3A_897 : i32
        %jit3A_899 = arith.constant 1 : i32
        %select_n3A_900 = arith.select %eq3A_898, %jit3A_899, %jit3A_896 : i32
        %rem3A_901 = arith.remsi %add3A_871, %select_n3A_900 : i32
        %ne3A_902 = arith.constant 0 : i32
        %ne3A_903 = arith.cmpi ne, %rem3A_901, %ne3A_902 : i32
        %lt3A_904 = arith.constant 0 : i32
        %lt3A_905 = arith.cmpi slt, %rem3A_901, %lt3A_904 : i32
        %lt3A_906 = arith.constant 0 : i32
        %lt3A_907 = arith.cmpi slt, %select_n3A_900, %lt3A_906 : i32
        %ne3A_908 = arith.xori %lt3A_905, %lt3A_907 : i1
        %and3A_909 = arith.andi %ne3A_908, %ne3A_903 : i1
        %add3A_910 = arith.addi %rem3A_901, %select_n3A_900 : i32
        %select_n3A_911 = arith.select %and3A_909, %add3A_910, %rem3A_901 : i32
        %mul3A_912 = arith.constant 256 : i32
        %mul3A_913 = arith.muli %select_n3A_911, %mul3A_912 : i32
        %add3A_914 = arith.addi %mul3A_2, %mul3A_913 : i32
        %dma_start3A_915 = tpu.memref_slice %arg2[%select_n3A_895, %add3A_914] : memref<50x16384xi32, #tpu.memory_space<hbm>> -> memref<1x256xi32, #tpu.memory_space<hbm>>
        %dma_start3A_916 = tpu.memref_squeeze %dma_start3A_915 : memref<1x256xi32, #tpu.memory_space<hbm>> -> memref<256xi32, #tpu.memory_space<hbm>>
        %dma_start3A_917 = tpu.memref_slice %arg2[%select_n3A_895, %add3A_914] : memref<50x16384xi32, #tpu.memory_space<hbm>> -> memref<1x256xi32, #tpu.memory_space<hbm>>
        %dma_start3A_918 = tpu.memref_squeeze %dma_start3A_917 : memref<1x256xi32, #tpu.memory_space<hbm>> -> memref<256xi32, #tpu.memory_space<hbm>>
        tpu.enqueue_dma source(%dma_start3A_918 : memref<256xi32, #tpu.memory_space<hbm>>) target(%arg8 : memref<256xi32, #tpu.memory_space<vmem>>) target_semaphore(%arg15 : memref<!tpu.dma_semaphore, #tpu.memory_space<semaphore_mem>>)
      } else {
      }
    }
    %scan3A_484 = arith.constant 25 : i32
    %dma_wait3A_485 = arith.constant 0 : i32
    %dma_wait3A_486 = arith.constant 0 : i32
    %dma_wait3A_487 = tpu.memref_slice %arg4[%dma_wait3A_485, %dma_wait3A_486, %mul3A_2] : memref<50x64x16384xf32, #tpu.memory_space<hbm>> -> memref<1x64x256xf32, #tpu.memory_space<hbm>>
    %dma_wait3A_488 = tpu.memref_squeeze %dma_wait3A_487 : memref<1x64x256xf32, #tpu.memory_space<hbm>> -> memref<64x256xf32, #tpu.memory_space<hbm>>
    %dma_wait3A_489 = arith.constant 0 : i32
    %dma_wait3A_490 = tpu.memref_slice %arg4[%dma_wait3A_485, %dma_wait3A_489, %mul3A_2] : memref<50x64x16384xf32, #tpu.memory_space<hbm>> -> memref<1x64x256xf32, #tpu.memory_space<hbm>>
    %dma_wait3A_491 = tpu.memref_squeeze %dma_wait3A_490 : memref<1x64x256xf32, #tpu.memory_space<hbm>> -> memref<64x256xf32, #tpu.memory_space<hbm>>
    tpu.wait_dma2 semaphore(%arg14 : memref<!tpu.dma_semaphore, #tpu.memory_space<semaphore_mem>>) src(%arg11 : memref<64x256xf32, #tpu.memory_space<vmem>>) dst(%dma_wait3A_491 : memref<64x256xf32, #tpu.memory_space<hbm>>)
    %dma_wait3A_492 = arith.constant 0 : i32
    %dma_wait3A_493 = arith.constant 0 : i32
    %dma_wait3A_494 = tpu.memref_slice %arg4[%dma_wait3A_492, %dma_wait3A_493, %mul3A_2] : memref<50x64x16384xf32, #tpu.memory_space<hbm>> -> memref<1x64x256xf32, #tpu.memory_space<hbm>>
    %dma_wait3A_495 = tpu.memref_squeeze %dma_wait3A_494 : memref<1x64x256xf32, #tpu.memory_space<hbm>> -> memref<64x256xf32, #tpu.memory_space<hbm>>
    %dma_wait3A_496 = arith.constant 0 : i32
    %dma_wait3A_497 = tpu.memref_slice %arg4[%dma_wait3A_492, %dma_wait3A_496, %mul3A_2] : memref<50x64x16384xf32, #tpu.memory_space<hbm>> -> memref<1x64x256xf32, #tpu.memory_space<hbm>>
    %dma_wait3A_498 = tpu.memref_squeeze %dma_wait3A_497 : memref<1x64x256xf32, #tpu.memory_space<hbm>> -> memref<64x256xf32, #tpu.memory_space<hbm>>
    tpu.wait_dma2 semaphore(%arg14 : memref<!tpu.dma_semaphore, #tpu.memory_space<semaphore_mem>>) src(%arg12 : memref<64x256xf32, #tpu.memory_space<vmem>>) dst(%dma_wait3A_498 : memref<64x256xf32, #tpu.memory_space<hbm>>)
    return
  }
}

</mosaic_0001>

<sc_bundles>
// kernel: kernel.3.cloned.1.call-start
scs
__scs_entry_jumppad:
0x0: {  	(pc) =	sbr.rel $0x88, $3  }
0x1: {  	(tag) =	ssettag $0x0;
	lr =	simm.s32 $0x1  }
0x2: {  	[smem:$0x3F9F] =	sst lr;
	_ =	strace $0xD0000000  }
0x3: {  	_ = 	snop  }
0x4: {  	_ = 	snop  }
0x5: {  	_ = 	snop  }
0x6: {  	_ = 	snop  }
0x7: {  	_ = 	snop  }
__scs_overlays_trampoline_lowered:
0x8: {  	[smem:$0x3FAE] =	sst s0  }
0x9: {  	[smem:$0x3FAF] =	sst s1  }
0xa: {  	[smem:$0x3FB0] =	sst s2  }
0xb: {  	[smem:$0x3FB1] =	sst s3  }
0xc: {  	[smem:$0x3FB2] =	sst s4  }
0xd: {  	[smem:$0x3FB3] =	sst s5  }
0xe: {  	[smem:$0x3FB4] =	sst s6  }
0xf: {  	[smem:$0x3FB5] =	sst s7  }
0x10: {  	[smem:$0x3FB6] =	sst s8  }
0x11: {  	[smem:$0x3FB7] =	sst s9;
	s0 =	simm.s32 @!p0 $0x0  }
0x12: {  	s1 =	sld [smem:$0x3F9D];
	s0 =	simm.s32 @p0 $0x1  }
0x13: {  	[smem:$0x3FB8] =	sst s0;
	s0 =	simm.s32 @!p1 $0x0  }
0x14: {  	s2 =	sld [smem:$0x3F9C];
	s0 =	simm.s32 @p1 $0x1  }
0x15: {  	[smem:$0x3FB9] =	sst s0;
	s0 =	simm.s32 @!p2 $0x0  }
0x16: {  	s3 =	sld [smem:$0x3FDB];
	s0 =	simm.s32 @p2 $0x1  }
0x17: {  	s4 =	simm.s32 $0x1BF5;
	[smem:$0x3FBB] =	sst s0  }
0x18: {  	s0 =	sld [smem:$0x3F9E];
	_ =	swait.ge [sflag:s4], $0x0  }
0x19: {  	s7 =	sld [smem:$0x3F9F]  }
0x1a: {  	s8 =	sadd.s32 $0xFFFFE003, lr  }
0x1b: {  	s9 =	sadd.s32 $0xFFFFFEF7, lr;
	s5 =	simm.s32 $0xFFFFFFFF;
	p2 =	slt.u32 s8, $0xFFFFF086  }
0x1c: {  	p1 =	slt.u32 s9, $0xF7A;
	s5 =	simm.s32 @!p2 $0x0  }
0x1d: {  	s5 =	simm.s32 @p1 $0x1;
	p0 =	seq.s32 s7, s2  }
0x1e: {  	s7 =	smul.u32 @!p0 $0xF7A, s2;
	p2 =	seq.s32 @!p0 s5, $0x0  }
0x1f: {  	s9 =	smul.u32 $0xF7A, s1;
	s8 =	simm.s32 @!p0 $0x1BF5;
	p2 =	por !p2, p0  }
0x20: {  	[sflag:s8] =	ssyncset.s32 @!p0 $0xFFFFF086;
	s6 =	sadd.s32 @!p0 s3, s7;
	s7 =	simm.s32 @!p0 $0x108  }
0x21: {  	s3 =	sadd.s32 s3, s9;
	s6 =	sadd.s32 @!p0 $0x88, s6;
	s7 =	simm.s32 @p2 $0x1082  }
0x22: {  	[simem:s7], [sflag:s8] =	dma.local @!p0 [hbm:s6], $0xF7A  }
0x23: {  	s9 =	sor.u32 $0xD0000000, s2;
	s6 =	simm.s32 $0x108;
	_ =	swait.ge @!p0 [sflag:s8], $0x0  }
0x24: {  	s3 =	sadd.s32 $0x88, s3;
	s6 =	simm.s32 @!p1 $0x1082;
	[sflag:s4] =	ssyncset.s32 $0xFFFFF086  }
0x25: {  	[simem:s6], [sflag:s4] =	dma.local [hbm:s3], $0xF7A  }
0x26: {  	[smem:$0x3F9F] =	sst s1;
	(tag) =	ssettag s2;
	_ =	strace s9  }
0x27: {  	s1 =	sld [smem:$0x3FAF]  }
0x28: {  	s2 =	sld [smem:$0x3FB0]  }
0x29: {  	s4 =	sld [smem:$0x3FB2]  }
0x2a: {  	p0 =	seq.s32 s5, $0x0;
	s5 =	sld [smem:$0x3FB3]  }
0x2b: {  	s6 =	sld [smem:$0x3FB4]  }
0x2c: {  	s7 =	sld [smem:$0x3FB5]  }
0x2d: {  	s3 =	simm.s32 $0x108;
	s8 =	sld [smem:$0x3FB6]  }
0x2e: {  	s3 =	simm.s32 @!p0 $0x1082;
	s9 =	sld [smem:$0x3FB7]  }
0x2f: {  	lr =	sadd.s32 s0, s3;
	s0 =	sld [smem:$0x3FAE]  }
0x30: {  	s3 =	sld [smem:$0x3FB1]  }
0x31: {  	[smem:$0x3FBA] =	sst s10  }
0x32: {  	s10 =	sld [smem:$0x3FB8];
	_ =	sdelay $0x3  }
0x33: {  	p0 =	seq.s32 s10, $0x1;
	s10 =	sld [smem:$0x3FBA];
	_ =	sdelay $0x3  }
0x34: {  	[smem:$0x3FBA] =	sst s10  }
0x35: {  	s10 =	sld [smem:$0x3FB9];
	_ =	sdelay $0x3  }
0x36: {  	p1 =	seq.s32 s10, $0x1;
	s10 =	sld [smem:$0x3FBA];
	_ =	sdelay $0x3  }
0x37: {  	[smem:$0x3FBA] =	sst s10  }
0x38: {  	s10 =	sld [smem:$0x3FBB]  }
0x39: {  	_ = 	snop;
	(pc) =	sbr.ind lr, $3  }
0x3a: {  	_ = 	snop  }
0x3b: {  	_ = 	snop  }
0x3c: {  	p2 =	seq.s32 s10, $0x1;
	s10 =	sld [smem:$0x3FBA]  }
0x3d: {  	_ =	shalt  }
0x3e: {  	_ =	shalt  }
0x3f: {  	_ =	shalt  }
0x40: {  	_ =	shalt  }
0x41: {  	_ =	shalt  }
0x42: {  	_ =	shalt  }
0x43: {  	_ =	shalt  }
0x44: {  	_ =	shalt  }
0x45: {  	_ =	shalt  }
0x46: {  	_ =	shalt  }
0x47: {  	_ =	shalt  }
0x48: {  	_ =	shalt  }
0x49: {  	_ =	shalt  }
0x4a: {  	_ =	shalt  }
0x4b: {  	_ =	shalt  }
0x4c: {  	_ =	shalt  }
0x4d: {  	_ =	shalt  }
0x4e: {  	_ =	shalt  }
0x4f: {  	_ =	shalt  }
0x50: {  	_ =	shalt  }
0x51: {  	_ =	shalt  }
0x52: {  	_ =	shalt  }
0x53: {  	_ =	shalt  }
0x54: {  	_ =	shalt  }
0x55: {  	_ =	shalt  }
0x56: {  	_ =	shalt  }
0x57: {  	_ =	shalt  }
0x58: {  	_ =	shalt  }
0x59: {  	_ =	shalt  }
0x5a: {  	_ =	shalt  }
0x5b: {  	_ =	shalt  }
0x5c: {  	_ =	shalt  }
0x5d: {  	_ =	shalt  }
0x5e: {  	_ =	shalt  }
0x5f: {  	_ =	shalt  }
0x60: {  	_ =	shalt  }
0x61: {  	_ =	shalt  }
0x62: {  	_ =	shalt  }
0x63: {  	_ =	shalt  }
0x64: {  	_ =	shalt  }
0x65: {  	_ =	shalt  }
0x66: {  	_ =	shalt  }
0x67: {  	_ =	shalt  }
0x68: {  	_ =	shalt  }
0x69: {  	_ =	shalt  }
0x6a: {  	_ =	shalt  }
0x6b: {  	_ =	shalt  }
0x6c: {  	_ =	shalt  }
0x6d: {  	_ =	shalt  }
0x6e: {  	_ =	shalt  }
0x6f: {  	_ =	shalt  }
0x70: {  	_ =	shalt  }
0x71: {  	_ =	shalt  }
0x72: {  	_ =	shalt  }
0x73: {  	_ =	shalt  }
0x74: {  	_ =	shalt  }
0x75: {  	_ =	shalt  }
0x76: {  	_ =	shalt  }
0x77: {  	_ =	shalt  }
0x78: {  	_ =	shalt  }
0x79: {  	_ =	shalt  }
0x7a: {  	_ =	shalt  }
0x7b: {  	_ =	shalt  }
0x7c: {  	_ =	shalt  }
0x7d: {  	_ =	shalt  }
0x7e: {  	_ =	shalt  }
0x7f: {  	_ =	shalt  }
0x80: {  	_ =	shalt  }
0x81: {  	_ =	shalt  }
0x82: {  	_ =	shalt  }
0x83: {  	_ =	shalt  }
0x84: {  	_ =	shalt  }
0x85: {  	_ =	shalt  }
0x86: {  	_ =	shalt  }
0x87: {  	_ =	shalt  }
.Lfunc_end0:
.L_simem_size_0:
called_computation_lowered:
.L_overlay_start_0:
0x88: {  	s2 =	sld [smem:$0x3FD9]  }
0x89: {  	s3 =	sld [smem:$0x3FFE];
	_ =	sdelay $0x1  }
0x8a: {  	s1 =	srdreg.scid  }
0x8b: {  	s0 =	sand.u32 $0x1, s1  }
0x8c: {  	s17 =	sshll.u32 s0, $0xA;
	s2 =	sadd.s32 s3, s2  }
0x8d: {  	s2 =	sadd.s32 s2, s17  }
0x8e: {  	[smem:$0x3FC6] =	sst s2  }
0x8f: {  	_ = 	snop  }
0x90: {  	s2 =	sld [smem:$0x3FC9]  }
0x91: {  	s18 =	sld [smem:$0x3FD0];
	(tm) =	ssettm $0x1  }
0x92: {  	s4 =	sld [smem:$0x3FFB];
	_ =	sdelay $0x3  }
0x93: {  	_ =	strace s4  }
0x94: {  	s4 =	sld [smem:$0x3FFC];
	_ =	sdelay $0x3  }
0x95: {  	_ =	strace s4  }
0x96: {  	s4 =	sld [smem:$0x3FFD];
	_ =	sdelay $0x3  }
0x97: {  	_ =	strace s4  }
0x98: {  	_ =	strace $0x8FFFFFFF  }
0x99: {  	s19 =	sld [smem:$0x3FDB];
	_ =	sdelay $0x1  }
0x9a: {  	s5 =	simm.s32 $_scs_section_size  }
0x9b: {  	s6 =	simm.s32 $_size__tile_overlayer_lowered;
	s7 =	simm.s32 $_tile_overlayer_lowered  }
0x9c: {  	s22 =	simm.s32 $0x1BFF;
	s21 =	sshll.u32 s7, $0x1;
	s4 =	sadd.s32 s5, s19  }
0x9d: {  	s8 =	simm.s32 $0x0;
	s20 =	sshll.u32 s6, $0x1;
	s6 =	sadd.s32 s21, s4  }
0x9e: {  	[timem:s8], [sflag:s22] =	dma.local [hbm:s6], s20  }
0x9f: {  	_ =	swait.ge [sflag:s22], s20  }
0xa0: {  	s5 =	ssub.s32 $0x0, s20;
	[sflag:s22] =	ssyncset.done $0x0  }
0xa1: {  	[sflag:s22] =	ssyncadd.s32 s5;
	_ =	sdelay $0x1  }
0xa2: {  	s23 =	simm.s32 $0x1B8B  }
0xa3: {  	_ =	swait.ge [sflag:s23], $0x1  }
0xa4: {  	[sflag:s23] =	ssyncset.done $0x0  }
0xa5: {  	s25 =	simm.s32 $0x1B8E;
	s24 =	sld [smem:$0x3FFE];
	[sflag:s23] =	ssyncadd.s32 $0xFFFFFFFF  }
0xa6: {  	s26 =	simm.s32 $execute0_lowered;
	[smem:$0x3FD2] =	sst s25  }
0xa7: {  	s6 =	sshll.u32 s26, $0x1;
	_ =	strace $0x80000046;
	[dreg:$0x1] =	wrdreg $0xFFFFFFFF  }
0xa8: {  	s28 =	simm.s32 $_size_execute0_lowered;
	s4 =	sadd.s32 s4, s6;
	[dreg:$0x0] =	wrdreg $0x0  }
0xa9: {  	s6 =	sshll.u32 s28, $0x1;
	[dreg:$0x2] =	wrdreg s4  }
0xaa: {  	[dreg:$0x3] =	wrdreg s6  }
0xab: {  	[dreg:$0x4] =	wrdreg $0xC0  }
0xac: {  	_ =	task [dreg:s8], $0x5FFFF  }
0xad: {  	[dreg:$0x1] =	wrdreg $0xFFFFFFFF  }
0xae: {  	[dreg:$0x0] =	wrdreg $0x60  }
0xaf: {  	[dreg:$0x2] =	wrdreg s2  }
0xb0: {  	[dreg:$0x3] =	wrdreg s24  }
0xb1: {  	[dreg:$0x4] =	wrdreg s18  }
0xb2: {  	[dreg:$0x5] =	wrdreg $0x9  }
0xb3: {  	_ =	task.clear_ibuf [dreg:s8], $0x6FFFF;
	_ =	strace $0x90000046  }
0xb4: {  	s29 =	simm.s32 $0x9;
	_ =	strace $0x80000048  }
0xb5: {  	_ =	swait.ge [sflag:s29], $0x1  }
0xb6: {  	[sflag:s29] =	ssyncadd.s32 $0xFFFFFFFF  }
0xb7: {  	_ =	strace $0x90000048  }
0xb8: {  	_ =	sfence  }
0xb9: {  	s30 =	sld [smem:$0x0];
	_ =	sdelay $0x2  }
0xba: {  	s31 =	sshll.u32 s1, $0xD;
	s1 =	sshrl.u32 s1, $0x2  }
0xbb: {  	s3 =	sand.u32 $0x4000, s31;
	s1 =	sadd.s32 s1, s30  }
0xbc: {  	s0 =	sor.u32 s3, s0;
	s1 =	sshll.u32 s1, $0x11  }
0xbd: {  	s0 =	sor.u32 s1, s0  }
0xbe: {  	s0 =	sadd.s32 $0x8F2B, s0  }
0xbf: {  	[sflag:s0] =	ssyncadd.remote.s32 $0x1  }
0xc0: {  	_ =	sfence.sel $0xFFFF  }
0xc1: {  	[dreg:$0x0] =	wrdreg $0xFFFFFFFF;
	(pc) =	sbr.abs _section_cstart, $3  }
0xc2: {  	[dreg:$0x1] =	wrdreg $0xFFFFFFFF  }
0xc3: {  	_ =	task.clear_ibuf [dreg:s8], $0x2FFFF;
	_ =	strace $0x9FFFFFFF  }
0xc4: {  	(tm) =	ssettm $0x7FFFFFFF  }
0xc5: {  	_ =	shalt  }
tec
execute0_lowered:
.L_overlay_start_1:
0x0: {  	(tag) =	ssettag $0x1  }
0x1: {  	v0 =	vimm.s32 $0xB80;
	vm14 =	vcmask $0x300  }
0x2: {  	vm13 =	vcmask $0x704;
	vm12 =	vcmask $0xB08;
	vm11 =	vcmask $0xF0C  }
0x3: {  	vm10 =	vcmask $0x1310;
	vm9 =	vcmask $0x1714;
	vm8 =	vcmask $0x1B18  }
0x4: {  	vm7 =	vcmask $0x1F1C;
	vm6 =	vcmask $0x2320;
	vm5 =	vcmask $0x2724  }
0x5: {  	vm4 =	vcmask $0x2B28;
	vm2 =	vcmask $0x2F2C;
	vm3 =	vcmask $0x3330  }
0x6: {  	vm0 =	vcmask $0x3734;
	v1 =	vimm.s32 $0x1B80;
	vm1 =	vcmask $0x3B38  }
0x7: {  	v4 =	vimm.s32 $0x2B80;
	v5 =	vimm.s32 $0x3B80;
	v8 =	vimm.s32 $0xFEDCBA9  }
0x8: {  	v9 =	vimm.s32 $0x87654321;
	v10 =	vimm.s32 $0x98765432;
	v11 =	vimm.s32 $0x210FEDCB  }
0x9: {  	v12 =	vimm.s32 $0xA9876543;
	v22 =	vimm.s32 $0xCBA98765;
	v24 =	vimm.s32 $0x6543210F  }
0xa: {  	v25 =	vimm.s32 $0xEDCBA987;
	v26 =	vimm.s32 $0xFEDCBA98;
	v27 =	vimm.s32 $0x76543210  }
0xb: {  	v0 =	vsel vm14, $0x0, v0;
	v3 =	vsel vm14, $0x1000, v1;
	v4 =	vsel vm14, $0x2000, v4  }
0xc: {  	v5 =	vsel vm14, $0x3000, v5;
	v8 =	vunpack.c.l.s4.s8 v8;
	v10 =	vunpack.c.l.s4.s8 v10  }
0xd: {  	v11 =	vunpack.c.l.s4.s8 v11;
	v24 =	vunpack.c.l.s4.s8 v24;
	v25 =	vunpack.c.l.s4.s8 v25  }
0xe: {  	v26 =	vunpack.c.l.s4.s8 v26;
	v0 =	vsel vm13, $0x80, v0;
	v3 =	vsel vm13, $0x1080, v3  }
0xf: {  	v4 =	vsel vm13, $0x2080, v4;
	v5 =	vsel vm13, $0x3080, v5;
	v0 =	vsel vm12, $0x100, v0  }
0x10: {  	v3 =	vsel vm12, $0x1100, v3;
	v4 =	vsel vm12, $0x2100, v4;
	v5 =	vsel vm12, $0x3100, v5  }
0x11: {  	v14 =	vunpack.c.0.s8.s32 v8;
	v8 =	vunpack.c.l.s4.s8 v9;
	v9 =	vimm.s32 $0x10FEDCBA  }
0x12: {  	v17 =	vunpack.c.0.s8.s32 v10;
	v18 =	vunpack.c.0.s8.s32 v11;
	v24 =	vunpack.c.0.s8.s32 v24  }
0x13: {  	v25 =	vunpack.c.0.s8.s32 v25;
	v26 =	vunpack.c.0.s8.s32 v26;
	v0 =	vsel vm11, $0x180, v0  }
0x14: {  	v3 =	vsel vm11, $0x1180, v3;
	v4 =	vsel vm11, $0x2180, v4;
	v5 =	vsel vm11, $0x3180, v5  }
0x15: {  	v9 =	vunpack.c.l.s4.s8 v9;
	v0 =	vsel vm10, $0x200, v0;
	v3 =	vsel vm10, $0x1200, v3  }
0x16: {  	v4 =	vsel vm10, $0x2200, v4;
	v5 =	vsel vm10, $0x3200, v5;
	v15 =	vunpack.c.0.s8.s32 v8  }
0x17: {  	v8 =	vunpack.c.l.s4.s8 v12;
	v30 =	vcombine.low v25, v24;
	v26 =	vand.u32 $0xF, v26  }
0x18: {  	v0 =	vsel vm9, $0x280, v0;
	v3 =	vsel vm9, $0x1280, v3;
	v4 =	vsel vm9, $0x2280, v4  }
0x19: {  	v5 =	vsel vm9, $0x3280, v5;
	v16 =	vunpack.c.0.s8.s32 v9;
	v9 =	vimm.s32 $0x3210FEDC  }
0x1a: {  	v0 =	vsel vm8, $0x300, v0;
	v3 =	vsel vm8, $0x1300, v3;
	v4 =	vsel vm8, $0x2300, v4  }
0x1b: {  	v5 =	vsel vm8, $0x3300, v5;
	v19 =	vunpack.c.0.s8.s32 v8;
	v8 =	vunpack.c.l.s4.s8 v9  }
0x1c: {  	v9 =	vimm.s32 $0xBA987654;
	v10 =	vcombine.low v15, v14;
	v63 =	vcombine.low v14, v15  }
0x1d: {  	v15 =	vand.u32 $0xF, v30;
	v0 =	vsel vm7, $0x380, v0;
	v3 =	vsel vm7, $0x1380, v3  }
0x1e: {  	v4 =	vsel vm7, $0x2380, v4;
	v5 =	vsel vm7, $0x3380, v5;
	v11 =	vcombine.low v17, v16  }
0x1f: {  	v9 =	vunpack.c.l.s4.s8 v9;
	v17 =	vcombine.low v16, v17;
	v0 =	vsel vm6, $0x800, v0  }
0x20: {  	v3 =	vsel vm6, $0x1800, v3;
	v4 =	vsel vm6, $0x2800, v4;
	v5 =	vsel vm6, $0x3800, v5  }
0x21: {  	v12 =	vcombine.low v19, v18;
	v20 =	vunpack.c.0.s8.s32 v8;
	v8 =	vimm.s32 $0x43210FED  }
0x22: {  	v18 =	vcombine.low v18, v19;
	v16 =	vand.u32 $0xF, v63;
	v0 =	vsel vm5, $0x880, v0  }
0x23: {  	v3 =	vsel vm5, $0x1880, v3;
	v4 =	vsel vm5, $0x2880, v4;
	v5 =	vsel vm5, $0x3880, v5  }
0x24: {  	v21 =	vunpack.c.0.s8.s32 v9;
	v13 =	vunpack.c.l.s4.s8 v8;
	v8 =	vand.u32 $0xF, v10  }
0x25: {  	v9 =	vand.u32 $0xF, v11;
	v11 =	vunpack.c.l.s4.s8 v22;
	v17 =	vand.u32 $0xF, v17  }
0x26: {  	s0 =	rddreg [dreg:$0x0];
	v0 =	vsel vm4, $0x900, v0;
	v3 =	vsel vm4, $0x1900, v3;
	v4 =	vsel vm4, $0x2900, v4  }
0x27: {  	s1 =	rddreg [dreg:$0x1];
	v5 =	vsel vm4, $0x3900, v5;
	v10 =	vand.u32 $0xF, v12;
	v18 =	vand.u32 $0xF, v18  }
0x28: {  	s8 =	rddreg [dreg:$0x2];
	v0 =	vsel vm2, $0x980, v0;
	v3 =	vsel vm2, $0x1980, v3;
	v6 =	vsel vm2, $0x2980, v4  }
0x29: {  	s2 =	simm.s32 $0x0;
	s24 =	srdreg.scid;
	s3 =	stileid.u32;
	v5 =	vsel vm2, $0x3980, v5;
	v12 =	vcombine.low v21, v20;
	v22 =	vunpack.c.0.s8.s32 v13  }
0x2a: {  	s14 =	simm.s32 $0x80;
	s15 =	simm.s32 $0x400;
	s16 =	simm.s32 $0x100;
	v23 =	vunpack.c.0.s8.s32 v11;
	v11 =	vimm.s32 $0x543210FE;
	v13 =	vimm.s32 $0xDCBA9876  }
0x2b: {  	s17 =	simm.s32 $0x200;
	s18 =	simm.s32 $0x300;
	s19 =	simm.s32 $0x3;
	v19 =	vcombine.low v20, v21;
	v0 =	vsel vm3, $0xA00, v0;
	v3 =	vsel vm3, $0x1A00, v3  }
0x2c: {  	s20 =	simm.s32 $0x4400;
	s21 =	simm.s32 $0x8400;
	s23 =	simm.s32 $0xC400;
	v6 =	vsel vm3, $0x2A00, v6;
	v7 =	vsel vm3, $0x3A00, v5;
	v11 =	vunpack.c.l.s4.s8 v11  }
0x2d: {  	s28 =	simm.s32 $0x20000;
	s30 =	simm.s32 $0x14400;
	[smem:$0x7FF] =	sst s2;
	v13 =	vunpack.c.l.s4.s8 v13;
	v2 =	vsel vm0, $0xA80, v0;
	v0 =	vlaneseq.u32  }
0x2e: {  	s2 =	sand.u32 $0x1, s24;
	s3 =	sshll.u32 s3, $0xA;
	s4 =	sadd.s32 $0xF42800, s1;
	v3 =	vsel vm0, $0x1A80, v3;
	v6 =	vsel vm0, $0x2A80, v6;
	v7 =	vsel vm0, $0x3A80, v7  }
0x2f: {  	s11 =	sadd.s32 $0x20000, s8;
	s12 =	sadd.s32 $0x20100, s8;
	s5 =	sshll.u32 s2, $0x9;
	v20 =	vcombine.low v22, v23;
	v19 =	vand.u32 $0xF, v19;
	v1 =	vsel vm1, $0xB00, v2  }
0x30: {  	s24 =	simm.s32 $0x1;
	s25 =	ssub.s32 $0x2, s2;
	s5 =	sor.u32 s5, s3;
	v2 =	vor.u32 $0x10, v0;
	v3 =	vsel vm1, $0x1B00, v3;
	v4 =	vor.u32 $0x20, v0  }
0x31: {  	_ =	strace $0x80000047;
	s2 =	sshrl.u32 s25, $0x1;
	s6 =	sadd.s32 s0, s5;
	v5 =	vsel vm1, $0x2B00, v6;
	v6 =	vor.u32 $0x30, v0;
	v7 =	vsel vm1, $0x3B00, v7  }
.Ltmp0:
0x32: {  	s3 =	sor.u32 $0x100, s5;
	s1 =	ssub.s32 s25, s2;
	v28 =	vunpack.c.0.s8.s32 v11;
	v29 =	vunpack.c.0.s8.s32 v13;
	v13 =	vunpack.c.l.s4.s8 v27;
	(pc) =	sbr.rel .LBB2_1-.Ltmp0, $4  }
0x33: {  	s25 =	simm.s32 $0x10400;
	s2 =	simm.s32 $0x0;
	s26 =	sadd.s32 $0x10, s6;
	v11 =	vand.u32 $0xF, v12;
	v12 =	vcombine.low v23, v22;
	v22 =	vcombine.low v24, v25  }
0x34: {  	s7 =	sadd.s32 s0, s3;
	s29 =	sadd.s32 $0x110, s6;
	[dreg:$0x4] =	wrdreg s26;
	v13 =	vunpack.c.0.s8.s32 v13;
	v62 =	vcombine.low v29, v28;
	v21 =	vcombine.low v28, v29  }
0x35: {  	s10 =	sadd.s32 s8, s3;
	s31 =	smax.u32 s1, $0x1;
	[dreg:$0x5] =	wrdreg s29;
	v20 =	vand.u32 $0xF, v20;
	v12 =	vand.u32 $0xF, v12;
	v22 =	vand.u32 $0xF, v22  }
0x36: {  	s0 =	simm.s32 $0x2;
	[dreg:$0x6] =	wrdreg s31;
	s26 =	simm.s32 $0x800;
	v13 =	vcombine.low v26, v13;
	v14 =	vand.u32 $0xF, v62;
	v21 =	vand.u32 $0xF, v21  }
.LBB2_12:
0x37: {  	_ =	swait.ge [sflag:s0], $0x4000  }
0x38: {  	[sflag:s0] =	ssyncset.done $0x0  }
0x39: {  	[sflag:s0] =	ssyncadd.s32 $0xFFFFC000  }
0x3a: {  	_ =	swait.ge [sflag:s0], $0x4000  }
0x3b: {  	s2 =	rddreg [dreg:$0x7]  }
0x3c: {  	s1 =	rddreg [dreg:$0x6];
	s2 =	sadd.s32 $0x1, s2  }
0x3d: {  	p0 =	sne.s32 s2, s1  }
.Ltmp1:
0x3e: {  	_ = 	snop;
	(pc) =	sbr.rel @!p0 .LBB2_13-.Ltmp1, $3  }
0x3f: {  	_ =	sdelay $0x1  }
0x40: {  	[sflag:s0] =	ssyncset.done $0x0  }
0x41: {  	[sflag:s0] =	ssyncadd.s32 $0xFFFFC000  }
.LBB2_1:
0x42: {  	s1 =	simm.s32 $0x0  }
0x43: {  	[tilespmem:s1], [sflag:$0x3] =	stream.strided.gather [hbm4b:s6+s14], $0x100, s15, s14, $0x38;
	[tilespmem:$0x18400] =	vst v63  }
0x44: {  	[dreg:$0x7] =	wrdreg s2  }
0x45: {  	[tilespmem:s16], [sflag:$0x3] =	stream.strided.gather [hbm4b:s7+s14], $0x100, s15, s14, $0x38;
	[tilespmem:$0x18400] =	vst v63  }
0x46: {  	s22 =	rddreg [dreg:$0x4]  }
0x47: {  	[tilespmem:s17], [sflag:$0x3] =	stream.strided.gather [hbm4b:s22+s14], $0x100, s15, s14, $0x38;
	[tilespmem:$0x18400] =	vst v63  }
0x48: {  	s29 =	rddreg [dreg:$0x5]  }
0x49: {  	[tilespmem:s18], [sflag:$0x3] =	stream.strided.gather [hbm4b:s29+s14], $0x100, s15, s14, $0x38;
	[tilespmem:$0x18400] =	vst v63  }
0x4a: {  	_ =	swait.ge [sflag:s19], $0x100  }
0x4b: {  	[sflag:s19] =	ssyncset.done $0x0  }
0x4c: {  	[sflag:s19] =	ssyncadd.s32 $0xFFFFFF00  }
0x4d: {  	[tilespmem:s15], [sflag:$0x1] =	stream.indirect.gather [hbm4b:s4+s14], $0x80, s1, s14, $0xb8;
	[tilespmem:$0x18400] =	vst v63  }
0x4e: {  	_ = 	snop  }
0x4f: {  	[tilespmem:s20], [sflag:$0x1] =	stream.indirect.gather [hbm4b:s4+s14], $0x80, s14, s14, $0xb8;
	[tilespmem:$0x18400] =	vst v63  }
0x50: {  	_ =	swait.ge [sflag:s19], $0x100  }
0x51: {  	[sflag:s19] =	ssyncset.done $0x0  }
0x52: {  	[sflag:s19] =	ssyncadd.s32 $0xFFFFFF00  }
0x53: {  	[tilespmem:s21], [sflag:$0x1] =	stream.indirect.gather [hbm4b:s4+s14], $0x80, s16, s14, $0xb8;
	[tilespmem:$0x18400] =	vst v63  }
0x54: {  	s31 =	simm.s32 $0x180;
	s2 =	simm.s32 $0x0  }
0x55: {  	[tilespmem:s23], [sflag:$0x1] =	stream.indirect.gather [hbm4b:s4+s14], $0x80, s31, s14, $0xb8;
	[tilespmem:$0x18400] =	vst v63  }
.LBB2_2:
0x56: {  	_ =	swait.ge [sflag:s24], $0x4000  }
0x57: {  	[sflag:s24] =	ssyncset.done $0x0  }
0x58: {  	[sflag:s24] =	ssyncadd.s32 $0xFFFFC000  }
0x59: {  	_ =	swait.ge [sflag:s24], $0x4000  }
0x5a: {  	p1 =	seq.s32 s2, $0x0;
	[sflag:s24] =	ssyncset.done $0x0  }
0x5b: {  	s1 =	simm.s32 @!p1 $0x2;
	[sflag:s24] =	ssyncadd.s32 $0xFFFFC000  }
0x5c: {  	_ =	swait.ge @!p1 [sflag:s1], $0x4000  }
0x5d: {  	[sflag:s1] =	ssyncset.done @!p1 $0x0  }
0x5e: {  	s8 =	sshll.u32 s2, $0x2;
	s3 =	simm.s32 $0x0;
	[sflag:s1] =	ssyncadd.s32 @!p1 $0xFFFFC000  }
.LBB2_3:
0x5f: {  	v23 =	vor.u32 s3, v0  }
0x60: {  	v26 =	vshll.u32 v23, $0x7  }
0x61: {  	v24 =	vor.u32 v0, v26;
	_ =	sdelay $0x2  }
0x62: {  	v25 =	vmov s3  }
0x63: {  	v25 =	vshll.u32 v25, $0x3  }
0x64: {  	v27 =	vand.u32 $0x400, v25;
	v24 =	vld.idx.msk [tilespmem:v24+s15+$0x0], $0xffff  }
0x65: {  	v28 =	vand.u32 $0x7F, v23;
	v23 =	vor.u32 v1, v27  }
0x66: {  	v34 =	vor.u32 v28, v23  }
0x67: {  	v29 =	vor.u32 v2, v26;
	_ =	sdelay $0x1  }
0x68: {  	v24 =	vmul.f32 $8.000000000e+00, v24;
	_ =	sdelay $0x1  }
0x69: {  	[tilespmem:v34+s25+$0x0] =	vst.idx.msk $0xffff, v24  }
0x6a: {  	v25 =	vld.idx.msk [tilespmem:v29+s15+$0x0], $0xffff  }
0x6b: {  	v24 =	vor.u32 v3, v27  }
0x6c: {  	v35 =	vor.u32 v28, v24  }
0x6d: {  	v30 =	vor.u32 v4, v26;
	_ =	sdelay $0x1  }
0x6e: {  	v25 =	vmul.f32 $8.000000000e+00, v25;
	_ =	sdelay $0x1  }
0x6f: {  	[tilespmem:v35+s25+$0x0] =	vst.idx.msk $0xffff, v25  }
0x70: {  	v29 =	vld.idx.msk [tilespmem:v30+s15+$0x0], $0xffff  }
0x71: {  	v25 =	vor.u32 v5, v27  }
0x72: {  	v36 =	vor.u32 v28, v25  }
0x73: {  	v26 =	vor.u32 v6, v26;
	_ =	sdelay $0x1  }
0x74: {  	v29 =	vmul.f32 $8.000000000e+00, v29;
	_ =	sdelay $0x1  }
0x75: {  	[tilespmem:v36+s25+$0x0] =	vst.idx.msk $0xffff, v29  }
0x76: {  	v29 =	vld.idx.msk [tilespmem:v26+s15+$0x0], $0xffff  }
0x77: {  	v37 =	vor.u32 s3, v8;
	v26 =	vor.u32 v7, v27  }
0x78: {  	v38 =	vshll.u32 v37, $0x7;
	v28 =	vor.u32 v28, v26  }
0x79: {  	v31 =	vor.u32 v0, v38;
	_ =	sdelay $0x1  }
0x7a: {  	v29 =	vmul.f32 $8.000000000e+00, v29;
	_ =	sdelay $0x1  }
0x7b: {  	[tilespmem:v28+s25+$0x0] =	vst.idx.msk $0xffff, v29  }
0x7c: {  	v28 =	vld.idx.msk [tilespmem:v31+s15+$0x0], $0xffff  }
0x7d: {  	v27 =	vand.u32 $0x7F, v37  }
0x7e: {  	v39 =	vor.u32 v27, v23  }
0x7f: {  	v40 =	vor.u32 v2, v38;
	_ =	sdelay $0x1  }
0x80: {  	v28 =	vmul.f32 $8.000000000e+00, v28;
	_ =	sdelay $0x1  }
0x81: {  	[tilespmem:v39+s25+$0x0] =	vst.idx.msk $0xffff, v28  }
0x82: {  	v28 =	vld.idx.msk [tilespmem:v40+s15+$0x0], $0xffff;
	_ =	sdelay $0x1  }
0x83: {  	v41 =	vor.u32 v27, v24  }
0x84: {  	v42 =	vor.u32 v4, v38;
	_ =	sdelay $0x1  }
0x85: {  	v28 =	vmul.f32 $8.000000000e+00, v28;
	_ =	sdelay $0x1  }
0x86: {  	[tilespmem:v41+s25+$0x0] =	vst.idx.msk $0xffff, v28  }
0x87: {  	v28 =	vld.idx.msk [tilespmem:v42+s15+$0x0], $0xffff;
	_ =	sdelay $0x1  }
0x88: {  	v43 =	vor.u32 v27, v25  }
0x89: {  	v30 =	vor.u32 v6, v38;
	_ =	sdelay $0x1  }
0x8a: {  	v28 =	vmul.f32 $8.000000000e+00, v28;
	_ =	sdelay $0x1  }
0x8b: {  	[tilespmem:v43+s25+$0x0] =	vst.idx.msk $0xffff, v28  }
0x8c: {  	v28 =	vld.idx.msk [tilespmem:v30+s15+$0x0], $0xffff  }
0x8d: {  	v44 =	vor.u32 s3, v9  }
0x8e: {  	v45 =	vshll.u32 v44, $0x7;
	v27 =	vor.u32 v27, v26  }
0x8f: {  	v46 =	vor.u32 v0, v45;
	_ =	sdelay $0x1  }
0x90: {  	v28 =	vmul.f32 $8.000000000e+00, v28;
	_ =	sdelay $0x1  }
0x91: {  	[tilespmem:v27+s25+$0x0] =	vst.idx.msk $0xffff, v28  }
0x92: {  	v27 =	vld.idx.msk [tilespmem:v46+s15+$0x0], $0xffff  }
0x93: {  	v47 =	vand.u32 $0x7F, v44  }
0x94: {  	v29 =	vor.u32 v47, v23  }
0x95: {  	v48 =	vor.u32 v2, v45;
	_ =	sdelay $0x1  }
0x96: {  	v27 =	vmul.f32 $8.000000000e+00, v27;
	_ =	sdelay $0x1  }
0x97: {  	[tilespmem:v29+s25+$0x0] =	vst.idx.msk $0xffff, v27  }
0x98: {  	v27 =	vld.idx.msk [tilespmem:v48+s15+$0x0], $0xffff;
	_ =	sdelay $0x1  }
0x99: {  	v49 =	vor.u32 v47, v24  }
0x9a: {  	v50 =	vor.u32 v4, v45;
	_ =	sdelay $0x1  }
0x9b: {  	v27 =	vmul.f32 $8.000000000e+00, v27;
	_ =	sdelay $0x1  }
0x9c: {  	[tilespmem:v49+s25+$0x0] =	vst.idx.msk $0xffff, v27  }
0x9d: {  	v27 =	vld.idx.msk [tilespmem:v50+s15+$0x0], $0xffff;
	_ =	sdelay $0x1  }
0x9e: {  	v51 =	vor.u32 v47, v25  }
0x9f: {  	v30 =	vor.u32 v6, v45;
	_ =	sdelay $0x1  }
0xa0: {  	v27 =	vmul.f32 $8.000000000e+00, v27;
	_ =	sdelay $0x1  }
0xa1: {  	[tilespmem:v51+s25+$0x0] =	vst.idx.msk $0xffff, v27  }
0xa2: {  	v27 =	vld.idx.msk [tilespmem:v30+s15+$0x0], $0xffff  }
0xa3: {  	v52 =	vor.u32 s3, v10  }
0xa4: {  	v53 =	vshll.u32 v52, $0x7;
	v28 =	vor.u32 v47, v26  }
0xa5: {  	v54 =	vor.u32 v0, v53;
	_ =	sdelay $0x1  }
0xa6: {  	v27 =	vmul.f32 $8.000000000e+00, v27;
	_ =	sdelay $0x1  }
0xa7: {  	[tilespmem:v28+s25+$0x0] =	vst.idx.msk $0xffff, v27  }
0xa8: {  	v27 =	vld.idx.msk [tilespmem:v54+s15+$0x0], $0xffff  }
0xa9: {  	v55 =	vand.u32 $0x7F, v52  }
0xaa: {  	v29 =	vor.u32 v55, v23  }
0xab: {  	v56 =	vor.u32 v2, v53;
	_ =	sdelay $0x1  }
0xac: {  	v27 =	vmul.f32 $8.000000000e+00, v27;
	_ =	sdelay $0x1  }
0xad: {  	[tilespmem:v29+s25+$0x0] =	vst.idx.msk $0xffff, v27  }
0xae: {  	v27 =	vld.idx.msk [tilespmem:v56+s15+$0x0], $0xffff;
	_ =	sdelay $0x1  }
0xaf: {  	v57 =	vor.u32 v55, v24  }
0xb0: {  	v58 =	vor.u32 v4, v53;
	_ =	sdelay $0x1  }
0xb1: {  	v27 =	vmul.f32 $8.000000000e+00, v27;
	_ =	sdelay $0x1  }
0xb2: {  	[tilespmem:v57+s25+$0x0] =	vst.idx.msk $0xffff, v27  }
0xb3: {  	v27 =	vld.idx.msk [tilespmem:v58+s15+$0x0], $0xffff;
	_ =	sdelay $0x1  }
0xb4: {  	v59 =	vor.u32 v55, v25  }
0xb5: {  	v30 =	vor.u32 v6, v53;
	_ =	sdelay $0x1  }
0xb6: {  	v27 =	vmul.f32 $8.000000000e+00, v27;
	_ =	sdelay $0x1  }
0xb7: {  	[tilespmem:v59+s25+$0x0] =	vst.idx.msk $0xffff, v27  }
0xb8: {  	v27 =	vld.idx.msk [tilespmem:v30+s15+$0x0], $0xffff  }
0xb9: {  	v60 =	vor.u32 s3, v11  }
0xba: {  	v61 =	vshll.u32 v60, $0x7;
	v28 =	vor.u32 v55, v26  }
0xbb: {  	v62 =	vor.u32 v0, v61;
	_ =	sdelay $0x1  }
0xbc: {  	v27 =	vmul.f32 $8.000000000e+00, v27;
	_ =	sdelay $0x1  }
0xbd: {  	[tilespmem:v28+s25+$0x0] =	vst.idx.msk $0xffff, v27  }
0xbe: {  	v27 =	vld.idx.msk [tilespmem:v62+s15+$0x0], $0xffff  }
0xbf: {  	v63 =	vand.u32 $0x7F, v60  }
0xc0: {  	v29 =	vor.u32 v63, v23  }
0xc1: {  	v33 =	vor.u32 v2, v61;
	_ =	sdelay $0x1  }
0xc2: {  	v27 =	vmul.f32 $8.000000000e+00, v27;
	_ =	sdelay $0x1  }
0xc3: {  	[tilespmem:v29+s25+$0x0] =	vst.idx.msk $0xffff, v27  }
0xc4: {  	v27 =	vld.idx.msk [tilespmem:v33+s15+$0x0], $0xffff;
	_ =	sdelay $0x1  }
0xc5: {  	v34 =	vor.u32 v63, v24  }
0xc6: {  	v35 =	vor.u32 v4, v61;
	_ =	sdelay $0x1  }
0xc7: {  	v27 =	vmul.f32 $8.000000000e+00, v27;
	_ =	sdelay $0x1  }
0xc8: {  	[tilespmem:v34+s25+$0x0] =	vst.idx.msk $0xffff, v27  }
0xc9: {  	v27 =	vld.idx.msk [tilespmem:v35+s15+$0x0], $0xffff;
	_ =	sdelay $0x1  }
0xca: {  	v36 =	vor.u32 v63, v25  }
0xcb: {  	v30 =	vor.u32 v6, v61;
	_ =	sdelay $0x1  }
0xcc: {  	v27 =	vmul.f32 $8.000000000e+00, v27;
	_ =	sdelay $0x1  }
0xcd: {  	[tilespmem:v36+s25+$0x0] =	vst.idx.msk $0xffff, v27  }
0xce: {  	v27 =	vld.idx.msk [tilespmem:v30+s15+$0x0], $0xffff  }
0xcf: {  	v37 =	vor.u32 s3, v12  }
0xd0: {  	v38 =	vshll.u32 v37, $0x7;
	v28 =	vor.u32 v63, v26  }
0xd1: {  	v39 =	vor.u32 v0, v38;
	_ =	sdelay $0x1  }
0xd2: {  	v27 =	vmul.f32 $8.000000000e+00, v27;
	_ =	sdelay $0x1  }
0xd3: {  	[tilespmem:v28+s25+$0x0] =	vst.idx.msk $0xffff, v27  }
0xd4: {  	v27 =	vld.idx.msk [tilespmem:v39+s15+$0x0], $0xffff  }
0xd5: {  	v40 =	vand.u32 $0x7F, v37  }
0xd6: {  	v29 =	vor.u32 v40, v23  }
0xd7: {  	v41 =	vor.u32 v2, v38;
	_ =	sdelay $0x1  }
0xd8: {  	v27 =	vmul.f32 $8.000000000e+00, v27;
	_ =	sdelay $0x1  }
0xd9: {  	[tilespmem:v29+s25+$0x0] =	vst.idx.msk $0xffff, v27  }
0xda: {  	v27 =	vld.idx.msk [tilespmem:v41+s15+$0x0], $0xffff;
	_ =	sdelay $0x1  }
0xdb: {  	v42 =	vor.u32 v40, v24  }
0xdc: {  	v43 =	vor.u32 v4, v38;
	_ =	sdelay $0x1  }
0xdd: {  	v27 =	vmul.f32 $8.000000000e+00, v27;
	_ =	sdelay $0x1  }
0xde: {  	[tilespmem:v42+s25+$0x0] =	vst.idx.msk $0xffff, v27  }
0xdf: {  	v27 =	vld.idx.msk [tilespmem:v43+s15+$0x0], $0xffff;
	_ =	sdelay $0x1  }
0xe0: {  	v44 =	vor.u32 v40, v25  }
0xe1: {  	v30 =	vor.u32 v6, v38;
	_ =	sdelay $0x1  }
0xe2: {  	v27 =	vmul.f32 $8.000000000e+00, v27;
	_ =	sdelay $0x1  }
0xe3: {  	[tilespmem:v44+s25+$0x0] =	vst.idx.msk $0xffff, v27  }
0xe4: {  	v27 =	vld.idx.msk [tilespmem:v30+s15+$0x0], $0xffff  }
0xe5: {  	v45 =	vor.u32 s3, v14  }
0xe6: {  	v46 =	vshll.u32 v45, $0x7;
	v28 =	vor.u32 v40, v26  }
0xe7: {  	v47 =	vor.u32 v0, v46;
	_ =	sdelay $0x1  }
0xe8: {  	v27 =	vmul.f32 $8.000000000e+00, v27;
	_ =	sdelay $0x1  }
0xe9: {  	[tilespmem:v28+s25+$0x0] =	vst.idx.msk $0xffff, v27  }
0xea: {  	v27 =	vld.idx.msk [tilespmem:v47+s15+$0x0], $0xffff  }
0xeb: {  	v48 =	vand.u32 $0x7F, v45  }
0xec: {  	v29 =	vor.u32 v48, v23  }
0xed: {  	v49 =	vor.u32 v2, v46;
	_ =	sdelay $0x1  }
0xee: {  	v27 =	vmul.f32 $8.000000000e+00, v27;
	_ =	sdelay $0x1  }
0xef: {  	[tilespmem:v29+s25+$0x0] =	vst.idx.msk $0xffff, v27  }
0xf0: {  	v27 =	vld.idx.msk [tilespmem:v49+s15+$0x0], $0xffff;
	_ =	sdelay $0x1  }
0xf1: {  	v50 =	vor.u32 v48, v24  }
0xf2: {  	v51 =	vor.u32 v4, v46;
	_ =	sdelay $0x1  }
0xf3: {  	v27 =	vmul.f32 $8.000000000e+00, v27;
	_ =	sdelay $0x1  }
0xf4: {  	[tilespmem:v50+s25+$0x0] =	vst.idx.msk $0xffff, v27  }
0xf5: {  	v27 =	vld.idx.msk [tilespmem:v51+s15+$0x0], $0xffff;
	_ =	sdelay $0x1  }
0xf6: {  	v52 =	vor.u32 v48, v25  }
0xf7: {  	v30 =	vor.u32 v6, v46;
	_ =	sdelay $0x1  }
0xf8: {  	v27 =	vmul.f32 $8.000000000e+00, v27;
	_ =	sdelay $0x1  }
0xf9: {  	[tilespmem:v52+s25+$0x0] =	vst.idx.msk $0xffff, v27  }
0xfa: {  	v27 =	vld.idx.msk [tilespmem:v30+s15+$0x0], $0xffff  }
0xfb: {  	v53 =	vor.u32 s3, v15  }
0xfc: {  	v54 =	vshll.u32 v53, $0x7;
	v28 =	vor.u32 v48, v26  }
0xfd: {  	v55 =	vor.u32 v0, v54;
	_ =	sdelay $0x1  }
0xfe: {  	v27 =	vmul.f32 $8.000000000e+00, v27;
	_ =	sdelay $0x1  }
0xff: {  	[tilespmem:v28+s25+$0x0] =	vst.idx.msk $0xffff, v27  }
0x100: {  	v27 =	vld.idx.msk [tilespmem:v55+s15+$0x0], $0xffff  }
0x101: {  	v56 =	vand.u32 $0x7F, v53  }
0x102: {  	v29 =	vor.u32 v56, v23  }
0x103: {  	v57 =	vor.u32 v2, v54;
	_ =	sdelay $0x1  }
0x104: {  	v27 =	vmul.f32 $8.000000000e+00, v27;
	_ =	sdelay $0x1  }
0x105: {  	[tilespmem:v29+s25+$0x0] =	vst.idx.msk $0xffff, v27  }
0x106: {  	v27 =	vld.idx.msk [tilespmem:v57+s15+$0x0], $0xffff;
	_ =	sdelay $0x1  }
0x107: {  	v58 =	vor.u32 v56, v24  }
0x108: {  	v59 =	vor.u32 v4, v54;
	_ =	sdelay $0x1  }
0x109: {  	v27 =	vmul.f32 $8.000000000e+00, v27;
	_ =	sdelay $0x1  }
0x10a: {  	[tilespmem:v58+s25+$0x0] =	vst.idx.msk $0xffff, v27  }
0x10b: {  	v27 =	vld.idx.msk [tilespmem:v59+s15+$0x0], $0xffff;
	_ =	sdelay $0x1  }
0x10c: {  	v60 =	vor.u32 v56, v25  }
0x10d: {  	v30 =	vor.u32 v6, v54;
	_ =	sdelay $0x1  }
0x10e: {  	v27 =	vmul.f32 $8.000000000e+00, v27;
	_ =	sdelay $0x1  }
0x10f: {  	[tilespmem:v60+s25+$0x0] =	vst.idx.msk $0xffff, v27  }
0x110: {  	v27 =	vld.idx.msk [tilespmem:v30+s15+$0x0], $0xffff  }
0x111: {  	v61 =	vor.u32 s3, v13  }
0x112: {  	v62 =	vshll.u32 v61, $0x7;
	v28 =	vor.u32 v56, v26  }
0x113: {  	v63 =	vor.u32 v0, v62;
	_ =	sdelay $0x1  }
0x114: {  	v27 =	vmul.f32 $8.000000000e+00, v27;
	_ =	sdelay $0x1  }
0x115: {  	[tilespmem:v28+s25+$0x0] =	vst.idx.msk $0xffff, v27  }
0x116: {  	v27 =	vld.idx.msk [tilespmem:v63+s15+$0x0], $0xffff  }
0x117: {  	v33 =	vand.u32 $0x7F, v61  }
0x118: {  	v29 =	vor.u32 v33, v23  }
0x119: {  	v34 =	vor.u32 v2, v62;
	_ =	sdelay $0x1  }
0x11a: {  	v27 =	vmul.f32 $8.000000000e+00, v27;
	_ =	sdelay $0x1  }
0x11b: {  	[tilespmem:v29+s25+$0x0] =	vst.idx.msk $0xffff, v27  }
0x11c: {  	v27 =	vld.idx.msk [tilespmem:v34+s15+$0x0], $0xffff;
	_ =	sdelay $0x1  }
0x11d: {  	v35 =	vor.u32 v33, v24  }
0x11e: {  	v36 =	vor.u32 v4, v62;
	_ =	sdelay $0x1  }
0x11f: {  	v27 =	vmul.f32 $8.000000000e+00, v27;
	_ =	sdelay $0x1  }
0x120: {  	[tilespmem:v35+s25+$0x0] =	vst.idx.msk $0xffff, v27  }
0x121: {  	v27 =	vld.idx.msk [tilespmem:v36+s15+$0x0], $0xffff;
	_ =	sdelay $0x1  }
0x122: {  	v37 =	vor.u32 v33, v25  }
0x123: {  	v30 =	vor.u32 v6, v62;
	_ =	sdelay $0x1  }
0x124: {  	v27 =	vmul.f32 $8.000000000e+00, v27;
	_ =	sdelay $0x1  }
0x125: {  	[tilespmem:v37+s25+$0x0] =	vst.idx.msk $0xffff, v27  }
0x126: {  	v27 =	vld.idx.msk [tilespmem:v30+s15+$0x0], $0xffff  }
0x127: {  	v38 =	vor.u32 s3, v16  }
0x128: {  	v39 =	vshll.u32 v38, $0x7;
	v28 =	vor.u32 v33, v26  }
0x129: {  	v40 =	vor.u32 v0, v39;
	_ =	sdelay $0x1  }
0x12a: {  	v27 =	vmul.f32 $8.000000000e+00, v27;
	_ =	sdelay $0x1  }
0x12b: {  	[tilespmem:v28+s25+$0x0] =	vst.idx.msk $0xffff, v27  }
0x12c: {  	v27 =	vld.idx.msk [tilespmem:v40+s15+$0x0], $0xffff  }
0x12d: {  	v41 =	vand.u32 $0x7F, v38  }
0x12e: {  	v29 =	vor.u32 v41, v23  }
0x12f: {  	v42 =	vor.u32 v2, v39;
	_ =	sdelay $0x1  }
0x130: {  	v27 =	vmul.f32 $8.000000000e+00, v27;
	_ =	sdelay $0x1  }
0x131: {  	[tilespmem:v29+s25+$0x0] =	vst.idx.msk $0xffff, v27  }
0x132: {  	v27 =	vld.idx.msk [tilespmem:v42+s15+$0x0], $0xffff;
	_ =	sdelay $0x1  }
0x133: {  	v43 =	vor.u32 v41, v24  }
0x134: {  	v44 =	vor.u32 v4, v39;
	_ =	sdelay $0x1  }
0x135: {  	v27 =	vmul.f32 $8.000000000e+00, v27;
	_ =	sdelay $0x1  }
0x136: {  	[tilespmem:v43+s25+$0x0] =	vst.idx.msk $0xffff, v27  }
0x137: {  	v27 =	vld.idx.msk [tilespmem:v44+s15+$0x0], $0xffff;
	_ =	sdelay $0x1  }
0x138: {  	v45 =	vor.u32 v41, v25  }
0x139: {  	v30 =	vor.u32 v6, v39;
	_ =	sdelay $0x1  }
0x13a: {  	v27 =	vmul.f32 $8.000000000e+00, v27;
	_ =	sdelay $0x1  }
0x13b: {  	[tilespmem:v45+s25+$0x0] =	vst.idx.msk $0xffff, v27  }
0x13c: {  	v27 =	vld.idx.msk [tilespmem:v30+s15+$0x0], $0xffff  }
0x13d: {  	v46 =	vor.u32 s3, v17  }
0x13e: {  	v47 =	vshll.u32 v46, $0x7;
	v28 =	vor.u32 v41, v26  }
0x13f: {  	v48 =	vor.u32 v0, v47;
	_ =	sdelay $0x1  }
0x140: {  	v27 =	vmul.f32 $8.000000000e+00, v27;
	_ =	sdelay $0x1  }
0x141: {  	[tilespmem:v28+s25+$0x0] =	vst.idx.msk $0xffff, v27  }
0x142: {  	v27 =	vld.idx.msk [tilespmem:v48+s15+$0x0], $0xffff  }
0x143: {  	v49 =	vand.u32 $0x7F, v46  }
0x144: {  	v29 =	vor.u32 v49, v23  }
0x145: {  	v50 =	vor.u32 v2, v47;
	_ =	sdelay $0x1  }
0x146: {  	v27 =	vmul.f32 $8.000000000e+00, v27;
	_ =	sdelay $0x1  }
0x147: {  	[tilespmem:v29+s25+$0x0] =	vst.idx.msk $0xffff, v27  }
0x148: {  	v27 =	vld.idx.msk [tilespmem:v50+s15+$0x0], $0xffff;
	_ =	sdelay $0x1  }
0x149: {  	v51 =	vor.u32 v49, v24  }
0x14a: {  	v52 =	vor.u32 v4, v47;
	_ =	sdelay $0x1  }
0x14b: {  	v27 =	vmul.f32 $8.000000000e+00, v27;
	_ =	sdelay $0x1  }
0x14c: {  	[tilespmem:v51+s25+$0x0] =	vst.idx.msk $0xffff, v27  }
0x14d: {  	v27 =	vld.idx.msk [tilespmem:v52+s15+$0x0], $0xffff;
	_ =	sdelay $0x1  }
0x14e: {  	v53 =	vor.u32 v49, v25  }
0x14f: {  	v30 =	vor.u32 v6, v47;
	_ =	sdelay $0x1  }
0x150: {  	v27 =	vmul.f32 $8.000000000e+00, v27;
	_ =	sdelay $0x1  }
0x151: {  	[tilespmem:v53+s25+$0x0] =	vst.idx.msk $0xffff, v27  }
0x152: {  	v27 =	vld.idx.msk [tilespmem:v30+s15+$0x0], $0xffff  }
0x153: {  	v54 =	vor.u32 s3, v18  }
0x154: {  	v55 =	vshll.u32 v54, $0x7;
	v28 =	vor.u32 v49, v26  }
0x155: {  	v56 =	vor.u32 v0, v55;
	_ =	sdelay $0x1  }
0x156: {  	v27 =	vmul.f32 $8.000000000e+00, v27;
	_ =	sdelay $0x1  }
0x157: {  	[tilespmem:v28+s25+$0x0] =	vst.idx.msk $0xffff, v27  }
0x158: {  	v27 =	vld.idx.msk [tilespmem:v56+s15+$0x0], $0xffff  }
0x159: {  	v57 =	vand.u32 $0x7F, v54  }
0x15a: {  	v29 =	vor.u32 v57, v23  }
0x15b: {  	v58 =	vor.u32 v2, v55;
	_ =	sdelay $0x1  }
0x15c: {  	v27 =	vmul.f32 $8.000000000e+00, v27;
	_ =	sdelay $0x1  }
0x15d: {  	[tilespmem:v29+s25+$0x0] =	vst.idx.msk $0xffff, v27  }
0x15e: {  	v27 =	vld.idx.msk [tilespmem:v58+s15+$0x0], $0xffff;
	_ =	sdelay $0x1  }
0x15f: {  	v59 =	vor.u32 v57, v24  }
0x160: {  	v60 =	vor.u32 v4, v55;
	_ =	sdelay $0x1  }
0x161: {  	v27 =	vmul.f32 $8.000000000e+00, v27;
	_ =	sdelay $0x1  }
0x162: {  	[tilespmem:v59+s25+$0x0] =	vst.idx.msk $0xffff, v27  }
0x163: {  	v27 =	vld.idx.msk [tilespmem:v60+s15+$0x0], $0xffff;
	_ =	sdelay $0x1  }
0x164: {  	v61 =	vor.u32 v57, v25  }
0x165: {  	v30 =	vor.u32 v6, v55;
	_ =	sdelay $0x1  }
0x166: {  	v27 =	vmul.f32 $8.000000000e+00, v27;
	_ =	sdelay $0x1  }
0x167: {  	[tilespmem:v61+s25+$0x0] =	vst.idx.msk $0xffff, v27  }
0x168: {  	v27 =	vld.idx.msk [tilespmem:v30+s15+$0x0], $0xffff  }
0x169: {  	v62 =	vor.u32 s3, v19  }
0x16a: {  	v63 =	vshll.u32 v62, $0x7;
	v28 =	vor.u32 v57, v26  }
0x16b: {  	v33 =	vor.u32 v0, v63;
	_ =	sdelay $0x1  }
0x16c: {  	v27 =	vmul.f32 $8.000000000e+00, v27;
	_ =	sdelay $0x1  }
0x16d: {  	[tilespmem:v28+s25+$0x0] =	vst.idx.msk $0xffff, v27  }
0x16e: {  	v27 =	vld.idx.msk [tilespmem:v33+s15+$0x0], $0xffff  }
0x16f: {  	v34 =	vand.u32 $0x7F, v62  }
0x170: {  	v29 =	vor.u32 v34, v23  }
0x171: {  	v35 =	vor.u32 v2, v63;
	_ =	sdelay $0x1  }
0x172: {  	v27 =	vmul.f32 $8.000000000e+00, v27;
	_ =	sdelay $0x1  }
0x173: {  	[tilespmem:v29+s25+$0x0] =	vst.idx.msk $0xffff, v27  }
0x174: {  	v27 =	vld.idx.msk [tilespmem:v35+s15+$0x0], $0xffff;
	_ =	sdelay $0x1  }
0x175: {  	v36 =	vor.u32 v34, v24  }
0x176: {  	v37 =	vor.u32 v4, v63;
	_ =	sdelay $0x1  }
0x177: {  	v27 =	vmul.f32 $8.000000000e+00, v27;
	_ =	sdelay $0x1  }
0x178: {  	[tilespmem:v36+s25+$0x0] =	vst.idx.msk $0xffff, v27  }
0x179: {  	v27 =	vld.idx.msk [tilespmem:v37+s15+$0x0], $0xffff;
	_ =	sdelay $0x1  }
0x17a: {  	v38 =	vor.u32 v34, v25  }
0x17b: {  	v30 =	vor.u32 v6, v63;
	_ =	sdelay $0x1  }
0x17c: {  	v27 =	vmul.f32 $8.000000000e+00, v27;
	_ =	sdelay $0x1  }
0x17d: {  	[tilespmem:v38+s25+$0x0] =	vst.idx.msk $0xffff, v27  }
0x17e: {  	v27 =	vld.idx.msk [tilespmem:v30+s15+$0x0], $0xffff  }
0x17f: {  	v39 =	vor.u32 s3, v20  }
0x180: {  	v40 =	vshll.u32 v39, $0x7;
	v28 =	vor.u32 v34, v26  }
0x181: {  	v41 =	vor.u32 v0, v40;
	_ =	sdelay $0x1  }
0x182: {  	v27 =	vmul.f32 $8.000000000e+00, v27;
	_ =	sdelay $0x1  }
0x183: {  	[tilespmem:v28+s25+$0x0] =	vst.idx.msk $0xffff, v27  }
0x184: {  	v27 =	vld.idx.msk [tilespmem:v41+s15+$0x0], $0xffff  }
0x185: {  	v42 =	vand.u32 $0x7F, v39  }
0x186: {  	v29 =	vor.u32 v42, v23  }
0x187: {  	v43 =	vor.u32 v2, v40;
	_ =	sdelay $0x1  }
0x188: {  	v27 =	vmul.f32 $8.000000000e+00, v27;
	_ =	sdelay $0x1  }
0x189: {  	[tilespmem:v29+s25+$0x0] =	vst.idx.msk $0xffff, v27  }
0x18a: {  	v27 =	vld.idx.msk [tilespmem:v43+s15+$0x0], $0xffff;
	_ =	sdelay $0x1  }
0x18b: {  	v44 =	vor.u32 v42, v24  }
0x18c: {  	v45 =	vor.u32 v4, v40;
	_ =	sdelay $0x1  }
0x18d: {  	v27 =	vmul.f32 $8.000000000e+00, v27;
	_ =	sdelay $0x1  }
0x18e: {  	[tilespmem:v44+s25+$0x0] =	vst.idx.msk $0xffff, v27  }
0x18f: {  	v27 =	vld.idx.msk [tilespmem:v45+s15+$0x0], $0xffff;
	_ =	sdelay $0x1  }
0x190: {  	v46 =	vor.u32 v42, v25  }
0x191: {  	v30 =	vor.u32 v6, v40;
	_ =	sdelay $0x1  }
0x192: {  	v27 =	vmul.f32 $8.000000000e+00, v27;
	_ =	sdelay $0x1  }
0x193: {  	[tilespmem:v46+s25+$0x0] =	vst.idx.msk $0xffff, v27  }
0x194: {  	v27 =	vld.idx.msk [tilespmem:v30+s15+$0x0], $0xffff  }
0x195: {  	v47 =	vor.u32 s3, v21  }
0x196: {  	v48 =	vshll.u32 v47, $0x7;
	v28 =	vor.u32 v42, v26  }
0x197: {  	v49 =	vor.u32 v0, v48;
	_ =	sdelay $0x1  }
0x198: {  	v27 =	vmul.f32 $8.000000000e+00, v27;
	_ =	sdelay $0x1  }
0x199: {  	[tilespmem:v28+s25+$0x0] =	vst.idx.msk $0xffff, v27  }
0x19a: {  	v27 =	vld.idx.msk [tilespmem:v49+s15+$0x0], $0xffff  }
0x19b: {  	v50 =	vand.u32 $0x7F, v47  }
0x19c: {  	v29 =	vor.u32 v50, v23  }
0x19d: {  	v51 =	vor.u32 v2, v48;
	_ =	sdelay $0x1  }
0x19e: {  	v27 =	vmul.f32 $8.000000000e+00, v27;
	_ =	sdelay $0x1  }
0x19f: {  	[tilespmem:v29+s25+$0x0] =	vst.idx.msk $0xffff, v27  }
0x1a0: {  	v27 =	vld.idx.msk [tilespmem:v51+s15+$0x0], $0xffff;
	_ =	sdelay $0x1  }
0x1a1: {  	v52 =	vor.u32 v50, v24  }
0x1a2: {  	v53 =	vor.u32 v4, v48;
	_ =	sdelay $0x1  }
0x1a3: {  	v27 =	vmul.f32 $8.000000000e+00, v27;
	_ =	sdelay $0x1  }
0x1a4: {  	[tilespmem:v52+s25+$0x0] =	vst.idx.msk $0xffff, v27  }
0x1a5: {  	v27 =	vld.idx.msk [tilespmem:v53+s15+$0x0], $0xffff;
	_ =	sdelay $0x1  }
0x1a6: {  	v54 =	vor.u32 v50, v25  }
0x1a7: {  	v30 =	vor.u32 v6, v48;
	_ =	sdelay $0x1  }
0x1a8: {  	v27 =	vmul.f32 $8.000000000e+00, v27;
	_ =	sdelay $0x1  }
0x1a9: {  	[tilespmem:v54+s25+$0x0] =	vst.idx.msk $0xffff, v27  }
0x1aa: {  	v27 =	vld.idx.msk [tilespmem:v30+s15+$0x0], $0xffff  }
0x1ab: {  	v55 =	vor.u32 s3, v22  }
0x1ac: {  	v56 =	vshll.u32 v55, $0x7;
	v28 =	vor.u32 v50, v26  }
0x1ad: {  	v57 =	vor.u32 v0, v56;
	_ =	sdelay $0x1  }
0x1ae: {  	v27 =	vmul.f32 $8.000000000e+00, v27;
	_ =	sdelay $0x1  }
0x1af: {  	[tilespmem:v28+s25+$0x0] =	vst.idx.msk $0xffff, v27  }
0x1b0: {  	v27 =	vld.idx.msk [tilespmem:v57+s15+$0x0], $0xffff  }
0x1b1: {  	v58 =	vand.u32 $0x7F, v55  }
0x1b2: {  	v23 =	vor.u32 v58, v23  }
0x1b3: {  	v59 =	vor.u32 v2, v56;
	_ =	sdelay $0x1  }
0x1b4: {  	v27 =	vmul.f32 $8.000000000e+00, v27;
	_ =	sdelay $0x1  }
0x1b5: {  	[tilespmem:v23+s25+$0x0] =	vst.idx.msk $0xffff, v27  }
0x1b6: {  	v23 =	vld.idx.msk [tilespmem:v59+s15+$0x0], $0xffff;
	_ =	sdelay $0x1  }
0x1b7: {  	v24 =	vor.u32 v58, v24  }
0x1b8: {  	v60 =	vor.u32 v4, v56;
	_ =	sdelay $0x1  }
0x1b9: {  	v23 =	vmul.f32 $8.000000000e+00, v23;
	_ =	sdelay $0x1  }
0x1ba: {  	[tilespmem:v24+s25+$0x0] =	vst.idx.msk $0xffff, v23  }
0x1bb: {  	v23 =	vld.idx.msk [tilespmem:v60+s15+$0x0], $0xffff;
	_ =	sdelay $0x1  }
0x1bc: {  	v61 =	vor.u32 v58, v25  }
0x1bd: {  	v62 =	vor.u32 v6, v56;
	_ =	sdelay $0x1  }
0x1be: {  	v23 =	vmul.f32 $8.000000000e+00, v23;
	_ =	sdelay $0x1  }
0x1bf: {  	[tilespmem:v61+s25+$0x0] =	vst.idx.msk $0xffff, v23  }
0x1c0: {  	v23 =	vld.idx.msk [tilespmem:v62+s15+$0x0], $0xffff;
	_ =	sdelay $0x1  }
0x1c1: {  	p0 =	sne.s32 s3, $0xF0;
	v63 =	vor.u32 v58, v26  }
.Ltmp2:
0x1c2: {  	_ = 	snop;
	(pc) =	sbr.rel @p0 .LBB2_3-.Ltmp2, $3  }
0x1c3: {  	_ = 	snop  }
0x1c4: {  	v23 =	vmul.f32 $8.000000000e+00, v23;
	_ =	sdelay $0x1  }
0x1c5: {  	s3 =	sadd.s32 $0x10, s3;
	[tilespmem:v63+s25+$0x0] =	vst.idx.msk $0xffff, v23  }
0x1c6: {  	s13 =	sshll.u32 s2, $0x12  }
0x1c7: {  	s1 =	rddreg [dreg:$0x2];
	s9 =	sor.u32 s5, s13  }
0x1c8: {  	p0 =	seq.s32 s2, $0x18;
	s1 =	sadd.s32 s1, s9  }
0x1c9: {  	[hbm4b:s1+s26] =	stream.strided.scatter [tilespmem:s25], [sflag:$0x2], $0x4000, s28, s26, $0x38;
	[tilespmem:$0x18400] =	vst v63  }
0x1ca: {  	s1 =	sadd.s32 @!p0 $0x4, s8;
	_ =	swait.ge [sflag:s19], $0x100  }
0x1cb: {  	s3 =	sshll.u32 @!p0 s1, $0xA;
	s1 =	sshll.u32 @!p0 s1, $0x3;
	[sflag:s19] =	ssyncset.done $0x0  }
0x1cc: {  	s3 =	sand.u32 @!p0 $0x3C000, s3;
	s1 =	sand.u32 @!p0 $0x60, s1;
	[sflag:s19] =	ssyncadd.s32 $0xFFFFFF00  }
0x1cd: {  	[tilespmem:s15], [sflag:$0x1] =	stream.indirect.gather [hbm4b:s4+s14], $0x80, s17, s14, $0xb8;
	[tilespmem:$0x18400] =	vst v63  }
0x1ce: {  	s31 =	simm.s32 $0x280;
	s22 =	simm.s32 @!p0 $0x80;
	s3 =	sor.u32 @!p0 s1, s3  }
0x1cf: {  	[tilespmem:s20], [sflag:$0x1] =	stream.indirect.gather [hbm4b:s4+s14], $0x80, s31, s14, $0xb8;
	[tilespmem:$0x18400] =	vst v63  }
0x1d0: {  	s29 =	simm.s32 @!p0 $0x400;
	s1 =	sadd.s32 @!p0 s3, s6;
	s31 =	simm.s32 @!p0 $0x0  }
0x1d1: {  	[tilespmem:s31], [sflag:$0x3] =	stream.strided.gather @!p0 [hbm4b:s1+s22], $0x100, s29, s22, $0x38;
	[tilespmem:$0x18400] =	vst v63  }
0x1d2: {  	_ =	swait.ge [sflag:s24], $0x4000  }
0x1d3: {  	[sflag:s24] =	ssyncset.done $0x0  }
0x1d4: {  	[sflag:s24] =	ssyncadd.s32 $0xFFFFC000  }
0x1d5: {  	_ =	swait.ge [sflag:s24], $0x4000  }
0x1d6: {  	[sflag:s24] =	ssyncset.done $0x0  }
0x1d7: {  	s1 =	simm.s32 @!p1 $0x2;
	[sflag:s24] =	ssyncadd.s32 $0xFFFFC000  }
0x1d8: {  	_ =	swait.ge @!p1 [sflag:s1], $0x4000  }
0x1d9: {  	[sflag:s1] =	ssyncset.done @!p1 $0x0  }
0x1da: {  	[sflag:s1] =	ssyncadd.s32 @!p1 $0xFFFFC000;
	s1 =	simm.s32 $0x0  }
.LBB2_5:
0x1db: {  	v23 =	vor.u32 s1, v0  }
0x1dc: {  	v26 =	vshll.u32 v23, $0x7  }
0x1dd: {  	v24 =	vor.u32 v0, v26;
	_ =	sdelay $0x2  }
0x1de: {  	v25 =	vmov s1  }
0x1df: {  	v25 =	vshll.u32 v25, $0x3  }
0x1e0: {  	v27 =	vand.u32 $0x400, v25;
	v24 =	vld.idx.msk [tilespmem:v24+s21+$0x0], $0xffff  }
0x1e1: {  	v28 =	vand.u32 $0x7F, v23;
	v23 =	vor.u32 v1, v27  }
0x1e2: {  	v34 =	vor.u32 v28, v23  }
0x1e3: {  	v29 =	vor.u32 v2, v26;
	_ =	sdelay $0x1  }
0x1e4: {  	v24 =	vmul.f32 $8.000000000e+00, v24;
	_ =	sdelay $0x1  }
0x1e5: {  	[tilespmem:v34+s30+$0x0] =	vst.idx.msk $0xffff, v24  }
0x1e6: {  	v25 =	vld.idx.msk [tilespmem:v29+s21+$0x0], $0xffff  }
0x1e7: {  	v24 =	vor.u32 v3, v27  }
0x1e8: {  	v35 =	vor.u32 v28, v24  }
0x1e9: {  	v30 =	vor.u32 v4, v26;
	_ =	sdelay $0x1  }
0x1ea: {  	v25 =	vmul.f32 $8.000000000e+00, v25;
	_ =	sdelay $0x1  }
0x1eb: {  	[tilespmem:v35+s30+$0x0] =	vst.idx.msk $0xffff, v25  }
0x1ec: {  	v29 =	vld.idx.msk [tilespmem:v30+s21+$0x0], $0xffff  }
0x1ed: {  	v25 =	vor.u32 v5, v27  }
0x1ee: {  	v36 =	vor.u32 v28, v25  }
0x1ef: {  	v26 =	vor.u32 v6, v26;
	_ =	sdelay $0x1  }
0x1f0: {  	v29 =	vmul.f32 $8.000000000e+00, v29;
	_ =	sdelay $0x1  }
0x1f1: {  	[tilespmem:v36+s30+$0x0] =	vst.idx.msk $0xffff, v29  }
0x1f2: {  	v29 =	vld.idx.msk [tilespmem:v26+s21+$0x0], $0xffff  }
0x1f3: {  	v37 =	vor.u32 s1, v8;
	v26 =	vor.u32 v7, v27  }
0x1f4: {  	v38 =	vshll.u32 v37, $0x7;
	v28 =	vor.u32 v28, v26  }
0x1f5: {  	v31 =	vor.u32 v0, v38;
	_ =	sdelay $0x1  }
0x1f6: {  	v29 =	vmul.f32 $8.000000000e+00, v29;
	_ =	sdelay $0x1  }
0x1f7: {  	[tilespmem:v28+s30+$0x0] =	vst.idx.msk $0xffff, v29  }
0x1f8: {  	v28 =	vld.idx.msk [tilespmem:v31+s21+$0x0], $0xffff  }
0x1f9: {  	v27 =	vand.u32 $0x7F, v37  }
0x1fa: {  	v39 =	vor.u32 v27, v23  }
0x1fb: {  	v40 =	vor.u32 v2, v38;
	_ =	sdelay $0x1  }
0x1fc: {  	v28 =	vmul.f32 $8.000000000e+00, v28;
	_ =	sdelay $0x1  }
0x1fd: {  	[tilespmem:v39+s30+$0x0] =	vst.idx.msk $0xffff, v28  }
0x1fe: {  	v28 =	vld.idx.msk [tilespmem:v40+s21+$0x0], $0xffff;
	_ =	sdelay $0x1  }
0x1ff: {  	v41 =	vor.u32 v27, v24  }
0x200: {  	v42 =	vor.u32 v4, v38;
	_ =	sdelay $0x1  }
0x201: {  	v28 =	vmul.f32 $8.000000000e+00, v28;
	_ =	sdelay $0x1  }
0x202: {  	[tilespmem:v41+s30+$0x0] =	vst.idx.msk $0xffff, v28  }
0x203: {  	v28 =	vld.idx.msk [tilespmem:v42+s21+$0x0], $0xffff;
	_ =	sdelay $0x1  }
0x204: {  	v43 =	vor.u32 v27, v25  }
0x205: {  	v30 =	vor.u32 v6, v38;
	_ =	sdelay $0x1  }
0x206: {  	v28 =	vmul.f32 $8.000000000e+00, v28;
	_ =	sdelay $0x1  }
0x207: {  	[tilespmem:v43+s30+$0x0] =	vst.idx.msk $0xffff, v28  }
0x208: {  	v28 =	vld.idx.msk [tilespmem:v30+s21+$0x0], $0xffff  }
0x209: {  	v44 =	vor.u32 s1, v9  }
0x20a: {  	v45 =	vshll.u32 v44, $0x7;
	v27 =	vor.u32 v27, v26  }
0x20b: {  	v46 =	vor.u32 v0, v45;
	_ =	sdelay $0x1  }
0x20c: {  	v28 =	vmul.f32 $8.000000000e+00, v28;
	_ =	sdelay $0x1  }
0x20d: {  	[tilespmem:v27+s30+$0x0] =	vst.idx.msk $0xffff, v28  }
0x20e: {  	v27 =	vld.idx.msk [tilespmem:v46+s21+$0x0], $0xffff  }
0x20f: {  	v47 =	vand.u32 $0x7F, v44  }
0x210: {  	v29 =	vor.u32 v47, v23  }
0x211: {  	v48 =	vor.u32 v2, v45;
	_ =	sdelay $0x1  }
0x212: {  	v27 =	vmul.f32 $8.000000000e+00, v27;
	_ =	sdelay $0x1  }
0x213: {  	[tilespmem:v29+s30+$0x0] =	vst.idx.msk $0xffff, v27  }
0x214: {  	v27 =	vld.idx.msk [tilespmem:v48+s21+$0x0], $0xffff;
	_ =	sdelay $0x1  }
0x215: {  	v49 =	vor.u32 v47, v24  }
0x216: {  	v50 =	vor.u32 v4, v45;
	_ =	sdelay $0x1  }
0x217: {  	v27 =	vmul.f32 $8.000000000e+00, v27;
	_ =	sdelay $0x1  }
0x218: {  	[tilespmem:v49+s30+$0x0] =	vst.idx.msk $0xffff, v27  }
0x219: {  	v27 =	vld.idx.msk [tilespmem:v50+s21+$0x0], $0xffff;
	_ =	sdelay $0x1  }
0x21a: {  	v51 =	vor.u32 v47, v25  }
0x21b: {  	v30 =	vor.u32 v6, v45;
	_ =	sdelay $0x1  }
0x21c: {  	v27 =	vmul.f32 $8.000000000e+00, v27;
	_ =	sdelay $0x1  }
0x21d: {  	[tilespmem:v51+s30+$0x0] =	vst.idx.msk $0xffff, v27  }
0x21e: {  	v27 =	vld.idx.msk [tilespmem:v30+s21+$0x0], $0xffff  }
0x21f: {  	v52 =	vor.u32 s1, v10  }
0x220: {  	v53 =	vshll.u32 v52, $0x7;
	v28 =	vor.u32 v47, v26  }
0x221: {  	v54 =	vor.u32 v0, v53;
	_ =	sdelay $0x1  }
0x222: {  	v27 =	vmul.f32 $8.000000000e+00, v27;
	_ =	sdelay $0x1  }
0x223: {  	[tilespmem:v28+s30+$0x0] =	vst.idx.msk $0xffff, v27  }
0x224: {  	v27 =	vld.idx.msk [tilespmem:v54+s21+$0x0], $0xffff  }
0x225: {  	v55 =	vand.u32 $0x7F, v52  }
0x226: {  	v29 =	vor.u32 v55, v23  }
0x227: {  	v56 =	vor.u32 v2, v53;
	_ =	sdelay $0x1  }
0x228: {  	v27 =	vmul.f32 $8.000000000e+00, v27;
	_ =	sdelay $0x1  }
0x229: {  	[tilespmem:v29+s30+$0x0] =	vst.idx.msk $0xffff, v27  }
0x22a: {  	v27 =	vld.idx.msk [tilespmem:v56+s21+$0x0], $0xffff;
	_ =	sdelay $0x1  }
0x22b: {  	v57 =	vor.u32 v55, v24  }
0x22c: {  	v58 =	vor.u32 v4, v53;
	_ =	sdelay $0x1  }
0x22d: {  	v27 =	vmul.f32 $8.000000000e+00, v27;
	_ =	sdelay $0x1  }
0x22e: {  	[tilespmem:v57+s30+$0x0] =	vst.idx.msk $0xffff, v27  }
0x22f: {  	v27 =	vld.idx.msk [tilespmem:v58+s21+$0x0], $0xffff;
	_ =	sdelay $0x1  }
0x230: {  	v59 =	vor.u32 v55, v25  }
0x231: {  	v30 =	vor.u32 v6, v53;
	_ =	sdelay $0x1  }
0x232: {  	v27 =	vmul.f32 $8.000000000e+00, v27;
	_ =	sdelay $0x1  }
0x233: {  	[tilespmem:v59+s30+$0x0] =	vst.idx.msk $0xffff, v27  }
0x234: {  	v27 =	vld.idx.msk [tilespmem:v30+s21+$0x0], $0xffff  }
0x235: {  	v60 =	vor.u32 s1, v11  }
0x236: {  	v61 =	vshll.u32 v60, $0x7;
	v28 =	vor.u32 v55, v26  }
0x237: {  	v62 =	vor.u32 v0, v61;
	_ =	sdelay $0x1  }
0x238: {  	v27 =	vmul.f32 $8.000000000e+00, v27;
	_ =	sdelay $0x1  }
0x239: {  	[tilespmem:v28+s30+$0x0] =	vst.idx.msk $0xffff, v27  }
0x23a: {  	v27 =	vld.idx.msk [tilespmem:v62+s21+$0x0], $0xffff  }
0x23b: {  	v63 =	vand.u32 $0x7F, v60  }
0x23c: {  	v29 =	vor.u32 v63, v23  }
0x23d: {  	v33 =	vor.u32 v2, v61;
	_ =	sdelay $0x1  }
0x23e: {  	v27 =	vmul.f32 $8.000000000e+00, v27;
	_ =	sdelay $0x1  }
0x23f: {  	[tilespmem:v29+s30+$0x0] =	vst.idx.msk $0xffff, v27  }
0x240: {  	v27 =	vld.idx.msk [tilespmem:v33+s21+$0x0], $0xffff;
	_ =	sdelay $0x1  }
0x241: {  	v34 =	vor.u32 v63, v24  }
0x242: {  	v35 =	vor.u32 v4, v61;
	_ =	sdelay $0x1  }
0x243: {  	v27 =	vmul.f32 $8.000000000e+00, v27;
	_ =	sdelay $0x1  }
0x244: {  	[tilespmem:v34+s30+$0x0] =	vst.idx.msk $0xffff, v27  }
0x245: {  	v27 =	vld.idx.msk [tilespmem:v35+s21+$0x0], $0xffff;
	_ =	sdelay $0x1  }
0x246: {  	v36 =	vor.u32 v63, v25  }
0x247: {  	v30 =	vor.u32 v6, v61;
	_ =	sdelay $0x1  }
0x248: {  	v27 =	vmul.f32 $8.000000000e+00, v27;
	_ =	sdelay $0x1  }
0x249: {  	[tilespmem:v36+s30+$0x0] =	vst.idx.msk $0xffff, v27  }
0x24a: {  	v27 =	vld.idx.msk [tilespmem:v30+s21+$0x0], $0xffff  }
0x24b: {  	v37 =	vor.u32 s1, v12  }
0x24c: {  	v38 =	vshll.u32 v37, $0x7;
	v28 =	vor.u32 v63, v26  }
0x24d: {  	v39 =	vor.u32 v0, v38;
	_ =	sdelay $0x1  }
0x24e: {  	v27 =	vmul.f32 $8.000000000e+00, v27;
	_ =	sdelay $0x1  }
0x24f: {  	[tilespmem:v28+s30+$0x0] =	vst.idx.msk $0xffff, v27  }
0x250: {  	v27 =	vld.idx.msk [tilespmem:v39+s21+$0x0], $0xffff  }
0x251: {  	v40 =	vand.u32 $0x7F, v37  }
0x252: {  	v29 =	vor.u32 v40, v23  }
0x253: {  	v41 =	vor.u32 v2, v38;
	_ =	sdelay $0x1  }
0x254: {  	v27 =	vmul.f32 $8.000000000e+00, v27;
	_ =	sdelay $0x1  }
0x255: {  	[tilespmem:v29+s30+$0x0] =	vst.idx.msk $0xffff, v27  }
0x256: {  	v27 =	vld.idx.msk [tilespmem:v41+s21+$0x0], $0xffff;
	_ =	sdelay $0x1  }
0x257: {  	v42 =	vor.u32 v40, v24  }
0x258: {  	v43 =	vor.u32 v4, v38;
	_ =	sdelay $0x1  }
0x259: {  	v27 =	vmul.f32 $8.000000000e+00, v27;
	_ =	sdelay $0x1  }
0x25a: {  	[tilespmem:v42+s30+$0x0] =	vst.idx.msk $0xffff, v27  }
0x25b: {  	v27 =	vld.idx.msk [tilespmem:v43+s21+$0x0], $0xffff;
	_ =	sdelay $0x1  }
0x25c: {  	v44 =	vor.u32 v40, v25  }
0x25d: {  	v30 =	vor.u32 v6, v38;
	_ =	sdelay $0x1  }
0x25e: {  	v27 =	vmul.f32 $8.000000000e+00, v27;
	_ =	sdelay $0x1  }
0x25f: {  	[tilespmem:v44+s30+$0x0] =	vst.idx.msk $0xffff, v27  }
0x260: {  	v27 =	vld.idx.msk [tilespmem:v30+s21+$0x0], $0xffff  }
0x261: {  	v45 =	vor.u32 s1, v14  }
0x262: {  	v46 =	vshll.u32 v45, $0x7;
	v28 =	vor.u32 v40, v26  }
0x263: {  	v47 =	vor.u32 v0, v46;
	_ =	sdelay $0x1  }
0x264: {  	v27 =	vmul.f32 $8.000000000e+00, v27;
	_ =	sdelay $0x1  }
0x265: {  	[tilespmem:v28+s30+$0x0] =	vst.idx.msk $0xffff, v27  }
0x266: {  	v27 =	vld.idx.msk [tilespmem:v47+s21+$0x0], $0xffff  }
0x267: {  	v48 =	vand.u32 $0x7F, v45  }
0x268: {  	v29 =	vor.u32 v48, v23  }
0x269: {  	v49 =	vor.u32 v2, v46;
	_ =	sdelay $0x1  }
0x26a: {  	v27 =	vmul.f32 $8.000000000e+00, v27;
	_ =	sdelay $0x1  }
0x26b: {  	[tilespmem:v29+s30+$0x0] =	vst.idx.msk $0xffff, v27  }
0x26c: {  	v27 =	vld.idx.msk [tilespmem:v49+s21+$0x0], $0xffff;
	_ =	sdelay $0x1  }
0x26d: {  	v50 =	vor.u32 v48, v24  }
0x26e: {  	v51 =	vor.u32 v4, v46;
	_ =	sdelay $0x1  }
0x26f: {  	v27 =	vmul.f32 $8.000000000e+00, v27;
	_ =	sdelay $0x1  }
0x270: {  	[tilespmem:v50+s30+$0x0] =	vst.idx.msk $0xffff, v27  }
0x271: {  	v27 =	vld.idx.msk [tilespmem:v51+s21+$0x0], $0xffff;
	_ =	sdelay $0x1  }
0x272: {  	v52 =	vor.u32 v48, v25  }
0x273: {  	v30 =	vor.u32 v6, v46;
	_ =	sdelay $0x1  }
0x274: {  	v27 =	vmul.f32 $8.000000000e+00, v27;
	_ =	sdelay $0x1  }
0x275: {  	[tilespmem:v52+s30+$0x0] =	vst.idx.msk $0xffff, v27  }
0x276: {  	v27 =	vld.idx.msk [tilespmem:v30+s21+$0x0], $0xffff  }
0x277: {  	v53 =	vor.u32 s1, v15  }
0x278: {  	v54 =	vshll.u32 v53, $0x7;
	v28 =	vor.u32 v48, v26  }
0x279: {  	v55 =	vor.u32 v0, v54;
	_ =	sdelay $0x1  }
0x27a: {  	v27 =	vmul.f32 $8.000000000e+00, v27;
	_ =	sdelay $0x1  }
0x27b: {  	[tilespmem:v28+s30+$0x0] =	vst.idx.msk $0xffff, v27  }
0x27c: {  	v27 =	vld.idx.msk [tilespmem:v55+s21+$0x0], $0xffff  }
0x27d: {  	v56 =	vand.u32 $0x7F, v53  }
0x27e: {  	v29 =	vor.u32 v56, v23  }
0x27f: {  	v57 =	vor.u32 v2, v54;
	_ =	sdelay $0x1  }
0x280: {  	v27 =	vmul.f32 $8.000000000e+00, v27;
	_ =	sdelay $0x1  }
0x281: {  	[tilespmem:v29+s30+$0x0] =	vst.idx.msk $0xffff, v27  }
0x282: {  	v27 =	vld.idx.msk [tilespmem:v57+s21+$0x0], $0xffff;
	_ =	sdelay $0x1  }
0x283: {  	v58 =	vor.u32 v56, v24  }
0x284: {  	v59 =	vor.u32 v4, v54;
	_ =	sdelay $0x1  }
0x285: {  	v27 =	vmul.f32 $8.000000000e+00, v27;
	_ =	sdelay $0x1  }
0x286: {  	[tilespmem:v58+s30+$0x0] =	vst.idx.msk $0xffff, v27  }
0x287: {  	v27 =	vld.idx.msk [tilespmem:v59+s21+$0x0], $0xffff;
	_ =	sdelay $0x1  }
0x288: {  	v60 =	vor.u32 v56, v25  }
0x289: {  	v30 =	vor.u32 v6, v54;
	_ =	sdelay $0x1  }
0x28a: {  	v27 =	vmul.f32 $8.000000000e+00, v27;
	_ =	sdelay $0x1  }
0x28b: {  	[tilespmem:v60+s30+$0x0] =	vst.idx.msk $0xffff, v27  }
0x28c: {  	v27 =	vld.idx.msk [tilespmem:v30+s21+$0x0], $0xffff  }
0x28d: {  	v61 =	vor.u32 s1, v13  }
0x28e: {  	v62 =	vshll.u32 v61, $0x7;
	v28 =	vor.u32 v56, v26  }
0x28f: {  	v63 =	vor.u32 v0, v62;
	_ =	sdelay $0x1  }
0x290: {  	v27 =	vmul.f32 $8.000000000e+00, v27;
	_ =	sdelay $0x1  }
0x291: {  	[tilespmem:v28+s30+$0x0] =	vst.idx.msk $0xffff, v27  }
0x292: {  	v27 =	vld.idx.msk [tilespmem:v63+s21+$0x0], $0xffff  }
0x293: {  	v33 =	vand.u32 $0x7F, v61  }
0x294: {  	v29 =	vor.u32 v33, v23  }
0x295: {  	v34 =	vor.u32 v2, v62;
	_ =	sdelay $0x1  }
0x296: {  	v27 =	vmul.f32 $8.000000000e+00, v27;
	_ =	sdelay $0x1  }
0x297: {  	[tilespmem:v29+s30+$0x0] =	vst.idx.msk $0xffff, v27  }
0x298: {  	v27 =	vld.idx.msk [tilespmem:v34+s21+$0x0], $0xffff;
	_ =	sdelay $0x1  }
0x299: {  	v35 =	vor.u32 v33, v24  }
0x29a: {  	v36 =	vor.u32 v4, v62;
	_ =	sdelay $0x1  }
0x29b: {  	v27 =	vmul.f32 $8.000000000e+00, v27;
	_ =	sdelay $0x1  }
0x29c: {  	[tilespmem:v35+s30+$0x0] =	vst.idx.msk $0xffff, v27  }
0x29d: {  	v27 =	vld.idx.msk [tilespmem:v36+s21+$0x0], $0xffff;
	_ =	sdelay $0x1  }
0x29e: {  	v37 =	vor.u32 v33, v25  }
0x29f: {  	v30 =	vor.u32 v6, v62;
	_ =	sdelay $0x1  }
0x2a0: {  	v27 =	vmul.f32 $8.000000000e+00, v27;
	_ =	sdelay $0x1  }
0x2a1: {  	[tilespmem:v37+s30+$0x0] =	vst.idx.msk $0xffff, v27  }
0x2a2: {  	v27 =	vld.idx.msk [tilespmem:v30+s21+$0x0], $0xffff  }
0x2a3: {  	v38 =	vor.u32 s1, v16  }
0x2a4: {  	v39 =	vshll.u32 v38, $0x7;
	v28 =	vor.u32 v33, v26  }
0x2a5: {  	v40 =	vor.u32 v0, v39;
	_ =	sdelay $0x1  }
0x2a6: {  	v27 =	vmul.f32 $8.000000000e+00, v27;
	_ =	sdelay $0x1  }
0x2a7: {  	[tilespmem:v28+s30+$0x0] =	vst.idx.msk $0xffff, v27  }
0x2a8: {  	v27 =	vld.idx.msk [tilespmem:v40+s21+$0x0], $0xffff  }
0x2a9: {  	v41 =	vand.u32 $0x7F, v38  }
0x2aa: {  	v29 =	vor.u32 v41, v23  }
0x2ab: {  	v42 =	vor.u32 v2, v39;
	_ =	sdelay $0x1  }
0x2ac: {  	v27 =	vmul.f32 $8.000000000e+00, v27;
	_ =	sdelay $0x1  }
0x2ad: {  	[tilespmem:v29+s30+$0x0] =	vst.idx.msk $0xffff, v27  }
0x2ae: {  	v27 =	vld.idx.msk [tilespmem:v42+s21+$0x0], $0xffff;
	_ =	sdelay $0x1  }
0x2af: {  	v43 =	vor.u32 v41, v24  }
0x2b0: {  	v44 =	vor.u32 v4, v39;
	_ =	sdelay $0x1  }
0x2b1: {  	v27 =	vmul.f32 $8.000000000e+00, v27;
	_ =	sdelay $0x1  }
0x2b2: {  	[tilespmem:v43+s30+$0x0] =	vst.idx.msk $0xffff, v27  }
0x2b3: {  	v27 =	vld.idx.msk [tilespmem:v44+s21+$0x0], $0xffff;
	_ =	sdelay $0x1  }
0x2b4: {  	v45 =	vor.u32 v41, v25  }
0x2b5: {  	v30 =	vor.u32 v6, v39;
	_ =	sdelay $0x1  }
0x2b6: {  	v27 =	vmul.f32 $8.000000000e+00, v27;
	_ =	sdelay $0x1  }
0x2b7: {  	[tilespmem:v45+s30+$0x0] =	vst.idx.msk $0xffff, v27  }
0x2b8: {  	v27 =	vld.idx.msk [tilespmem:v30+s21+$0x0], $0xffff  }
0x2b9: {  	v46 =	vor.u32 s1, v17  }
0x2ba: {  	v47 =	vshll.u32 v46, $0x7;
	v28 =	vor.u32 v41, v26  }
0x2bb: {  	v48 =	vor.u32 v0, v47;
	_ =	sdelay $0x1  }
0x2bc: {  	v27 =	vmul.f32 $8.000000000e+00, v27;
	_ =	sdelay $0x1  }
0x2bd: {  	[tilespmem:v28+s30+$0x0] =	vst.idx.msk $0xffff, v27  }
0x2be: {  	v27 =	vld.idx.msk [tilespmem:v48+s21+$0x0], $0xffff  }
0x2bf: {  	v49 =	vand.u32 $0x7F, v46  }
0x2c0: {  	v29 =	vor.u32 v49, v23  }
0x2c1: {  	v50 =	vor.u32 v2, v47;
	_ =	sdelay $0x1  }
0x2c2: {  	v27 =	vmul.f32 $8.000000000e+00, v27;
	_ =	sdelay $0x1  }
0x2c3: {  	[tilespmem:v29+s30+$0x0] =	vst.idx.msk $0xffff, v27  }
0x2c4: {  	v27 =	vld.idx.msk [tilespmem:v50+s21+$0x0], $0xffff;
	_ =	sdelay $0x1  }
0x2c5: {  	v51 =	vor.u32 v49, v24  }
0x2c6: {  	v52 =	vor.u32 v4, v47;
	_ =	sdelay $0x1  }
0x2c7: {  	v27 =	vmul.f32 $8.000000000e+00, v27;
	_ =	sdelay $0x1  }
0x2c8: {  	[tilespmem:v51+s30+$0x0] =	vst.idx.msk $0xffff, v27  }
0x2c9: {  	v27 =	vld.idx.msk [tilespmem:v52+s21+$0x0], $0xffff;
	_ =	sdelay $0x1  }
0x2ca: {  	v53 =	vor.u32 v49, v25  }
0x2cb: {  	v30 =	vor.u32 v6, v47;
	_ =	sdelay $0x1  }
0x2cc: {  	v27 =	vmul.f32 $8.000000000e+00, v27;
	_ =	sdelay $0x1  }
0x2cd: {  	[tilespmem:v53+s30+$0x0] =	vst.idx.msk $0xffff, v27  }
0x2ce: {  	v27 =	vld.idx.msk [tilespmem:v30+s21+$0x0], $0xffff  }
0x2cf: {  	v54 =	vor.u32 s1, v18  }
0x2d0: {  	v55 =	vshll.u32 v54, $0x7;
	v28 =	vor.u32 v49, v26  }
0x2d1: {  	v56 =	vor.u32 v0, v55;
	_ =	sdelay $0x1  }
0x2d2: {  	v27 =	vmul.f32 $8.000000000e+00, v27;
	_ =	sdelay $0x1  }
0x2d3: {  	[tilespmem:v28+s30+$0x0] =	vst.idx.msk $0xffff, v27  }
0x2d4: {  	v27 =	vld.idx.msk [tilespmem:v56+s21+$0x0], $0xffff  }
0x2d5: {  	v57 =	vand.u32 $0x7F, v54  }
0x2d6: {  	v29 =	vor.u32 v57, v23  }
0x2d7: {  	v58 =	vor.u32 v2, v55;
	_ =	sdelay $0x1  }
0x2d8: {  	v27 =	vmul.f32 $8.000000000e+00, v27;
	_ =	sdelay $0x1  }
0x2d9: {  	[tilespmem:v29+s30+$0x0] =	vst.idx.msk $0xffff, v27  }
0x2da: {  	v27 =	vld.idx.msk [tilespmem:v58+s21+$0x0], $0xffff;
	_ =	sdelay $0x1  }
0x2db: {  	v59 =	vor.u32 v57, v24  }
0x2dc: {  	v60 =	vor.u32 v4, v55;
	_ =	sdelay $0x1  }
0x2dd: {  	v27 =	vmul.f32 $8.000000000e+00, v27;
	_ =	sdelay $0x1  }
0x2de: {  	[tilespmem:v59+s30+$0x0] =	vst.idx.msk $0xffff, v27  }
0x2df: {  	v27 =	vld.idx.msk [tilespmem:v60+s21+$0x0], $0xffff;
	_ =	sdelay $0x1  }
0x2e0: {  	v61 =	vor.u32 v57, v25  }
0x2e1: {  	v30 =	vor.u32 v6, v55;
	_ =	sdelay $0x1  }
0x2e2: {  	v27 =	vmul.f32 $8.000000000e+00, v27;
	_ =	sdelay $0x1  }
0x2e3: {  	[tilespmem:v61+s30+$0x0] =	vst.idx.msk $0xffff, v27  }
0x2e4: {  	v27 =	vld.idx.msk [tilespmem:v30+s21+$0x0], $0xffff  }
0x2e5: {  	v62 =	vor.u32 s1, v19  }
0x2e6: {  	v63 =	vshll.u32 v62, $0x7;
	v28 =	vor.u32 v57, v26  }
0x2e7: {  	v33 =	vor.u32 v0, v63;
	_ =	sdelay $0x1  }
0x2e8: {  	v27 =	vmul.f32 $8.000000000e+00, v27;
	_ =	sdelay $0x1  }
0x2e9: {  	[tilespmem:v28+s30+$0x0] =	vst.idx.msk $0xffff, v27  }
0x2ea: {  	v27 =	vld.idx.msk [tilespmem:v33+s21+$0x0], $0xffff  }
0x2eb: {  	v34 =	vand.u32 $0x7F, v62  }
0x2ec: {  	v29 =	vor.u32 v34, v23  }
0x2ed: {  	v35 =	vor.u32 v2, v63;
	_ =	sdelay $0x1  }
0x2ee: {  	v27 =	vmul.f32 $8.000000000e+00, v27;
	_ =	sdelay $0x1  }
0x2ef: {  	[tilespmem:v29+s30+$0x0] =	vst.idx.msk $0xffff, v27  }
0x2f0: {  	v27 =	vld.idx.msk [tilespmem:v35+s21+$0x0], $0xffff;
	_ =	sdelay $0x1  }
0x2f1: {  	v36 =	vor.u32 v34, v24  }
0x2f2: {  	v37 =	vor.u32 v4, v63;
	_ =	sdelay $0x1  }
0x2f3: {  	v27 =	vmul.f32 $8.000000000e+00, v27;
	_ =	sdelay $0x1  }
0x2f4: {  	[tilespmem:v36+s30+$0x0] =	vst.idx.msk $0xffff, v27  }
0x2f5: {  	v27 =	vld.idx.msk [tilespmem:v37+s21+$0x0], $0xffff;
	_ =	sdelay $0x1  }
0x2f6: {  	v38 =	vor.u32 v34, v25  }
0x2f7: {  	v30 =	vor.u32 v6, v63;
	_ =	sdelay $0x1  }
0x2f8: {  	v27 =	vmul.f32 $8.000000000e+00, v27;
	_ =	sdelay $0x1  }
0x2f9: {  	[tilespmem:v38+s30+$0x0] =	vst.idx.msk $0xffff, v27  }
0x2fa: {  	v27 =	vld.idx.msk [tilespmem:v30+s21+$0x0], $0xffff  }
0x2fb: {  	v39 =	vor.u32 s1, v20  }
0x2fc: {  	v40 =	vshll.u32 v39, $0x7;
	v28 =	vor.u32 v34, v26  }
0x2fd: {  	v41 =	vor.u32 v0, v40;
	_ =	sdelay $0x1  }
0x2fe: {  	v27 =	vmul.f32 $8.000000000e+00, v27;
	_ =	sdelay $0x1  }
0x2ff: {  	[tilespmem:v28+s30+$0x0] =	vst.idx.msk $0xffff, v27  }
0x300: {  	v27 =	vld.idx.msk [tilespmem:v41+s21+$0x0], $0xffff  }
0x301: {  	v42 =	vand.u32 $0x7F, v39  }
0x302: {  	v29 =	vor.u32 v42, v23  }
0x303: {  	v43 =	vor.u32 v2, v40;
	_ =	sdelay $0x1  }
0x304: {  	v27 =	vmul.f32 $8.000000000e+00, v27;
	_ =	sdelay $0x1  }
0x305: {  	[tilespmem:v29+s30+$0x0] =	vst.idx.msk $0xffff, v27  }
0x306: {  	v27 =	vld.idx.msk [tilespmem:v43+s21+$0x0], $0xffff;
	_ =	sdelay $0x1  }
0x307: {  	v44 =	vor.u32 v42, v24  }
0x308: {  	v45 =	vor.u32 v4, v40;
	_ =	sdelay $0x1  }
0x309: {  	v27 =	vmul.f32 $8.000000000e+00, v27;
	_ =	sdelay $0x1  }
0x30a: {  	[tilespmem:v44+s30+$0x0] =	vst.idx.msk $0xffff, v27  }
0x30b: {  	v27 =	vld.idx.msk [tilespmem:v45+s21+$0x0], $0xffff;
	_ =	sdelay $0x1  }
0x30c: {  	v46 =	vor.u32 v42, v25  }
0x30d: {  	v30 =	vor.u32 v6, v40;
	_ =	sdelay $0x1  }
0x30e: {  	v27 =	vmul.f32 $8.000000000e+00, v27;
	_ =	sdelay $0x1  }
0x30f: {  	[tilespmem:v46+s30+$0x0] =	vst.idx.msk $0xffff, v27  }
0x310: {  	v27 =	vld.idx.msk [tilespmem:v30+s21+$0x0], $0xffff  }
0x311: {  	v47 =	vor.u32 s1, v21  }
0x312: {  	v48 =	vshll.u32 v47, $0x7;
	v28 =	vor.u32 v42, v26  }
0x313: {  	v49 =	vor.u32 v0, v48;
	_ =	sdelay $0x1  }
0x314: {  	v27 =	vmul.f32 $8.000000000e+00, v27;
	_ =	sdelay $0x1  }
0x315: {  	[tilespmem:v28+s30+$0x0] =	vst.idx.msk $0xffff, v27  }
0x316: {  	v27 =	vld.idx.msk [tilespmem:v49+s21+$0x0], $0xffff  }
0x317: {  	v50 =	vand.u32 $0x7F, v47  }
0x318: {  	v29 =	vor.u32 v50, v23  }
0x319: {  	v51 =	vor.u32 v2, v48;
	_ =	sdelay $0x1  }
0x31a: {  	v27 =	vmul.f32 $8.000000000e+00, v27;
	_ =	sdelay $0x1  }
0x31b: {  	[tilespmem:v29+s30+$0x0] =	vst.idx.msk $0xffff, v27  }
0x31c: {  	v27 =	vld.idx.msk [tilespmem:v51+s21+$0x0], $0xffff;
	_ =	sdelay $0x1  }
0x31d: {  	v52 =	vor.u32 v50, v24  }
0x31e: {  	v53 =	vor.u32 v4, v48;
	_ =	sdelay $0x1  }
0x31f: {  	v27 =	vmul.f32 $8.000000000e+00, v27;
	_ =	sdelay $0x1  }
0x320: {  	[tilespmem:v52+s30+$0x0] =	vst.idx.msk $0xffff, v27  }
0x321: {  	v27 =	vld.idx.msk [tilespmem:v53+s21+$0x0], $0xffff;
	_ =	sdelay $0x1  }
0x322: {  	v54 =	vor.u32 v50, v25  }
0x323: {  	v30 =	vor.u32 v6, v48;
	_ =	sdelay $0x1  }
0x324: {  	v27 =	vmul.f32 $8.000000000e+00, v27;
	_ =	sdelay $0x1  }
0x325: {  	[tilespmem:v54+s30+$0x0] =	vst.idx.msk $0xffff, v27  }
0x326: {  	v27 =	vld.idx.msk [tilespmem:v30+s21+$0x0], $0xffff  }
0x327: {  	v55 =	vor.u32 s1, v22  }
0x328: {  	v56 =	vshll.u32 v55, $0x7;
	v28 =	vor.u32 v50, v26  }
0x329: {  	v57 =	vor.u32 v0, v56;
	_ =	sdelay $0x1  }
0x32a: {  	v27 =	vmul.f32 $8.000000000e+00, v27;
	_ =	sdelay $0x1  }
0x32b: {  	[tilespmem:v28+s30+$0x0] =	vst.idx.msk $0xffff, v27  }
0x32c: {  	v27 =	vld.idx.msk [tilespmem:v57+s21+$0x0], $0xffff  }
0x32d: {  	v58 =	vand.u32 $0x7F, v55  }
0x32e: {  	v23 =	vor.u32 v58, v23  }
0x32f: {  	v59 =	vor.u32 v2, v56;
	_ =	sdelay $0x1  }
0x330: {  	v27 =	vmul.f32 $8.000000000e+00, v27;
	_ =	sdelay $0x1  }
0x331: {  	[tilespmem:v23+s30+$0x0] =	vst.idx.msk $0xffff, v27  }
0x332: {  	v23 =	vld.idx.msk [tilespmem:v59+s21+$0x0], $0xffff;
	_ =	sdelay $0x1  }
0x333: {  	v24 =	vor.u32 v58, v24  }
0x334: {  	v60 =	vor.u32 v4, v56;
	_ =	sdelay $0x1  }
0x335: {  	v23 =	vmul.f32 $8.000000000e+00, v23;
	_ =	sdelay $0x1  }
0x336: {  	[tilespmem:v24+s30+$0x0] =	vst.idx.msk $0xffff, v23  }
0x337: {  	v23 =	vld.idx.msk [tilespmem:v60+s21+$0x0], $0xffff;
	_ =	sdelay $0x1  }
0x338: {  	v61 =	vor.u32 v58, v25  }
0x339: {  	v62 =	vor.u32 v6, v56;
	_ =	sdelay $0x1  }
0x33a: {  	v23 =	vmul.f32 $8.000000000e+00, v23;
	_ =	sdelay $0x1  }
0x33b: {  	[tilespmem:v61+s30+$0x0] =	vst.idx.msk $0xffff, v23  }
0x33c: {  	v23 =	vld.idx.msk [tilespmem:v62+s21+$0x0], $0xffff;
	_ =	sdelay $0x1  }
0x33d: {  	p1 =	sne.s32 s1, $0xF0;
	v63 =	vor.u32 v58, v26  }
.Ltmp3:
0x33e: {  	_ = 	snop;
	(pc) =	sbr.rel @p1 .LBB2_5-.Ltmp3, $3  }
0x33f: {  	_ = 	snop  }
0x340: {  	v23 =	vmul.f32 $8.000000000e+00, v23;
	_ =	sdelay $0x1  }
0x341: {  	s1 =	sadd.s32 $0x10, s1;
	[tilespmem:v63+s30+$0x0] =	vst.idx.msk $0xffff, v23  }
0x342: {  	s1 =	sadd.s32 s13, s10  }
0x343: {  	[hbm4b:s1+s26] =	stream.strided.scatter [tilespmem:s30], [sflag:$0x2], $0x4000, s28, s26, $0x38;
	[tilespmem:$0x18400] =	vst v63  }
0x344: {  	_ =	swait.ge [sflag:s19], $0x100  }
0x345: {  	[sflag:s19] =	ssyncset.done $0x0  }
0x346: {  	[sflag:s19] =	ssyncadd.s32 $0xFFFFFF00  }
0x347: {  	[tilespmem:s21], [sflag:$0x1] =	stream.indirect.gather [hbm4b:s4+s14], $0x80, s18, s14, $0xb8;
	[tilespmem:$0x18400] =	vst v63  }
0x348: {  	s31 =	simm.s32 $0x380;
	s13 =	simm.s32 @!p0 $0x400  }
0x349: {  	[tilespmem:s23], [sflag:$0x1] =	stream.indirect.gather [hbm4b:s4+s14], $0x80, s31, s14, $0xb8;
	[tilespmem:$0x18400] =	vst v63  }
0x34a: {  	s22 =	simm.s32 @!p0 $0x100;
	s1 =	sadd.s32 @!p0 s3, s7;
	s3 =	simm.s32 @!p0 $0x80  }
0x34b: {  	[tilespmem:s22], [sflag:$0x3] =	stream.strided.gather @!p0 [hbm4b:s1+s3], $0x100, s13, s3, $0x38;
	[tilespmem:$0x18400] =	vst v63  }
0x34c: {  	_ =	swait.ge [sflag:s24], $0x4000  }
0x34d: {  	[sflag:s24] =	ssyncset.done $0x0  }
0x34e: {  	[sflag:s24] =	ssyncadd.s32 $0xFFFFC000  }
0x34f: {  	_ =	swait.ge [sflag:s24], $0x4000  }
0x350: {  	[sflag:s24] =	ssyncset.done $0x0  }
0x351: {  	[sflag:s24] =	ssyncadd.s32 $0xFFFFC000  }
0x352: {  	_ =	swait.ge [sflag:s0], $0x4000  }
0x353: {  	[sflag:s0] =	ssyncset.done $0x0  }
0x354: {  	s1 =	simm.s32 $0x0;
	[sflag:s0] =	ssyncadd.s32 $0xFFFFC000  }
.LBB2_7:
0x355: {  	v23 =	vor.u32 s1, v0  }
0x356: {  	v26 =	vshll.u32 v23, $0x7  }
0x357: {  	v24 =	vor.u32 v0, v26;
	_ =	sdelay $0x2  }
0x358: {  	v25 =	vmov s1  }
0x359: {  	v25 =	vshll.u32 v25, $0x3  }
0x35a: {  	v27 =	vand.u32 $0x400, v25;
	v24 =	vld.idx.msk [tilespmem:v24+s15+$0x0], $0xffff  }
0x35b: {  	v28 =	vand.u32 $0x7F, v23;
	v23 =	vor.u32 v1, v27  }
0x35c: {  	v34 =	vor.u32 v28, v23  }
0x35d: {  	v29 =	vor.u32 v2, v26;
	_ =	sdelay $0x1  }
0x35e: {  	v24 =	vmul.f32 $8.000000000e+00, v24;
	_ =	sdelay $0x1  }
0x35f: {  	[tilespmem:v34+s25+$0x0] =	vst.idx.msk $0xffff, v24  }
0x360: {  	v25 =	vld.idx.msk [tilespmem:v29+s15+$0x0], $0xffff  }
0x361: {  	v24 =	vor.u32 v3, v27  }
0x362: {  	v35 =	vor.u32 v28, v24  }
0x363: {  	v30 =	vor.u32 v4, v26;
	_ =	sdelay $0x1  }
0x364: {  	v25 =	vmul.f32 $8.000000000e+00, v25;
	_ =	sdelay $0x1  }
0x365: {  	[tilespmem:v35+s25+$0x0] =	vst.idx.msk $0xffff, v25  }
0x366: {  	v29 =	vld.idx.msk [tilespmem:v30+s15+$0x0], $0xffff  }
0x367: {  	v25 =	vor.u32 v5, v27  }
0x368: {  	v36 =	vor.u32 v28, v25  }
0x369: {  	v26 =	vor.u32 v6, v26;
	_ =	sdelay $0x1  }
0x36a: {  	v29 =	vmul.f32 $8.000000000e+00, v29;
	_ =	sdelay $0x1  }
0x36b: {  	[tilespmem:v36+s25+$0x0] =	vst.idx.msk $0xffff, v29  }
0x36c: {  	v29 =	vld.idx.msk [tilespmem:v26+s15+$0x0], $0xffff  }
0x36d: {  	v37 =	vor.u32 s1, v8;
	v26 =	vor.u32 v7, v27  }
0x36e: {  	v38 =	vshll.u32 v37, $0x7;
	v28 =	vor.u32 v28, v26  }
0x36f: {  	v31 =	vor.u32 v0, v38;
	_ =	sdelay $0x1  }
0x370: {  	v29 =	vmul.f32 $8.000000000e+00, v29;
	_ =	sdelay $0x1  }
0x371: {  	[tilespmem:v28+s25+$0x0] =	vst.idx.msk $0xffff, v29  }
0x372: {  	v28 =	vld.idx.msk [tilespmem:v31+s15+$0x0], $0xffff  }
0x373: {  	v27 =	vand.u32 $0x7F, v37  }
0x374: {  	v39 =	vor.u32 v27, v23  }
0x375: {  	v40 =	vor.u32 v2, v38;
	_ =	sdelay $0x1  }
0x376: {  	v28 =	vmul.f32 $8.000000000e+00, v28;
	_ =	sdelay $0x1  }
0x377: {  	[tilespmem:v39+s25+$0x0] =	vst.idx.msk $0xffff, v28  }
0x378: {  	v28 =	vld.idx.msk [tilespmem:v40+s15+$0x0], $0xffff;
	_ =	sdelay $0x1  }
0x379: {  	v41 =	vor.u32 v27, v24  }
0x37a: {  	v42 =	vor.u32 v4, v38;
	_ =	sdelay $0x1  }
0x37b: {  	v28 =	vmul.f32 $8.000000000e+00, v28;
	_ =	sdelay $0x1  }
0x37c: {  	[tilespmem:v41+s25+$0x0] =	vst.idx.msk $0xffff, v28  }
0x37d: {  	v28 =	vld.idx.msk [tilespmem:v42+s15+$0x0], $0xffff;
	_ =	sdelay $0x1  }
0x37e: {  	v43 =	vor.u32 v27, v25  }
0x37f: {  	v30 =	vor.u32 v6, v38;
	_ =	sdelay $0x1  }
0x380: {  	v28 =	vmul.f32 $8.000000000e+00, v28;
	_ =	sdelay $0x1  }
0x381: {  	[tilespmem:v43+s25+$0x0] =	vst.idx.msk $0xffff, v28  }
0x382: {  	v28 =	vld.idx.msk [tilespmem:v30+s15+$0x0], $0xffff  }
0x383: {  	v44 =	vor.u32 s1, v9  }
0x384: {  	v45 =	vshll.u32 v44, $0x7;
	v27 =	vor.u32 v27, v26  }
0x385: {  	v46 =	vor.u32 v0, v45;
	_ =	sdelay $0x1  }
0x386: {  	v28 =	vmul.f32 $8.000000000e+00, v28;
	_ =	sdelay $0x1  }
0x387: {  	[tilespmem:v27+s25+$0x0] =	vst.idx.msk $0xffff, v28  }
0x388: {  	v27 =	vld.idx.msk [tilespmem:v46+s15+$0x0], $0xffff  }
0x389: {  	v47 =	vand.u32 $0x7F, v44  }
0x38a: {  	v29 =	vor.u32 v47, v23  }
0x38b: {  	v48 =	vor.u32 v2, v45;
	_ =	sdelay $0x1  }
0x38c: {  	v27 =	vmul.f32 $8.000000000e+00, v27;
	_ =	sdelay $0x1  }
0x38d: {  	[tilespmem:v29+s25+$0x0] =	vst.idx.msk $0xffff, v27  }
0x38e: {  	v27 =	vld.idx.msk [tilespmem:v48+s15+$0x0], $0xffff;
	_ =	sdelay $0x1  }
0x38f: {  	v49 =	vor.u32 v47, v24  }
0x390: {  	v50 =	vor.u32 v4, v45;
	_ =	sdelay $0x1  }
0x391: {  	v27 =	vmul.f32 $8.000000000e+00, v27;
	_ =	sdelay $0x1  }
0x392: {  	[tilespmem:v49+s25+$0x0] =	vst.idx.msk $0xffff, v27  }
0x393: {  	v27 =	vld.idx.msk [tilespmem:v50+s15+$0x0], $0xffff;
	_ =	sdelay $0x1  }
0x394: {  	v51 =	vor.u32 v47, v25  }
0x395: {  	v30 =	vor.u32 v6, v45;
	_ =	sdelay $0x1  }
0x396: {  	v27 =	vmul.f32 $8.000000000e+00, v27;
	_ =	sdelay $0x1  }
0x397: {  	[tilespmem:v51+s25+$0x0] =	vst.idx.msk $0xffff, v27  }
0x398: {  	v27 =	vld.idx.msk [tilespmem:v30+s15+$0x0], $0xffff  }
0x399: {  	v52 =	vor.u32 s1, v10  }
0x39a: {  	v53 =	vshll.u32 v52, $0x7;
	v28 =	vor.u32 v47, v26  }
0x39b: {  	v54 =	vor.u32 v0, v53;
	_ =	sdelay $0x1  }
0x39c: {  	v27 =	vmul.f32 $8.000000000e+00, v27;
	_ =	sdelay $0x1  }
0x39d: {  	[tilespmem:v28+s25+$0x0] =	vst.idx.msk $0xffff, v27  }
0x39e: {  	v27 =	vld.idx.msk [tilespmem:v54+s15+$0x0], $0xffff  }
0x39f: {  	v55 =	vand.u32 $0x7F, v52  }
0x3a0: {  	v29 =	vor.u32 v55, v23  }
0x3a1: {  	v56 =	vor.u32 v2, v53;
	_ =	sdelay $0x1  }
0x3a2: {  	v27 =	vmul.f32 $8.000000000e+00, v27;
	_ =	sdelay $0x1  }
0x3a3: {  	[tilespmem:v29+s25+$0x0] =	vst.idx.msk $0xffff, v27  }
0x3a4: {  	v27 =	vld.idx.msk [tilespmem:v56+s15+$0x0], $0xffff;
	_ =	sdelay $0x1  }
0x3a5: {  	v57 =	vor.u32 v55, v24  }
0x3a6: {  	v58 =	vor.u32 v4, v53;
	_ =	sdelay $0x1  }
0x3a7: {  	v27 =	vmul.f32 $8.000000000e+00, v27;
	_ =	sdelay $0x1  }
0x3a8: {  	[tilespmem:v57+s25+$0x0] =	vst.idx.msk $0xffff, v27  }
0x3a9: {  	v27 =	vld.idx.msk [tilespmem:v58+s15+$0x0], $0xffff;
	_ =	sdelay $0x1  }
0x3aa: {  	v59 =	vor.u32 v55, v25  }
0x3ab: {  	v30 =	vor.u32 v6, v53;
	_ =	sdelay $0x1  }
0x3ac: {  	v27 =	vmul.f32 $8.000000000e+00, v27;
	_ =	sdelay $0x1  }
0x3ad: {  	[tilespmem:v59+s25+$0x0] =	vst.idx.msk $0xffff, v27  }
0x3ae: {  	v27 =	vld.idx.msk [tilespmem:v30+s15+$0x0], $0xffff  }
0x3af: {  	v60 =	vor.u32 s1, v11  }
0x3b0: {  	v61 =	vshll.u32 v60, $0x7;
	v28 =	vor.u32 v55, v26  }
0x3b1: {  	v62 =	vor.u32 v0, v61;
	_ =	sdelay $0x1  }
0x3b2: {  	v27 =	vmul.f32 $8.000000000e+00, v27;
	_ =	sdelay $0x1  }
0x3b3: {  	[tilespmem:v28+s25+$0x0] =	vst.idx.msk $0xffff, v27  }
0x3b4: {  	v27 =	vld.idx.msk [tilespmem:v62+s15+$0x0], $0xffff  }
0x3b5: {  	v63 =	vand.u32 $0x7F, v60  }
0x3b6: {  	v29 =	vor.u32 v63, v23  }
0x3b7: {  	v33 =	vor.u32 v2, v61;
	_ =	sdelay $0x1  }
0x3b8: {  	v27 =	vmul.f32 $8.000000000e+00, v27;
	_ =	sdelay $0x1  }
0x3b9: {  	[tilespmem:v29+s25+$0x0] =	vst.idx.msk $0xffff, v27  }
0x3ba: {  	v27 =	vld.idx.msk [tilespmem:v33+s15+$0x0], $0xffff;
	_ =	sdelay $0x1  }
0x3bb: {  	v34 =	vor.u32 v63, v24  }
0x3bc: {  	v35 =	vor.u32 v4, v61;
	_ =	sdelay $0x1  }
0x3bd: {  	v27 =	vmul.f32 $8.000000000e+00, v27;
	_ =	sdelay $0x1  }
0x3be: {  	[tilespmem:v34+s25+$0x0] =	vst.idx.msk $0xffff, v27  }
0x3bf: {  	v27 =	vld.idx.msk [tilespmem:v35+s15+$0x0], $0xffff;
	_ =	sdelay $0x1  }
0x3c0: {  	v36 =	vor.u32 v63, v25  }
0x3c1: {  	v30 =	vor.u32 v6, v61;
	_ =	sdelay $0x1  }
0x3c2: {  	v27 =	vmul.f32 $8.000000000e+00, v27;
	_ =	sdelay $0x1  }
0x3c3: {  	[tilespmem:v36+s25+$0x0] =	vst.idx.msk $0xffff, v27  }
0x3c4: {  	v27 =	vld.idx.msk [tilespmem:v30+s15+$0x0], $0xffff  }
0x3c5: {  	v37 =	vor.u32 s1, v12  }
0x3c6: {  	v38 =	vshll.u32 v37, $0x7;
	v28 =	vor.u32 v63, v26  }
0x3c7: {  	v39 =	vor.u32 v0, v38;
	_ =	sdelay $0x1  }
0x3c8: {  	v27 =	vmul.f32 $8.000000000e+00, v27;
	_ =	sdelay $0x1  }
0x3c9: {  	[tilespmem:v28+s25+$0x0] =	vst.idx.msk $0xffff, v27  }
0x3ca: {  	v27 =	vld.idx.msk [tilespmem:v39+s15+$0x0], $0xffff  }
0x3cb: {  	v40 =	vand.u32 $0x7F, v37  }
0x3cc: {  	v29 =	vor.u32 v40, v23  }
0x3cd: {  	v41 =	vor.u32 v2, v38;
	_ =	sdelay $0x1  }
0x3ce: {  	v27 =	vmul.f32 $8.000000000e+00, v27;
	_ =	sdelay $0x1  }
0x3cf: {  	[tilespmem:v29+s25+$0x0] =	vst.idx.msk $0xffff, v27  }
0x3d0: {  	v27 =	vld.idx.msk [tilespmem:v41+s15+$0x0], $0xffff;
	_ =	sdelay $0x1  }
0x3d1: {  	v42 =	vor.u32 v40, v24  }
0x3d2: {  	v43 =	vor.u32 v4, v38;
	_ =	sdelay $0x1  }
0x3d3: {  	v27 =	vmul.f32 $8.000000000e+00, v27;
	_ =	sdelay $0x1  }
0x3d4: {  	[tilespmem:v42+s25+$0x0] =	vst.idx.msk $0xffff, v27  }
0x3d5: {  	v27 =	vld.idx.msk [tilespmem:v43+s15+$0x0], $0xffff;
	_ =	sdelay $0x1  }
0x3d6: {  	v44 =	vor.u32 v40, v25  }
0x3d7: {  	v30 =	vor.u32 v6, v38;
	_ =	sdelay $0x1  }
0x3d8: {  	v27 =	vmul.f32 $8.000000000e+00, v27;
	_ =	sdelay $0x1  }
0x3d9: {  	[tilespmem:v44+s25+$0x0] =	vst.idx.msk $0xffff, v27  }
0x3da: {  	v27 =	vld.idx.msk [tilespmem:v30+s15+$0x0], $0xffff  }
0x3db: {  	v45 =	vor.u32 s1, v14  }
0x3dc: {  	v46 =	vshll.u32 v45, $0x7;
	v28 =	vor.u32 v40, v26  }
0x3dd: {  	v47 =	vor.u32 v0, v46;
	_ =	sdelay $0x1  }
0x3de: {  	v27 =	vmul.f32 $8.000000000e+00, v27;
	_ =	sdelay $0x1  }
0x3df: {  	[tilespmem:v28+s25+$0x0] =	vst.idx.msk $0xffff, v27  }
0x3e0: {  	v27 =	vld.idx.msk [tilespmem:v47+s15+$0x0], $0xffff  }
0x3e1: {  	v48 =	vand.u32 $0x7F, v45  }
0x3e2: {  	v29 =	vor.u32 v48, v23  }
0x3e3: {  	v49 =	vor.u32 v2, v46;
	_ =	sdelay $0x1  }
0x3e4: {  	v27 =	vmul.f32 $8.000000000e+00, v27;
	_ =	sdelay $0x1  }
0x3e5: {  	[tilespmem:v29+s25+$0x0] =	vst.idx.msk $0xffff, v27  }
0x3e6: {  	v27 =	vld.idx.msk [tilespmem:v49+s15+$0x0], $0xffff;
	_ =	sdelay $0x1  }
0x3e7: {  	v50 =	vor.u32 v48, v24  }
0x3e8: {  	v51 =	vor.u32 v4, v46;
	_ =	sdelay $0x1  }
0x3e9: {  	v27 =	vmul.f32 $8.000000000e+00, v27;
	_ =	sdelay $0x1  }
0x3ea: {  	[tilespmem:v50+s25+$0x0] =	vst.idx.msk $0xffff, v27  }
0x3eb: {  	v27 =	vld.idx.msk [tilespmem:v51+s15+$0x0], $0xffff;
	_ =	sdelay $0x1  }
0x3ec: {  	v52 =	vor.u32 v48, v25  }
0x3ed: {  	v30 =	vor.u32 v6, v46;
	_ =	sdelay $0x1  }
0x3ee: {  	v27 =	vmul.f32 $8.000000000e+00, v27;
	_ =	sdelay $0x1  }
0x3ef: {  	[tilespmem:v52+s25+$0x0] =	vst.idx.msk $0xffff, v27  }
0x3f0: {  	v27 =	vld.idx.msk [tilespmem:v30+s15+$0x0], $0xffff  }
0x3f1: {  	v53 =	vor.u32 s1, v15  }
0x3f2: {  	v54 =	vshll.u32 v53, $0x7;
	v28 =	vor.u32 v48, v26  }
0x3f3: {  	v55 =	vor.u32 v0, v54;
	_ =	sdelay $0x1  }
0x3f4: {  	v27 =	vmul.f32 $8.000000000e+00, v27;
	_ =	sdelay $0x1  }
0x3f5: {  	[tilespmem:v28+s25+$0x0] =	vst.idx.msk $0xffff, v27  }
0x3f6: {  	v27 =	vld.idx.msk [tilespmem:v55+s15+$0x0], $0xffff  }
0x3f7: {  	v56 =	vand.u32 $0x7F, v53  }
0x3f8: {  	v29 =	vor.u32 v56, v23  }
0x3f9: {  	v57 =	vor.u32 v2, v54;
	_ =	sdelay $0x1  }
0x3fa: {  	v27 =	vmul.f32 $8.000000000e+00, v27;
	_ =	sdelay $0x1  }
0x3fb: {  	[tilespmem:v29+s25+$0x0] =	vst.idx.msk $0xffff, v27  }
0x3fc: {  	v27 =	vld.idx.msk [tilespmem:v57+s15+$0x0], $0xffff;
	_ =	sdelay $0x1  }
0x3fd: {  	v58 =	vor.u32 v56, v24  }
0x3fe: {  	v59 =	vor.u32 v4, v54;
	_ =	sdelay $0x1  }
0x3ff: {  	v27 =	vmul.f32 $8.000000000e+00, v27;
	_ =	sdelay $0x1  }
0x400: {  	[tilespmem:v58+s25+$0x0] =	vst.idx.msk $0xffff, v27  }
0x401: {  	v27 =	vld.idx.msk [tilespmem:v59+s15+$0x0], $0xffff;
	_ =	sdelay $0x1  }
0x402: {  	v60 =	vor.u32 v56, v25  }
0x403: {  	v30 =	vor.u32 v6, v54;
	_ =	sdelay $0x1  }
0x404: {  	v27 =	vmul.f32 $8.000000000e+00, v27;
	_ =	sdelay $0x1  }
0x405: {  	[tilespmem:v60+s25+$0x0] =	vst.idx.msk $0xffff, v27  }
0x406: {  	v27 =	vld.idx.msk [tilespmem:v30+s15+$0x0], $0xffff  }
0x407: {  	v61 =	vor.u32 s1, v13  }
0x408: {  	v62 =	vshll.u32 v61, $0x7;
	v28 =	vor.u32 v56, v26  }
0x409: {  	v63 =	vor.u32 v0, v62;
	_ =	sdelay $0x1  }
0x40a: {  	v27 =	vmul.f32 $8.000000000e+00, v27;
	_ =	sdelay $0x1  }
0x40b: {  	[tilespmem:v28+s25+$0x0] =	vst.idx.msk $0xffff, v27  }
0x40c: {  	v27 =	vld.idx.msk [tilespmem:v63+s15+$0x0], $0xffff  }
0x40d: {  	v33 =	vand.u32 $0x7F, v61  }
0x40e: {  	v29 =	vor.u32 v33, v23  }
0x40f: {  	v34 =	vor.u32 v2, v62;
	_ =	sdelay $0x1  }
0x410: {  	v27 =	vmul.f32 $8.000000000e+00, v27;
	_ =	sdelay $0x1  }
0x411: {  	[tilespmem:v29+s25+$0x0] =	vst.idx.msk $0xffff, v27  }
0x412: {  	v27 =	vld.idx.msk [tilespmem:v34+s15+$0x0], $0xffff;
	_ =	sdelay $0x1  }
0x413: {  	v35 =	vor.u32 v33, v24  }
0x414: {  	v36 =	vor.u32 v4, v62;
	_ =	sdelay $0x1  }
0x415: {  	v27 =	vmul.f32 $8.000000000e+00, v27;
	_ =	sdelay $0x1  }
0x416: {  	[tilespmem:v35+s25+$0x0] =	vst.idx.msk $0xffff, v27  }
0x417: {  	v27 =	vld.idx.msk [tilespmem:v36+s15+$0x0], $0xffff;
	_ =	sdelay $0x1  }
0x418: {  	v37 =	vor.u32 v33, v25  }
0x419: {  	v30 =	vor.u32 v6, v62;
	_ =	sdelay $0x1  }
0x41a: {  	v27 =	vmul.f32 $8.000000000e+00, v27;
	_ =	sdelay $0x1  }
0x41b: {  	[tilespmem:v37+s25+$0x0] =	vst.idx.msk $0xffff, v27  }
0x41c: {  	v27 =	vld.idx.msk [tilespmem:v30+s15+$0x0], $0xffff  }
0x41d: {  	v38 =	vor.u32 s1, v16  }
0x41e: {  	v39 =	vshll.u32 v38, $0x7;
	v28 =	vor.u32 v33, v26  }
0x41f: {  	v40 =	vor.u32 v0, v39;
	_ =	sdelay $0x1  }
0x420: {  	v27 =	vmul.f32 $8.000000000e+00, v27;
	_ =	sdelay $0x1  }
0x421: {  	[tilespmem:v28+s25+$0x0] =	vst.idx.msk $0xffff, v27  }
0x422: {  	v27 =	vld.idx.msk [tilespmem:v40+s15+$0x0], $0xffff  }
0x423: {  	v41 =	vand.u32 $0x7F, v38  }
0x424: {  	v29 =	vor.u32 v41, v23  }
0x425: {  	v42 =	vor.u32 v2, v39;
	_ =	sdelay $0x1  }
0x426: {  	v27 =	vmul.f32 $8.000000000e+00, v27;
	_ =	sdelay $0x1  }
0x427: {  	[tilespmem:v29+s25+$0x0] =	vst.idx.msk $0xffff, v27  }
0x428: {  	v27 =	vld.idx.msk [tilespmem:v42+s15+$0x0], $0xffff;
	_ =	sdelay $0x1  }
0x429: {  	v43 =	vor.u32 v41, v24  }
0x42a: {  	v44 =	vor.u32 v4, v39;
	_ =	sdelay $0x1  }
0x42b: {  	v27 =	vmul.f32 $8.000000000e+00, v27;
	_ =	sdelay $0x1  }
0x42c: {  	[tilespmem:v43+s25+$0x0] =	vst.idx.msk $0xffff, v27  }
0x42d: {  	v27 =	vld.idx.msk [tilespmem:v44+s15+$0x0], $0xffff;
	_ =	sdelay $0x1  }
0x42e: {  	v45 =	vor.u32 v41, v25  }
0x42f: {  	v30 =	vor.u32 v6, v39;
	_ =	sdelay $0x1  }
0x430: {  	v27 =	vmul.f32 $8.000000000e+00, v27;
	_ =	sdelay $0x1  }
0x431: {  	[tilespmem:v45+s25+$0x0] =	vst.idx.msk $0xffff, v27  }
0x432: {  	v27 =	vld.idx.msk [tilespmem:v30+s15+$0x0], $0xffff  }
0x433: {  	v46 =	vor.u32 s1, v17  }
0x434: {  	v47 =	vshll.u32 v46, $0x7;
	v28 =	vor.u32 v41, v26  }
0x435: {  	v48 =	vor.u32 v0, v47;
	_ =	sdelay $0x1  }
0x436: {  	v27 =	vmul.f32 $8.000000000e+00, v27;
	_ =	sdelay $0x1  }
0x437: {  	[tilespmem:v28+s25+$0x0] =	vst.idx.msk $0xffff, v27  }
0x438: {  	v27 =	vld.idx.msk [tilespmem:v48+s15+$0x0], $0xffff  }
0x439: {  	v49 =	vand.u32 $0x7F, v46  }
0x43a: {  	v29 =	vor.u32 v49, v23  }
0x43b: {  	v50 =	vor.u32 v2, v47;
	_ =	sdelay $0x1  }
0x43c: {  	v27 =	vmul.f32 $8.000000000e+00, v27;
	_ =	sdelay $0x1  }
0x43d: {  	[tilespmem:v29+s25+$0x0] =	vst.idx.msk $0xffff, v27  }
0x43e: {  	v27 =	vld.idx.msk [tilespmem:v50+s15+$0x0], $0xffff;
	_ =	sdelay $0x1  }
0x43f: {  	v51 =	vor.u32 v49, v24  }
0x440: {  	v52 =	vor.u32 v4, v47;
	_ =	sdelay $0x1  }
0x441: {  	v27 =	vmul.f32 $8.000000000e+00, v27;
	_ =	sdelay $0x1  }
0x442: {  	[tilespmem:v51+s25+$0x0] =	vst.idx.msk $0xffff, v27  }
0x443: {  	v27 =	vld.idx.msk [tilespmem:v52+s15+$0x0], $0xffff;
	_ =	sdelay $0x1  }
0x444: {  	v53 =	vor.u32 v49, v25  }
0x445: {  	v30 =	vor.u32 v6, v47;
	_ =	sdelay $0x1  }
0x446: {  	v27 =	vmul.f32 $8.000000000e+00, v27;
	_ =	sdelay $0x1  }
0x447: {  	[tilespmem:v53+s25+$0x0] =	vst.idx.msk $0xffff, v27  }
0x448: {  	v27 =	vld.idx.msk [tilespmem:v30+s15+$0x0], $0xffff  }
0x449: {  	v54 =	vor.u32 s1, v18  }
0x44a: {  	v55 =	vshll.u32 v54, $0x7;
	v28 =	vor.u32 v49, v26  }
0x44b: {  	v56 =	vor.u32 v0, v55;
	_ =	sdelay $0x1  }
0x44c: {  	v27 =	vmul.f32 $8.000000000e+00, v27;
	_ =	sdelay $0x1  }
0x44d: {  	[tilespmem:v28+s25+$0x0] =	vst.idx.msk $0xffff, v27  }
0x44e: {  	v27 =	vld.idx.msk [tilespmem:v56+s15+$0x0], $0xffff  }
0x44f: {  	v57 =	vand.u32 $0x7F, v54  }
0x450: {  	v29 =	vor.u32 v57, v23  }
0x451: {  	v58 =	vor.u32 v2, v55;
	_ =	sdelay $0x1  }
0x452: {  	v27 =	vmul.f32 $8.000000000e+00, v27;
	_ =	sdelay $0x1  }
0x453: {  	[tilespmem:v29+s25+$0x0] =	vst.idx.msk $0xffff, v27  }
0x454: {  	v27 =	vld.idx.msk [tilespmem:v58+s15+$0x0], $0xffff;
	_ =	sdelay $0x1  }
0x455: {  	v59 =	vor.u32 v57, v24  }
0x456: {  	v60 =	vor.u32 v4, v55;
	_ =	sdelay $0x1  }
0x457: {  	v27 =	vmul.f32 $8.000000000e+00, v27;
	_ =	sdelay $0x1  }
0x458: {  	[tilespmem:v59+s25+$0x0] =	vst.idx.msk $0xffff, v27  }
0x459: {  	v27 =	vld.idx.msk [tilespmem:v60+s15+$0x0], $0xffff;
	_ =	sdelay $0x1  }
0x45a: {  	v61 =	vor.u32 v57, v25  }
0x45b: {  	v30 =	vor.u32 v6, v55;
	_ =	sdelay $0x1  }
0x45c: {  	v27 =	vmul.f32 $8.000000000e+00, v27;
	_ =	sdelay $0x1  }
0x45d: {  	[tilespmem:v61+s25+$0x0] =	vst.idx.msk $0xffff, v27  }
0x45e: {  	v27 =	vld.idx.msk [tilespmem:v30+s15+$0x0], $0xffff  }
0x45f: {  	v62 =	vor.u32 s1, v19  }
0x460: {  	v63 =	vshll.u32 v62, $0x7;
	v28 =	vor.u32 v57, v26  }
0x461: {  	v33 =	vor.u32 v0, v63;
	_ =	sdelay $0x1  }
0x462: {  	v27 =	vmul.f32 $8.000000000e+00, v27;
	_ =	sdelay $0x1  }
0x463: {  	[tilespmem:v28+s25+$0x0] =	vst.idx.msk $0xffff, v27  }
0x464: {  	v27 =	vld.idx.msk [tilespmem:v33+s15+$0x0], $0xffff  }
0x465: {  	v34 =	vand.u32 $0x7F, v62  }
0x466: {  	v29 =	vor.u32 v34, v23  }
0x467: {  	v35 =	vor.u32 v2, v63;
	_ =	sdelay $0x1  }
0x468: {  	v27 =	vmul.f32 $8.000000000e+00, v27;
	_ =	sdelay $0x1  }
0x469: {  	[tilespmem:v29+s25+$0x0] =	vst.idx.msk $0xffff, v27  }
0x46a: {  	v27 =	vld.idx.msk [tilespmem:v35+s15+$0x0], $0xffff;
	_ =	sdelay $0x1  }
0x46b: {  	v36 =	vor.u32 v34, v24  }
0x46c: {  	v37 =	vor.u32 v4, v63;
	_ =	sdelay $0x1  }
0x46d: {  	v27 =	vmul.f32 $8.000000000e+00, v27;
	_ =	sdelay $0x1  }
0x46e: {  	[tilespmem:v36+s25+$0x0] =	vst.idx.msk $0xffff, v27  }
0x46f: {  	v27 =	vld.idx.msk [tilespmem:v37+s15+$0x0], $0xffff;
	_ =	sdelay $0x1  }
0x470: {  	v38 =	vor.u32 v34, v25  }
0x471: {  	v30 =	vor.u32 v6, v63;
	_ =	sdelay $0x1  }
0x472: {  	v27 =	vmul.f32 $8.000000000e+00, v27;
	_ =	sdelay $0x1  }
0x473: {  	[tilespmem:v38+s25+$0x0] =	vst.idx.msk $0xffff, v27  }
0x474: {  	v27 =	vld.idx.msk [tilespmem:v30+s15+$0x0], $0xffff  }
0x475: {  	v39 =	vor.u32 s1, v20  }
0x476: {  	v40 =	vshll.u32 v39, $0x7;
	v28 =	vor.u32 v34, v26  }
0x477: {  	v41 =	vor.u32 v0, v40;
	_ =	sdelay $0x1  }
0x478: {  	v27 =	vmul.f32 $8.000000000e+00, v27;
	_ =	sdelay $0x1  }
0x479: {  	[tilespmem:v28+s25+$0x0] =	vst.idx.msk $0xffff, v27  }
0x47a: {  	v27 =	vld.idx.msk [tilespmem:v41+s15+$0x0], $0xffff  }
0x47b: {  	v42 =	vand.u32 $0x7F, v39  }
0x47c: {  	v29 =	vor.u32 v42, v23  }
0x47d: {  	v43 =	vor.u32 v2, v40;
	_ =	sdelay $0x1  }
0x47e: {  	v27 =	vmul.f32 $8.000000000e+00, v27;
	_ =	sdelay $0x1  }
0x47f: {  	[tilespmem:v29+s25+$0x0] =	vst.idx.msk $0xffff, v27  }
0x480: {  	v27 =	vld.idx.msk [tilespmem:v43+s15+$0x0], $0xffff;
	_ =	sdelay $0x1  }
0x481: {  	v44 =	vor.u32 v42, v24  }
0x482: {  	v45 =	vor.u32 v4, v40;
	_ =	sdelay $0x1  }
0x483: {  	v27 =	vmul.f32 $8.000000000e+00, v27;
	_ =	sdelay $0x1  }
0x484: {  	[tilespmem:v44+s25+$0x0] =	vst.idx.msk $0xffff, v27  }
0x485: {  	v27 =	vld.idx.msk [tilespmem:v45+s15+$0x0], $0xffff;
	_ =	sdelay $0x1  }
0x486: {  	v46 =	vor.u32 v42, v25  }
0x487: {  	v30 =	vor.u32 v6, v40;
	_ =	sdelay $0x1  }
0x488: {  	v27 =	vmul.f32 $8.000000000e+00, v27;
	_ =	sdelay $0x1  }
0x489: {  	[tilespmem:v46+s25+$0x0] =	vst.idx.msk $0xffff, v27  }
0x48a: {  	v27 =	vld.idx.msk [tilespmem:v30+s15+$0x0], $0xffff  }
0x48b: {  	v47 =	vor.u32 s1, v21  }
0x48c: {  	v48 =	vshll.u32 v47, $0x7;
	v28 =	vor.u32 v42, v26  }
0x48d: {  	v49 =	vor.u32 v0, v48;
	_ =	sdelay $0x1  }
0x48e: {  	v27 =	vmul.f32 $8.000000000e+00, v27;
	_ =	sdelay $0x1  }
0x48f: {  	[tilespmem:v28+s25+$0x0] =	vst.idx.msk $0xffff, v27  }
0x490: {  	v27 =	vld.idx.msk [tilespmem:v49+s15+$0x0], $0xffff  }
0x491: {  	v50 =	vand.u32 $0x7F, v47  }
0x492: {  	v29 =	vor.u32 v50, v23  }
0x493: {  	v51 =	vor.u32 v2, v48;
	_ =	sdelay $0x1  }
0x494: {  	v27 =	vmul.f32 $8.000000000e+00, v27;
	_ =	sdelay $0x1  }
0x495: {  	[tilespmem:v29+s25+$0x0] =	vst.idx.msk $0xffff, v27  }
0x496: {  	v27 =	vld.idx.msk [tilespmem:v51+s15+$0x0], $0xffff;
	_ =	sdelay $0x1  }
0x497: {  	v52 =	vor.u32 v50, v24  }
0x498: {  	v53 =	vor.u32 v4, v48;
	_ =	sdelay $0x1  }
0x499: {  	v27 =	vmul.f32 $8.000000000e+00, v27;
	_ =	sdelay $0x1  }
0x49a: {  	[tilespmem:v52+s25+$0x0] =	vst.idx.msk $0xffff, v27  }
0x49b: {  	v27 =	vld.idx.msk [tilespmem:v53+s15+$0x0], $0xffff;
	_ =	sdelay $0x1  }
0x49c: {  	v54 =	vor.u32 v50, v25  }
0x49d: {  	v30 =	vor.u32 v6, v48;
	_ =	sdelay $0x1  }
0x49e: {  	v27 =	vmul.f32 $8.000000000e+00, v27;
	_ =	sdelay $0x1  }
0x49f: {  	[tilespmem:v54+s25+$0x0] =	vst.idx.msk $0xffff, v27  }
0x4a0: {  	v27 =	vld.idx.msk [tilespmem:v30+s15+$0x0], $0xffff  }
0x4a1: {  	v55 =	vor.u32 s1, v22  }
0x4a2: {  	v56 =	vshll.u32 v55, $0x7;
	v28 =	vor.u32 v50, v26  }
0x4a3: {  	v57 =	vor.u32 v0, v56;
	_ =	sdelay $0x1  }
0x4a4: {  	v27 =	vmul.f32 $8.000000000e+00, v27;
	_ =	sdelay $0x1  }
0x4a5: {  	[tilespmem:v28+s25+$0x0] =	vst.idx.msk $0xffff, v27  }
0x4a6: {  	v27 =	vld.idx.msk [tilespmem:v57+s15+$0x0], $0xffff  }
0x4a7: {  	v58 =	vand.u32 $0x7F, v55  }
0x4a8: {  	v23 =	vor.u32 v58, v23  }
0x4a9: {  	v59 =	vor.u32 v2, v56;
	_ =	sdelay $0x1  }
0x4aa: {  	v27 =	vmul.f32 $8.000000000e+00, v27;
	_ =	sdelay $0x1  }
0x4ab: {  	[tilespmem:v23+s25+$0x0] =	vst.idx.msk $0xffff, v27  }
0x4ac: {  	v23 =	vld.idx.msk [tilespmem:v59+s15+$0x0], $0xffff;
	_ =	sdelay $0x1  }
0x4ad: {  	v24 =	vor.u32 v58, v24  }
0x4ae: {  	v60 =	vor.u32 v4, v56;
	_ =	sdelay $0x1  }
0x4af: {  	v23 =	vmul.f32 $8.000000000e+00, v23;
	_ =	sdelay $0x1  }
0x4b0: {  	[tilespmem:v24+s25+$0x0] =	vst.idx.msk $0xffff, v23  }
0x4b1: {  	v23 =	vld.idx.msk [tilespmem:v60+s15+$0x0], $0xffff;
	_ =	sdelay $0x1  }
0x4b2: {  	v61 =	vor.u32 v58, v25  }
0x4b3: {  	v62 =	vor.u32 v6, v56;
	_ =	sdelay $0x1  }
0x4b4: {  	v23 =	vmul.f32 $8.000000000e+00, v23;
	_ =	sdelay $0x1  }
0x4b5: {  	[tilespmem:v61+s25+$0x0] =	vst.idx.msk $0xffff, v23  }
0x4b6: {  	v23 =	vld.idx.msk [tilespmem:v62+s15+$0x0], $0xffff;
	_ =	sdelay $0x1  }
0x4b7: {  	p1 =	sne.s32 s1, $0xF0;
	v63 =	vor.u32 v58, v26  }
.Ltmp4:
0x4b8: {  	_ = 	snop;
	(pc) =	sbr.rel @p1 .LBB2_7-.Ltmp4, $3  }
0x4b9: {  	_ = 	snop  }
0x4ba: {  	v23 =	vmul.f32 $8.000000000e+00, v23;
	_ =	sdelay $0x1  }
0x4bb: {  	s1 =	sadd.s32 $0x10, s1;
	[tilespmem:v63+s25+$0x0] =	vst.idx.msk $0xffff, v23  }
0x4bc: {  	s1 =	sadd.s32 s9, s11  }
0x4bd: {  	[hbm4b:s1+s26] =	stream.strided.scatter [tilespmem:s25], [sflag:$0x2], $0x4000, s28, s26, $0x38;
	[tilespmem:$0x18400] =	vst v63  }
0x4be: {  	s1 =	simm.s32 @!p0 $0x3  }
0x4bf: {  	_ =	swait.ge @!p0 [sflag:s1], $0x100  }
0x4c0: {  	s3 =	simm.s32 @!p0 $0x0;
	[sflag:s1] =	ssyncset.done @!p0 $0x0  }
0x4c1: {  	s13 =	simm.s32 @!p0 $0x400;
	[sflag:s1] =	ssyncadd.s32 @!p0 $0xFFFFFF00;
	s1 =	simm.s32 @!p0 $0x80  }
0x4c2: {  	[tilespmem:s13], [sflag:$0x1] =	stream.indirect.gather @!p0 [hbm4b:s4+s1], $0x80, s3, s1, $0xb8;
	[tilespmem:$0x18400] =	vst v63  }
0x4c3: {  	s3 =	simm.s32 @!p0 $0x4400  }
0x4c4: {  	[tilespmem:s3], [sflag:$0x1] =	stream.indirect.gather @!p0 [hbm4b:s4+s1], $0x80, s1, s1, $0xb8;
	[tilespmem:$0x18400] =	vst v63  }
0x4c5: {  	s3 =	sadd.s32 @!p0 $0x6, s8  }
0x4c6: {  	s22 =	sshll.u32 @!p0 s3, $0xA;
	s3 =	sshll.u32 @!p0 s3, $0x3  }
0x4c7: {  	s22 =	sand.u32 @!p0 $0x3C000, s22;
	s3 =	sand.u32 @!p0 $0x70, s3  }
0x4c8: {  	s3 =	sor.u32 @!p0 s3, s22  }
0x4c9: {  	s22 =	simm.s32 @!p0 $0x200;
	s3 =	sadd.s32 @!p0 s3, s6  }
0x4ca: {  	[tilespmem:s22], [sflag:$0x3] =	stream.strided.gather @!p0 [hbm4b:s3+s1], $0x100, s13, s1, $0x38;
	[tilespmem:$0x18400] =	vst v63  }
0x4cb: {  	_ =	swait.ge [sflag:s24], $0x4000  }
0x4cc: {  	[sflag:s24] =	ssyncset.done $0x0  }
0x4cd: {  	[sflag:s24] =	ssyncadd.s32 $0xFFFFC000  }
0x4ce: {  	_ =	swait.ge [sflag:s24], $0x4000  }
0x4cf: {  	[sflag:s24] =	ssyncset.done $0x0  }
0x4d0: {  	[sflag:s24] =	ssyncadd.s32 $0xFFFFC000  }
0x4d1: {  	_ =	swait.ge [sflag:s0], $0x4000  }
0x4d2: {  	[sflag:s0] =	ssyncset.done $0x0  }
0x4d3: {  	s1 =	simm.s32 $0x0;
	[sflag:s0] =	ssyncadd.s32 $0xFFFFC000  }
.LBB2_9:
0x4d4: {  	v23 =	vor.u32 s1, v0  }
0x4d5: {  	v26 =	vshll.u32 v23, $0x7  }
0x4d6: {  	v24 =	vor.u32 v0, v26;
	_ =	sdelay $0x2  }
0x4d7: {  	v25 =	vmov s1  }
0x4d8: {  	v25 =	vshll.u32 v25, $0x3  }
0x4d9: {  	v27 =	vand.u32 $0x400, v25;
	v24 =	vld.idx.msk [tilespmem:v24+s21+$0x0], $0xffff  }
0x4da: {  	v28 =	vand.u32 $0x7F, v23;
	v23 =	vor.u32 v1, v27  }
0x4db: {  	v34 =	vor.u32 v28, v23  }
0x4dc: {  	v29 =	vor.u32 v2, v26;
	_ =	sdelay $0x1  }
0x4dd: {  	v24 =	vmul.f32 $8.000000000e+00, v24;
	_ =	sdelay $0x1  }
0x4de: {  	[tilespmem:v34+s30+$0x0] =	vst.idx.msk $0xffff, v24  }
0x4df: {  	v25 =	vld.idx.msk [tilespmem:v29+s21+$0x0], $0xffff  }
0x4e0: {  	v24 =	vor.u32 v3, v27  }
0x4e1: {  	v35 =	vor.u32 v28, v24  }
0x4e2: {  	v30 =	vor.u32 v4, v26;
	_ =	sdelay $0x1  }
0x4e3: {  	v25 =	vmul.f32 $8.000000000e+00, v25;
	_ =	sdelay $0x1  }
0x4e4: {  	[tilespmem:v35+s30+$0x0] =	vst.idx.msk $0xffff, v25  }
0x4e5: {  	v29 =	vld.idx.msk [tilespmem:v30+s21+$0x0], $0xffff  }
0x4e6: {  	v25 =	vor.u32 v5, v27  }
0x4e7: {  	v36 =	vor.u32 v28, v25  }
0x4e8: {  	v26 =	vor.u32 v6, v26;
	_ =	sdelay $0x1  }
0x4e9: {  	v29 =	vmul.f32 $8.000000000e+00, v29;
	_ =	sdelay $0x1  }
0x4ea: {  	[tilespmem:v36+s30+$0x0] =	vst.idx.msk $0xffff, v29  }
0x4eb: {  	v29 =	vld.idx.msk [tilespmem:v26+s21+$0x0], $0xffff  }
0x4ec: {  	v37 =	vor.u32 s1, v8;
	v26 =	vor.u32 v7, v27  }
0x4ed: {  	v38 =	vshll.u32 v37, $0x7;
	v28 =	vor.u32 v28, v26  }
0x4ee: {  	v31 =	vor.u32 v0, v38;
	_ =	sdelay $0x1  }
0x4ef: {  	v29 =	vmul.f32 $8.000000000e+00, v29;
	_ =	sdelay $0x1  }
0x4f0: {  	[tilespmem:v28+s30+$0x0] =	vst.idx.msk $0xffff, v29  }
0x4f1: {  	v28 =	vld.idx.msk [tilespmem:v31+s21+$0x0], $0xffff  }
0x4f2: {  	v27 =	vand.u32 $0x7F, v37  }
0x4f3: {  	v39 =	vor.u32 v27, v23  }
0x4f4: {  	v40 =	vor.u32 v2, v38;
	_ =	sdelay $0x1  }
0x4f5: {  	v28 =	vmul.f32 $8.000000000e+00, v28;
	_ =	sdelay $0x1  }
0x4f6: {  	[tilespmem:v39+s30+$0x0] =	vst.idx.msk $0xffff, v28  }
0x4f7: {  	v28 =	vld.idx.msk [tilespmem:v40+s21+$0x0], $0xffff;
	_ =	sdelay $0x1  }
0x4f8: {  	v41 =	vor.u32 v27, v24  }
0x4f9: {  	v42 =	vor.u32 v4, v38;
	_ =	sdelay $0x1  }
0x4fa: {  	v28 =	vmul.f32 $8.000000000e+00, v28;
	_ =	sdelay $0x1  }
0x4fb: {  	[tilespmem:v41+s30+$0x0] =	vst.idx.msk $0xffff, v28  }
0x4fc: {  	v28 =	vld.idx.msk [tilespmem:v42+s21+$0x0], $0xffff;
	_ =	sdelay $0x1  }
0x4fd: {  	v43 =	vor.u32 v27, v25  }
0x4fe: {  	v30 =	vor.u32 v6, v38;
	_ =	sdelay $0x1  }
0x4ff: {  	v28 =	vmul.f32 $8.000000000e+00, v28;
	_ =	sdelay $0x1  }
0x500: {  	[tilespmem:v43+s30+$0x0] =	vst.idx.msk $0xffff, v28  }
0x501: {  	v28 =	vld.idx.msk [tilespmem:v30+s21+$0x0], $0xffff  }
0x502: {  	v44 =	vor.u32 s1, v9  }
0x503: {  	v45 =	vshll.u32 v44, $0x7;
	v27 =	vor.u32 v27, v26  }
0x504: {  	v46 =	vor.u32 v0, v45;
	_ =	sdelay $0x1  }
0x505: {  	v28 =	vmul.f32 $8.000000000e+00, v28;
	_ =	sdelay $0x1  }
0x506: {  	[tilespmem:v27+s30+$0x0] =	vst.idx.msk $0xffff, v28  }
0x507: {  	v27 =	vld.idx.msk [tilespmem:v46+s21+$0x0], $0xffff  }
0x508: {  	v47 =	vand.u32 $0x7F, v44  }
0x509: {  	v29 =	vor.u32 v47, v23  }
0x50a: {  	v48 =	vor.u32 v2, v45;
	_ =	sdelay $0x1  }
0x50b: {  	v27 =	vmul.f32 $8.000000000e+00, v27;
	_ =	sdelay $0x1  }
0x50c: {  	[tilespmem:v29+s30+$0x0] =	vst.idx.msk $0xffff, v27  }
0x50d: {  	v27 =	vld.idx.msk [tilespmem:v48+s21+$0x0], $0xffff;
	_ =	sdelay $0x1  }
0x50e: {  	v49 =	vor.u32 v47, v24  }
0x50f: {  	v50 =	vor.u32 v4, v45;
	_ =	sdelay $0x1  }
0x510: {  	v27 =	vmul.f32 $8.000000000e+00, v27;
	_ =	sdelay $0x1  }
0x511: {  	[tilespmem:v49+s30+$0x0] =	vst.idx.msk $0xffff, v27  }
0x512: {  	v27 =	vld.idx.msk [tilespmem:v50+s21+$0x0], $0xffff;
	_ =	sdelay $0x1  }
0x513: {  	v51 =	vor.u32 v47, v25  }
0x514: {  	v30 =	vor.u32 v6, v45;
	_ =	sdelay $0x1  }
0x515: {  	v27 =	vmul.f32 $8.000000000e+00, v27;
	_ =	sdelay $0x1  }
0x516: {  	[tilespmem:v51+s30+$0x0] =	vst.idx.msk $0xffff, v27  }
0x517: {  	v27 =	vld.idx.msk [tilespmem:v30+s21+$0x0], $0xffff  }
0x518: {  	v52 =	vor.u32 s1, v10  }
0x519: {  	v53 =	vshll.u32 v52, $0x7;
	v28 =	vor.u32 v47, v26  }
0x51a: {  	v54 =	vor.u32 v0, v53;
	_ =	sdelay $0x1  }
0x51b: {  	v27 =	vmul.f32 $8.000000000e+00, v27;
	_ =	sdelay $0x1  }
0x51c: {  	[tilespmem:v28+s30+$0x0] =	vst.idx.msk $0xffff, v27  }
0x51d: {  	v27 =	vld.idx.msk [tilespmem:v54+s21+$0x0], $0xffff  }
0x51e: {  	v55 =	vand.u32 $0x7F, v52  }
0x51f: {  	v29 =	vor.u32 v55, v23  }
0x520: {  	v56 =	vor.u32 v2, v53;
	_ =	sdelay $0x1  }
0x521: {  	v27 =	vmul.f32 $8.000000000e+00, v27;
	_ =	sdelay $0x1  }
0x522: {  	[tilespmem:v29+s30+$0x0] =	vst.idx.msk $0xffff, v27  }
0x523: {  	v27 =	vld.idx.msk [tilespmem:v56+s21+$0x0], $0xffff;
	_ =	sdelay $0x1  }
0x524: {  	v57 =	vor.u32 v55, v24  }
0x525: {  	v58 =	vor.u32 v4, v53;
	_ =	sdelay $0x1  }
0x526: {  	v27 =	vmul.f32 $8.000000000e+00, v27;
	_ =	sdelay $0x1  }
0x527: {  	[tilespmem:v57+s30+$0x0] =	vst.idx.msk $0xffff, v27  }
0x528: {  	v27 =	vld.idx.msk [tilespmem:v58+s21+$0x0], $0xffff;
	_ =	sdelay $0x1  }
0x529: {  	v59 =	vor.u32 v55, v25  }
0x52a: {  	v30 =	vor.u32 v6, v53;
	_ =	sdelay $0x1  }
0x52b: {  	v27 =	vmul.f32 $8.000000000e+00, v27;
	_ =	sdelay $0x1  }
0x52c: {  	[tilespmem:v59+s30+$0x0] =	vst.idx.msk $0xffff, v27  }
0x52d: {  	v27 =	vld.idx.msk [tilespmem:v30+s21+$0x0], $0xffff  }
0x52e: {  	v60 =	vor.u32 s1, v11  }
0x52f: {  	v61 =	vshll.u32 v60, $0x7;
	v28 =	vor.u32 v55, v26  }
0x530: {  	v62 =	vor.u32 v0, v61;
	_ =	sdelay $0x1  }
0x531: {  	v27 =	vmul.f32 $8.000000000e+00, v27;
	_ =	sdelay $0x1  }
0x532: {  	[tilespmem:v28+s30+$0x0] =	vst.idx.msk $0xffff, v27  }
0x533: {  	v27 =	vld.idx.msk [tilespmem:v62+s21+$0x0], $0xffff  }
0x534: {  	v63 =	vand.u32 $0x7F, v60  }
0x535: {  	v29 =	vor.u32 v63, v23  }
0x536: {  	v33 =	vor.u32 v2, v61;
	_ =	sdelay $0x1  }
0x537: {  	v27 =	vmul.f32 $8.000000000e+00, v27;
	_ =	sdelay $0x1  }
0x538: {  	[tilespmem:v29+s30+$0x0] =	vst.idx.msk $0xffff, v27  }
0x539: {  	v27 =	vld.idx.msk [tilespmem:v33+s21+$0x0], $0xffff;
	_ =	sdelay $0x1  }
0x53a: {  	v34 =	vor.u32 v63, v24  }
0x53b: {  	v35 =	vor.u32 v4, v61;
	_ =	sdelay $0x1  }
0x53c: {  	v27 =	vmul.f32 $8.000000000e+00, v27;
	_ =	sdelay $0x1  }
0x53d: {  	[tilespmem:v34+s30+$0x0] =	vst.idx.msk $0xffff, v27  }
0x53e: {  	v27 =	vld.idx.msk [tilespmem:v35+s21+$0x0], $0xffff;
	_ =	sdelay $0x1  }
0x53f: {  	v36 =	vor.u32 v63, v25  }
0x540: {  	v30 =	vor.u32 v6, v61;
	_ =	sdelay $0x1  }
0x541: {  	v27 =	vmul.f32 $8.000000000e+00, v27;
	_ =	sdelay $0x1  }
0x542: {  	[tilespmem:v36+s30+$0x0] =	vst.idx.msk $0xffff, v27  }
0x543: {  	v27 =	vld.idx.msk [tilespmem:v30+s21+$0x0], $0xffff  }
0x544: {  	v37 =	vor.u32 s1, v12  }
0x545: {  	v38 =	vshll.u32 v37, $0x7;
	v28 =	vor.u32 v63, v26  }
0x546: {  	v39 =	vor.u32 v0, v38;
	_ =	sdelay $0x1  }
0x547: {  	v27 =	vmul.f32 $8.000000000e+00, v27;
	_ =	sdelay $0x1  }
0x548: {  	[tilespmem:v28+s30+$0x0] =	vst.idx.msk $0xffff, v27  }
0x549: {  	v27 =	vld.idx.msk [tilespmem:v39+s21+$0x0], $0xffff  }
0x54a: {  	v40 =	vand.u32 $0x7F, v37  }
0x54b: {  	v29 =	vor.u32 v40, v23  }
0x54c: {  	v41 =	vor.u32 v2, v38;
	_ =	sdelay $0x1  }
0x54d: {  	v27 =	vmul.f32 $8.000000000e+00, v27;
	_ =	sdelay $0x1  }
0x54e: {  	[tilespmem:v29+s30+$0x0] =	vst.idx.msk $0xffff, v27  }
0x54f: {  	v27 =	vld.idx.msk [tilespmem:v41+s21+$0x0], $0xffff;
	_ =	sdelay $0x1  }
0x550: {  	v42 =	vor.u32 v40, v24  }
0x551: {  	v43 =	vor.u32 v4, v38;
	_ =	sdelay $0x1  }
0x552: {  	v27 =	vmul.f32 $8.000000000e+00, v27;
	_ =	sdelay $0x1  }
0x553: {  	[tilespmem:v42+s30+$0x0] =	vst.idx.msk $0xffff, v27  }
0x554: {  	v27 =	vld.idx.msk [tilespmem:v43+s21+$0x0], $0xffff;
	_ =	sdelay $0x1  }
0x555: {  	v44 =	vor.u32 v40, v25  }
0x556: {  	v30 =	vor.u32 v6, v38;
	_ =	sdelay $0x1  }
0x557: {  	v27 =	vmul.f32 $8.000000000e+00, v27;
	_ =	sdelay $0x1  }
0x558: {  	[tilespmem:v44+s30+$0x0] =	vst.idx.msk $0xffff, v27  }
0x559: {  	v27 =	vld.idx.msk [tilespmem:v30+s21+$0x0], $0xffff  }
0x55a: {  	v45 =	vor.u32 s1, v14  }
0x55b: {  	v46 =	vshll.u32 v45, $0x7;
	v28 =	vor.u32 v40, v26  }
0x55c: {  	v47 =	vor.u32 v0, v46;
	_ =	sdelay $0x1  }
0x55d: {  	v27 =	vmul.f32 $8.000000000e+00, v27;
	_ =	sdelay $0x1  }
0x55e: {  	[tilespmem:v28+s30+$0x0] =	vst.idx.msk $0xffff, v27  }
0x55f: {  	v27 =	vld.idx.msk [tilespmem:v47+s21+$0x0], $0xffff  }
0x560: {  	v48 =	vand.u32 $0x7F, v45  }
0x561: {  	v29 =	vor.u32 v48, v23  }
0x562: {  	v49 =	vor.u32 v2, v46;
	_ =	sdelay $0x1  }
0x563: {  	v27 =	vmul.f32 $8.000000000e+00, v27;
	_ =	sdelay $0x1  }
0x564: {  	[tilespmem:v29+s30+$0x0] =	vst.idx.msk $0xffff, v27  }
0x565: {  	v27 =	vld.idx.msk [tilespmem:v49+s21+$0x0], $0xffff;
	_ =	sdelay $0x1  }
0x566: {  	v50 =	vor.u32 v48, v24  }
0x567: {  	v51 =	vor.u32 v4, v46;
	_ =	sdelay $0x1  }
0x568: {  	v27 =	vmul.f32 $8.000000000e+00, v27;
	_ =	sdelay $0x1  }
0x569: {  	[tilespmem:v50+s30+$0x0] =	vst.idx.msk $0xffff, v27  }
0x56a: {  	v27 =	vld.idx.msk [tilespmem:v51+s21+$0x0], $0xffff;
	_ =	sdelay $0x1  }
0x56b: {  	v52 =	vor.u32 v48, v25  }
0x56c: {  	v30 =	vor.u32 v6, v46;
	_ =	sdelay $0x1  }
0x56d: {  	v27 =	vmul.f32 $8.000000000e+00, v27;
	_ =	sdelay $0x1  }
0x56e: {  	[tilespmem:v52+s30+$0x0] =	vst.idx.msk $0xffff, v27  }
0x56f: {  	v27 =	vld.idx.msk [tilespmem:v30+s21+$0x0], $0xffff  }
0x570: {  	v53 =	vor.u32 s1, v15  }
0x571: {  	v54 =	vshll.u32 v53, $0x7;
	v28 =	vor.u32 v48, v26  }
0x572: {  	v55 =	vor.u32 v0, v54;
	_ =	sdelay $0x1  }
0x573: {  	v27 =	vmul.f32 $8.000000000e+00, v27;
	_ =	sdelay $0x1  }
0x574: {  	[tilespmem:v28+s30+$0x0] =	vst.idx.msk $0xffff, v27  }
0x575: {  	v27 =	vld.idx.msk [tilespmem:v55+s21+$0x0], $0xffff  }
0x576: {  	v56 =	vand.u32 $0x7F, v53  }
0x577: {  	v29 =	vor.u32 v56, v23  }
0x578: {  	v57 =	vor.u32 v2, v54;
	_ =	sdelay $0x1  }
0x579: {  	v27 =	vmul.f32 $8.000000000e+00, v27;
	_ =	sdelay $0x1  }
0x57a: {  	[tilespmem:v29+s30+$0x0] =	vst.idx.msk $0xffff, v27  }
0x57b: {  	v27 =	vld.idx.msk [tilespmem:v57+s21+$0x0], $0xffff;
	_ =	sdelay $0x1  }
0x57c: {  	v58 =	vor.u32 v56, v24  }
0x57d: {  	v59 =	vor.u32 v4, v54;
	_ =	sdelay $0x1  }
0x57e: {  	v27 =	vmul.f32 $8.000000000e+00, v27;
	_ =	sdelay $0x1  }
0x57f: {  	[tilespmem:v58+s30+$0x0] =	vst.idx.msk $0xffff, v27  }
0x580: {  	v27 =	vld.idx.msk [tilespmem:v59+s21+$0x0], $0xffff;
	_ =	sdelay $0x1  }
0x581: {  	v60 =	vor.u32 v56, v25  }
0x582: {  	v30 =	vor.u32 v6, v54;
	_ =	sdelay $0x1  }
0x583: {  	v27 =	vmul.f32 $8.000000000e+00, v27;
	_ =	sdelay $0x1  }
0x584: {  	[tilespmem:v60+s30+$0x0] =	vst.idx.msk $0xffff, v27  }
0x585: {  	v27 =	vld.idx.msk [tilespmem:v30+s21+$0x0], $0xffff  }
0x586: {  	v61 =	vor.u32 s1, v13  }
0x587: {  	v62 =	vshll.u32 v61, $0x7;
	v28 =	vor.u32 v56, v26  }
0x588: {  	v63 =	vor.u32 v0, v62;
	_ =	sdelay $0x1  }
0x589: {  	v27 =	vmul.f32 $8.000000000e+00, v27;
	_ =	sdelay $0x1  }
0x58a: {  	[tilespmem:v28+s30+$0x0] =	vst.idx.msk $0xffff, v27  }
0x58b: {  	v27 =	vld.idx.msk [tilespmem:v63+s21+$0x0], $0xffff  }
0x58c: {  	v33 =	vand.u32 $0x7F, v61  }
0x58d: {  	v29 =	vor.u32 v33, v23  }
0x58e: {  	v34 =	vor.u32 v2, v62;
	_ =	sdelay $0x1  }
0x58f: {  	v27 =	vmul.f32 $8.000000000e+00, v27;
	_ =	sdelay $0x1  }
0x590: {  	[tilespmem:v29+s30+$0x0] =	vst.idx.msk $0xffff, v27  }
0x591: {  	v27 =	vld.idx.msk [tilespmem:v34+s21+$0x0], $0xffff;
	_ =	sdelay $0x1  }
0x592: {  	v35 =	vor.u32 v33, v24  }
0x593: {  	v36 =	vor.u32 v4, v62;
	_ =	sdelay $0x1  }
0x594: {  	v27 =	vmul.f32 $8.000000000e+00, v27;
	_ =	sdelay $0x1  }
0x595: {  	[tilespmem:v35+s30+$0x0] =	vst.idx.msk $0xffff, v27  }
0x596: {  	v27 =	vld.idx.msk [tilespmem:v36+s21+$0x0], $0xffff;
	_ =	sdelay $0x1  }
0x597: {  	v37 =	vor.u32 v33, v25  }
0x598: {  	v30 =	vor.u32 v6, v62;
	_ =	sdelay $0x1  }
0x599: {  	v27 =	vmul.f32 $8.000000000e+00, v27;
	_ =	sdelay $0x1  }
0x59a: {  	[tilespmem:v37+s30+$0x0] =	vst.idx.msk $0xffff, v27  }
0x59b: {  	v27 =	vld.idx.msk [tilespmem:v30+s21+$0x0], $0xffff  }
0x59c: {  	v38 =	vor.u32 s1, v16  }
0x59d: {  	v39 =	vshll.u32 v38, $0x7;
	v28 =	vor.u32 v33, v26  }
0x59e: {  	v40 =	vor.u32 v0, v39;
	_ =	sdelay $0x1  }
0x59f: {  	v27 =	vmul.f32 $8.000000000e+00, v27;
	_ =	sdelay $0x1  }
0x5a0: {  	[tilespmem:v28+s30+$0x0] =	vst.idx.msk $0xffff, v27  }
0x5a1: {  	v27 =	vld.idx.msk [tilespmem:v40+s21+$0x0], $0xffff  }
0x5a2: {  	v41 =	vand.u32 $0x7F, v38  }
0x5a3: {  	v29 =	vor.u32 v41, v23  }
0x5a4: {  	v42 =	vor.u32 v2, v39;
	_ =	sdelay $0x1  }
0x5a5: {  	v27 =	vmul.f32 $8.000000000e+00, v27;
	_ =	sdelay $0x1  }
0x5a6: {  	[tilespmem:v29+s30+$0x0] =	vst.idx.msk $0xffff, v27  }
0x5a7: {  	v27 =	vld.idx.msk [tilespmem:v42+s21+$0x0], $0xffff;
	_ =	sdelay $0x1  }
0x5a8: {  	v43 =	vor.u32 v41, v24  }
0x5a9: {  	v44 =	vor.u32 v4, v39;
	_ =	sdelay $0x1  }
0x5aa: {  	v27 =	vmul.f32 $8.000000000e+00, v27;
	_ =	sdelay $0x1  }
0x5ab: {  	[tilespmem:v43+s30+$0x0] =	vst.idx.msk $0xffff, v27  }
0x5ac: {  	v27 =	vld.idx.msk [tilespmem:v44+s21+$0x0], $0xffff;
	_ =	sdelay $0x1  }
0x5ad: {  	v45 =	vor.u32 v41, v25  }
0x5ae: {  	v30 =	vor.u32 v6, v39;
	_ =	sdelay $0x1  }
0x5af: {  	v27 =	vmul.f32 $8.000000000e+00, v27;
	_ =	sdelay $0x1  }
0x5b0: {  	[tilespmem:v45+s30+$0x0] =	vst.idx.msk $0xffff, v27  }
0x5b1: {  	v27 =	vld.idx.msk [tilespmem:v30+s21+$0x0], $0xffff  }
0x5b2: {  	v46 =	vor.u32 s1, v17  }
0x5b3: {  	v47 =	vshll.u32 v46, $0x7;
	v28 =	vor.u32 v41, v26  }
0x5b4: {  	v48 =	vor.u32 v0, v47;
	_ =	sdelay $0x1  }
0x5b5: {  	v27 =	vmul.f32 $8.000000000e+00, v27;
	_ =	sdelay $0x1  }
0x5b6: {  	[tilespmem:v28+s30+$0x0] =	vst.idx.msk $0xffff, v27  }
0x5b7: {  	v27 =	vld.idx.msk [tilespmem:v48+s21+$0x0], $0xffff  }
0x5b8: {  	v49 =	vand.u32 $0x7F, v46  }
0x5b9: {  	v29 =	vor.u32 v49, v23  }
0x5ba: {  	v50 =	vor.u32 v2, v47;
	_ =	sdelay $0x1  }
0x5bb: {  	v27 =	vmul.f32 $8.000000000e+00, v27;
	_ =	sdelay $0x1  }
0x5bc: {  	[tilespmem:v29+s30+$0x0] =	vst.idx.msk $0xffff, v27  }
0x5bd: {  	v27 =	vld.idx.msk [tilespmem:v50+s21+$0x0], $0xffff;
	_ =	sdelay $0x1  }
0x5be: {  	v51 =	vor.u32 v49, v24  }
0x5bf: {  	v52 =	vor.u32 v4, v47;
	_ =	sdelay $0x1  }
0x5c0: {  	v27 =	vmul.f32 $8.000000000e+00, v27;
	_ =	sdelay $0x1  }
0x5c1: {  	[tilespmem:v51+s30+$0x0] =	vst.idx.msk $0xffff, v27  }
0x5c2: {  	v27 =	vld.idx.msk [tilespmem:v52+s21+$0x0], $0xffff;
	_ =	sdelay $0x1  }
0x5c3: {  	v53 =	vor.u32 v49, v25  }
0x5c4: {  	v30 =	vor.u32 v6, v47;
	_ =	sdelay $0x1  }
0x5c5: {  	v27 =	vmul.f32 $8.000000000e+00, v27;
	_ =	sdelay $0x1  }
0x5c6: {  	[tilespmem:v53+s30+$0x0] =	vst.idx.msk $0xffff, v27  }
0x5c7: {  	v27 =	vld.idx.msk [tilespmem:v30+s21+$0x0], $0xffff  }
0x5c8: {  	v54 =	vor.u32 s1, v18  }
0x5c9: {  	v55 =	vshll.u32 v54, $0x7;
	v28 =	vor.u32 v49, v26  }
0x5ca: {  	v56 =	vor.u32 v0, v55;
	_ =	sdelay $0x1  }
0x5cb: {  	v27 =	vmul.f32 $8.000000000e+00, v27;
	_ =	sdelay $0x1  }
0x5cc: {  	[tilespmem:v28+s30+$0x0] =	vst.idx.msk $0xffff, v27  }
0x5cd: {  	v27 =	vld.idx.msk [tilespmem:v56+s21+$0x0], $0xffff  }
0x5ce: {  	v57 =	vand.u32 $0x7F, v54  }
0x5cf: {  	v29 =	vor.u32 v57, v23  }
0x5d0: {  	v58 =	vor.u32 v2, v55;
	_ =	sdelay $0x1  }
0x5d1: {  	v27 =	vmul.f32 $8.000000000e+00, v27;
	_ =	sdelay $0x1  }
0x5d2: {  	[tilespmem:v29+s30+$0x0] =	vst.idx.msk $0xffff, v27  }
0x5d3: {  	v27 =	vld.idx.msk [tilespmem:v58+s21+$0x0], $0xffff;
	_ =	sdelay $0x1  }
0x5d4: {  	v59 =	vor.u32 v57, v24  }
0x5d5: {  	v60 =	vor.u32 v4, v55;
	_ =	sdelay $0x1  }
0x5d6: {  	v27 =	vmul.f32 $8.000000000e+00, v27;
	_ =	sdelay $0x1  }
0x5d7: {  	[tilespmem:v59+s30+$0x0] =	vst.idx.msk $0xffff, v27  }
0x5d8: {  	v27 =	vld.idx.msk [tilespmem:v60+s21+$0x0], $0xffff;
	_ =	sdelay $0x1  }
0x5d9: {  	v61 =	vor.u32 v57, v25  }
0x5da: {  	v30 =	vor.u32 v6, v55;
	_ =	sdelay $0x1  }
0x5db: {  	v27 =	vmul.f32 $8.000000000e+00, v27;
	_ =	sdelay $0x1  }
0x5dc: {  	[tilespmem:v61+s30+$0x0] =	vst.idx.msk $0xffff, v27  }
0x5dd: {  	v27 =	vld.idx.msk [tilespmem:v30+s21+$0x0], $0xffff  }
0x5de: {  	v62 =	vor.u32 s1, v19  }
0x5df: {  	v63 =	vshll.u32 v62, $0x7;
	v28 =	vor.u32 v57, v26  }
0x5e0: {  	v33 =	vor.u32 v0, v63;
	_ =	sdelay $0x1  }
0x5e1: {  	v27 =	vmul.f32 $8.000000000e+00, v27;
	_ =	sdelay $0x1  }
0x5e2: {  	[tilespmem:v28+s30+$0x0] =	vst.idx.msk $0xffff, v27  }
0x5e3: {  	v27 =	vld.idx.msk [tilespmem:v33+s21+$0x0], $0xffff  }
0x5e4: {  	v34 =	vand.u32 $0x7F, v62  }
0x5e5: {  	v29 =	vor.u32 v34, v23  }
0x5e6: {  	v35 =	vor.u32 v2, v63;
	_ =	sdelay $0x1  }
0x5e7: {  	v27 =	vmul.f32 $8.000000000e+00, v27;
	_ =	sdelay $0x1  }
0x5e8: {  	[tilespmem:v29+s30+$0x0] =	vst.idx.msk $0xffff, v27  }
0x5e9: {  	v27 =	vld.idx.msk [tilespmem:v35+s21+$0x0], $0xffff;
	_ =	sdelay $0x1  }
0x5ea: {  	v36 =	vor.u32 v34, v24  }
0x5eb: {  	v37 =	vor.u32 v4, v63;
	_ =	sdelay $0x1  }
0x5ec: {  	v27 =	vmul.f32 $8.000000000e+00, v27;
	_ =	sdelay $0x1  }
0x5ed: {  	[tilespmem:v36+s30+$0x0] =	vst.idx.msk $0xffff, v27  }
0x5ee: {  	v27 =	vld.idx.msk [tilespmem:v37+s21+$0x0], $0xffff;
	_ =	sdelay $0x1  }
0x5ef: {  	v38 =	vor.u32 v34, v25  }
0x5f0: {  	v30 =	vor.u32 v6, v63;
	_ =	sdelay $0x1  }
0x5f1: {  	v27 =	vmul.f32 $8.000000000e+00, v27;
	_ =	sdelay $0x1  }
0x5f2: {  	[tilespmem:v38+s30+$0x0] =	vst.idx.msk $0xffff, v27  }
0x5f3: {  	v27 =	vld.idx.msk [tilespmem:v30+s21+$0x0], $0xffff  }
0x5f4: {  	v39 =	vor.u32 s1, v20  }
0x5f5: {  	v40 =	vshll.u32 v39, $0x7;
	v28 =	vor.u32 v34, v26  }
0x5f6: {  	v41 =	vor.u32 v0, v40;
	_ =	sdelay $0x1  }
0x5f7: {  	v27 =	vmul.f32 $8.000000000e+00, v27;
	_ =	sdelay $0x1  }
0x5f8: {  	[tilespmem:v28+s30+$0x0] =	vst.idx.msk $0xffff, v27  }
0x5f9: {  	v27 =	vld.idx.msk [tilespmem:v41+s21+$0x0], $0xffff  }
0x5fa: {  	v42 =	vand.u32 $0x7F, v39  }
0x5fb: {  	v29 =	vor.u32 v42, v23  }
0x5fc: {  	v43 =	vor.u32 v2, v40;
	_ =	sdelay $0x1  }
0x5fd: {  	v27 =	vmul.f32 $8.000000000e+00, v27;
	_ =	sdelay $0x1  }
0x5fe: {  	[tilespmem:v29+s30+$0x0] =	vst.idx.msk $0xffff, v27  }
0x5ff: {  	v27 =	vld.idx.msk [tilespmem:v43+s21+$0x0], $0xffff;
	_ =	sdelay $0x1  }
0x600: {  	v44 =	vor.u32 v42, v24  }
0x601: {  	v45 =	vor.u32 v4, v40;
	_ =	sdelay $0x1  }
0x602: {  	v27 =	vmul.f32 $8.000000000e+00, v27;
	_ =	sdelay $0x1  }
0x603: {  	[tilespmem:v44+s30+$0x0] =	vst.idx.msk $0xffff, v27  }
0x604: {  	v27 =	vld.idx.msk [tilespmem:v45+s21+$0x0], $0xffff;
	_ =	sdelay $0x1  }
0x605: {  	v46 =	vor.u32 v42, v25  }
0x606: {  	v30 =	vor.u32 v6, v40;
	_ =	sdelay $0x1  }
0x607: {  	v27 =	vmul.f32 $8.000000000e+00, v27;
	_ =	sdelay $0x1  }
0x608: {  	[tilespmem:v46+s30+$0x0] =	vst.idx.msk $0xffff, v27  }
0x609: {  	v27 =	vld.idx.msk [tilespmem:v30+s21+$0x0], $0xffff  }
0x60a: {  	v47 =	vor.u32 s1, v21  }
0x60b: {  	v48 =	vshll.u32 v47, $0x7;
	v28 =	vor.u32 v42, v26  }
0x60c: {  	v49 =	vor.u32 v0, v48;
	_ =	sdelay $0x1  }
0x60d: {  	v27 =	vmul.f32 $8.000000000e+00, v27;
	_ =	sdelay $0x1  }
0x60e: {  	[tilespmem:v28+s30+$0x0] =	vst.idx.msk $0xffff, v27  }
0x60f: {  	v27 =	vld.idx.msk [tilespmem:v49+s21+$0x0], $0xffff  }
0x610: {  	v50 =	vand.u32 $0x7F, v47  }
0x611: {  	v29 =	vor.u32 v50, v23  }
0x612: {  	v51 =	vor.u32 v2, v48;
	_ =	sdelay $0x1  }
0x613: {  	v27 =	vmul.f32 $8.000000000e+00, v27;
	_ =	sdelay $0x1  }
0x614: {  	[tilespmem:v29+s30+$0x0] =	vst.idx.msk $0xffff, v27  }
0x615: {  	v27 =	vld.idx.msk [tilespmem:v51+s21+$0x0], $0xffff;
	_ =	sdelay $0x1  }
0x616: {  	v52 =	vor.u32 v50, v24  }
0x617: {  	v53 =	vor.u32 v4, v48;
	_ =	sdelay $0x1  }
0x618: {  	v27 =	vmul.f32 $8.000000000e+00, v27;
	_ =	sdelay $0x1  }
0x619: {  	[tilespmem:v52+s30+$0x0] =	vst.idx.msk $0xffff, v27  }
0x61a: {  	v27 =	vld.idx.msk [tilespmem:v53+s21+$0x0], $0xffff;
	_ =	sdelay $0x1  }
0x61b: {  	v54 =	vor.u32 v50, v25  }
0x61c: {  	v30 =	vor.u32 v6, v48;
	_ =	sdelay $0x1  }
0x61d: {  	v27 =	vmul.f32 $8.000000000e+00, v27;
	_ =	sdelay $0x1  }
0x61e: {  	[tilespmem:v54+s30+$0x0] =	vst.idx.msk $0xffff, v27  }
0x61f: {  	v27 =	vld.idx.msk [tilespmem:v30+s21+$0x0], $0xffff  }
0x620: {  	v55 =	vor.u32 s1, v22  }
0x621: {  	v56 =	vshll.u32 v55, $0x7;
	v28 =	vor.u32 v50, v26  }
0x622: {  	v57 =	vor.u32 v0, v56;
	_ =	sdelay $0x1  }
0x623: {  	v27 =	vmul.f32 $8.000000000e+00, v27;
	_ =	sdelay $0x1  }
0x624: {  	[tilespmem:v28+s30+$0x0] =	vst.idx.msk $0xffff, v27  }
0x625: {  	v27 =	vld.idx.msk [tilespmem:v57+s21+$0x0], $0xffff  }
0x626: {  	v58 =	vand.u32 $0x7F, v55  }
0x627: {  	v23 =	vor.u32 v58, v23  }
0x628: {  	v59 =	vor.u32 v2, v56;
	_ =	sdelay $0x1  }
0x629: {  	v27 =	vmul.f32 $8.000000000e+00, v27;
	_ =	sdelay $0x1  }
0x62a: {  	[tilespmem:v23+s30+$0x0] =	vst.idx.msk $0xffff, v27  }
0x62b: {  	v23 =	vld.idx.msk [tilespmem:v59+s21+$0x0], $0xffff;
	_ =	sdelay $0x1  }
0x62c: {  	v24 =	vor.u32 v58, v24  }
0x62d: {  	v60 =	vor.u32 v4, v56;
	_ =	sdelay $0x1  }
0x62e: {  	v23 =	vmul.f32 $8.000000000e+00, v23;
	_ =	sdelay $0x1  }
0x62f: {  	[tilespmem:v24+s30+$0x0] =	vst.idx.msk $0xffff, v23  }
0x630: {  	v23 =	vld.idx.msk [tilespmem:v60+s21+$0x0], $0xffff;
	_ =	sdelay $0x1  }
0x631: {  	v61 =	vor.u32 v58, v25  }
0x632: {  	v62 =	vor.u32 v6, v56;
	_ =	sdelay $0x1  }
0x633: {  	v23 =	vmul.f32 $8.000000000e+00, v23;
	_ =	sdelay $0x1  }
0x634: {  	[tilespmem:v61+s30+$0x0] =	vst.idx.msk $0xffff, v23  }
0x635: {  	v23 =	vld.idx.msk [tilespmem:v62+s21+$0x0], $0xffff;
	_ =	sdelay $0x1  }
0x636: {  	p1 =	sne.s32 s1, $0xF0;
	v63 =	vor.u32 v58, v26  }
.Ltmp5:
0x637: {  	_ = 	snop;
	(pc) =	sbr.rel @p1 .LBB2_9-.Ltmp5, $3  }
0x638: {  	_ = 	snop  }
0x639: {  	v23 =	vmul.f32 $8.000000000e+00, v23;
	_ =	sdelay $0x1  }
0x63a: {  	s1 =	sadd.s32 $0x10, s1;
	[tilespmem:v63+s30+$0x0] =	vst.idx.msk $0xffff, v23  }
.Ltmp6:
0x63b: {  	(pc) =	sbr.rel @p0 .LBB2_12-.Ltmp6, $3  }
0x63c: {  	_ =	sdelay $0x1  }
0x63d: {  	s1 =	sadd.s32 s9, s12  }
0x63e: {  	[hbm4b:s1+s26] =	stream.strided.scatter [tilespmem:s30], [sflag:$0x2], $0x4000, s28, s26, $0x38;
	[tilespmem:$0x18400] =	vst v63  }
0x63f: {  	_ =	swait.ge [sflag:s19], $0x100  }
0x640: {  	[sflag:s19] =	ssyncset.done $0x0  }
0x641: {  	[sflag:s19] =	ssyncadd.s32 $0xFFFFFF00  }
0x642: {  	[tilespmem:s21], [sflag:$0x1] =	stream.indirect.gather [hbm4b:s4+s14], $0x80, s16, s14, $0xb8;
	[tilespmem:$0x18400] =	vst v63  }
0x643: {  	s1 =	simm.s32 $0x180;
	s31 =	sadd.s32 $0x6, s8  }
0x644: {  	[tilespmem:s23], [sflag:$0x1] =	stream.indirect.gather [hbm4b:s4+s14], $0x80, s1, s14, $0xb8;
	[tilespmem:$0x18400] =	vst v63  }
.Ltmp7:
0x645: {  	s3 =	sshll.u32 s31, $0xA;
	s1 =	sshll.u32 s31, $0x3;
	(pc) =	sbr.rel .LBB2_2-.Ltmp7, $4  }
0x646: {  	s3 =	sand.u32 $0x3C000, s3;
	s1 =	sand.u32 $0x70, s1  }
0x647: {  	s1 =	sor.u32 s1, s3  }
0x648: {  	s2 =	sadd.s32 $0x1, s2;
	s1 =	sadd.s32 s1, s7  }
0x649: {  	[tilespmem:s18], [sflag:$0x3] =	stream.strided.gather [hbm4b:s1+s14], $0x100, s15, s14, $0x38;
	[tilespmem:$0x18400] =	vst v63  }
.LBB2_13:
0x64a: {  	_ =	sfence.sel $0x180000  }
0x64b: {  	[bflag:$0x0] =	sbarrier.arrive $0xFFFF  }
0x64c: {  	_ =	strace $0x90000047  }
0x64d: {  	s0 =	stileid.u32;
	[bflag:$0x2] =	sbarrier.arrive $0xFFFF  }
0x64e: {  	p0 =	sne.s32 s0, $0x0;
	s0 =	rddreg [dreg:$0x3]  }
0x64f: {  	s0 =	sadd.s32 @!p0 $0x100000, s0  }
0x650: {  	[sflag:s0] =	ssyncadd.tile.s32 @!p0 $0x1;
	_ =	shalt  }
.Lfunc_end2:
_tile_overlayer_lowered:
.L_overlay_start_2:
0x651: {  	(tag) =	ssettag $0x2  }
0x652: {  	s0 =	rddreg [dreg:$0x0];
	s2 =	stileid.u32  }
0x653: {  	s1 =	rddreg [dreg:$0x1];
	p0 =	sne.s32 s2, $0x0  }
0x654: {  	s3 =	rddreg [dreg:$0x2];
	[bflag:$0x3] =	sbarrier.arrive $0xFFFF;
	s2 =	simm.s32 @!p0 $0x1C04  }
0x655: {  	[timem:s3], [sflag:s2] =	dma.local @!p0 [hbm:s0], s1  }
0x656: {  	s0 =	simm.s32 @!p0 $0x4  }
0x657: {  	_ =	swait.ge @!p0 [sflag:s0], s1  }
0x658: {  	s1 =	ssub.s32 @!p0 $0x0, s1;
	[sflag:s0] =	ssyncset.done @!p0 $0x0  }
0x659: {  	[sflag:s0] =	ssyncadd.s32 @!p0 s1  }
0x65a: {  	[bflag:$0x3] =	sbarrier.arrive $0xFFFF  }
0x65b: {  	_ =	shalt  }

</sc_bundles>
